<compile_context>
chip_gen: v7x
topology: tpu7x:2x2x1
jax: 0.10.2.dev20260603
libtpu: 0.0.44.dev20260713+nightly
codegen_flags: <defaults>
</compile_context>

<pallas_src>
import functools

import jax
import jax.numpy as jnp
from jax import lax
from jax.experimental import pallas as pl
from jax.experimental.pallas import tpu as pltpu
from jax.experimental.pallas import tpu_sc as plsc

N = 10000
D = 128
E = 320000
NC = 2
NS = 16
NW = NC * NS
C = 128
NCH = 80
E_PAD = NW * C * NCH
N_ACC = 10240
RPT = N_ACC // NS
NCHT = 160
F32 = jnp.float32

_mesh = plsc.VectorSubcoreMesh(core_axis_name="c", subcore_axis_name="s")


K0 = 120
K1 = NCHT - K0
KMAX = max(K0, K1)


@functools.partial(
    pl.kernel,
    out_type=jax.ShapeDtypeStruct((NC, N_ACC, D), F32),
    mesh=_mesh,
    scratch_types=[
        pltpu.VMEM((KMAX, C), jnp.int32),
        pltpu.VMEM((2, C), jnp.int32),
        pltpu.VMEM((2, C), jnp.int32),
        pltpu.VMEM((C, D), F32),
        pltpu.VMEM((C, D), F32),
        pltpu.VMEM_SHARED((N_ACC, D), F32),
        pltpu.SemaphoreType.DMA,
        pltpu.SemaphoreType.DMA,
    ],
)
def _agg(table, pk_hbm, out_p,
         pkv, srow, drow, buf0, buf1, acc, sem0, sem1):
    c = lax.axis_index("c")
    s = lax.axis_index("s")
    base = jnp.where(c == 0, 0, K0)
    nch = jnp.where(c == 0, K0, K1)

    pltpu.sync_copy(pk_hbm.at[s, pl.ds(base, KMAX)], pkv)

    def unpack_src(ch, b):
        for k in range(8):
            v = pkv[ch, pl.ds(16 * k, 16)]
            srow[b, pl.ds(16 * k, 16)] = lax.shift_right_logical(v, 14)

    def unpack_dst(ch, b):
        for k in range(8):
            v = pkv[ch, pl.ds(16 * k, 16)]
            drow[b, pl.ds(16 * k, 16)] = lax.bitwise_and(v, 16383)

    zv = jnp.zeros((16,), F32)

    def zrow(r, carry):
        for k in range(8):
            buf0[r, pl.ds(16 * k, 16)] = zv
        return carry

    lax.fori_loop(0, C, zrow, 0)
    row0 = s * RPT
    for t in range(RPT // C):
        pltpu.sync_copy(buf0, acc.at[pl.ds(row0 + t * C, C)])

    plsc.subcore_barrier()

    bufs = (buf0, buf1)
    sems = (sem0, sem1)
    for b in range(2):
        unpack_src(b, b)
        pltpu.async_copy(table.at[srow.at[b]], bufs[b], sems[b])

    def chunk_pair(i, carry):
        j = i * 2
        for b in range(2):
            ch = j + b
            pltpu.make_async_copy(table.at[srow.at[b]], bufs[b], sems[b]).wait()
            unpack_dst(ch, b)
            pltpu.sync_copy(bufs[b], acc.at[drow.at[b]], add=True)
            nxt = ch + 2

            @pl.when(nxt < nch)
            def _():
                unpack_src(nxt, b)
                pltpu.async_copy(table.at[srow.at[b]], bufs[b], sems[b])

        return carry

    lax.fori_loop(0, nch // 2, chunk_pair, 0)
    plsc.subcore_barrier()

    for t in range(RPT // C):
        r0 = row0 + t * C
        pltpu.sync_copy(acc.at[pl.ds(r0, C)], buf0)
        pltpu.sync_copy(buf0, out_p.at[c, pl.ds(r0, C)])


@functools.partial(
    pl.kernel,
    out_type=jax.ShapeDtypeStruct((NW, N_ACC), F32),
    mesh=_mesh,
    compiler_params=pltpu.CompilerParams(needs_layout_passes=False),
    scratch_types=[
        pltpu.VMEM((NCH, C), jnp.int32),
        pltpu.VMEM((N_ACC,), F32),
    ],
)
def _cnt(pk_hbm, out_cnt, pkv, cntt):
    c = lax.axis_index("c")
    s = lax.axis_index("s")
    wid = c * NS + s
    pltpu.sync_copy(pk_hbm.at[wid], pkv)

    zv = jnp.zeros((16,), F32)

    def zrow(i, carry):
        cntt[pl.ds(16 * i, 16)] = zv
        return carry

    lax.fori_loop(0, N_ACC // 16, zrow, 0)
    ov = jnp.ones((16,), F32)

    def chunk(ch, carry):
        for k in range(8):
            v = pkv[ch, pl.ds(16 * k, 16)]
            dst = lax.bitwise_and(v, 16383)
            plsc.addupdate_scatter(cntt, [dst], ov)
        return carry

    lax.fori_loop(0, NCH, chunk, 0)
    pltpu.sync_copy(cntt, out_cnt.at[wid])



_R = 2048


def _tc1_body(p_ref, cnt_ref, x_ref, wlt_ref, bl_ref, wrt_ref,
              bns_ref, bnb_ref, h_ref):
    sagg = p_ref[0] + p_ref[1]
    cnt = jnp.sum(cnt_ref[...], axis=0)[:, None]
    mean = sagg / jnp.maximum(cnt, 1.0)
    h = jnp.dot(mean, wlt_ref[...], preferred_element_type=F32) + bl_ref[...]
    h = h + jnp.dot(x_ref[...], wrt_ref[...], preferred_element_type=F32)
    h = h * bns_ref[...] + bnb_ref[...]
    h_ref[...] = jnp.maximum(h, 0.0)


_tc1 = pl.pallas_call(
    _tc1_body,
    grid=(N_ACC // _R,),
    in_specs=[
        pl.BlockSpec((NC, _R, D), lambda i: (0, i, 0)),
        pl.BlockSpec((NW, _R), lambda i: (0, i)),
        pl.BlockSpec((_R, D), lambda i: (i, 0)),
        pl.BlockSpec((D, D), lambda i: (0, 0)),
        pl.BlockSpec((1, D), lambda i: (0, 0)),
        pl.BlockSpec((D, D), lambda i: (0, 0)),
        pl.BlockSpec((1, D), lambda i: (0, 0)),
        pl.BlockSpec((1, D), lambda i: (0, 0)),
    ],
    out_specs=pl.BlockSpec((_R, D), lambda i: (i, 0)),
    out_shape=jax.ShapeDtypeStruct((N_ACC, D), F32),
)


def _tc2_body(p_ref, cnt_ref, h1_ref, wlt_ref, bl_ref, wrt_ref,
              bns_ref, bnb_ref, wc1t_ref, bc1_ref, wc2t_ref, bc2_ref,
              lg_ref, pr_ref):
    sagg = p_ref[0] + p_ref[1]
    cnt = jnp.sum(cnt_ref[...], axis=0)[:, None]
    mean = sagg / jnp.maximum(cnt, 1.0)
    h = jnp.dot(mean, wlt_ref[...], preferred_element_type=F32) + bl_ref[...]
    h = h + jnp.dot(h1_ref[...], wrt_ref[...], preferred_element_type=F32)
    h = jnp.maximum(h * bns_ref[...] + bnb_ref[...], 0.0)
    z = jnp.maximum(
        jnp.dot(h, wc1t_ref[...], preferred_element_type=F32) + bc1_ref[...],
        0.0)
    lg = jnp.dot(z, wc2t_ref[...], preferred_element_type=F32) + bc2_ref[...]
    m = jnp.max(lg, axis=-1, keepdims=True)
    ex = jnp.exp(lg - m)
    pr = ex / jnp.sum(ex, axis=-1, keepdims=True)
    lg_ref[...] = lg
    pr_ref[...] = pr


_tc2 = pl.pallas_call(
    _tc2_body,
    grid=(N_ACC // _R,),
    in_specs=[
        pl.BlockSpec((NC, _R, D), lambda i: (0, i, 0)),
        pl.BlockSpec((NW, _R), lambda i: (0, i)),
        pl.BlockSpec((_R, D), lambda i: (i, 0)),
        pl.BlockSpec((D, D), lambda i: (0, 0)),
        pl.BlockSpec((1, D), lambda i: (0, 0)),
        pl.BlockSpec((D, D), lambda i: (0, 0)),
        pl.BlockSpec((1, D), lambda i: (0, 0)),
        pl.BlockSpec((1, D), lambda i: (0, 0)),
        pl.BlockSpec((D, 64), lambda i: (0, 0)),
        pl.BlockSpec((1, 64), lambda i: (0, 0)),
        pl.BlockSpec((64, D), lambda i: (0, 0)),
        pl.BlockSpec((1, D), lambda i: (0, 0)),
    ],
    out_specs=(pl.BlockSpec((_R, D), lambda i: (i, 0)),
               pl.BlockSpec((_R, D), lambda i: (i, 0))),
    out_shape=(jax.ShapeDtypeStruct((N_ACC, D), F32),
               jax.ShapeDtypeStruct((N_ACC, D), F32)),
)


def kernel(x, edge_index, Wl1, bl1, Wr1, g1, be1,
           Wl2, bl2, Wr2, g2, be2, Wc1, bc1, Wc2, bc2):
    src = edge_index[0]
    dst = edge_index[1]
    pad = E_PAD - E
    packed = src * 16384 + dst
    pk_flat = jnp.concatenate([packed, jnp.full((pad,), N, jnp.int32)])
    pk32 = pk_flat.reshape(NW, NCH, C)
    pk16 = pk_flat.reshape(NS, NCHT, C)
    x_pad = jnp.zeros((N_ACC, D), F32).at[:N].set(x)

    p1 = _agg(x_pad, pk16)
    cnt16 = _cnt(pk32)

    bscale = 1.0 / jnp.sqrt(jnp.float32(1.0 + 1e-5))
    h1 = _tc1(p1, cnt16, x_pad, Wl1.T, bl1.reshape(1, D), Wr1.T,
              (g1 * bscale).reshape(1, D), be1.reshape(1, D))

    p2 = _agg(h1, pk16)

    wc2t = jnp.zeros((64, D), F32).at[:, :2].set(Wc2.T)
    bc2p = jnp.full((1, D), -1e30, F32).at[0, :2].set(bc2)
    logits_pad, probs_pad = _tc2(
        p2, cnt16, h1, Wl2.T, bl2.reshape(1, D), Wr2.T,
        (g2 * bscale).reshape(1, D), be2.reshape(1, D),
        Wc1.T, bc1.reshape(1, 64), wc2t, bc2p)

    return (logits_pad[:N, :2], probs_pad[:N, :2])

# --- scband reference (transcript-rebuilt; emitter-appended) ---
"""Pipeline reference for scband-graph-sagebaseline-10187662426182 (READ-ONLY COPY).

The authoritative reference and input builder live on the scoring server;
editing this copy changes nothing except your own understanding.
"""

import jax, jax.numpy as jnp
import numpy as np

N_NODES = 10000
N_EDGES = 320000
D_IN = 128
D_HID = 128


def setup_inputs(seed: int = 0) -> dict:
    key = jax.random.key(seed)
    ks = jax.random.split(key, 16)

    def p(k, shape):
        return jax.random.normal(k, shape, dtype=jnp.float32) * 0.05

    inp = {}
    inp["x"] = jax.random.normal(ks[0], (N_NODES, D_IN), dtype=jnp.float32)
    inp["edge_index"] = jax.random.randint(ks[1], (2, N_EDGES), 0, N_NODES, dtype=jnp.int32)
    # SAGEConv layer 1: lin_l (neighbor, with bias), lin_r (root, no bias)
    inp["Wl1"] = p(ks[2], (D_HID, D_IN))
    inp["bl1"] = jnp.zeros((D_HID,), jnp.float32)
    inp["Wr1"] = p(ks[3], (D_HID, D_IN))
    # BatchNorm1 (eval mode: running_mean=0, running_var=1)
    inp["g1"] = jnp.ones((D_HID,), jnp.float32)
    inp["be1"] = jnp.zeros((D_HID,), jnp.float32)
    # SAGEConv layer 2
    inp["Wl2"] = p(ks[4], (D_HID, D_HID))
    inp["bl2"] = jnp.zeros((D_HID,), jnp.float32)
    inp["Wr2"] = p(ks[5], (D_HID, D_HID))
    # BatchNorm2
    inp["g2"] = jnp.ones((D_HID,), jnp.float32)
    inp["be2"] = jnp.zeros((D_HID,), jnp.float32)
    # Classifier: Linear(128, 64) -> ReLU -> (Dropout eval=identity) -> Linear(64, 2)
    inp["Wc1"] = p(ks[6], (D_HID // 2, D_HID))
    inp["bc1"] = jnp.zeros((D_HID // 2,), jnp.float32)
    inp["Wc2"] = p(ks[7], (2, D_HID // 2))
    inp["bc2"] = jnp.zeros((2,), jnp.float32)
    return inp


def _sage_conv(x, edge_index, Wl, bl, Wr):
    # PyG SAGEConv, aggr='mean': out = lin_l(mean_j x_j) + lin_r(x_i)
    src = edge_index[0]
    dst = edge_index[1]
    msgs = jnp.take(x, src, axis=0)
    s = jax.ops.segment_sum(msgs, dst, num_segments=x.shape[0])
    cnt = jax.ops.segment_sum(jnp.ones((edge_index.shape[1],), x.dtype), dst, num_segments=x.shape[0])
    mean = s / jnp.maximum(cnt, 1.0)[:, None]
    return mean @ Wl.T + bl + x @ Wr.T


def _bn_eval(h, g, b, eps=1e-5):
    # eval-mode BatchNorm1d with running_mean=0, running_var=1
    return (h - 0.0) / jnp.sqrt(1.0 + eps) * g + b


def reference(x, edge_index, Wl1, bl1, Wr1, g1, be1, Wl2, bl2, Wr2, g2, be2, Wc1, bc1, Wc2, bc2):
    h = _sage_conv(x, edge_index, Wl1, bl1, Wr1)
    h = jax.nn.relu(_bn_eval(h, g1, be1))
    # dropout is identity in eval mode
    h = _sage_conv(h, edge_index, Wl2, bl2, Wr2)
    h = jax.nn.relu(_bn_eval(h, g2, be2))
    z = jax.nn.relu(h @ Wc1.T + bc1)
    logits = z @ Wc2.T + bc2
    probs = jax.nn.softmax(logits, axis=-1)
    return (logits, probs)

if __name__ == "__main__":
    import jax
    _d = setup_inputs()
    print(jax.jit(kernel)(*tuple(_d.values())))

</pallas_src>

<mosaic_0001>
#map = affine_map<(d0, d1) -> (0, 0)>
#map1 = affine_map<(d0, d1) -> (0, 0, 0)>
module attributes {stable_mosaic.version = 14 : i64} {
  func.func @_agg(%arg0: i32, %arg1: i32, %arg2: memref<10240x128xf32, #tpu.memory_space<hbm>>, %arg3: memref<16x160x128xi32, #tpu.memory_space<hbm>>, %arg4: memref<2x10240x128xf32, #tpu.memory_space<hbm>>, %arg5: memref<120x128xi32, #tpu.memory_space<vmem>>, %arg6: memref<2x128xi32, #tpu.memory_space<vmem>>, %arg7: memref<2x128xi32, #tpu.memory_space<vmem>>, %arg8: memref<128x128xf32, #tpu.memory_space<vmem>>, %arg9: memref<128x128xf32, #tpu.memory_space<vmem>>, %arg10: memref<10240x128xf32, #tpu.memory_space<vmem_shared>>, %arg11: memref<!tpu.dma_semaphore, #tpu.memory_space<semaphore_mem>>, %arg12: memref<!tpu.dma_semaphore, #tpu.memory_space<semaphore_mem>>) attributes {dimension_semantics = [#tpu.dimension_semantics<core_parallel>, #tpu.dimension_semantics<subcore_parallel>], iteration_bounds = array<i64: 2, 16>, scalar_prefetch = 0 : i64, scratch_operands = 8 : i64, tpu.core_type = #tpu.core_type<sc_vector_subcore>, window_params = [{transform_indices = #map}, {transform_indices = #map1}, {transform_indices = #map1}]} {
    %eq3A = arith.constant 0 : i32
    %eq3A_0 = arith.cmpi eq, %arg0, %eq3A : i32
    %jit3A = arith.constant 0 : i32
    %jit3A_1 = arith.constant 120 : i32
    %select_n3A = arith.select %eq3A_0, %jit3A, %jit3A_1 : i32
    %eq3A_2 = arith.constant 0 : i32
    %eq3A_3 = arith.cmpi eq, %arg0, %eq3A_2 : i32
    %jit3A_4 = arith.constant 120 : i32
    %jit3A_5 = arith.constant 40 : i32
    %select_n3A_6 = arith.select %eq3A_3, %jit3A_4, %jit3A_5 : i32
    "tpu.region"() ({
      %run_scoped3A = tpu.sem_alloc : memref<!tpu.dma_semaphore, #tpu.memory_space<semaphore_mem>>
      %dma_start3A_295 = arith.constant 0 : i32
      %dma_start3A_296 = tpu.memref_slice %arg3[%arg1, %select_n3A, %dma_start3A_295] : memref<16x160x128xi32, #tpu.memory_space<hbm>> -> memref<1x120x128xi32, #tpu.memory_space<hbm>>
      %dma_start3A_297 = tpu.memref_squeeze %dma_start3A_296 : memref<1x120x128xi32, #tpu.memory_space<hbm>> -> memref<120x128xi32, #tpu.memory_space<hbm>>
      %dma_start3A_298 = arith.constant 0 : i32
      %dma_start3A_299 = tpu.memref_slice %arg3[%arg1, %select_n3A, %dma_start3A_298] : memref<16x160x128xi32, #tpu.memory_space<hbm>> -> memref<1x120x128xi32, #tpu.memory_space<hbm>>
      %dma_start3A_300 = tpu.memref_squeeze %dma_start3A_299 : memref<1x120x128xi32, #tpu.memory_space<hbm>> -> memref<120x128xi32, #tpu.memory_space<hbm>>
      tpu.enqueue_dma source(%dma_start3A_300 : memref<120x128xi32, #tpu.memory_space<hbm>>) target(%arg5 : memref<120x128xi32, #tpu.memory_space<vmem>>) target_semaphore(%run_scoped3A : memref<!tpu.dma_semaphore, #tpu.memory_space<semaphore_mem>>)
      %dma_wait3A = arith.constant 0 : i32
      %dma_wait3A_301 = tpu.memref_slice %arg3[%arg1, %select_n3A, %dma_wait3A] : memref<16x160x128xi32, #tpu.memory_space<hbm>> -> memref<1x120x128xi32, #tpu.memory_space<hbm>>
      %dma_wait3A_302 = tpu.memref_squeeze %dma_wait3A_301 : memref<1x120x128xi32, #tpu.memory_space<hbm>> -> memref<120x128xi32, #tpu.memory_space<hbm>>
      %dma_wait3A_303 = arith.constant 0 : i32
      %dma_wait3A_304 = tpu.memref_slice %arg3[%arg1, %select_n3A, %dma_wait3A_303] : memref<16x160x128xi32, #tpu.memory_space<hbm>> -> memref<1x120x128xi32, #tpu.memory_space<hbm>>
      %dma_wait3A_305 = tpu.memref_squeeze %dma_wait3A_304 : memref<1x120x128xi32, #tpu.memory_space<hbm>> -> memref<120x128xi32, #tpu.memory_space<hbm>>
      tpu.wait_dma2 semaphore(%run_scoped3A : memref<!tpu.dma_semaphore, #tpu.memory_space<semaphore_mem>>) src(%dma_wait3A_305 : memref<120x128xi32, #tpu.memory_space<hbm>>) dst(%arg5 : memref<120x128xi32, #tpu.memory_space<vmem>>)
      tpu.yield
    }) : () -> ()
    %broadcast_in_dim3A = arith.constant 0.000000e+00 : f32
    %broadcast_in_dim3A_7 = vector.broadcast %broadcast_in_dim3A : f32 to vector<16xf32>
    %scan3A = arith.constant 0 : i32
    %scan3A_8 = arith.constant 0 : i32
    %scan3A_9 = arith.constant 128 : i32
    %scan3A_10 = arith.addi %scan3A_8, %scan3A_9 : i32
    %scan3A_11 = arith.constant 1 : i32
    scf.for %scan3A_295 = %scan3A_8 to %scan3A_10 step %scan3A_11  : i32 {
      %swap3A_296 = arith.index_cast %scan3A_295 : i32 to index
      %swap3A_297 = arith.constant 0 : index
      %swap3A_298 = tpu.vector_load %arg8[%swap3A_296, %swap3A_297] {strides = array<i32>} : memref<128x128xf32, #tpu.memory_space<vmem>>, vector<1x16xf32>,
      %swap3A_299 = vector.shape_cast %swap3A_298 : vector<1x16xf32> to vector<16xf32>
      %swap3A_300 = vector.shape_cast %broadcast_in_dim3A_7 : vector<16xf32> to vector<1x16xf32>
      tpu.vector_store %arg8[%swap3A_296, %swap3A_297], %swap3A_300 {strides = array<i32>} : memref<128x128xf32, #tpu.memory_space<vmem>>, vector<1x16xf32>,
      %swap3A_301 = arith.index_cast %scan3A_295 : i32 to index
      %swap3A_302 = arith.constant 16 : index
      %swap3A_303 = tpu.vector_load %arg8[%swap3A_301, %swap3A_302] {strides = array<i32>} : memref<128x128xf32, #tpu.memory_space<vmem>>, vector<1x16xf32>,
      %swap3A_304 = vector.shape_cast %swap3A_303 : vector<1x16xf32> to vector<16xf32>
      %swap3A_305 = vector.shape_cast %broadcast_in_dim3A_7 : vector<16xf32> to vector<1x16xf32>
      tpu.vector_store %arg8[%swap3A_301, %swap3A_302], %swap3A_305 {strides = array<i32>} : memref<128x128xf32, #tpu.memory_space<vmem>>, vector<1x16xf32>,
      %swap3A_306 = arith.index_cast %scan3A_295 : i32 to index
      %swap3A_307 = arith.constant 32 : index
      %swap3A_308 = tpu.vector_load %arg8[%swap3A_306, %swap3A_307] {strides = array<i32>} : memref<128x128xf32, #tpu.memory_space<vmem>>, vector<1x16xf32>,
      %swap3A_309 = vector.shape_cast %swap3A_308 : vector<1x16xf32> to vector<16xf32>
      %swap3A_310 = vector.shape_cast %broadcast_in_dim3A_7 : vector<16xf32> to vector<1x16xf32>
      tpu.vector_store %arg8[%swap3A_306, %swap3A_307], %swap3A_310 {strides = array<i32>} : memref<128x128xf32, #tpu.memory_space<vmem>>, vector<1x16xf32>,
      %swap3A_311 = arith.index_cast %scan3A_295 : i32 to index
      %swap3A_312 = arith.constant 48 : index
      %swap3A_313 = tpu.vector_load %arg8[%swap3A_311, %swap3A_312] {strides = array<i32>} : memref<128x128xf32, #tpu.memory_space<vmem>>, vector<1x16xf32>,
      %swap3A_314 = vector.shape_cast %swap3A_313 : vector<1x16xf32> to vector<16xf32>
      %swap3A_315 = vector.shape_cast %broadcast_in_dim3A_7 : vector<16xf32> to vector<1x16xf32>
      tpu.vector_store %arg8[%swap3A_311, %swap3A_312], %swap3A_315 {strides = array<i32>} : memref<128x128xf32, #tpu.memory_space<vmem>>, vector<1x16xf32>,
      %swap3A_316 = arith.index_cast %scan3A_295 : i32 to index
      %swap3A_317 = arith.constant 64 : index
      %swap3A_318 = tpu.vector_load %arg8[%swap3A_316, %swap3A_317] {strides = array<i32>} : memref<128x128xf32, #tpu.memory_space<vmem>>, vector<1x16xf32>,
      %swap3A_319 = vector.shape_cast %swap3A_318 : vector<1x16xf32> to vector<16xf32>
      %swap3A_320 = vector.shape_cast %broadcast_in_dim3A_7 : vector<16xf32> to vector<1x16xf32>
      tpu.vector_store %arg8[%swap3A_316, %swap3A_317], %swap3A_320 {strides = array<i32>} : memref<128x128xf32, #tpu.memory_space<vmem>>, vector<1x16xf32>,
      %swap3A_321 = arith.index_cast %scan3A_295 : i32 to index
      %swap3A_322 = arith.constant 80 : index
      %swap3A_323 = tpu.vector_load %arg8[%swap3A_321, %swap3A_322] {strides = array<i32>} : memref<128x128xf32, #tpu.memory_space<vmem>>, vector<1x16xf32>,
      %swap3A_324 = vector.shape_cast %swap3A_323 : vector<1x16xf32> to vector<16xf32>
      %swap3A_325 = vector.shape_cast %broadcast_in_dim3A_7 : vector<16xf32> to vector<1x16xf32>
      tpu.vector_store %arg8[%swap3A_321, %swap3A_322], %swap3A_325 {strides = array<i32>} : memref<128x128xf32, #tpu.memory_space<vmem>>, vector<1x16xf32>,
      %swap3A_326 = arith.index_cast %scan3A_295 : i32 to index
      %swap3A_327 = arith.constant 96 : index
      %swap3A_328 = tpu.vector_load %arg8[%swap3A_326, %swap3A_327] {strides = array<i32>} : memref<128x128xf32, #tpu.memory_space<vmem>>, vector<1x16xf32>,
      %swap3A_329 = vector.shape_cast %swap3A_328 : vector<1x16xf32> to vector<16xf32>
      %swap3A_330 = vector.shape_cast %broadcast_in_dim3A_7 : vector<16xf32> to vector<1x16xf32>
      tpu.vector_store %arg8[%swap3A_326, %swap3A_327], %swap3A_330 {strides = array<i32>} : memref<128x128xf32, #tpu.memory_space<vmem>>, vector<1x16xf32>,
      %swap3A_331 = arith.index_cast %scan3A_295 : i32 to index
      %swap3A_332 = arith.constant 112 : index
      %swap3A_333 = tpu.vector_load %arg8[%swap3A_331, %swap3A_332] {strides = array<i32>} : memref<128x128xf32, #tpu.memory_space<vmem>>, vector<1x16xf32>,
      %swap3A_334 = vector.shape_cast %swap3A_333 : vector<1x16xf32> to vector<16xf32>
      %swap3A_335 = vector.shape_cast %broadcast_in_dim3A_7 : vector<16xf32> to vector<1x16xf32>
      tpu.vector_store %arg8[%swap3A_331, %swap3A_332], %swap3A_335 {strides = array<i32>} : memref<128x128xf32, #tpu.memory_space<vmem>>, vector<1x16xf32>,
    }
    %scan3A_12 = arith.constant 128 : i32
    %mul3A = arith.constant 640 : i32
    %mul3A_13 = arith.muli %arg1, %mul3A : i32
    %add3A = arith.constant 0 : i32
    %add3A_14 = arith.addi %mul3A_13, %add3A : i32
    "tpu.region"() ({
      %run_scoped3A = tpu.sem_alloc : memref<!tpu.dma_semaphore, #tpu.memory_space<semaphore_mem>>
      %dma_start3A_295 = arith.constant 0 : i32
      %dma_start3A_296 = tpu.memref_slice %arg10[%add3A_14, %dma_start3A_295] : memref<10240x128xf32, #tpu.memory_space<vmem_shared>> -> memref<128x128xf32, #tpu.memory_space<vmem_shared>>
      %dma_start3A_297 = arith.constant 0 : i32
      %dma_start3A_298 = tpu.memref_slice %arg10[%add3A_14, %dma_start3A_297] : memref<10240x128xf32, #tpu.memory_space<vmem_shared>> -> memref<128x128xf32, #tpu.memory_space<vmem_shared>>
      tpu.enqueue_dma source(%arg8 : memref<128x128xf32, #tpu.memory_space<vmem>>) target(%dma_start3A_298 : memref<128x128xf32, #tpu.memory_space<vmem_shared>>) target_semaphore(%run_scoped3A : memref<!tpu.dma_semaphore, #tpu.memory_space<semaphore_mem>>)
      %dma_wait3A = arith.constant 0 : i32
      %dma_wait3A_299 = tpu.memref_slice %arg10[%add3A_14, %dma_wait3A] : memref<10240x128xf32, #tpu.memory_space<vmem_shared>> -> memref<128x128xf32, #tpu.memory_space<vmem_shared>>
      %dma_wait3A_300 = arith.constant 0 : i32
      %dma_wait3A_301 = tpu.memref_slice %arg10[%add3A_14, %dma_wait3A_300] : memref<10240x128xf32, #tpu.memory_space<vmem_shared>> -> memref<128x128xf32, #tpu.memory_space<vmem_shared>>
      tpu.wait_dma2 semaphore(%run_scoped3A : memref<!tpu.dma_semaphore, #tpu.memory_space<semaphore_mem>>) src(%arg8 : memref<128x128xf32, #tpu.memory_space<vmem>>) dst(%dma_wait3A_301 : memref<128x128xf32, #tpu.memory_space<vmem_shared>>)
      tpu.yield
    }) : () -> ()
    %add3A_15 = arith.constant 128 : i32
    %add3A_16 = arith.addi %mul3A_13, %add3A_15 : i32
    "tpu.region"() ({
      %run_scoped3A = tpu.sem_alloc : memref<!tpu.dma_semaphore, #tpu.memory_space<semaphore_mem>>
      %dma_start3A_295 = arith.constant 0 : i32
      %dma_start3A_296 = tpu.memref_slice %arg10[%add3A_16, %dma_start3A_295] : memref<10240x128xf32, #tpu.memory_space<vmem_shared>> -> memref<128x128xf32, #tpu.memory_space<vmem_shared>>
      %dma_start3A_297 = arith.constant 0 : i32
      %dma_start3A_298 = tpu.memref_slice %arg10[%add3A_16, %dma_start3A_297] : memref<10240x128xf32, #tpu.memory_space<vmem_shared>> -> memref<128x128xf32, #tpu.memory_space<vmem_shared>>
      tpu.enqueue_dma source(%arg8 : memref<128x128xf32, #tpu.memory_space<vmem>>) target(%dma_start3A_298 : memref<128x128xf32, #tpu.memory_space<vmem_shared>>) target_semaphore(%run_scoped3A : memref<!tpu.dma_semaphore, #tpu.memory_space<semaphore_mem>>)
      %dma_wait3A = arith.constant 0 : i32
      %dma_wait3A_299 = tpu.memref_slice %arg10[%add3A_16, %dma_wait3A] : memref<10240x128xf32, #tpu.memory_space<vmem_shared>> -> memref<128x128xf32, #tpu.memory_space<vmem_shared>>
      %dma_wait3A_300 = arith.constant 0 : i32
      %dma_wait3A_301 = tpu.memref_slice %arg10[%add3A_16, %dma_wait3A_300] : memref<10240x128xf32, #tpu.memory_space<vmem_shared>> -> memref<128x128xf32, #tpu.memory_space<vmem_shared>>
      tpu.wait_dma2 semaphore(%run_scoped3A : memref<!tpu.dma_semaphore, #tpu.memory_space<semaphore_mem>>) src(%arg8 : memref<128x128xf32, #tpu.memory_space<vmem>>) dst(%dma_wait3A_301 : memref<128x128xf32, #tpu.memory_space<vmem_shared>>)
      tpu.yield
    }) : () -> ()
    %add3A_17 = arith.constant 256 : i32
    %add3A_18 = arith.addi %mul3A_13, %add3A_17 : i32
    "tpu.region"() ({
      %run_scoped3A = tpu.sem_alloc : memref<!tpu.dma_semaphore, #tpu.memory_space<semaphore_mem>>
      %dma_start3A_295 = arith.constant 0 : i32
      %dma_start3A_296 = tpu.memref_slice %arg10[%add3A_18, %dma_start3A_295] : memref<10240x128xf32, #tpu.memory_space<vmem_shared>> -> memref<128x128xf32, #tpu.memory_space<vmem_shared>>
      %dma_start3A_297 = arith.constant 0 : i32
      %dma_start3A_298 = tpu.memref_slice %arg10[%add3A_18, %dma_start3A_297] : memref<10240x128xf32, #tpu.memory_space<vmem_shared>> -> memref<128x128xf32, #tpu.memory_space<vmem_shared>>
      tpu.enqueue_dma source(%arg8 : memref<128x128xf32, #tpu.memory_space<vmem>>) target(%dma_start3A_298 : memref<128x128xf32, #tpu.memory_space<vmem_shared>>) target_semaphore(%run_scoped3A : memref<!tpu.dma_semaphore, #tpu.memory_space<semaphore_mem>>)
      %dma_wait3A = arith.constant 0 : i32
      %dma_wait3A_299 = tpu.memref_slice %arg10[%add3A_18, %dma_wait3A] : memref<10240x128xf32, #tpu.memory_space<vmem_shared>> -> memref<128x128xf32, #tpu.memory_space<vmem_shared>>
      %dma_wait3A_300 = arith.constant 0 : i32
      %dma_wait3A_301 = tpu.memref_slice %arg10[%add3A_18, %dma_wait3A_300] : memref<10240x128xf32, #tpu.memory_space<vmem_shared>> -> memref<128x128xf32, #tpu.memory_space<vmem_shared>>
      tpu.wait_dma2 semaphore(%run_scoped3A : memref<!tpu.dma_semaphore, #tpu.memory_space<semaphore_mem>>) src(%arg8 : memref<128x128xf32, #tpu.memory_space<vmem>>) dst(%dma_wait3A_301 : memref<128x128xf32, #tpu.memory_space<vmem_shared>>)
      tpu.yield
    }) : () -> ()
    %add3A_19 = arith.constant 384 : i32
    %add3A_20 = arith.addi %mul3A_13, %add3A_19 : i32
    "tpu.region"() ({
      %run_scoped3A = tpu.sem_alloc : memref<!tpu.dma_semaphore, #tpu.memory_space<semaphore_mem>>
      %dma_start3A_295 = arith.constant 0 : i32
      %dma_start3A_296 = tpu.memref_slice %arg10[%add3A_20, %dma_start3A_295] : memref<10240x128xf32, #tpu.memory_space<vmem_shared>> -> memref<128x128xf32, #tpu.memory_space<vmem_shared>>
      %dma_start3A_297 = arith.constant 0 : i32
      %dma_start3A_298 = tpu.memref_slice %arg10[%add3A_20, %dma_start3A_297] : memref<10240x128xf32, #tpu.memory_space<vmem_shared>> -> memref<128x128xf32, #tpu.memory_space<vmem_shared>>
      tpu.enqueue_dma source(%arg8 : memref<128x128xf32, #tpu.memory_space<vmem>>) target(%dma_start3A_298 : memref<128x128xf32, #tpu.memory_space<vmem_shared>>) target_semaphore(%run_scoped3A : memref<!tpu.dma_semaphore, #tpu.memory_space<semaphore_mem>>)
      %dma_wait3A = arith.constant 0 : i32
      %dma_wait3A_299 = tpu.memref_slice %arg10[%add3A_20, %dma_wait3A] : memref<10240x128xf32, #tpu.memory_space<vmem_shared>> -> memref<128x128xf32, #tpu.memory_space<vmem_shared>>
      %dma_wait3A_300 = arith.constant 0 : i32
      %dma_wait3A_301 = tpu.memref_slice %arg10[%add3A_20, %dma_wait3A_300] : memref<10240x128xf32, #tpu.memory_space<vmem_shared>> -> memref<128x128xf32, #tpu.memory_space<vmem_shared>>
      tpu.wait_dma2 semaphore(%run_scoped3A : memref<!tpu.dma_semaphore, #tpu.memory_space<semaphore_mem>>) src(%arg8 : memref<128x128xf32, #tpu.memory_space<vmem>>) dst(%dma_wait3A_301 : memref<128x128xf32, #tpu.memory_space<vmem_shared>>)
      tpu.yield
    }) : () -> ()
    %add3A_21 = arith.constant 512 : i32
    %add3A_22 = arith.addi %mul3A_13, %add3A_21 : i32
    "tpu.region"() ({
      %run_scoped3A = tpu.sem_alloc : memref<!tpu.dma_semaphore, #tpu.memory_space<semaphore_mem>>
      %dma_start3A_295 = arith.constant 0 : i32
      %dma_start3A_296 = tpu.memref_slice %arg10[%add3A_22, %dma_start3A_295] : memref<10240x128xf32, #tpu.memory_space<vmem_shared>> -> memref<128x128xf32, #tpu.memory_space<vmem_shared>>
      %dma_start3A_297 = arith.constant 0 : i32
      %dma_start3A_298 = tpu.memref_slice %arg10[%add3A_22, %dma_start3A_297] : memref<10240x128xf32, #tpu.memory_space<vmem_shared>> -> memref<128x128xf32, #tpu.memory_space<vmem_shared>>
      tpu.enqueue_dma source(%arg8 : memref<128x128xf32, #tpu.memory_space<vmem>>) target(%dma_start3A_298 : memref<128x128xf32, #tpu.memory_space<vmem_shared>>) target_semaphore(%run_scoped3A : memref<!tpu.dma_semaphore, #tpu.memory_space<semaphore_mem>>)
      %dma_wait3A = arith.constant 0 : i32
      %dma_wait3A_299 = tpu.memref_slice %arg10[%add3A_22, %dma_wait3A] : memref<10240x128xf32, #tpu.memory_space<vmem_shared>> -> memref<128x128xf32, #tpu.memory_space<vmem_shared>>
      %dma_wait3A_300 = arith.constant 0 : i32
      %dma_wait3A_301 = tpu.memref_slice %arg10[%add3A_22, %dma_wait3A_300] : memref<10240x128xf32, #tpu.memory_space<vmem_shared>> -> memref<128x128xf32, #tpu.memory_space<vmem_shared>>
      tpu.wait_dma2 semaphore(%run_scoped3A : memref<!tpu.dma_semaphore, #tpu.memory_space<semaphore_mem>>) src(%arg8 : memref<128x128xf32, #tpu.memory_space<vmem>>) dst(%dma_wait3A_301 : memref<128x128xf32, #tpu.memory_space<vmem_shared>>)
      tpu.yield
    }) : () -> ()
    %barrier3A = arith.constant 0 : index
    tpu.barrier barrier_id(%barrier3A)
    %get3A = arith.constant 0 : i32
    %get3A_23 = arith.index_cast %get3A : i32 to index
    %get3A_24 = arith.constant 0 : index
    %get3A_25 = tpu.vector_load %arg5[%get3A_23, %get3A_24] {strides = array<i32>} : memref<120x128xi32, #tpu.memory_space<vmem>>, vector<1x16xi32>,
    %get3A_26 = vector.shape_cast %get3A_25 : vector<1x16xi32> to vector<16xi32>
    %shift_right_logical3A = arith.constant 14 : i32
    %shift_right_logical3A_27 = vector.broadcast %shift_right_logical3A : i32 to vector<16xi32>
    %shift_right_logical3A_28 = arith.shrui %get3A_26, %shift_right_logical3A_27 : vector<16xi32>
    %swap3A = arith.constant 0 : i32
    %swap3A_29 = arith.index_cast %swap3A : i32 to index
    %swap3A_30 = arith.constant 0 : index
    %swap3A_31 = tpu.vector_load %arg6[%swap3A_29, %swap3A_30] {strides = array<i32>} : memref<2x128xi32, #tpu.memory_space<vmem>>, vector<1x16xi32>,
    %swap3A_32 = vector.shape_cast %swap3A_31 : vector<1x16xi32> to vector<16xi32>
    %swap3A_33 = vector.shape_cast %shift_right_logical3A_28 : vector<16xi32> to vector<1x16xi32>
    tpu.vector_store %arg6[%swap3A_29, %swap3A_30], %swap3A_33 {strides = array<i32>} : memref<2x128xi32, #tpu.memory_space<vmem>>, vector<1x16xi32>,
    %get3A_34 = arith.constant 0 : i32
    %get3A_35 = arith.index_cast %get3A_34 : i32 to index
    %get3A_36 = arith.constant 16 : index
    %get3A_37 = tpu.vector_load %arg5[%get3A_35, %get3A_36] {strides = array<i32>} : memref<120x128xi32, #tpu.memory_space<vmem>>, vector<1x16xi32>,
    %get3A_38 = vector.shape_cast %get3A_37 : vector<1x16xi32> to vector<16xi32>
    %shift_right_logical3A_39 = arith.constant 14 : i32
    %shift_right_logical3A_40 = vector.broadcast %shift_right_logical3A_39 : i32 to vector<16xi32>
    %shift_right_logical3A_41 = arith.shrui %get3A_38, %shift_right_logical3A_40 : vector<16xi32>
    %swap3A_42 = arith.constant 0 : i32
    %swap3A_43 = arith.index_cast %swap3A_42 : i32 to index
    %swap3A_44 = arith.constant 16 : index
    %swap3A_45 = tpu.vector_load %arg6[%swap3A_43, %swap3A_44] {strides = array<i32>} : memref<2x128xi32, #tpu.memory_space<vmem>>, vector<1x16xi32>,
    %swap3A_46 = vector.shape_cast %swap3A_45 : vector<1x16xi32> to vector<16xi32>
    %swap3A_47 = vector.shape_cast %shift_right_logical3A_41 : vector<16xi32> to vector<1x16xi32>
    tpu.vector_store %arg6[%swap3A_43, %swap3A_44], %swap3A_47 {strides = array<i32>} : memref<2x128xi32, #tpu.memory_space<vmem>>, vector<1x16xi32>,
    %get3A_48 = arith.constant 0 : i32
    %get3A_49 = arith.index_cast %get3A_48 : i32 to index
    %get3A_50 = arith.constant 32 : index
    %get3A_51 = tpu.vector_load %arg5[%get3A_49, %get3A_50] {strides = array<i32>} : memref<120x128xi32, #tpu.memory_space<vmem>>, vector<1x16xi32>,
    %get3A_52 = vector.shape_cast %get3A_51 : vector<1x16xi32> to vector<16xi32>
    %shift_right_logical3A_53 = arith.constant 14 : i32
    %shift_right_logical3A_54 = vector.broadcast %shift_right_logical3A_53 : i32 to vector<16xi32>
    %shift_right_logical3A_55 = arith.shrui %get3A_52, %shift_right_logical3A_54 : vector<16xi32>
    %swap3A_56 = arith.constant 0 : i32
    %swap3A_57 = arith.index_cast %swap3A_56 : i32 to index
    %swap3A_58 = arith.constant 32 : index
    %swap3A_59 = tpu.vector_load %arg6[%swap3A_57, %swap3A_58] {strides = array<i32>} : memref<2x128xi32, #tpu.memory_space<vmem>>, vector<1x16xi32>,
    %swap3A_60 = vector.shape_cast %swap3A_59 : vector<1x16xi32> to vector<16xi32>
    %swap3A_61 = vector.shape_cast %shift_right_logical3A_55 : vector<16xi32> to vector<1x16xi32>
    tpu.vector_store %arg6[%swap3A_57, %swap3A_58], %swap3A_61 {strides = array<i32>} : memref<2x128xi32, #tpu.memory_space<vmem>>, vector<1x16xi32>,
    %get3A_62 = arith.constant 0 : i32
    %get3A_63 = arith.index_cast %get3A_62 : i32 to index
    %get3A_64 = arith.constant 48 : index
    %get3A_65 = tpu.vector_load %arg5[%get3A_63, %get3A_64] {strides = array<i32>} : memref<120x128xi32, #tpu.memory_space<vmem>>, vector<1x16xi32>,
    %get3A_66 = vector.shape_cast %get3A_65 : vector<1x16xi32> to vector<16xi32>
    %shift_right_logical3A_67 = arith.constant 14 : i32
    %shift_right_logical3A_68 = vector.broadcast %shift_right_logical3A_67 : i32 to vector<16xi32>
    %shift_right_logical3A_69 = arith.shrui %get3A_66, %shift_right_logical3A_68 : vector<16xi32>
    %swap3A_70 = arith.constant 0 : i32
    %swap3A_71 = arith.index_cast %swap3A_70 : i32 to index
    %swap3A_72 = arith.constant 48 : index
    %swap3A_73 = tpu.vector_load %arg6[%swap3A_71, %swap3A_72] {strides = array<i32>} : memref<2x128xi32, #tpu.memory_space<vmem>>, vector<1x16xi32>,
    %swap3A_74 = vector.shape_cast %swap3A_73 : vector<1x16xi32> to vector<16xi32>
    %swap3A_75 = vector.shape_cast %shift_right_logical3A_69 : vector<16xi32> to vector<1x16xi32>
    tpu.vector_store %arg6[%swap3A_71, %swap3A_72], %swap3A_75 {strides = array<i32>} : memref<2x128xi32, #tpu.memory_space<vmem>>, vector<1x16xi32>,
    %get3A_76 = arith.constant 0 : i32
    %get3A_77 = arith.index_cast %get3A_76 : i32 to index
    %get3A_78 = arith.constant 64 : index
    %get3A_79 = tpu.vector_load %arg5[%get3A_77, %get3A_78] {strides = array<i32>} : memref<120x128xi32, #tpu.memory_space<vmem>>, vector<1x16xi32>,
    %get3A_80 = vector.shape_cast %get3A_79 : vector<1x16xi32> to vector<16xi32>
    %shift_right_logical3A_81 = arith.constant 14 : i32
    %shift_right_logical3A_82 = vector.broadcast %shift_right_logical3A_81 : i32 to vector<16xi32>
    %shift_right_logical3A_83 = arith.shrui %get3A_80, %shift_right_logical3A_82 : vector<16xi32>
    %swap3A_84 = arith.constant 0 : i32
    %swap3A_85 = arith.index_cast %swap3A_84 : i32 to index
    %swap3A_86 = arith.constant 64 : index
    %swap3A_87 = tpu.vector_load %arg6[%swap3A_85, %swap3A_86] {strides = array<i32>} : memref<2x128xi32, #tpu.memory_space<vmem>>, vector<1x16xi32>,
    %swap3A_88 = vector.shape_cast %swap3A_87 : vector<1x16xi32> to vector<16xi32>
    %swap3A_89 = vector.shape_cast %shift_right_logical3A_83 : vector<16xi32> to vector<1x16xi32>
    tpu.vector_store %arg6[%swap3A_85, %swap3A_86], %swap3A_89 {strides = array<i32>} : memref<2x128xi32, #tpu.memory_space<vmem>>, vector<1x16xi32>,
    %get3A_90 = arith.constant 0 : i32
    %get3A_91 = arith.index_cast %get3A_90 : i32 to index
    %get3A_92 = arith.constant 80 : index
    %get3A_93 = tpu.vector_load %arg5[%get3A_91, %get3A_92] {strides = array<i32>} : memref<120x128xi32, #tpu.memory_space<vmem>>, vector<1x16xi32>,
    %get3A_94 = vector.shape_cast %get3A_93 : vector<1x16xi32> to vector<16xi32>
    %shift_right_logical3A_95 = arith.constant 14 : i32
    %shift_right_logical3A_96 = vector.broadcast %shift_right_logical3A_95 : i32 to vector<16xi32>
    %shift_right_logical3A_97 = arith.shrui %get3A_94, %shift_right_logical3A_96 : vector<16xi32>
    %swap3A_98 = arith.constant 0 : i32
    %swap3A_99 = arith.index_cast %swap3A_98 : i32 to index
    %swap3A_100 = arith.constant 80 : index
    %swap3A_101 = tpu.vector_load %arg6[%swap3A_99, %swap3A_100] {strides = array<i32>} : memref<2x128xi32, #tpu.memory_space<vmem>>, vector<1x16xi32>,
    %swap3A_102 = vector.shape_cast %swap3A_101 : vector<1x16xi32> to vector<16xi32>
    %swap3A_103 = vector.shape_cast %shift_right_logical3A_97 : vector<16xi32> to vector<1x16xi32>
    tpu.vector_store %arg6[%swap3A_99, %swap3A_100], %swap3A_103 {strides = array<i32>} : memref<2x128xi32, #tpu.memory_space<vmem>>, vector<1x16xi32>,
    %get3A_104 = arith.constant 0 : i32
    %get3A_105 = arith.index_cast %get3A_104 : i32 to index
    %get3A_106 = arith.constant 96 : index
    %get3A_107 = tpu.vector_load %arg5[%get3A_105, %get3A_106] {strides = array<i32>} : memref<120x128xi32, #tpu.memory_space<vmem>>, vector<1x16xi32>,
    %get3A_108 = vector.shape_cast %get3A_107 : vector<1x16xi32> to vector<16xi32>
    %shift_right_logical3A_109 = arith.constant 14 : i32
    %shift_right_logical3A_110 = vector.broadcast %shift_right_logical3A_109 : i32 to vector<16xi32>
    %shift_right_logical3A_111 = arith.shrui %get3A_108, %shift_right_logical3A_110 : vector<16xi32>
    %swap3A_112 = arith.constant 0 : i32
    %swap3A_113 = arith.index_cast %swap3A_112 : i32 to index
    %swap3A_114 = arith.constant 96 : index
    %swap3A_115 = tpu.vector_load %arg6[%swap3A_113, %swap3A_114] {strides = array<i32>} : memref<2x128xi32, #tpu.memory_space<vmem>>, vector<1x16xi32>,
    %swap3A_116 = vector.shape_cast %swap3A_115 : vector<1x16xi32> to vector<16xi32>
    %swap3A_117 = vector.shape_cast %shift_right_logical3A_111 : vector<16xi32> to vector<1x16xi32>
    tpu.vector_store %arg6[%swap3A_113, %swap3A_114], %swap3A_117 {strides = array<i32>} : memref<2x128xi32, #tpu.memory_space<vmem>>, vector<1x16xi32>,
    %get3A_118 = arith.constant 0 : i32
    %get3A_119 = arith.index_cast %get3A_118 : i32 to index
    %get3A_120 = arith.constant 112 : index
    %get3A_121 = tpu.vector_load %arg5[%get3A_119, %get3A_120] {strides = array<i32>} : memref<120x128xi32, #tpu.memory_space<vmem>>, vector<1x16xi32>,
    %get3A_122 = vector.shape_cast %get3A_121 : vector<1x16xi32> to vector<16xi32>
    %shift_right_logical3A_123 = arith.constant 14 : i32
    %shift_right_logical3A_124 = vector.broadcast %shift_right_logical3A_123 : i32 to vector<16xi32>
    %shift_right_logical3A_125 = arith.shrui %get3A_122, %shift_right_logical3A_124 : vector<16xi32>
    %swap3A_126 = arith.constant 0 : i32
    %swap3A_127 = arith.index_cast %swap3A_126 : i32 to index
    %swap3A_128 = arith.constant 112 : index
    %swap3A_129 = tpu.vector_load %arg6[%swap3A_127, %swap3A_128] {strides = array<i32>} : memref<2x128xi32, #tpu.memory_space<vmem>>, vector<1x16xi32>,
    %swap3A_130 = vector.shape_cast %swap3A_129 : vector<1x16xi32> to vector<16xi32>
    %swap3A_131 = vector.shape_cast %shift_right_logical3A_125 : vector<16xi32> to vector<1x16xi32>
    tpu.vector_store %arg6[%swap3A_127, %swap3A_128], %swap3A_131 {strides = array<i32>} : memref<2x128xi32, #tpu.memory_space<vmem>>, vector<1x16xi32>,
    %dma_start3A = arith.constant 0 : i32
    %dma_start3A_132 = arith.constant 0 : i32
    %dma_start3A_133 = tpu.memref_slice %arg6[%dma_start3A, %dma_start3A_132] : memref<2x128xi32, #tpu.memory_space<vmem>> -> memref<1x128xi32, #tpu.memory_space<vmem>>
    %dma_start3A_134 = tpu.memref_squeeze %dma_start3A_133 : memref<1x128xi32, #tpu.memory_space<vmem>> -> memref<128xi32, #tpu.memory_space<vmem>>
    %dma_start3A_135 = arith.constant 0 : i32
    %dma_start3A_136 = arith.constant 0 : i32
    %dma_start3A_137 = tpu.memref_slice %arg2[%dma_start3A_135, %dma_start3A_136] : memref<10240x128xf32, #tpu.memory_space<hbm>> -> memref<10240x128xf32, #tpu.memory_space<hbm>>
    tpu.enqueue_indirect_dma source(%dma_start3A_137 : memref<10240x128xf32, #tpu.memory_space<hbm>>) target(%arg8 : memref<128x128xf32, #tpu.memory_space<vmem>>) offsets(%dma_start3A_134 : memref<128xi32, #tpu.memory_space<vmem>>) semaphore(%arg11 : memref<!tpu.dma_semaphore, #tpu.memory_space<semaphore_mem>>)
    %get3A_138 = arith.constant 1 : i32
    %get3A_139 = arith.index_cast %get3A_138 : i32 to index
    %get3A_140 = arith.constant 0 : index
    %get3A_141 = tpu.vector_load %arg5[%get3A_139, %get3A_140] {strides = array<i32>} : memref<120x128xi32, #tpu.memory_space<vmem>>, vector<1x16xi32>,
    %get3A_142 = vector.shape_cast %get3A_141 : vector<1x16xi32> to vector<16xi32>
    %shift_right_logical3A_143 = arith.constant 14 : i32
    %shift_right_logical3A_144 = vector.broadcast %shift_right_logical3A_143 : i32 to vector<16xi32>
    %shift_right_logical3A_145 = arith.shrui %get3A_142, %shift_right_logical3A_144 : vector<16xi32>
    %swap3A_146 = arith.constant 1 : i32
    %swap3A_147 = arith.index_cast %swap3A_146 : i32 to index
    %swap3A_148 = arith.constant 0 : index
    %swap3A_149 = tpu.vector_load %arg6[%swap3A_147, %swap3A_148] {strides = array<i32>} : memref<2x128xi32, #tpu.memory_space<vmem>>, vector<1x16xi32>,
    %swap3A_150 = vector.shape_cast %swap3A_149 : vector<1x16xi32> to vector<16xi32>
    %swap3A_151 = vector.shape_cast %shift_right_logical3A_145 : vector<16xi32> to vector<1x16xi32>
    tpu.vector_store %arg6[%swap3A_147, %swap3A_148], %swap3A_151 {strides = array<i32>} : memref<2x128xi32, #tpu.memory_space<vmem>>, vector<1x16xi32>,
    %get3A_152 = arith.constant 1 : i32
    %get3A_153 = arith.index_cast %get3A_152 : i32 to index
    %get3A_154 = arith.constant 16 : index
    %get3A_155 = tpu.vector_load %arg5[%get3A_153, %get3A_154] {strides = array<i32>} : memref<120x128xi32, #tpu.memory_space<vmem>>, vector<1x16xi32>,
    %get3A_156 = vector.shape_cast %get3A_155 : vector<1x16xi32> to vector<16xi32>
    %shift_right_logical3A_157 = arith.constant 14 : i32
    %shift_right_logical3A_158 = vector.broadcast %shift_right_logical3A_157 : i32 to vector<16xi32>
    %shift_right_logical3A_159 = arith.shrui %get3A_156, %shift_right_logical3A_158 : vector<16xi32>
    %swap3A_160 = arith.constant 1 : i32
    %swap3A_161 = arith.index_cast %swap3A_160 : i32 to index
    %swap3A_162 = arith.constant 16 : index
    %swap3A_163 = tpu.vector_load %arg6[%swap3A_161, %swap3A_162] {strides = array<i32>} : memref<2x128xi32, #tpu.memory_space<vmem>>, vector<1x16xi32>,
    %swap3A_164 = vector.shape_cast %swap3A_163 : vector<1x16xi32> to vector<16xi32>
    %swap3A_165 = vector.shape_cast %shift_right_logical3A_159 : vector<16xi32> to vector<1x16xi32>
    tpu.vector_store %arg6[%swap3A_161, %swap3A_162], %swap3A_165 {strides = array<i32>} : memref<2x128xi32, #tpu.memory_space<vmem>>, vector<1x16xi32>,
    %get3A_166 = arith.constant 1 : i32
    %get3A_167 = arith.index_cast %get3A_166 : i32 to index
    %get3A_168 = arith.constant 32 : index
    %get3A_169 = tpu.vector_load %arg5[%get3A_167, %get3A_168] {strides = array<i32>} : memref<120x128xi32, #tpu.memory_space<vmem>>, vector<1x16xi32>,
    %get3A_170 = vector.shape_cast %get3A_169 : vector<1x16xi32> to vector<16xi32>
    %shift_right_logical3A_171 = arith.constant 14 : i32
    %shift_right_logical3A_172 = vector.broadcast %shift_right_logical3A_171 : i32 to vector<16xi32>
    %shift_right_logical3A_173 = arith.shrui %get3A_170, %shift_right_logical3A_172 : vector<16xi32>
    %swap3A_174 = arith.constant 1 : i32
    %swap3A_175 = arith.index_cast %swap3A_174 : i32 to index
    %swap3A_176 = arith.constant 32 : index
    %swap3A_177 = tpu.vector_load %arg6[%swap3A_175, %swap3A_176] {strides = array<i32>} : memref<2x128xi32, #tpu.memory_space<vmem>>, vector<1x16xi32>,
    %swap3A_178 = vector.shape_cast %swap3A_177 : vector<1x16xi32> to vector<16xi32>
    %swap3A_179 = vector.shape_cast %shift_right_logical3A_173 : vector<16xi32> to vector<1x16xi32>
    tpu.vector_store %arg6[%swap3A_175, %swap3A_176], %swap3A_179 {strides = array<i32>} : memref<2x128xi32, #tpu.memory_space<vmem>>, vector<1x16xi32>,
    %get3A_180 = arith.constant 1 : i32
    %get3A_181 = arith.index_cast %get3A_180 : i32 to index
    %get3A_182 = arith.constant 48 : index
    %get3A_183 = tpu.vector_load %arg5[%get3A_181, %get3A_182] {strides = array<i32>} : memref<120x128xi32, #tpu.memory_space<vmem>>, vector<1x16xi32>,
    %get3A_184 = vector.shape_cast %get3A_183 : vector<1x16xi32> to vector<16xi32>
    %shift_right_logical3A_185 = arith.constant 14 : i32
    %shift_right_logical3A_186 = vector.broadcast %shift_right_logical3A_185 : i32 to vector<16xi32>
    %shift_right_logical3A_187 = arith.shrui %get3A_184, %shift_right_logical3A_186 : vector<16xi32>
    %swap3A_188 = arith.constant 1 : i32
    %swap3A_189 = arith.index_cast %swap3A_188 : i32 to index
    %swap3A_190 = arith.constant 48 : index
    %swap3A_191 = tpu.vector_load %arg6[%swap3A_189, %swap3A_190] {strides = array<i32>} : memref<2x128xi32, #tpu.memory_space<vmem>>, vector<1x16xi32>,
    %swap3A_192 = vector.shape_cast %swap3A_191 : vector<1x16xi32> to vector<16xi32>
    %swap3A_193 = vector.shape_cast %shift_right_logical3A_187 : vector<16xi32> to vector<1x16xi32>
    tpu.vector_store %arg6[%swap3A_189, %swap3A_190], %swap3A_193 {strides = array<i32>} : memref<2x128xi32, #tpu.memory_space<vmem>>, vector<1x16xi32>,
    %get3A_194 = arith.constant 1 : i32
    %get3A_195 = arith.index_cast %get3A_194 : i32 to index
    %get3A_196 = arith.constant 64 : index
    %get3A_197 = tpu.vector_load %arg5[%get3A_195, %get3A_196] {strides = array<i32>} : memref<120x128xi32, #tpu.memory_space<vmem>>, vector<1x16xi32>,
    %get3A_198 = vector.shape_cast %get3A_197 : vector<1x16xi32> to vector<16xi32>
    %shift_right_logical3A_199 = arith.constant 14 : i32
    %shift_right_logical3A_200 = vector.broadcast %shift_right_logical3A_199 : i32 to vector<16xi32>
    %shift_right_logical3A_201 = arith.shrui %get3A_198, %shift_right_logical3A_200 : vector<16xi32>
    %swap3A_202 = arith.constant 1 : i32
    %swap3A_203 = arith.index_cast %swap3A_202 : i32 to index
    %swap3A_204 = arith.constant 64 : index
    %swap3A_205 = tpu.vector_load %arg6[%swap3A_203, %swap3A_204] {strides = array<i32>} : memref<2x128xi32, #tpu.memory_space<vmem>>, vector<1x16xi32>,
    %swap3A_206 = vector.shape_cast %swap3A_205 : vector<1x16xi32> to vector<16xi32>
    %swap3A_207 = vector.shape_cast %shift_right_logical3A_201 : vector<16xi32> to vector<1x16xi32>
    tpu.vector_store %arg6[%swap3A_203, %swap3A_204], %swap3A_207 {strides = array<i32>} : memref<2x128xi32, #tpu.memory_space<vmem>>, vector<1x16xi32>,
    %get3A_208 = arith.constant 1 : i32
    %get3A_209 = arith.index_cast %get3A_208 : i32 to index
    %get3A_210 = arith.constant 80 : index
    %get3A_211 = tpu.vector_load %arg5[%get3A_209, %get3A_210] {strides = array<i32>} : memref<120x128xi32, #tpu.memory_space<vmem>>, vector<1x16xi32>,
    %get3A_212 = vector.shape_cast %get3A_211 : vector<1x16xi32> to vector<16xi32>
    %shift_right_logical3A_213 = arith.constant 14 : i32
    %shift_right_logical3A_214 = vector.broadcast %shift_right_logical3A_213 : i32 to vector<16xi32>
    %shift_right_logical3A_215 = arith.shrui %get3A_212, %shift_right_logical3A_214 : vector<16xi32>
    %swap3A_216 = arith.constant 1 : i32
    %swap3A_217 = arith.index_cast %swap3A_216 : i32 to index
    %swap3A_218 = arith.constant 80 : index
    %swap3A_219 = tpu.vector_load %arg6[%swap3A_217, %swap3A_218] {strides = array<i32>} : memref<2x128xi32, #tpu.memory_space<vmem>>, vector<1x16xi32>,
    %swap3A_220 = vector.shape_cast %swap3A_219 : vector<1x16xi32> to vector<16xi32>
    %swap3A_221 = vector.shape_cast %shift_right_logical3A_215 : vector<16xi32> to vector<1x16xi32>
    tpu.vector_store %arg6[%swap3A_217, %swap3A_218], %swap3A_221 {strides = array<i32>} : memref<2x128xi32, #tpu.memory_space<vmem>>, vector<1x16xi32>,
    %get3A_222 = arith.constant 1 : i32
    %get3A_223 = arith.index_cast %get3A_222 : i32 to index
    %get3A_224 = arith.constant 96 : index
    %get3A_225 = tpu.vector_load %arg5[%get3A_223, %get3A_224] {strides = array<i32>} : memref<120x128xi32, #tpu.memory_space<vmem>>, vector<1x16xi32>,
    %get3A_226 = vector.shape_cast %get3A_225 : vector<1x16xi32> to vector<16xi32>
    %shift_right_logical3A_227 = arith.constant 14 : i32
    %shift_right_logical3A_228 = vector.broadcast %shift_right_logical3A_227 : i32 to vector<16xi32>
    %shift_right_logical3A_229 = arith.shrui %get3A_226, %shift_right_logical3A_228 : vector<16xi32>
    %swap3A_230 = arith.constant 1 : i32
    %swap3A_231 = arith.index_cast %swap3A_230 : i32 to index
    %swap3A_232 = arith.constant 96 : index
    %swap3A_233 = tpu.vector_load %arg6[%swap3A_231, %swap3A_232] {strides = array<i32>} : memref<2x128xi32, #tpu.memory_space<vmem>>, vector<1x16xi32>,
    %swap3A_234 = vector.shape_cast %swap3A_233 : vector<1x16xi32> to vector<16xi32>
    %swap3A_235 = vector.shape_cast %shift_right_logical3A_229 : vector<16xi32> to vector<1x16xi32>
    tpu.vector_store %arg6[%swap3A_231, %swap3A_232], %swap3A_235 {strides = array<i32>} : memref<2x128xi32, #tpu.memory_space<vmem>>, vector<1x16xi32>,
    %get3A_236 = arith.constant 1 : i32
    %get3A_237 = arith.index_cast %get3A_236 : i32 to index
    %get3A_238 = arith.constant 112 : index
    %get3A_239 = tpu.vector_load %arg5[%get3A_237, %get3A_238] {strides = array<i32>} : memref<120x128xi32, #tpu.memory_space<vmem>>, vector<1x16xi32>,
    %get3A_240 = vector.shape_cast %get3A_239 : vector<1x16xi32> to vector<16xi32>
    %shift_right_logical3A_241 = arith.constant 14 : i32
    %shift_right_logical3A_242 = vector.broadcast %shift_right_logical3A_241 : i32 to vector<16xi32>
    %shift_right_logical3A_243 = arith.shrui %get3A_240, %shift_right_logical3A_242 : vector<16xi32>
    %swap3A_244 = arith.constant 1 : i32
    %swap3A_245 = arith.index_cast %swap3A_244 : i32 to index
    %swap3A_246 = arith.constant 112 : index
    %swap3A_247 = tpu.vector_load %arg6[%swap3A_245, %swap3A_246] {strides = array<i32>} : memref<2x128xi32, #tpu.memory_space<vmem>>, vector<1x16xi32>,
    %swap3A_248 = vector.shape_cast %swap3A_247 : vector<1x16xi32> to vector<16xi32>
    %swap3A_249 = vector.shape_cast %shift_right_logical3A_243 : vector<16xi32> to vector<1x16xi32>
    tpu.vector_store %arg6[%swap3A_245, %swap3A_246], %swap3A_249 {strides = array<i32>} : memref<2x128xi32, #tpu.memory_space<vmem>>, vector<1x16xi32>,
    %dma_start3A_250 = arith.constant 1 : i32
    %dma_start3A_251 = arith.constant 0 : i32
    %dma_start3A_252 = tpu.memref_slice %arg6[%dma_start3A_250, %dma_start3A_251] : memref<2x128xi32, #tpu.memory_space<vmem>> -> memref<1x128xi32, #tpu.memory_space<vmem>>
    %dma_start3A_253 = tpu.memref_squeeze %dma_start3A_252 : memref<1x128xi32, #tpu.memory_space<vmem>> -> memref<128xi32, #tpu.memory_space<vmem>>
    %dma_start3A_254 = arith.constant 0 : i32
    %dma_start3A_255 = arith.constant 0 : i32
    %dma_start3A_256 = tpu.memref_slice %arg2[%dma_start3A_254, %dma_start3A_255] : memref<10240x128xf32, #tpu.memory_space<hbm>> -> memref<10240x128xf32, #tpu.memory_space<hbm>>
    tpu.enqueue_indirect_dma source(%dma_start3A_256 : memref<10240x128xf32, #tpu.memory_space<hbm>>) target(%arg9 : memref<128x128xf32, #tpu.memory_space<vmem>>) offsets(%dma_start3A_253 : memref<128xi32, #tpu.memory_space<vmem>>) semaphore(%arg12 : memref<!tpu.dma_semaphore, #tpu.memory_space<semaphore_mem>>)
    %jit3A_257 = arith.constant 2 : i32
    %div3A = arith.divsi %select_n3A_6, %jit3A_257 : i32
    %sign3A = arith.constant 0 : i32
    %sign3A_258 = arith.cmpi sgt, %select_n3A_6, %sign3A : i32
    %sign3A_259 = arith.extui %sign3A_258 : i1 to i32
    %sign3A_260 = arith.constant 0 : i32
    %sign3A_261 = arith.cmpi slt, %select_n3A_6, %sign3A_260 : i32
    %sign3A_262 = arith.extui %sign3A_261 : i1 to i32
    %sign3A_263 = arith.subi %sign3A_259, %sign3A_262 : i32
    %sign3A_264 = arith.constant 0 : i32
    %sign3A_265 = arith.cmpi sgt, %jit3A_257, %sign3A_264 : i32
    %sign3A_266 = arith.extui %sign3A_265 : i1 to i32
    %sign3A_267 = arith.constant 0 : i32
    %sign3A_268 = arith.cmpi slt, %jit3A_257, %sign3A_267 : i32
    %sign3A_269 = arith.extui %sign3A_268 : i1 to i32
    %sign3A_270 = arith.subi %sign3A_266, %sign3A_269 : i32
    %ne3A = arith.cmpi ne, %sign3A_263, %sign3A_270 : i32
    %rem3A = arith.remsi %select_n3A_6, %jit3A_257 : i32
    %ne3A_271 = arith.constant 0 : i32
    %ne3A_272 = arith.cmpi ne, %rem3A, %ne3A_271 : i32
    %and3A = arith.andi %ne3A, %ne3A_272 : i1
    %sub3A = arith.constant 1 : i32
    %sub3A_273 = arith.subi %div3A, %sub3A : i32
    %select_n3A_274 = arith.select %and3A, %sub3A_273, %div3A : i32
    %while3A = arith.constant 0 : i32
    %while3A_275 = arith.constant 0 : i32
    %while3A_276 = arith.subi %select_n3A_274, %while3A_275 : i32
    %while3A_277 = arith.addi %while3A_275, %while3A_276 : i32
    %while3A_278 = arith.constant 1 : i32
    %while3A_279 = arith.divsi %while3A_276, %while3A_278 : i32
    %while3A_280 = arith.muli %while3A_279, %while3A_278 : i32
    %while3A_281 = arith.addi %while3A_275, %while3A_280 : i32
    %while3A_282 = arith.constant 1 : i32
    scf.for %while3A_295 = %while3A_275 to %while3A_281 step %while3A_282  : i32 {
      %mul3A_296 = arith.constant 2 : i32
      %mul3A_297 = arith.muli %while3A_295, %mul3A_296 : i32
      %add3A_298 = arith.constant 0 : i32
      %add3A_299 = arith.addi %mul3A_297, %add3A_298 : i32
      %dma_wait3A = arith.constant 0 : i32
      %dma_wait3A_300 = arith.constant 0 : i32
      %dma_wait3A_301 = tpu.memref_slice %arg6[%dma_wait3A, %dma_wait3A_300] : memref<2x128xi32, #tpu.memory_space<vmem>> -> memref<1x128xi32, #tpu.memory_space<vmem>>
      %dma_wait3A_302 = tpu.memref_squeeze %dma_wait3A_301 : memref<1x128xi32, #tpu.memory_space<vmem>> -> memref<128xi32, #tpu.memory_space<vmem>>
      %dma_wait3A_303 = arith.constant 0 : i32
      %dma_wait3A_304 = arith.constant 0 : i32
      %dma_wait3A_305 = tpu.memref_slice %arg2[%dma_wait3A_303, %dma_wait3A_304] : memref<10240x128xf32, #tpu.memory_space<hbm>> -> memref<10240x128xf32, #tpu.memory_space<hbm>>
      tpu.wait_indirect_dma semaphore(%arg11 : memref<!tpu.dma_semaphore, #tpu.memory_space<semaphore_mem>>) src(%dma_wait3A_305 : memref<10240x128xf32, #tpu.memory_space<hbm>>) dst(%arg8 : memref<128x128xf32, #tpu.memory_space<vmem>>)
      %get3A_306 = arith.index_cast %add3A_299 : i32 to index
      %get3A_307 = arith.constant 0 : index
      %get3A_308 = tpu.vector_load %arg5[%get3A_306, %get3A_307] {strides = array<i32>} : memref<120x128xi32, #tpu.memory_space<vmem>>, vector<1x16xi32>,
      %get3A_309 = vector.shape_cast %get3A_308 : vector<1x16xi32> to vector<16xi32>
      %and3A_310 = arith.constant 16383 : i32
      %and3A_311 = vector.broadcast %and3A_310 : i32 to vector<16xi32>
      %and3A_312 = arith.andi %get3A_309, %and3A_311 : vector<16xi32>
      %swap3A_313 = arith.constant 0 : i32
      %swap3A_314 = arith.index_cast %swap3A_313 : i32 to index
      %swap3A_315 = arith.constant 0 : index
      %swap3A_316 = tpu.vector_load %arg7[%swap3A_314, %swap3A_315] {strides = array<i32>} : memref<2x128xi32, #tpu.memory_space<vmem>>, vector<1x16xi32>,
      %swap3A_317 = vector.shape_cast %swap3A_316 : vector<1x16xi32> to vector<16xi32>
      %swap3A_318 = vector.shape_cast %and3A_312 : vector<16xi32> to vector<1x16xi32>
      tpu.vector_store %arg7[%swap3A_314, %swap3A_315], %swap3A_318 {strides = array<i32>} : memref<2x128xi32, #tpu.memory_space<vmem>>, vector<1x16xi32>,
      %get3A_319 = arith.index_cast %add3A_299 : i32 to index
      %get3A_320 = arith.constant 16 : index
      %get3A_321 = tpu.vector_load %arg5[%get3A_319, %get3A_320] {strides = array<i32>} : memref<120x128xi32, #tpu.memory_space<vmem>>, vector<1x16xi32>,
      %get3A_322 = vector.shape_cast %get3A_321 : vector<1x16xi32> to vector<16xi32>
      %and3A_323 = arith.constant 16383 : i32
      %and3A_324 = vector.broadcast %and3A_323 : i32 to vector<16xi32>
      %and3A_325 = arith.andi %get3A_322, %and3A_324 : vector<16xi32>
      %swap3A_326 = arith.constant 0 : i32
      %swap3A_327 = arith.index_cast %swap3A_326 : i32 to index
      %swap3A_328 = arith.constant 16 : index
      %swap3A_329 = tpu.vector_load %arg7[%swap3A_327, %swap3A_328] {strides = array<i32>} : memref<2x128xi32, #tpu.memory_space<vmem>>, vector<1x16xi32>,
      %swap3A_330 = vector.shape_cast %swap3A_329 : vector<1x16xi32> to vector<16xi32>
      %swap3A_331 = vector.shape_cast %and3A_325 : vector<16xi32> to vector<1x16xi32>
      tpu.vector_store %arg7[%swap3A_327, %swap3A_328], %swap3A_331 {strides = array<i32>} : memref<2x128xi32, #tpu.memory_space<vmem>>, vector<1x16xi32>,
      %get3A_332 = arith.index_cast %add3A_299 : i32 to index
      %get3A_333 = arith.constant 32 : index
      %get3A_334 = tpu.vector_load %arg5[%get3A_332, %get3A_333] {strides = array<i32>} : memref<120x128xi32, #tpu.memory_space<vmem>>, vector<1x16xi32>,
      %get3A_335 = vector.shape_cast %get3A_334 : vector<1x16xi32> to vector<16xi32>
      %and3A_336 = arith.constant 16383 : i32
      %and3A_337 = vector.broadcast %and3A_336 : i32 to vector<16xi32>
      %and3A_338 = arith.andi %get3A_335, %and3A_337 : vector<16xi32>
      %swap3A_339 = arith.constant 0 : i32
      %swap3A_340 = arith.index_cast %swap3A_339 : i32 to index
      %swap3A_341 = arith.constant 32 : index
      %swap3A_342 = tpu.vector_load %arg7[%swap3A_340, %swap3A_341] {strides = array<i32>} : memref<2x128xi32, #tpu.memory_space<vmem>>, vector<1x16xi32>,
      %swap3A_343 = vector.shape_cast %swap3A_342 : vector<1x16xi32> to vector<16xi32>
      %swap3A_344 = vector.shape_cast %and3A_338 : vector<16xi32> to vector<1x16xi32>
      tpu.vector_store %arg7[%swap3A_340, %swap3A_341], %swap3A_344 {strides = array<i32>} : memref<2x128xi32, #tpu.memory_space<vmem>>, vector<1x16xi32>,
      %get3A_345 = arith.index_cast %add3A_299 : i32 to index
      %get3A_346 = arith.constant 48 : index
      %get3A_347 = tpu.vector_load %arg5[%get3A_345, %get3A_346] {strides = array<i32>} : memref<120x128xi32, #tpu.memory_space<vmem>>, vector<1x16xi32>,
      %get3A_348 = vector.shape_cast %get3A_347 : vector<1x16xi32> to vector<16xi32>
      %and3A_349 = arith.constant 16383 : i32
      %and3A_350 = vector.broadcast %and3A_349 : i32 to vector<16xi32>
      %and3A_351 = arith.andi %get3A_348, %and3A_350 : vector<16xi32>
      %swap3A_352 = arith.constant 0 : i32
      %swap3A_353 = arith.index_cast %swap3A_352 : i32 to index
      %swap3A_354 = arith.constant 48 : index
      %swap3A_355 = tpu.vector_load %arg7[%swap3A_353, %swap3A_354] {strides = array<i32>} : memref<2x128xi32, #tpu.memory_space<vmem>>, vector<1x16xi32>,
      %swap3A_356 = vector.shape_cast %swap3A_355 : vector<1x16xi32> to vector<16xi32>
      %swap3A_357 = vector.shape_cast %and3A_351 : vector<16xi32> to vector<1x16xi32>
      tpu.vector_store %arg7[%swap3A_353, %swap3A_354], %swap3A_357 {strides = array<i32>} : memref<2x128xi32, #tpu.memory_space<vmem>>, vector<1x16xi32>,
      %get3A_358 = arith.index_cast %add3A_299 : i32 to index
      %get3A_359 = arith.constant 64 : index
      %get3A_360 = tpu.vector_load %arg5[%get3A_358, %get3A_359] {strides = array<i32>} : memref<120x128xi32, #tpu.memory_space<vmem>>, vector<1x16xi32>,
      %get3A_361 = vector.shape_cast %get3A_360 : vector<1x16xi32> to vector<16xi32>
      %and3A_362 = arith.constant 16383 : i32
      %and3A_363 = vector.broadcast %and3A_362 : i32 to vector<16xi32>
      %and3A_364 = arith.andi %get3A_361, %and3A_363 : vector<16xi32>
      %swap3A_365 = arith.constant 0 : i32
      %swap3A_366 = arith.index_cast %swap3A_365 : i32 to index
      %swap3A_367 = arith.constant 64 : index
      %swap3A_368 = tpu.vector_load %arg7[%swap3A_366, %swap3A_367] {strides = array<i32>} : memref<2x128xi32, #tpu.memory_space<vmem>>, vector<1x16xi32>,
      %swap3A_369 = vector.shape_cast %swap3A_368 : vector<1x16xi32> to vector<16xi32>
      %swap3A_370 = vector.shape_cast %and3A_364 : vector<16xi32> to vector<1x16xi32>
      tpu.vector_store %arg7[%swap3A_366, %swap3A_367], %swap3A_370 {strides = array<i32>} : memref<2x128xi32, #tpu.memory_space<vmem>>, vector<1x16xi32>,
      %get3A_371 = arith.index_cast %add3A_299 : i32 to index
      %get3A_372 = arith.constant 80 : index
      %get3A_373 = tpu.vector_load %arg5[%get3A_371, %get3A_372] {strides = array<i32>} : memref<120x128xi32, #tpu.memory_space<vmem>>, vector<1x16xi32>,
      %get3A_374 = vector.shape_cast %get3A_373 : vector<1x16xi32> to vector<16xi32>
      %and3A_375 = arith.constant 16383 : i32
      %and3A_376 = vector.broadcast %and3A_375 : i32 to vector<16xi32>
      %and3A_377 = arith.andi %get3A_374, %and3A_376 : vector<16xi32>
      %swap3A_378 = arith.constant 0 : i32
      %swap3A_379 = arith.index_cast %swap3A_378 : i32 to index
      %swap3A_380 = arith.constant 80 : index
      %swap3A_381 = tpu.vector_load %arg7[%swap3A_379, %swap3A_380] {strides = array<i32>} : memref<2x128xi32, #tpu.memory_space<vmem>>, vector<1x16xi32>,
      %swap3A_382 = vector.shape_cast %swap3A_381 : vector<1x16xi32> to vector<16xi32>
      %swap3A_383 = vector.shape_cast %and3A_377 : vector<16xi32> to vector<1x16xi32>
      tpu.vector_store %arg7[%swap3A_379, %swap3A_380], %swap3A_383 {strides = array<i32>} : memref<2x128xi32, #tpu.memory_space<vmem>>, vector<1x16xi32>,
      %get3A_384 = arith.index_cast %add3A_299 : i32 to index
      %get3A_385 = arith.constant 96 : index
      %get3A_386 = tpu.vector_load %arg5[%get3A_384, %get3A_385] {strides = array<i32>} : memref<120x128xi32, #tpu.memory_space<vmem>>, vector<1x16xi32>,
      %get3A_387 = vector.shape_cast %get3A_386 : vector<1x16xi32> to vector<16xi32>
      %and3A_388 = arith.constant 16383 : i32
      %and3A_389 = vector.broadcast %and3A_388 : i32 to vector<16xi32>
      %and3A_390 = arith.andi %get3A_387, %and3A_389 : vector<16xi32>
      %swap3A_391 = arith.constant 0 : i32
      %swap3A_392 = arith.index_cast %swap3A_391 : i32 to index
      %swap3A_393 = arith.constant 96 : index
      %swap3A_394 = tpu.vector_load %arg7[%swap3A_392, %swap3A_393] {strides = array<i32>} : memref<2x128xi32, #tpu.memory_space<vmem>>, vector<1x16xi32>,
      %swap3A_395 = vector.shape_cast %swap3A_394 : vector<1x16xi32> to vector<16xi32>
      %swap3A_396 = vector.shape_cast %and3A_390 : vector<16xi32> to vector<1x16xi32>
      tpu.vector_store %arg7[%swap3A_392, %swap3A_393], %swap3A_396 {strides = array<i32>} : memref<2x128xi32, #tpu.memory_space<vmem>>, vector<1x16xi32>,
      %get3A_397 = arith.index_cast %add3A_299 : i32 to index
      %get3A_398 = arith.constant 112 : index
      %get3A_399 = tpu.vector_load %arg5[%get3A_397, %get3A_398] {strides = array<i32>} : memref<120x128xi32, #tpu.memory_space<vmem>>, vector<1x16xi32>,
      %get3A_400 = vector.shape_cast %get3A_399 : vector<1x16xi32> to vector<16xi32>
      %and3A_401 = arith.constant 16383 : i32
      %and3A_402 = vector.broadcast %and3A_401 : i32 to vector<16xi32>
      %and3A_403 = arith.andi %get3A_400, %and3A_402 : vector<16xi32>
      %swap3A_404 = arith.constant 0 : i32
      %swap3A_405 = arith.index_cast %swap3A_404 : i32 to index
      %swap3A_406 = arith.constant 112 : index
      %swap3A_407 = tpu.vector_load %arg7[%swap3A_405, %swap3A_406] {strides = array<i32>} : memref<2x128xi32, #tpu.memory_space<vmem>>, vector<1x16xi32>,
      %swap3A_408 = vector.shape_cast %swap3A_407 : vector<1x16xi32> to vector<16xi32>
      %swap3A_409 = vector.shape_cast %and3A_403 : vector<16xi32> to vector<1x16xi32>
      tpu.vector_store %arg7[%swap3A_405, %swap3A_406], %swap3A_409 {strides = array<i32>} : memref<2x128xi32, #tpu.memory_space<vmem>>, vector<1x16xi32>,
      %run_scoped3A = arith.constant 0 : i32
      "tpu.region"() ({
        %run_scoped3A_533 = tpu.sem_alloc : memref<!tpu.dma_semaphore, #tpu.memory_space<semaphore_mem>>
        %dma_start3A_534 = arith.constant 0 : i32
        %dma_start3A_535 = tpu.memref_slice %arg7[%run_scoped3A, %dma_start3A_534] : memref<2x128xi32, #tpu.memory_space<vmem>> -> memref<1x128xi32, #tpu.memory_space<vmem>>
        %dma_start3A_536 = tpu.memref_squeeze %dma_start3A_535 : memref<1x128xi32, #tpu.memory_space<vmem>> -> memref<128xi32, #tpu.memory_space<vmem>>
        %dma_start3A_537 = arith.constant 0 : i32
        %dma_start3A_538 = arith.constant 0 : i32
        %dma_start3A_539 = tpu.memref_slice %arg10[%dma_start3A_537, %dma_start3A_538] : memref<10240x128xf32, #tpu.memory_space<vmem_shared>> -> memref<10240x128xf32, #tpu.memory_space<vmem_shared>>
        tpu.enqueue_indirect_dma source(%arg8 : memref<128x128xf32, #tpu.memory_space<vmem>>) target(%dma_start3A_539 : memref<10240x128xf32, #tpu.memory_space<vmem_shared>>) offsets(%dma_start3A_536 : memref<128xi32, #tpu.memory_space<vmem>>) semaphore(%run_scoped3A_533 : memref<!tpu.dma_semaphore, #tpu.memory_space<semaphore_mem>>) {add = true}
        %dma_wait3A_540 = arith.constant 0 : i32
        %dma_wait3A_541 = tpu.memref_slice %arg7[%run_scoped3A, %dma_wait3A_540] : memref<2x128xi32, #tpu.memory_space<vmem>> -> memref<1x128xi32, #tpu.memory_space<vmem>>
        %dma_wait3A_542 = tpu.memref_squeeze %dma_wait3A_541 : memref<1x128xi32, #tpu.memory_space<vmem>> -> memref<128xi32, #tpu.memory_space<vmem>>
        %dma_wait3A_543 = arith.constant 0 : i32
        %dma_wait3A_544 = arith.constant 0 : i32
        %dma_wait3A_545 = tpu.memref_slice %arg10[%dma_wait3A_543, %dma_wait3A_544] : memref<10240x128xf32, #tpu.memory_space<vmem_shared>> -> memref<10240x128xf32, #tpu.memory_space<vmem_shared>>
        tpu.wait_indirect_dma semaphore(%run_scoped3A_533 : memref<!tpu.dma_semaphore, #tpu.memory_space<semaphore_mem>>) src(%arg8 : memref<128x128xf32, #tpu.memory_space<vmem>>) dst(%dma_wait3A_545 : memref<10240x128xf32, #tpu.memory_space<vmem_shared>>)
        tpu.yield
      }) : () -> ()
      %add3A_410 = arith.constant 2 : i32
      %add3A_411 = arith.addi %add3A_299, %add3A_410 : i32
      %lt3A = arith.cmpi slt, %add3A_411, %select_n3A_6 : i32
      %convert_element_type3A = arith.extui %lt3A : i1 to i32
      %cond3A = arith.constant 0 : i32
      %cond3A_412 = arith.cmpi ne, %convert_element_type3A, %cond3A : i32
      scf.if %cond3A_412 {
        %get3A_533 = arith.index_cast %add3A_411 : i32 to index
        %get3A_534 = arith.constant 0 : index
        %get3A_535 = tpu.vector_load %arg5[%get3A_533, %get3A_534] {strides = array<i32>} : memref<120x128xi32, #tpu.memory_space<vmem>>, vector<1x16xi32>,
        %get3A_536 = vector.shape_cast %get3A_535 : vector<1x16xi32> to vector<16xi32>
        %shift_right_logical3A_537 = arith.constant 14 : i32
        %shift_right_logical3A_538 = vector.broadcast %shift_right_logical3A_537 : i32 to vector<16xi32>
        %shift_right_logical3A_539 = arith.shrui %get3A_536, %shift_right_logical3A_538 : vector<16xi32>
        %swap3A_540 = arith.constant 0 : i32
        %swap3A_541 = arith.index_cast %swap3A_540 : i32 to index
        %swap3A_542 = arith.constant 0 : index
        %swap3A_543 = tpu.vector_load %arg6[%swap3A_541, %swap3A_542] {strides = array<i32>} : memref<2x128xi32, #tpu.memory_space<vmem>>, vector<1x16xi32>,
        %swap3A_544 = vector.shape_cast %swap3A_543 : vector<1x16xi32> to vector<16xi32>
        %swap3A_545 = vector.shape_cast %shift_right_logical3A_539 : vector<16xi32> to vector<1x16xi32>
        tpu.vector_store %arg6[%swap3A_541, %swap3A_542], %swap3A_545 {strides = array<i32>} : memref<2x128xi32, #tpu.memory_space<vmem>>, vector<1x16xi32>,
        %get3A_546 = arith.index_cast %add3A_411 : i32 to index
        %get3A_547 = arith.constant 16 : index
        %get3A_548 = tpu.vector_load %arg5[%get3A_546, %get3A_547] {strides = array<i32>} : memref<120x128xi32, #tpu.memory_space<vmem>>, vector<1x16xi32>,
        %get3A_549 = vector.shape_cast %get3A_548 : vector<1x16xi32> to vector<16xi32>
        %shift_right_logical3A_550 = arith.constant 14 : i32
        %shift_right_logical3A_551 = vector.broadcast %shift_right_logical3A_550 : i32 to vector<16xi32>
        %shift_right_logical3A_552 = arith.shrui %get3A_549, %shift_right_logical3A_551 : vector<16xi32>
        %swap3A_553 = arith.constant 0 : i32
        %swap3A_554 = arith.index_cast %swap3A_553 : i32 to index
        %swap3A_555 = arith.constant 16 : index
        %swap3A_556 = tpu.vector_load %arg6[%swap3A_554, %swap3A_555] {strides = array<i32>} : memref<2x128xi32, #tpu.memory_space<vmem>>, vector<1x16xi32>,
        %swap3A_557 = vector.shape_cast %swap3A_556 : vector<1x16xi32> to vector<16xi32>
        %swap3A_558 = vector.shape_cast %shift_right_logical3A_552 : vector<16xi32> to vector<1x16xi32>
        tpu.vector_store %arg6[%swap3A_554, %swap3A_555], %swap3A_558 {strides = array<i32>} : memref<2x128xi32, #tpu.memory_space<vmem>>, vector<1x16xi32>,
        %get3A_559 = arith.index_cast %add3A_411 : i32 to index
        %get3A_560 = arith.constant 32 : index
        %get3A_561 = tpu.vector_load %arg5[%get3A_559, %get3A_560] {strides = array<i32>} : memref<120x128xi32, #tpu.memory_space<vmem>>, vector<1x16xi32>,
        %get3A_562 = vector.shape_cast %get3A_561 : vector<1x16xi32> to vector<16xi32>
        %shift_right_logical3A_563 = arith.constant 14 : i32
        %shift_right_logical3A_564 = vector.broadcast %shift_right_logical3A_563 : i32 to vector<16xi32>
        %shift_right_logical3A_565 = arith.shrui %get3A_562, %shift_right_logical3A_564 : vector<16xi32>
        %swap3A_566 = arith.constant 0 : i32
        %swap3A_567 = arith.index_cast %swap3A_566 : i32 to index
        %swap3A_568 = arith.constant 32 : index
        %swap3A_569 = tpu.vector_load %arg6[%swap3A_567, %swap3A_568] {strides = array<i32>} : memref<2x128xi32, #tpu.memory_space<vmem>>, vector<1x16xi32>,
        %swap3A_570 = vector.shape_cast %swap3A_569 : vector<1x16xi32> to vector<16xi32>
        %swap3A_571 = vector.shape_cast %shift_right_logical3A_565 : vector<16xi32> to vector<1x16xi32>
        tpu.vector_store %arg6[%swap3A_567, %swap3A_568], %swap3A_571 {strides = array<i32>} : memref<2x128xi32, #tpu.memory_space<vmem>>, vector<1x16xi32>,
        %get3A_572 = arith.index_cast %add3A_411 : i32 to index
        %get3A_573 = arith.constant 48 : index
        %get3A_574 = tpu.vector_load %arg5[%get3A_572, %get3A_573] {strides = array<i32>} : memref<120x128xi32, #tpu.memory_space<vmem>>, vector<1x16xi32>,
        %get3A_575 = vector.shape_cast %get3A_574 : vector<1x16xi32> to vector<16xi32>
        %shift_right_logical3A_576 = arith.constant 14 : i32
        %shift_right_logical3A_577 = vector.broadcast %shift_right_logical3A_576 : i32 to vector<16xi32>
        %shift_right_logical3A_578 = arith.shrui %get3A_575, %shift_right_logical3A_577 : vector<16xi32>
        %swap3A_579 = arith.constant 0 : i32
        %swap3A_580 = arith.index_cast %swap3A_579 : i32 to index
        %swap3A_581 = arith.constant 48 : index
        %swap3A_582 = tpu.vector_load %arg6[%swap3A_580, %swap3A_581] {strides = array<i32>} : memref<2x128xi32, #tpu.memory_space<vmem>>, vector<1x16xi32>,
        %swap3A_583 = vector.shape_cast %swap3A_582 : vector<1x16xi32> to vector<16xi32>
        %swap3A_584 = vector.shape_cast %shift_right_logical3A_578 : vector<16xi32> to vector<1x16xi32>
        tpu.vector_store %arg6[%swap3A_580, %swap3A_581], %swap3A_584 {strides = array<i32>} : memref<2x128xi32, #tpu.memory_space<vmem>>, vector<1x16xi32>,
        %get3A_585 = arith.index_cast %add3A_411 : i32 to index
        %get3A_586 = arith.constant 64 : index
        %get3A_587 = tpu.vector_load %arg5[%get3A_585, %get3A_586] {strides = array<i32>} : memref<120x128xi32, #tpu.memory_space<vmem>>, vector<1x16xi32>,
        %get3A_588 = vector.shape_cast %get3A_587 : vector<1x16xi32> to vector<16xi32>
        %shift_right_logical3A_589 = arith.constant 14 : i32
        %shift_right_logical3A_590 = vector.broadcast %shift_right_logical3A_589 : i32 to vector<16xi32>
        %shift_right_logical3A_591 = arith.shrui %get3A_588, %shift_right_logical3A_590 : vector<16xi32>
        %swap3A_592 = arith.constant 0 : i32
        %swap3A_593 = arith.index_cast %swap3A_592 : i32 to index
        %swap3A_594 = arith.constant 64 : index
        %swap3A_595 = tpu.vector_load %arg6[%swap3A_593, %swap3A_594] {strides = array<i32>} : memref<2x128xi32, #tpu.memory_space<vmem>>, vector<1x16xi32>,
        %swap3A_596 = vector.shape_cast %swap3A_595 : vector<1x16xi32> to vector<16xi32>
        %swap3A_597 = vector.shape_cast %shift_right_logical3A_591 : vector<16xi32> to vector<1x16xi32>
        tpu.vector_store %arg6[%swap3A_593, %swap3A_594], %swap3A_597 {strides = array<i32>} : memref<2x128xi32, #tpu.memory_space<vmem>>, vector<1x16xi32>,
        %get3A_598 = arith.index_cast %add3A_411 : i32 to index
        %get3A_599 = arith.constant 80 : index
        %get3A_600 = tpu.vector_load %arg5[%get3A_598, %get3A_599] {strides = array<i32>} : memref<120x128xi32, #tpu.memory_space<vmem>>, vector<1x16xi32>,
        %get3A_601 = vector.shape_cast %get3A_600 : vector<1x16xi32> to vector<16xi32>
        %shift_right_logical3A_602 = arith.constant 14 : i32
        %shift_right_logical3A_603 = vector.broadcast %shift_right_logical3A_602 : i32 to vector<16xi32>
        %shift_right_logical3A_604 = arith.shrui %get3A_601, %shift_right_logical3A_603 : vector<16xi32>
        %swap3A_605 = arith.constant 0 : i32
        %swap3A_606 = arith.index_cast %swap3A_605 : i32 to index
        %swap3A_607 = arith.constant 80 : index
        %swap3A_608 = tpu.vector_load %arg6[%swap3A_606, %swap3A_607] {strides = array<i32>} : memref<2x128xi32, #tpu.memory_space<vmem>>, vector<1x16xi32>,
        %swap3A_609 = vector.shape_cast %swap3A_608 : vector<1x16xi32> to vector<16xi32>
        %swap3A_610 = vector.shape_cast %shift_right_logical3A_604 : vector<16xi32> to vector<1x16xi32>
        tpu.vector_store %arg6[%swap3A_606, %swap3A_607], %swap3A_610 {strides = array<i32>} : memref<2x128xi32, #tpu.memory_space<vmem>>, vector<1x16xi32>,
        %get3A_611 = arith.index_cast %add3A_411 : i32 to index
        %get3A_612 = arith.constant 96 : index
        %get3A_613 = tpu.vector_load %arg5[%get3A_611, %get3A_612] {strides = array<i32>} : memref<120x128xi32, #tpu.memory_space<vmem>>, vector<1x16xi32>,
        %get3A_614 = vector.shape_cast %get3A_613 : vector<1x16xi32> to vector<16xi32>
        %shift_right_logical3A_615 = arith.constant 14 : i32
        %shift_right_logical3A_616 = vector.broadcast %shift_right_logical3A_615 : i32 to vector<16xi32>
        %shift_right_logical3A_617 = arith.shrui %get3A_614, %shift_right_logical3A_616 : vector<16xi32>
        %swap3A_618 = arith.constant 0 : i32
        %swap3A_619 = arith.index_cast %swap3A_618 : i32 to index
        %swap3A_620 = arith.constant 96 : index
        %swap3A_621 = tpu.vector_load %arg6[%swap3A_619, %swap3A_620] {strides = array<i32>} : memref<2x128xi32, #tpu.memory_space<vmem>>, vector<1x16xi32>,
        %swap3A_622 = vector.shape_cast %swap3A_621 : vector<1x16xi32> to vector<16xi32>
        %swap3A_623 = vector.shape_cast %shift_right_logical3A_617 : vector<16xi32> to vector<1x16xi32>
        tpu.vector_store %arg6[%swap3A_619, %swap3A_620], %swap3A_623 {strides = array<i32>} : memref<2x128xi32, #tpu.memory_space<vmem>>, vector<1x16xi32>,
        %get3A_624 = arith.index_cast %add3A_411 : i32 to index
        %get3A_625 = arith.constant 112 : index
        %get3A_626 = tpu.vector_load %arg5[%get3A_624, %get3A_625] {strides = array<i32>} : memref<120x128xi32, #tpu.memory_space<vmem>>, vector<1x16xi32>,
        %get3A_627 = vector.shape_cast %get3A_626 : vector<1x16xi32> to vector<16xi32>
        %shift_right_logical3A_628 = arith.constant 14 : i32
        %shift_right_logical3A_629 = vector.broadcast %shift_right_logical3A_628 : i32 to vector<16xi32>
        %shift_right_logical3A_630 = arith.shrui %get3A_627, %shift_right_logical3A_629 : vector<16xi32>
        %swap3A_631 = arith.constant 0 : i32
        %swap3A_632 = arith.index_cast %swap3A_631 : i32 to index
        %swap3A_633 = arith.constant 112 : index
        %swap3A_634 = tpu.vector_load %arg6[%swap3A_632, %swap3A_633] {strides = array<i32>} : memref<2x128xi32, #tpu.memory_space<vmem>>, vector<1x16xi32>,
        %swap3A_635 = vector.shape_cast %swap3A_634 : vector<1x16xi32> to vector<16xi32>
        %swap3A_636 = vector.shape_cast %shift_right_logical3A_630 : vector<16xi32> to vector<1x16xi32>
        tpu.vector_store %arg6[%swap3A_632, %swap3A_633], %swap3A_636 {strides = array<i32>} : memref<2x128xi32, #tpu.memory_space<vmem>>, vector<1x16xi32>,
        %dma_start3A_637 = arith.constant 0 : i32
        %dma_start3A_638 = arith.constant 0 : i32
        %dma_start3A_639 = tpu.memref_slice %arg6[%dma_start3A_637, %dma_start3A_638] : memref<2x128xi32, #tpu.memory_space<vmem>> -> memref<1x128xi32, #tpu.memory_space<vmem>>
        %dma_start3A_640 = tpu.memref_squeeze %dma_start3A_639 : memref<1x128xi32, #tpu.memory_space<vmem>> -> memref<128xi32, #tpu.memory_space<vmem>>
        %dma_start3A_641 = arith.constant 0 : i32
        %dma_start3A_642 = arith.constant 0 : i32
        %dma_start3A_643 = tpu.memref_slice %arg2[%dma_start3A_641, %dma_start3A_642] : memref<10240x128xf32, #tpu.memory_space<hbm>> -> memref<10240x128xf32, #tpu.memory_space<hbm>>
        tpu.enqueue_indirect_dma source(%dma_start3A_643 : memref<10240x128xf32, #tpu.memory_space<hbm>>) target(%arg8 : memref<128x128xf32, #tpu.memory_space<vmem>>) offsets(%dma_start3A_640 : memref<128xi32, #tpu.memory_space<vmem>>) semaphore(%arg11 : memref<!tpu.dma_semaphore, #tpu.memory_space<semaphore_mem>>)
      } else {
      }
      %add3A_413 = arith.constant 1 : i32
      %add3A_414 = arith.addi %mul3A_297, %add3A_413 : i32
      %dma_wait3A_415 = arith.constant 1 : i32
      %dma_wait3A_416 = arith.constant 0 : i32
      %dma_wait3A_417 = tpu.memref_slice %arg6[%dma_wait3A_415, %dma_wait3A_416] : memref<2x128xi32, #tpu.memory_space<vmem>> -> memref<1x128xi32, #tpu.memory_space<vmem>>
      %dma_wait3A_418 = tpu.memref_squeeze %dma_wait3A_417 : memref<1x128xi32, #tpu.memory_space<vmem>> -> memref<128xi32, #tpu.memory_space<vmem>>
      %dma_wait3A_419 = arith.constant 0 : i32
      %dma_wait3A_420 = arith.constant 0 : i32
      %dma_wait3A_421 = tpu.memref_slice %arg2[%dma_wait3A_419, %dma_wait3A_420] : memref<10240x128xf32, #tpu.memory_space<hbm>> -> memref<10240x128xf32, #tpu.memory_space<hbm>>
      tpu.wait_indirect_dma semaphore(%arg12 : memref<!tpu.dma_semaphore, #tpu.memory_space<semaphore_mem>>) src(%dma_wait3A_421 : memref<10240x128xf32, #tpu.memory_space<hbm>>) dst(%arg9 : memref<128x128xf32, #tpu.memory_space<vmem>>)
      %get3A_422 = arith.index_cast %add3A_414 : i32 to index
      %get3A_423 = arith.constant 0 : index
      %get3A_424 = tpu.vector_load %arg5[%get3A_422, %get3A_423] {strides = array<i32>} : memref<120x128xi32, #tpu.memory_space<vmem>>, vector<1x16xi32>,
      %get3A_425 = vector.shape_cast %get3A_424 : vector<1x16xi32> to vector<16xi32>
      %and3A_426 = arith.constant 16383 : i32
      %and3A_427 = vector.broadcast %and3A_426 : i32 to vector<16xi32>
      %and3A_428 = arith.andi %get3A_425, %and3A_427 : vector<16xi32>
      %swap3A_429 = arith.constant 1 : i32
      %swap3A_430 = arith.index_cast %swap3A_429 : i32 to index
      %swap3A_431 = arith.constant 0 : index
      %swap3A_432 = tpu.vector_load %arg7[%swap3A_430, %swap3A_431] {strides = array<i32>} : memref<2x128xi32, #tpu.memory_space<vmem>>, vector<1x16xi32>,
      %swap3A_433 = vector.shape_cast %swap3A_432 : vector<1x16xi32> to vector<16xi32>
      %swap3A_434 = vector.shape_cast %and3A_428 : vector<16xi32> to vector<1x16xi32>
      tpu.vector_store %arg7[%swap3A_430, %swap3A_431], %swap3A_434 {strides = array<i32>} : memref<2x128xi32, #tpu.memory_space<vmem>>, vector<1x16xi32>,
      %get3A_435 = arith.index_cast %add3A_414 : i32 to index
      %get3A_436 = arith.constant 16 : index
      %get3A_437 = tpu.vector_load %arg5[%get3A_435, %get3A_436] {strides = array<i32>} : memref<120x128xi32, #tpu.memory_space<vmem>>, vector<1x16xi32>,
      %get3A_438 = vector.shape_cast %get3A_437 : vector<1x16xi32> to vector<16xi32>
      %and3A_439 = arith.constant 16383 : i32
      %and3A_440 = vector.broadcast %and3A_439 : i32 to vector<16xi32>
      %and3A_441 = arith.andi %get3A_438, %and3A_440 : vector<16xi32>
      %swap3A_442 = arith.constant 1 : i32
      %swap3A_443 = arith.index_cast %swap3A_442 : i32 to index
      %swap3A_444 = arith.constant 16 : index
      %swap3A_445 = tpu.vector_load %arg7[%swap3A_443, %swap3A_444] {strides = array<i32>} : memref<2x128xi32, #tpu.memory_space<vmem>>, vector<1x16xi32>,
      %swap3A_446 = vector.shape_cast %swap3A_445 : vector<1x16xi32> to vector<16xi32>
      %swap3A_447 = vector.shape_cast %and3A_441 : vector<16xi32> to vector<1x16xi32>
      tpu.vector_store %arg7[%swap3A_443, %swap3A_444], %swap3A_447 {strides = array<i32>} : memref<2x128xi32, #tpu.memory_space<vmem>>, vector<1x16xi32>,
      %get3A_448 = arith.index_cast %add3A_414 : i32 to index
      %get3A_449 = arith.constant 32 : index
      %get3A_450 = tpu.vector_load %arg5[%get3A_448, %get3A_449] {strides = array<i32>} : memref<120x128xi32, #tpu.memory_space<vmem>>, vector<1x16xi32>,
      %get3A_451 = vector.shape_cast %get3A_450 : vector<1x16xi32> to vector<16xi32>
      %and3A_452 = arith.constant 16383 : i32
      %and3A_453 = vector.broadcast %and3A_452 : i32 to vector<16xi32>
      %and3A_454 = arith.andi %get3A_451, %and3A_453 : vector<16xi32>
      %swap3A_455 = arith.constant 1 : i32
      %swap3A_456 = arith.index_cast %swap3A_455 : i32 to index
      %swap3A_457 = arith.constant 32 : index
      %swap3A_458 = tpu.vector_load %arg7[%swap3A_456, %swap3A_457] {strides = array<i32>} : memref<2x128xi32, #tpu.memory_space<vmem>>, vector<1x16xi32>,
      %swap3A_459 = vector.shape_cast %swap3A_458 : vector<1x16xi32> to vector<16xi32>
      %swap3A_460 = vector.shape_cast %and3A_454 : vector<16xi32> to vector<1x16xi32>
      tpu.vector_store %arg7[%swap3A_456, %swap3A_457], %swap3A_460 {strides = array<i32>} : memref<2x128xi32, #tpu.memory_space<vmem>>, vector<1x16xi32>,
      %get3A_461 = arith.index_cast %add3A_414 : i32 to index
      %get3A_462 = arith.constant 48 : index
      %get3A_463 = tpu.vector_load %arg5[%get3A_461, %get3A_462] {strides = array<i32>} : memref<120x128xi32, #tpu.memory_space<vmem>>, vector<1x16xi32>,
      %get3A_464 = vector.shape_cast %get3A_463 : vector<1x16xi32> to vector<16xi32>
      %and3A_465 = arith.constant 16383 : i32
      %and3A_466 = vector.broadcast %and3A_465 : i32 to vector<16xi32>
      %and3A_467 = arith.andi %get3A_464, %and3A_466 : vector<16xi32>
      %swap3A_468 = arith.constant 1 : i32
      %swap3A_469 = arith.index_cast %swap3A_468 : i32 to index
      %swap3A_470 = arith.constant 48 : index
      %swap3A_471 = tpu.vector_load %arg7[%swap3A_469, %swap3A_470] {strides = array<i32>} : memref<2x128xi32, #tpu.memory_space<vmem>>, vector<1x16xi32>,
      %swap3A_472 = vector.shape_cast %swap3A_471 : vector<1x16xi32> to vector<16xi32>
      %swap3A_473 = vector.shape_cast %and3A_467 : vector<16xi32> to vector<1x16xi32>
      tpu.vector_store %arg7[%swap3A_469, %swap3A_470], %swap3A_473 {strides = array<i32>} : memref<2x128xi32, #tpu.memory_space<vmem>>, vector<1x16xi32>,
      %get3A_474 = arith.index_cast %add3A_414 : i32 to index
      %get3A_475 = arith.constant 64 : index
      %get3A_476 = tpu.vector_load %arg5[%get3A_474, %get3A_475] {strides = array<i32>} : memref<120x128xi32, #tpu.memory_space<vmem>>, vector<1x16xi32>,
      %get3A_477 = vector.shape_cast %get3A_476 : vector<1x16xi32> to vector<16xi32>
      %and3A_478 = arith.constant 16383 : i32
      %and3A_479 = vector.broadcast %and3A_478 : i32 to vector<16xi32>
      %and3A_480 = arith.andi %get3A_477, %and3A_479 : vector<16xi32>
      %swap3A_481 = arith.constant 1 : i32
      %swap3A_482 = arith.index_cast %swap3A_481 : i32 to index
      %swap3A_483 = arith.constant 64 : index
      %swap3A_484 = tpu.vector_load %arg7[%swap3A_482, %swap3A_483] {strides = array<i32>} : memref<2x128xi32, #tpu.memory_space<vmem>>, vector<1x16xi32>,
      %swap3A_485 = vector.shape_cast %swap3A_484 : vector<1x16xi32> to vector<16xi32>
      %swap3A_486 = vector.shape_cast %and3A_480 : vector<16xi32> to vector<1x16xi32>
      tpu.vector_store %arg7[%swap3A_482, %swap3A_483], %swap3A_486 {strides = array<i32>} : memref<2x128xi32, #tpu.memory_space<vmem>>, vector<1x16xi32>,
      %get3A_487 = arith.index_cast %add3A_414 : i32 to index
      %get3A_488 = arith.constant 80 : index
      %get3A_489 = tpu.vector_load %arg5[%get3A_487, %get3A_488] {strides = array<i32>} : memref<120x128xi32, #tpu.memory_space<vmem>>, vector<1x16xi32>,
      %get3A_490 = vector.shape_cast %get3A_489 : vector<1x16xi32> to vector<16xi32>
      %and3A_491 = arith.constant 16383 : i32
      %and3A_492 = vector.broadcast %and3A_491 : i32 to vector<16xi32>
      %and3A_493 = arith.andi %get3A_490, %and3A_492 : vector<16xi32>
      %swap3A_494 = arith.constant 1 : i32
      %swap3A_495 = arith.index_cast %swap3A_494 : i32 to index
      %swap3A_496 = arith.constant 80 : index
      %swap3A_497 = tpu.vector_load %arg7[%swap3A_495, %swap3A_496] {strides = array<i32>} : memref<2x128xi32, #tpu.memory_space<vmem>>, vector<1x16xi32>,
      %swap3A_498 = vector.shape_cast %swap3A_497 : vector<1x16xi32> to vector<16xi32>
      %swap3A_499 = vector.shape_cast %and3A_493 : vector<16xi32> to vector<1x16xi32>
      tpu.vector_store %arg7[%swap3A_495, %swap3A_496], %swap3A_499 {strides = array<i32>} : memref<2x128xi32, #tpu.memory_space<vmem>>, vector<1x16xi32>,
      %get3A_500 = arith.index_cast %add3A_414 : i32 to index
      %get3A_501 = arith.constant 96 : index
      %get3A_502 = tpu.vector_load %arg5[%get3A_500, %get3A_501] {strides = array<i32>} : memref<120x128xi32, #tpu.memory_space<vmem>>, vector<1x16xi32>,
      %get3A_503 = vector.shape_cast %get3A_502 : vector<1x16xi32> to vector<16xi32>
      %and3A_504 = arith.constant 16383 : i32
      %and3A_505 = vector.broadcast %and3A_504 : i32 to vector<16xi32>
      %and3A_506 = arith.andi %get3A_503, %and3A_505 : vector<16xi32>
      %swap3A_507 = arith.constant 1 : i32
      %swap3A_508 = arith.index_cast %swap3A_507 : i32 to index
      %swap3A_509 = arith.constant 96 : index
      %swap3A_510 = tpu.vector_load %arg7[%swap3A_508, %swap3A_509] {strides = array<i32>} : memref<2x128xi32, #tpu.memory_space<vmem>>, vector<1x16xi32>,
      %swap3A_511 = vector.shape_cast %swap3A_510 : vector<1x16xi32> to vector<16xi32>
      %swap3A_512 = vector.shape_cast %and3A_506 : vector<16xi32> to vector<1x16xi32>
      tpu.vector_store %arg7[%swap3A_508, %swap3A_509], %swap3A_512 {strides = array<i32>} : memref<2x128xi32, #tpu.memory_space<vmem>>, vector<1x16xi32>,
      %get3A_513 = arith.index_cast %add3A_414 : i32 to index
      %get3A_514 = arith.constant 112 : index
      %get3A_515 = tpu.vector_load %arg5[%get3A_513, %get3A_514] {strides = array<i32>} : memref<120x128xi32, #tpu.memory_space<vmem>>, vector<1x16xi32>,
      %get3A_516 = vector.shape_cast %get3A_515 : vector<1x16xi32> to vector<16xi32>
      %and3A_517 = arith.constant 16383 : i32
      %and3A_518 = vector.broadcast %and3A_517 : i32 to vector<16xi32>
      %and3A_519 = arith.andi %get3A_516, %and3A_518 : vector<16xi32>
      %swap3A_520 = arith.constant 1 : i32
      %swap3A_521 = arith.index_cast %swap3A_520 : i32 to index
      %swap3A_522 = arith.constant 112 : index
      %swap3A_523 = tpu.vector_load %arg7[%swap3A_521, %swap3A_522] {strides = array<i32>} : memref<2x128xi32, #tpu.memory_space<vmem>>, vector<1x16xi32>,
      %swap3A_524 = vector.shape_cast %swap3A_523 : vector<1x16xi32> to vector<16xi32>
      %swap3A_525 = vector.shape_cast %and3A_519 : vector<16xi32> to vector<1x16xi32>
      tpu.vector_store %arg7[%swap3A_521, %swap3A_522], %swap3A_525 {strides = array<i32>} : memref<2x128xi32, #tpu.memory_space<vmem>>, vector<1x16xi32>,
      %run_scoped3A_526 = arith.constant 1 : i32
      "tpu.region"() ({
        %run_scoped3A_533 = tpu.sem_alloc : memref<!tpu.dma_semaphore, #tpu.memory_space<semaphore_mem>>
        %dma_start3A_534 = arith.constant 0 : i32
        %dma_start3A_535 = tpu.memref_slice %arg7[%run_scoped3A_526, %dma_start3A_534] : memref<2x128xi32, #tpu.memory_space<vmem>> -> memref<1x128xi32, #tpu.memory_space<vmem>>
        %dma_start3A_536 = tpu.memref_squeeze %dma_start3A_535 : memref<1x128xi32, #tpu.memory_space<vmem>> -> memref<128xi32, #tpu.memory_space<vmem>>
        %dma_start3A_537 = arith.constant 0 : i32
        %dma_start3A_538 = arith.constant 0 : i32
        %dma_start3A_539 = tpu.memref_slice %arg10[%dma_start3A_537, %dma_start3A_538] : memref<10240x128xf32, #tpu.memory_space<vmem_shared>> -> memref<10240x128xf32, #tpu.memory_space<vmem_shared>>
        tpu.enqueue_indirect_dma source(%arg9 : memref<128x128xf32, #tpu.memory_space<vmem>>) target(%dma_start3A_539 : memref<10240x128xf32, #tpu.memory_space<vmem_shared>>) offsets(%dma_start3A_536 : memref<128xi32, #tpu.memory_space<vmem>>) semaphore(%run_scoped3A_533 : memref<!tpu.dma_semaphore, #tpu.memory_space<semaphore_mem>>) {add = true}
        %dma_wait3A_540 = arith.constant 0 : i32
        %dma_wait3A_541 = tpu.memref_slice %arg7[%run_scoped3A_526, %dma_wait3A_540] : memref<2x128xi32, #tpu.memory_space<vmem>> -> memref<1x128xi32, #tpu.memory_space<vmem>>
        %dma_wait3A_542 = tpu.memref_squeeze %dma_wait3A_541 : memref<1x128xi32, #tpu.memory_space<vmem>> -> memref<128xi32, #tpu.memory_space<vmem>>
        %dma_wait3A_543 = arith.constant 0 : i32
        %dma_wait3A_544 = arith.constant 0 : i32
        %dma_wait3A_545 = tpu.memref_slice %arg10[%dma_wait3A_543, %dma_wait3A_544] : memref<10240x128xf32, #tpu.memory_space<vmem_shared>> -> memref<10240x128xf32, #tpu.memory_space<vmem_shared>>
        tpu.wait_indirect_dma semaphore(%run_scoped3A_533 : memref<!tpu.dma_semaphore, #tpu.memory_space<semaphore_mem>>) src(%arg9 : memref<128x128xf32, #tpu.memory_space<vmem>>) dst(%dma_wait3A_545 : memref<10240x128xf32, #tpu.memory_space<vmem_shared>>)
        tpu.yield
      }) : () -> ()
      %add3A_527 = arith.constant 2 : i32
      %add3A_528 = arith.addi %add3A_414, %add3A_527 : i32
      %lt3A_529 = arith.cmpi slt, %add3A_528, %select_n3A_6 : i32
      %convert_element_type3A_530 = arith.extui %lt3A_529 : i1 to i32
      %cond3A_531 = arith.constant 0 : i32
      %cond3A_532 = arith.cmpi ne, %convert_element_type3A_530, %cond3A_531 : i32
      scf.if %cond3A_532 {
        %get3A_533 = arith.index_cast %add3A_528 : i32 to index
        %get3A_534 = arith.constant 0 : index
        %get3A_535 = tpu.vector_load %arg5[%get3A_533, %get3A_534] {strides = array<i32>} : memref<120x128xi32, #tpu.memory_space<vmem>>, vector<1x16xi32>,
        %get3A_536 = vector.shape_cast %get3A_535 : vector<1x16xi32> to vector<16xi32>
        %shift_right_logical3A_537 = arith.constant 14 : i32
        %shift_right_logical3A_538 = vector.broadcast %shift_right_logical3A_537 : i32 to vector<16xi32>
        %shift_right_logical3A_539 = arith.shrui %get3A_536, %shift_right_logical3A_538 : vector<16xi32>
        %swap3A_540 = arith.constant 1 : i32
        %swap3A_541 = arith.index_cast %swap3A_540 : i32 to index
        %swap3A_542 = arith.constant 0 : index
        %swap3A_543 = tpu.vector_load %arg6[%swap3A_541, %swap3A_542] {strides = array<i32>} : memref<2x128xi32, #tpu.memory_space<vmem>>, vector<1x16xi32>,
        %swap3A_544 = vector.shape_cast %swap3A_543 : vector<1x16xi32> to vector<16xi32>
        %swap3A_545 = vector.shape_cast %shift_right_logical3A_539 : vector<16xi32> to vector<1x16xi32>
        tpu.vector_store %arg6[%swap3A_541, %swap3A_542], %swap3A_545 {strides = array<i32>} : memref<2x128xi32, #tpu.memory_space<vmem>>, vector<1x16xi32>,
        %get3A_546 = arith.index_cast %add3A_528 : i32 to index
        %get3A_547 = arith.constant 16 : index
        %get3A_548 = tpu.vector_load %arg5[%get3A_546, %get3A_547] {strides = array<i32>} : memref<120x128xi32, #tpu.memory_space<vmem>>, vector<1x16xi32>,
        %get3A_549 = vector.shape_cast %get3A_548 : vector<1x16xi32> to vector<16xi32>
        %shift_right_logical3A_550 = arith.constant 14 : i32
        %shift_right_logical3A_551 = vector.broadcast %shift_right_logical3A_550 : i32 to vector<16xi32>
        %shift_right_logical3A_552 = arith.shrui %get3A_549, %shift_right_logical3A_551 : vector<16xi32>
        %swap3A_553 = arith.constant 1 : i32
        %swap3A_554 = arith.index_cast %swap3A_553 : i32 to index
        %swap3A_555 = arith.constant 16 : index
        %swap3A_556 = tpu.vector_load %arg6[%swap3A_554, %swap3A_555] {strides = array<i32>} : memref<2x128xi32, #tpu.memory_space<vmem>>, vector<1x16xi32>,
        %swap3A_557 = vector.shape_cast %swap3A_556 : vector<1x16xi32> to vector<16xi32>
        %swap3A_558 = vector.shape_cast %shift_right_logical3A_552 : vector<16xi32> to vector<1x16xi32>
        tpu.vector_store %arg6[%swap3A_554, %swap3A_555], %swap3A_558 {strides = array<i32>} : memref<2x128xi32, #tpu.memory_space<vmem>>, vector<1x16xi32>,
        %get3A_559 = arith.index_cast %add3A_528 : i32 to index
        %get3A_560 = arith.constant 32 : index
        %get3A_561 = tpu.vector_load %arg5[%get3A_559, %get3A_560] {strides = array<i32>} : memref<120x128xi32, #tpu.memory_space<vmem>>, vector<1x16xi32>,
        %get3A_562 = vector.shape_cast %get3A_561 : vector<1x16xi32> to vector<16xi32>
        %shift_right_logical3A_563 = arith.constant 14 : i32
        %shift_right_logical3A_564 = vector.broadcast %shift_right_logical3A_563 : i32 to vector<16xi32>
        %shift_right_logical3A_565 = arith.shrui %get3A_562, %shift_right_logical3A_564 : vector<16xi32>
        %swap3A_566 = arith.constant 1 : i32
        %swap3A_567 = arith.index_cast %swap3A_566 : i32 to index
        %swap3A_568 = arith.constant 32 : index
        %swap3A_569 = tpu.vector_load %arg6[%swap3A_567, %swap3A_568] {strides = array<i32>} : memref<2x128xi32, #tpu.memory_space<vmem>>, vector<1x16xi32>,
        %swap3A_570 = vector.shape_cast %swap3A_569 : vector<1x16xi32> to vector<16xi32>
        %swap3A_571 = vector.shape_cast %shift_right_logical3A_565 : vector<16xi32> to vector<1x16xi32>
        tpu.vector_store %arg6[%swap3A_567, %swap3A_568], %swap3A_571 {strides = array<i32>} : memref<2x128xi32, #tpu.memory_space<vmem>>, vector<1x16xi32>,
        %get3A_572 = arith.index_cast %add3A_528 : i32 to index
        %get3A_573 = arith.constant 48 : index
        %get3A_574 = tpu.vector_load %arg5[%get3A_572, %get3A_573] {strides = array<i32>} : memref<120x128xi32, #tpu.memory_space<vmem>>, vector<1x16xi32>,
        %get3A_575 = vector.shape_cast %get3A_574 : vector<1x16xi32> to vector<16xi32>
        %shift_right_logical3A_576 = arith.constant 14 : i32
        %shift_right_logical3A_577 = vector.broadcast %shift_right_logical3A_576 : i32 to vector<16xi32>
        %shift_right_logical3A_578 = arith.shrui %get3A_575, %shift_right_logical3A_577 : vector<16xi32>
        %swap3A_579 = arith.constant 1 : i32
        %swap3A_580 = arith.index_cast %swap3A_579 : i32 to index
        %swap3A_581 = arith.constant 48 : index
        %swap3A_582 = tpu.vector_load %arg6[%swap3A_580, %swap3A_581] {strides = array<i32>} : memref<2x128xi32, #tpu.memory_space<vmem>>, vector<1x16xi32>,
        %swap3A_583 = vector.shape_cast %swap3A_582 : vector<1x16xi32> to vector<16xi32>
        %swap3A_584 = vector.shape_cast %shift_right_logical3A_578 : vector<16xi32> to vector<1x16xi32>
        tpu.vector_store %arg6[%swap3A_580, %swap3A_581], %swap3A_584 {strides = array<i32>} : memref<2x128xi32, #tpu.memory_space<vmem>>, vector<1x16xi32>,
        %get3A_585 = arith.index_cast %add3A_528 : i32 to index
        %get3A_586 = arith.constant 64 : index
        %get3A_587 = tpu.vector_load %arg5[%get3A_585, %get3A_586] {strides = array<i32>} : memref<120x128xi32, #tpu.memory_space<vmem>>, vector<1x16xi32>,
        %get3A_588 = vector.shape_cast %get3A_587 : vector<1x16xi32> to vector<16xi32>
        %shift_right_logical3A_589 = arith.constant 14 : i32
        %shift_right_logical3A_590 = vector.broadcast %shift_right_logical3A_589 : i32 to vector<16xi32>
        %shift_right_logical3A_591 = arith.shrui %get3A_588, %shift_right_logical3A_590 : vector<16xi32>
        %swap3A_592 = arith.constant 1 : i32
        %swap3A_593 = arith.index_cast %swap3A_592 : i32 to index
        %swap3A_594 = arith.constant 64 : index
        %swap3A_595 = tpu.vector_load %arg6[%swap3A_593, %swap3A_594] {strides = array<i32>} : memref<2x128xi32, #tpu.memory_space<vmem>>, vector<1x16xi32>,
        %swap3A_596 = vector.shape_cast %swap3A_595 : vector<1x16xi32> to vector<16xi32>
        %swap3A_597 = vector.shape_cast %shift_right_logical3A_591 : vector<16xi32> to vector<1x16xi32>
        tpu.vector_store %arg6[%swap3A_593, %swap3A_594], %swap3A_597 {strides = array<i32>} : memref<2x128xi32, #tpu.memory_space<vmem>>, vector<1x16xi32>,
        %get3A_598 = arith.index_cast %add3A_528 : i32 to index
        %get3A_599 = arith.constant 80 : index
        %get3A_600 = tpu.vector_load %arg5[%get3A_598, %get3A_599] {strides = array<i32>} : memref<120x128xi32, #tpu.memory_space<vmem>>, vector<1x16xi32>,
        %get3A_601 = vector.shape_cast %get3A_600 : vector<1x16xi32> to vector<16xi32>
        %shift_right_logical3A_602 = arith.constant 14 : i32
        %shift_right_logical3A_603 = vector.broadcast %shift_right_logical3A_602 : i32 to vector<16xi32>
        %shift_right_logical3A_604 = arith.shrui %get3A_601, %shift_right_logical3A_603 : vector<16xi32>
        %swap3A_605 = arith.constant 1 : i32
        %swap3A_606 = arith.index_cast %swap3A_605 : i32 to index
        %swap3A_607 = arith.constant 80 : index
        %swap3A_608 = tpu.vector_load %arg6[%swap3A_606, %swap3A_607] {strides = array<i32>} : memref<2x128xi32, #tpu.memory_space<vmem>>, vector<1x16xi32>,
        %swap3A_609 = vector.shape_cast %swap3A_608 : vector<1x16xi32> to vector<16xi32>
        %swap3A_610 = vector.shape_cast %shift_right_logical3A_604 : vector<16xi32> to vector<1x16xi32>
        tpu.vector_store %arg6[%swap3A_606, %swap3A_607], %swap3A_610 {strides = array<i32>} : memref<2x128xi32, #tpu.memory_space<vmem>>, vector<1x16xi32>,
        %get3A_611 = arith.index_cast %add3A_528 : i32 to index
        %get3A_612 = arith.constant 96 : index
        %get3A_613 = tpu.vector_load %arg5[%get3A_611, %get3A_612] {strides = array<i32>} : memref<120x128xi32, #tpu.memory_space<vmem>>, vector<1x16xi32>,
        %get3A_614 = vector.shape_cast %get3A_613 : vector<1x16xi32> to vector<16xi32>
        %shift_right_logical3A_615 = arith.constant 14 : i32
        %shift_right_logical3A_616 = vector.broadcast %shift_right_logical3A_615 : i32 to vector<16xi32>
        %shift_right_logical3A_617 = arith.shrui %get3A_614, %shift_right_logical3A_616 : vector<16xi32>
        %swap3A_618 = arith.constant 1 : i32
        %swap3A_619 = arith.index_cast %swap3A_618 : i32 to index
        %swap3A_620 = arith.constant 96 : index
        %swap3A_621 = tpu.vector_load %arg6[%swap3A_619, %swap3A_620] {strides = array<i32>} : memref<2x128xi32, #tpu.memory_space<vmem>>, vector<1x16xi32>,
        %swap3A_622 = vector.shape_cast %swap3A_621 : vector<1x16xi32> to vector<16xi32>
        %swap3A_623 = vector.shape_cast %shift_right_logical3A_617 : vector<16xi32> to vector<1x16xi32>
        tpu.vector_store %arg6[%swap3A_619, %swap3A_620], %swap3A_623 {strides = array<i32>} : memref<2x128xi32, #tpu.memory_space<vmem>>, vector<1x16xi32>,
        %get3A_624 = arith.index_cast %add3A_528 : i32 to index
        %get3A_625 = arith.constant 112 : index
        %get3A_626 = tpu.vector_load %arg5[%get3A_624, %get3A_625] {strides = array<i32>} : memref<120x128xi32, #tpu.memory_space<vmem>>, vector<1x16xi32>,
        %get3A_627 = vector.shape_cast %get3A_626 : vector<1x16xi32> to vector<16xi32>
        %shift_right_logical3A_628 = arith.constant 14 : i32
        %shift_right_logical3A_629 = vector.broadcast %shift_right_logical3A_628 : i32 to vector<16xi32>
        %shift_right_logical3A_630 = arith.shrui %get3A_627, %shift_right_logical3A_629 : vector<16xi32>
        %swap3A_631 = arith.constant 1 : i32
        %swap3A_632 = arith.index_cast %swap3A_631 : i32 to index
        %swap3A_633 = arith.constant 112 : index
        %swap3A_634 = tpu.vector_load %arg6[%swap3A_632, %swap3A_633] {strides = array<i32>} : memref<2x128xi32, #tpu.memory_space<vmem>>, vector<1x16xi32>,
        %swap3A_635 = vector.shape_cast %swap3A_634 : vector<1x16xi32> to vector<16xi32>
        %swap3A_636 = vector.shape_cast %shift_right_logical3A_630 : vector<16xi32> to vector<1x16xi32>
        tpu.vector_store %arg6[%swap3A_632, %swap3A_633], %swap3A_636 {strides = array<i32>} : memref<2x128xi32, #tpu.memory_space<vmem>>, vector<1x16xi32>,
        %dma_start3A_637 = arith.constant 1 : i32
        %dma_start3A_638 = arith.constant 0 : i32
        %dma_start3A_639 = tpu.memref_slice %arg6[%dma_start3A_637, %dma_start3A_638] : memref<2x128xi32, #tpu.memory_space<vmem>> -> memref<1x128xi32, #tpu.memory_space<vmem>>
        %dma_start3A_640 = tpu.memref_squeeze %dma_start3A_639 : memref<1x128xi32, #tpu.memory_space<vmem>> -> memref<128xi32, #tpu.memory_space<vmem>>
        %dma_start3A_641 = arith.constant 0 : i32
        %dma_start3A_642 = arith.constant 0 : i32
        %dma_start3A_643 = tpu.memref_slice %arg2[%dma_start3A_641, %dma_start3A_642] : memref<10240x128xf32, #tpu.memory_space<hbm>> -> memref<10240x128xf32, #tpu.memory_space<hbm>>
        tpu.enqueue_indirect_dma source(%dma_start3A_643 : memref<10240x128xf32, #tpu.memory_space<hbm>>) target(%arg9 : memref<128x128xf32, #tpu.memory_space<vmem>>) offsets(%dma_start3A_640 : memref<128xi32, #tpu.memory_space<vmem>>) semaphore(%arg12 : memref<!tpu.dma_semaphore, #tpu.memory_space<semaphore_mem>>)
      } else {
      }
    }
    %while3A_283 = arith.constant 1 : i32
    scf.for %while3A_295 = %while3A_281 to %while3A_277 step %while3A_283  : i32 {
      %mul3A_296 = arith.constant 2 : i32
      %mul3A_297 = arith.muli %while3A_295, %mul3A_296 : i32
      %add3A_298 = arith.constant 0 : i32
      %add3A_299 = arith.addi %mul3A_297, %add3A_298 : i32
      %dma_wait3A = arith.constant 0 : i32
      %dma_wait3A_300 = arith.constant 0 : i32
      %dma_wait3A_301 = tpu.memref_slice %arg6[%dma_wait3A, %dma_wait3A_300] : memref<2x128xi32, #tpu.memory_space<vmem>> -> memref<1x128xi32, #tpu.memory_space<vmem>>
      %dma_wait3A_302 = tpu.memref_squeeze %dma_wait3A_301 : memref<1x128xi32, #tpu.memory_space<vmem>> -> memref<128xi32, #tpu.memory_space<vmem>>
      %dma_wait3A_303 = arith.constant 0 : i32
      %dma_wait3A_304 = arith.constant 0 : i32
      %dma_wait3A_305 = tpu.memref_slice %arg2[%dma_wait3A_303, %dma_wait3A_304] : memref<10240x128xf32, #tpu.memory_space<hbm>> -> memref<10240x128xf32, #tpu.memory_space<hbm>>
      tpu.wait_indirect_dma semaphore(%arg11 : memref<!tpu.dma_semaphore, #tpu.memory_space<semaphore_mem>>) src(%dma_wait3A_305 : memref<10240x128xf32, #tpu.memory_space<hbm>>) dst(%arg8 : memref<128x128xf32, #tpu.memory_space<vmem>>)
      %get3A_306 = arith.index_cast %add3A_299 : i32 to index
      %get3A_307 = arith.constant 0 : index
      %get3A_308 = tpu.vector_load %arg5[%get3A_306, %get3A_307] {strides = array<i32>} : memref<120x128xi32, #tpu.memory_space<vmem>>, vector<1x16xi32>,
      %get3A_309 = vector.shape_cast %get3A_308 : vector<1x16xi32> to vector<16xi32>
      %and3A_310 = arith.constant 16383 : i32
      %and3A_311 = vector.broadcast %and3A_310 : i32 to vector<16xi32>
      %and3A_312 = arith.andi %get3A_309, %and3A_311 : vector<16xi32>
      %swap3A_313 = arith.constant 0 : i32
      %swap3A_314 = arith.index_cast %swap3A_313 : i32 to index
      %swap3A_315 = arith.constant 0 : index
      %swap3A_316 = tpu.vector_load %arg7[%swap3A_314, %swap3A_315] {strides = array<i32>} : memref<2x128xi32, #tpu.memory_space<vmem>>, vector<1x16xi32>,
      %swap3A_317 = vector.shape_cast %swap3A_316 : vector<1x16xi32> to vector<16xi32>
      %swap3A_318 = vector.shape_cast %and3A_312 : vector<16xi32> to vector<1x16xi32>
      tpu.vector_store %arg7[%swap3A_314, %swap3A_315], %swap3A_318 {strides = array<i32>} : memref<2x128xi32, #tpu.memory_space<vmem>>, vector<1x16xi32>,
      %get3A_319 = arith.index_cast %add3A_299 : i32 to index
      %get3A_320 = arith.constant 16 : index
      %get3A_321 = tpu.vector_load %arg5[%get3A_319, %get3A_320] {strides = array<i32>} : memref<120x128xi32, #tpu.memory_space<vmem>>, vector<1x16xi32>,
      %get3A_322 = vector.shape_cast %get3A_321 : vector<1x16xi32> to vector<16xi32>
      %and3A_323 = arith.constant 16383 : i32
      %and3A_324 = vector.broadcast %and3A_323 : i32 to vector<16xi32>
      %and3A_325 = arith.andi %get3A_322, %and3A_324 : vector<16xi32>
      %swap3A_326 = arith.constant 0 : i32
      %swap3A_327 = arith.index_cast %swap3A_326 : i32 to index
      %swap3A_328 = arith.constant 16 : index
      %swap3A_329 = tpu.vector_load %arg7[%swap3A_327, %swap3A_328] {strides = array<i32>} : memref<2x128xi32, #tpu.memory_space<vmem>>, vector<1x16xi32>,
      %swap3A_330 = vector.shape_cast %swap3A_329 : vector<1x16xi32> to vector<16xi32>
      %swap3A_331 = vector.shape_cast %and3A_325 : vector<16xi32> to vector<1x16xi32>
      tpu.vector_store %arg7[%swap3A_327, %swap3A_328], %swap3A_331 {strides = array<i32>} : memref<2x128xi32, #tpu.memory_space<vmem>>, vector<1x16xi32>,
      %get3A_332 = arith.index_cast %add3A_299 : i32 to index
      %get3A_333 = arith.constant 32 : index
      %get3A_334 = tpu.vector_load %arg5[%get3A_332, %get3A_333] {strides = array<i32>} : memref<120x128xi32, #tpu.memory_space<vmem>>, vector<1x16xi32>,
      %get3A_335 = vector.shape_cast %get3A_334 : vector<1x16xi32> to vector<16xi32>
      %and3A_336 = arith.constant 16383 : i32
      %and3A_337 = vector.broadcast %and3A_336 : i32 to vector<16xi32>
      %and3A_338 = arith.andi %get3A_335, %and3A_337 : vector<16xi32>
      %swap3A_339 = arith.constant 0 : i32
      %swap3A_340 = arith.index_cast %swap3A_339 : i32 to index
      %swap3A_341 = arith.constant 32 : index
      %swap3A_342 = tpu.vector_load %arg7[%swap3A_340, %swap3A_341] {strides = array<i32>} : memref<2x128xi32, #tpu.memory_space<vmem>>, vector<1x16xi32>,
      %swap3A_343 = vector.shape_cast %swap3A_342 : vector<1x16xi32> to vector<16xi32>
      %swap3A_344 = vector.shape_cast %and3A_338 : vector<16xi32> to vector<1x16xi32>
      tpu.vector_store %arg7[%swap3A_340, %swap3A_341], %swap3A_344 {strides = array<i32>} : memref<2x128xi32, #tpu.memory_space<vmem>>, vector<1x16xi32>,
      %get3A_345 = arith.index_cast %add3A_299 : i32 to index
      %get3A_346 = arith.constant 48 : index
      %get3A_347 = tpu.vector_load %arg5[%get3A_345, %get3A_346] {strides = array<i32>} : memref<120x128xi32, #tpu.memory_space<vmem>>, vector<1x16xi32>,
      %get3A_348 = vector.shape_cast %get3A_347 : vector<1x16xi32> to vector<16xi32>
      %and3A_349 = arith.constant 16383 : i32
      %and3A_350 = vector.broadcast %and3A_349 : i32 to vector<16xi32>
      %and3A_351 = arith.andi %get3A_348, %and3A_350 : vector<16xi32>
      %swap3A_352 = arith.constant 0 : i32
      %swap3A_353 = arith.index_cast %swap3A_352 : i32 to index
      %swap3A_354 = arith.constant 48 : index
      %swap3A_355 = tpu.vector_load %arg7[%swap3A_353, %swap3A_354] {strides = array<i32>} : memref<2x128xi32, #tpu.memory_space<vmem>>, vector<1x16xi32>,
      %swap3A_356 = vector.shape_cast %swap3A_355 : vector<1x16xi32> to vector<16xi32>
      %swap3A_357 = vector.shape_cast %and3A_351 : vector<16xi32> to vector<1x16xi32>
      tpu.vector_store %arg7[%swap3A_353, %swap3A_354], %swap3A_357 {strides = array<i32>} : memref<2x128xi32, #tpu.memory_space<vmem>>, vector<1x16xi32>,
      %get3A_358 = arith.index_cast %add3A_299 : i32 to index
      %get3A_359 = arith.constant 64 : index
      %get3A_360 = tpu.vector_load %arg5[%get3A_358, %get3A_359] {strides = array<i32>} : memref<120x128xi32, #tpu.memory_space<vmem>>, vector<1x16xi32>,
      %get3A_361 = vector.shape_cast %get3A_360 : vector<1x16xi32> to vector<16xi32>
      %and3A_362 = arith.constant 16383 : i32
      %and3A_363 = vector.broadcast %and3A_362 : i32 to vector<16xi32>
      %and3A_364 = arith.andi %get3A_361, %and3A_363 : vector<16xi32>
      %swap3A_365 = arith.constant 0 : i32
      %swap3A_366 = arith.index_cast %swap3A_365 : i32 to index
      %swap3A_367 = arith.constant 64 : index
      %swap3A_368 = tpu.vector_load %arg7[%swap3A_366, %swap3A_367] {strides = array<i32>} : memref<2x128xi32, #tpu.memory_space<vmem>>, vector<1x16xi32>,
      %swap3A_369 = vector.shape_cast %swap3A_368 : vector<1x16xi32> to vector<16xi32>
      %swap3A_370 = vector.shape_cast %and3A_364 : vector<16xi32> to vector<1x16xi32>
      tpu.vector_store %arg7[%swap3A_366, %swap3A_367], %swap3A_370 {strides = array<i32>} : memref<2x128xi32, #tpu.memory_space<vmem>>, vector<1x16xi32>,
      %get3A_371 = arith.index_cast %add3A_299 : i32 to index
      %get3A_372 = arith.constant 80 : index
      %get3A_373 = tpu.vector_load %arg5[%get3A_371, %get3A_372] {strides = array<i32>} : memref<120x128xi32, #tpu.memory_space<vmem>>, vector<1x16xi32>,
      %get3A_374 = vector.shape_cast %get3A_373 : vector<1x16xi32> to vector<16xi32>
      %and3A_375 = arith.constant 16383 : i32
      %and3A_376 = vector.broadcast %and3A_375 : i32 to vector<16xi32>
      %and3A_377 = arith.andi %get3A_374, %and3A_376 : vector<16xi32>
      %swap3A_378 = arith.constant 0 : i32
      %swap3A_379 = arith.index_cast %swap3A_378 : i32 to index
      %swap3A_380 = arith.constant 80 : index
      %swap3A_381 = tpu.vector_load %arg7[%swap3A_379, %swap3A_380] {strides = array<i32>} : memref<2x128xi32, #tpu.memory_space<vmem>>, vector<1x16xi32>,
      %swap3A_382 = vector.shape_cast %swap3A_381 : vector<1x16xi32> to vector<16xi32>
      %swap3A_383 = vector.shape_cast %and3A_377 : vector<16xi32> to vector<1x16xi32>
      tpu.vector_store %arg7[%swap3A_379, %swap3A_380], %swap3A_383 {strides = array<i32>} : memref<2x128xi32, #tpu.memory_space<vmem>>, vector<1x16xi32>,
      %get3A_384 = arith.index_cast %add3A_299 : i32 to index
      %get3A_385 = arith.constant 96 : index
      %get3A_386 = tpu.vector_load %arg5[%get3A_384, %get3A_385] {strides = array<i32>} : memref<120x128xi32, #tpu.memory_space<vmem>>, vector<1x16xi32>,
      %get3A_387 = vector.shape_cast %get3A_386 : vector<1x16xi32> to vector<16xi32>
      %and3A_388 = arith.constant 16383 : i32
      %and3A_389 = vector.broadcast %and3A_388 : i32 to vector<16xi32>
      %and3A_390 = arith.andi %get3A_387, %and3A_389 : vector<16xi32>
      %swap3A_391 = arith.constant 0 : i32
      %swap3A_392 = arith.index_cast %swap3A_391 : i32 to index
      %swap3A_393 = arith.constant 96 : index
      %swap3A_394 = tpu.vector_load %arg7[%swap3A_392, %swap3A_393] {strides = array<i32>} : memref<2x128xi32, #tpu.memory_space<vmem>>, vector<1x16xi32>,
      %swap3A_395 = vector.shape_cast %swap3A_394 : vector<1x16xi32> to vector<16xi32>
      %swap3A_396 = vector.shape_cast %and3A_390 : vector<16xi32> to vector<1x16xi32>
      tpu.vector_store %arg7[%swap3A_392, %swap3A_393], %swap3A_396 {strides = array<i32>} : memref<2x128xi32, #tpu.memory_space<vmem>>, vector<1x16xi32>,
      %get3A_397 = arith.index_cast %add3A_299 : i32 to index
      %get3A_398 = arith.constant 112 : index
      %get3A_399 = tpu.vector_load %arg5[%get3A_397, %get3A_398] {strides = array<i32>} : memref<120x128xi32, #tpu.memory_space<vmem>>, vector<1x16xi32>,
      %get3A_400 = vector.shape_cast %get3A_399 : vector<1x16xi32> to vector<16xi32>
      %and3A_401 = arith.constant 16383 : i32
      %and3A_402 = vector.broadcast %and3A_401 : i32 to vector<16xi32>
      %and3A_403 = arith.andi %get3A_400, %and3A_402 : vector<16xi32>
      %swap3A_404 = arith.constant 0 : i32
      %swap3A_405 = arith.index_cast %swap3A_404 : i32 to index
      %swap3A_406 = arith.constant 112 : index
      %swap3A_407 = tpu.vector_load %arg7[%swap3A_405, %swap3A_406] {strides = array<i32>} : memref<2x128xi32, #tpu.memory_space<vmem>>, vector<1x16xi32>,
      %swap3A_408 = vector.shape_cast %swap3A_407 : vector<1x16xi32> to vector<16xi32>
      %swap3A_409 = vector.shape_cast %and3A_403 : vector<16xi32> to vector<1x16xi32>
      tpu.vector_store %arg7[%swap3A_405, %swap3A_406], %swap3A_409 {strides = array<i32>} : memref<2x128xi32, #tpu.memory_space<vmem>>, vector<1x16xi32>,
      %run_scoped3A = arith.constant 0 : i32
      "tpu.region"() ({
        %run_scoped3A_533 = tpu.sem_alloc : memref<!tpu.dma_semaphore, #tpu.memory_space<semaphore_mem>>
        %dma_start3A_534 = arith.constant 0 : i32
        %dma_start3A_535 = tpu.memref_slice %arg7[%run_scoped3A, %dma_start3A_534] : memref<2x128xi32, #tpu.memory_space<vmem>> -> memref<1x128xi32, #tpu.memory_space<vmem>>
        %dma_start3A_536 = tpu.memref_squeeze %dma_start3A_535 : memref<1x128xi32, #tpu.memory_space<vmem>> -> memref<128xi32, #tpu.memory_space<vmem>>
        %dma_start3A_537 = arith.constant 0 : i32
        %dma_start3A_538 = arith.constant 0 : i32
        %dma_start3A_539 = tpu.memref_slice %arg10[%dma_start3A_537, %dma_start3A_538] : memref<10240x128xf32, #tpu.memory_space<vmem_shared>> -> memref<10240x128xf32, #tpu.memory_space<vmem_shared>>
        tpu.enqueue_indirect_dma source(%arg8 : memref<128x128xf32, #tpu.memory_space<vmem>>) target(%dma_start3A_539 : memref<10240x128xf32, #tpu.memory_space<vmem_shared>>) offsets(%dma_start3A_536 : memref<128xi32, #tpu.memory_space<vmem>>) semaphore(%run_scoped3A_533 : memref<!tpu.dma_semaphore, #tpu.memory_space<semaphore_mem>>) {add = true}
        %dma_wait3A_540 = arith.constant 0 : i32
        %dma_wait3A_541 = tpu.memref_slice %arg7[%run_scoped3A, %dma_wait3A_540] : memref<2x128xi32, #tpu.memory_space<vmem>> -> memref<1x128xi32, #tpu.memory_space<vmem>>
        %dma_wait3A_542 = tpu.memref_squeeze %dma_wait3A_541 : memref<1x128xi32, #tpu.memory_space<vmem>> -> memref<128xi32, #tpu.memory_space<vmem>>
        %dma_wait3A_543 = arith.constant 0 : i32
        %dma_wait3A_544 = arith.constant 0 : i32
        %dma_wait3A_545 = tpu.memref_slice %arg10[%dma_wait3A_543, %dma_wait3A_544] : memref<10240x128xf32, #tpu.memory_space<vmem_shared>> -> memref<10240x128xf32, #tpu.memory_space<vmem_shared>>
        tpu.wait_indirect_dma semaphore(%run_scoped3A_533 : memref<!tpu.dma_semaphore, #tpu.memory_space<semaphore_mem>>) src(%arg8 : memref<128x128xf32, #tpu.memory_space<vmem>>) dst(%dma_wait3A_545 : memref<10240x128xf32, #tpu.memory_space<vmem_shared>>)
        tpu.yield
      }) : () -> ()
      %add3A_410 = arith.constant 2 : i32
      %add3A_411 = arith.addi %add3A_299, %add3A_410 : i32
      %lt3A = arith.cmpi slt, %add3A_411, %select_n3A_6 : i32
      %convert_element_type3A = arith.extui %lt3A : i1 to i32
      %cond3A = arith.constant 0 : i32
      %cond3A_412 = arith.cmpi ne, %convert_element_type3A, %cond3A : i32
      scf.if %cond3A_412 {
        %get3A_533 = arith.index_cast %add3A_411 : i32 to index
        %get3A_534 = arith.constant 0 : index
        %get3A_535 = tpu.vector_load %arg5[%get3A_533, %get3A_534] {strides = array<i32>} : memref<120x128xi32, #tpu.memory_space<vmem>>, vector<1x16xi32>,
        %get3A_536 = vector.shape_cast %get3A_535 : vector<1x16xi32> to vector<16xi32>
        %shift_right_logical3A_537 = arith.constant 14 : i32
        %shift_right_logical3A_538 = vector.broadcast %shift_right_logical3A_537 : i32 to vector<16xi32>
        %shift_right_logical3A_539 = arith.shrui %get3A_536, %shift_right_logical3A_538 : vector<16xi32>
        %swap3A_540 = arith.constant 0 : i32
        %swap3A_541 = arith.index_cast %swap3A_540 : i32 to index
        %swap3A_542 = arith.constant 0 : index
        %swap3A_543 = tpu.vector_load %arg6[%swap3A_541, %swap3A_542] {strides = array<i32>} : memref<2x128xi32, #tpu.memory_space<vmem>>, vector<1x16xi32>,
        %swap3A_544 = vector.shape_cast %swap3A_543 : vector<1x16xi32> to vector<16xi32>
        %swap3A_545 = vector.shape_cast %shift_right_logical3A_539 : vector<16xi32> to vector<1x16xi32>
        tpu.vector_store %arg6[%swap3A_541, %swap3A_542], %swap3A_545 {strides = array<i32>} : memref<2x128xi32, #tpu.memory_space<vmem>>, vector<1x16xi32>,
        %get3A_546 = arith.index_cast %add3A_411 : i32 to index
        %get3A_547 = arith.constant 16 : index
        %get3A_548 = tpu.vector_load %arg5[%get3A_546, %get3A_547] {strides = array<i32>} : memref<120x128xi32, #tpu.memory_space<vmem>>, vector<1x16xi32>,
        %get3A_549 = vector.shape_cast %get3A_548 : vector<1x16xi32> to vector<16xi32>
        %shift_right_logical3A_550 = arith.constant 14 : i32
        %shift_right_logical3A_551 = vector.broadcast %shift_right_logical3A_550 : i32 to vector<16xi32>
        %shift_right_logical3A_552 = arith.shrui %get3A_549, %shift_right_logical3A_551 : vector<16xi32>
        %swap3A_553 = arith.constant 0 : i32
        %swap3A_554 = arith.index_cast %swap3A_553 : i32 to index
        %swap3A_555 = arith.constant 16 : index
        %swap3A_556 = tpu.vector_load %arg6[%swap3A_554, %swap3A_555] {strides = array<i32>} : memref<2x128xi32, #tpu.memory_space<vmem>>, vector<1x16xi32>,
        %swap3A_557 = vector.shape_cast %swap3A_556 : vector<1x16xi32> to vector<16xi32>
        %swap3A_558 = vector.shape_cast %shift_right_logical3A_552 : vector<16xi32> to vector<1x16xi32>
        tpu.vector_store %arg6[%swap3A_554, %swap3A_555], %swap3A_558 {strides = array<i32>} : memref<2x128xi32, #tpu.memory_space<vmem>>, vector<1x16xi32>,
        %get3A_559 = arith.index_cast %add3A_411 : i32 to index
        %get3A_560 = arith.constant 32 : index
        %get3A_561 = tpu.vector_load %arg5[%get3A_559, %get3A_560] {strides = array<i32>} : memref<120x128xi32, #tpu.memory_space<vmem>>, vector<1x16xi32>,
        %get3A_562 = vector.shape_cast %get3A_561 : vector<1x16xi32> to vector<16xi32>
        %shift_right_logical3A_563 = arith.constant 14 : i32
        %shift_right_logical3A_564 = vector.broadcast %shift_right_logical3A_563 : i32 to vector<16xi32>
        %shift_right_logical3A_565 = arith.shrui %get3A_562, %shift_right_logical3A_564 : vector<16xi32>
        %swap3A_566 = arith.constant 0 : i32
        %swap3A_567 = arith.index_cast %swap3A_566 : i32 to index
        %swap3A_568 = arith.constant 32 : index
        %swap3A_569 = tpu.vector_load %arg6[%swap3A_567, %swap3A_568] {strides = array<i32>} : memref<2x128xi32, #tpu.memory_space<vmem>>, vector<1x16xi32>,
        %swap3A_570 = vector.shape_cast %swap3A_569 : vector<1x16xi32> to vector<16xi32>
        %swap3A_571 = vector.shape_cast %shift_right_logical3A_565 : vector<16xi32> to vector<1x16xi32>
        tpu.vector_store %arg6[%swap3A_567, %swap3A_568], %swap3A_571 {strides = array<i32>} : memref<2x128xi32, #tpu.memory_space<vmem>>, vector<1x16xi32>,
        %get3A_572 = arith.index_cast %add3A_411 : i32 to index
        %get3A_573 = arith.constant 48 : index
        %get3A_574 = tpu.vector_load %arg5[%get3A_572, %get3A_573] {strides = array<i32>} : memref<120x128xi32, #tpu.memory_space<vmem>>, vector<1x16xi32>,
        %get3A_575 = vector.shape_cast %get3A_574 : vector<1x16xi32> to vector<16xi32>
        %shift_right_logical3A_576 = arith.constant 14 : i32
        %shift_right_logical3A_577 = vector.broadcast %shift_right_logical3A_576 : i32 to vector<16xi32>
        %shift_right_logical3A_578 = arith.shrui %get3A_575, %shift_right_logical3A_577 : vector<16xi32>
        %swap3A_579 = arith.constant 0 : i32
        %swap3A_580 = arith.index_cast %swap3A_579 : i32 to index
        %swap3A_581 = arith.constant 48 : index
        %swap3A_582 = tpu.vector_load %arg6[%swap3A_580, %swap3A_581] {strides = array<i32>} : memref<2x128xi32, #tpu.memory_space<vmem>>, vector<1x16xi32>,
        %swap3A_583 = vector.shape_cast %swap3A_582 : vector<1x16xi32> to vector<16xi32>
        %swap3A_584 = vector.shape_cast %shift_right_logical3A_578 : vector<16xi32> to vector<1x16xi32>
        tpu.vector_store %arg6[%swap3A_580, %swap3A_581], %swap3A_584 {strides = array<i32>} : memref<2x128xi32, #tpu.memory_space<vmem>>, vector<1x16xi32>,
        %get3A_585 = arith.index_cast %add3A_411 : i32 to index
        %get3A_586 = arith.constant 64 : index
        %get3A_587 = tpu.vector_load %arg5[%get3A_585, %get3A_586] {strides = array<i32>} : memref<120x128xi32, #tpu.memory_space<vmem>>, vector<1x16xi32>,
        %get3A_588 = vector.shape_cast %get3A_587 : vector<1x16xi32> to vector<16xi32>
        %shift_right_logical3A_589 = arith.constant 14 : i32
        %shift_right_logical3A_590 = vector.broadcast %shift_right_logical3A_589 : i32 to vector<16xi32>
        %shift_right_logical3A_591 = arith.shrui %get3A_588, %shift_right_logical3A_590 : vector<16xi32>
        %swap3A_592 = arith.constant 0 : i32
        %swap3A_593 = arith.index_cast %swap3A_592 : i32 to index
        %swap3A_594 = arith.constant 64 : index
        %swap3A_595 = tpu.vector_load %arg6[%swap3A_593, %swap3A_594] {strides = array<i32>} : memref<2x128xi32, #tpu.memory_space<vmem>>, vector<1x16xi32>,
        %swap3A_596 = vector.shape_cast %swap3A_595 : vector<1x16xi32> to vector<16xi32>
        %swap3A_597 = vector.shape_cast %shift_right_logical3A_591 : vector<16xi32> to vector<1x16xi32>
        tpu.vector_store %arg6[%swap3A_593, %swap3A_594], %swap3A_597 {strides = array<i32>} : memref<2x128xi32, #tpu.memory_space<vmem>>, vector<1x16xi32>,
        %get3A_598 = arith.index_cast %add3A_411 : i32 to index
        %get3A_599 = arith.constant 80 : index
        %get3A_600 = tpu.vector_load %arg5[%get3A_598, %get3A_599] {strides = array<i32>} : memref<120x128xi32, #tpu.memory_space<vmem>>, vector<1x16xi32>,
        %get3A_601 = vector.shape_cast %get3A_600 : vector<1x16xi32> to vector<16xi32>
        %shift_right_logical3A_602 = arith.constant 14 : i32
        %shift_right_logical3A_603 = vector.broadcast %shift_right_logical3A_602 : i32 to vector<16xi32>
        %shift_right_logical3A_604 = arith.shrui %get3A_601, %shift_right_logical3A_603 : vector<16xi32>
        %swap3A_605 = arith.constant 0 : i32
        %swap3A_606 = arith.index_cast %swap3A_605 : i32 to index
        %swap3A_607 = arith.constant 80 : index
        %swap3A_608 = tpu.vector_load %arg6[%swap3A_606, %swap3A_607] {strides = array<i32>} : memref<2x128xi32, #tpu.memory_space<vmem>>, vector<1x16xi32>,
        %swap3A_609 = vector.shape_cast %swap3A_608 : vector<1x16xi32> to vector<16xi32>
        %swap3A_610 = vector.shape_cast %shift_right_logical3A_604 : vector<16xi32> to vector<1x16xi32>
        tpu.vector_store %arg6[%swap3A_606, %swap3A_607], %swap3A_610 {strides = array<i32>} : memref<2x128xi32, #tpu.memory_space<vmem>>, vector<1x16xi32>,
        %get3A_611 = arith.index_cast %add3A_411 : i32 to index
        %get3A_612 = arith.constant 96 : index
        %get3A_613 = tpu.vector_load %arg5[%get3A_611, %get3A_612] {strides = array<i32>} : memref<120x128xi32, #tpu.memory_space<vmem>>, vector<1x16xi32>,
        %get3A_614 = vector.shape_cast %get3A_613 : vector<1x16xi32> to vector<16xi32>
        %shift_right_logical3A_615 = arith.constant 14 : i32
        %shift_right_logical3A_616 = vector.broadcast %shift_right_logical3A_615 : i32 to vector<16xi32>
        %shift_right_logical3A_617 = arith.shrui %get3A_614, %shift_right_logical3A_616 : vector<16xi32>
        %swap3A_618 = arith.constant 0 : i32
        %swap3A_619 = arith.index_cast %swap3A_618 : i32 to index
        %swap3A_620 = arith.constant 96 : index
        %swap3A_621 = tpu.vector_load %arg6[%swap3A_619, %swap3A_620] {strides = array<i32>} : memref<2x128xi32, #tpu.memory_space<vmem>>, vector<1x16xi32>,
        %swap3A_622 = vector.shape_cast %swap3A_621 : vector<1x16xi32> to vector<16xi32>
        %swap3A_623 = vector.shape_cast %shift_right_logical3A_617 : vector<16xi32> to vector<1x16xi32>
        tpu.vector_store %arg6[%swap3A_619, %swap3A_620], %swap3A_623 {strides = array<i32>} : memref<2x128xi32, #tpu.memory_space<vmem>>, vector<1x16xi32>,
        %get3A_624 = arith.index_cast %add3A_411 : i32 to index
        %get3A_625 = arith.constant 112 : index
        %get3A_626 = tpu.vector_load %arg5[%get3A_624, %get3A_625] {strides = array<i32>} : memref<120x128xi32, #tpu.memory_space<vmem>>, vector<1x16xi32>,
        %get3A_627 = vector.shape_cast %get3A_626 : vector<1x16xi32> to vector<16xi32>
        %shift_right_logical3A_628 = arith.constant 14 : i32
        %shift_right_logical3A_629 = vector.broadcast %shift_right_logical3A_628 : i32 to vector<16xi32>
        %shift_right_logical3A_630 = arith.shrui %get3A_627, %shift_right_logical3A_629 : vector<16xi32>
        %swap3A_631 = arith.constant 0 : i32
        %swap3A_632 = arith.index_cast %swap3A_631 : i32 to index
        %swap3A_633 = arith.constant 112 : index
        %swap3A_634 = tpu.vector_load %arg6[%swap3A_632, %swap3A_633] {strides = array<i32>} : memref<2x128xi32, #tpu.memory_space<vmem>>, vector<1x16xi32>,
        %swap3A_635 = vector.shape_cast %swap3A_634 : vector<1x16xi32> to vector<16xi32>
        %swap3A_636 = vector.shape_cast %shift_right_logical3A_630 : vector<16xi32> to vector<1x16xi32>
        tpu.vector_store %arg6[%swap3A_632, %swap3A_633], %swap3A_636 {strides = array<i32>} : memref<2x128xi32, #tpu.memory_space<vmem>>, vector<1x16xi32>,
        %dma_start3A_637 = arith.constant 0 : i32
        %dma_start3A_638 = arith.constant 0 : i32
        %dma_start3A_639 = tpu.memref_slice %arg6[%dma_start3A_637, %dma_start3A_638] : memref<2x128xi32, #tpu.memory_space<vmem>> -> memref<1x128xi32, #tpu.memory_space<vmem>>
        %dma_start3A_640 = tpu.memref_squeeze %dma_start3A_639 : memref<1x128xi32, #tpu.memory_space<vmem>> -> memref<128xi32, #tpu.memory_space<vmem>>
        %dma_start3A_641 = arith.constant 0 : i32
        %dma_start3A_642 = arith.constant 0 : i32
        %dma_start3A_643 = tpu.memref_slice %arg2[%dma_start3A_641, %dma_start3A_642] : memref<10240x128xf32, #tpu.memory_space<hbm>> -> memref<10240x128xf32, #tpu.memory_space<hbm>>
        tpu.enqueue_indirect_dma source(%dma_start3A_643 : memref<10240x128xf32, #tpu.memory_space<hbm>>) target(%arg8 : memref<128x128xf32, #tpu.memory_space<vmem>>) offsets(%dma_start3A_640 : memref<128xi32, #tpu.memory_space<vmem>>) semaphore(%arg11 : memref<!tpu.dma_semaphore, #tpu.memory_space<semaphore_mem>>)
      } else {
      }
      %add3A_413 = arith.constant 1 : i32
      %add3A_414 = arith.addi %mul3A_297, %add3A_413 : i32
      %dma_wait3A_415 = arith.constant 1 : i32
      %dma_wait3A_416 = arith.constant 0 : i32
      %dma_wait3A_417 = tpu.memref_slice %arg6[%dma_wait3A_415, %dma_wait3A_416] : memref<2x128xi32, #tpu.memory_space<vmem>> -> memref<1x128xi32, #tpu.memory_space<vmem>>
      %dma_wait3A_418 = tpu.memref_squeeze %dma_wait3A_417 : memref<1x128xi32, #tpu.memory_space<vmem>> -> memref<128xi32, #tpu.memory_space<vmem>>
      %dma_wait3A_419 = arith.constant 0 : i32
      %dma_wait3A_420 = arith.constant 0 : i32
      %dma_wait3A_421 = tpu.memref_slice %arg2[%dma_wait3A_419, %dma_wait3A_420] : memref<10240x128xf32, #tpu.memory_space<hbm>> -> memref<10240x128xf32, #tpu.memory_space<hbm>>
      tpu.wait_indirect_dma semaphore(%arg12 : memref<!tpu.dma_semaphore, #tpu.memory_space<semaphore_mem>>) src(%dma_wait3A_421 : memref<10240x128xf32, #tpu.memory_space<hbm>>) dst(%arg9 : memref<128x128xf32, #tpu.memory_space<vmem>>)
      %get3A_422 = arith.index_cast %add3A_414 : i32 to index
      %get3A_423 = arith.constant 0 : index
      %get3A_424 = tpu.vector_load %arg5[%get3A_422, %get3A_423] {strides = array<i32>} : memref<120x128xi32, #tpu.memory_space<vmem>>, vector<1x16xi32>,
      %get3A_425 = vector.shape_cast %get3A_424 : vector<1x16xi32> to vector<16xi32>
      %and3A_426 = arith.constant 16383 : i32
      %and3A_427 = vector.broadcast %and3A_426 : i32 to vector<16xi32>
      %and3A_428 = arith.andi %get3A_425, %and3A_427 : vector<16xi32>
      %swap3A_429 = arith.constant 1 : i32
      %swap3A_430 = arith.index_cast %swap3A_429 : i32 to index
      %swap3A_431 = arith.constant 0 : index
      %swap3A_432 = tpu.vector_load %arg7[%swap3A_430, %swap3A_431] {strides = array<i32>} : memref<2x128xi32, #tpu.memory_space<vmem>>, vector<1x16xi32>,
      %swap3A_433 = vector.shape_cast %swap3A_432 : vector<1x16xi32> to vector<16xi32>
      %swap3A_434 = vector.shape_cast %and3A_428 : vector<16xi32> to vector<1x16xi32>
      tpu.vector_store %arg7[%swap3A_430, %swap3A_431], %swap3A_434 {strides = array<i32>} : memref<2x128xi32, #tpu.memory_space<vmem>>, vector<1x16xi32>,
      %get3A_435 = arith.index_cast %add3A_414 : i32 to index
      %get3A_436 = arith.constant 16 : index
      %get3A_437 = tpu.vector_load %arg5[%get3A_435, %get3A_436] {strides = array<i32>} : memref<120x128xi32, #tpu.memory_space<vmem>>, vector<1x16xi32>,
      %get3A_438 = vector.shape_cast %get3A_437 : vector<1x16xi32> to vector<16xi32>
      %and3A_439 = arith.constant 16383 : i32
      %and3A_440 = vector.broadcast %and3A_439 : i32 to vector<16xi32>
      %and3A_441 = arith.andi %get3A_438, %and3A_440 : vector<16xi32>
      %swap3A_442 = arith.constant 1 : i32
      %swap3A_443 = arith.index_cast %swap3A_442 : i32 to index
      %swap3A_444 = arith.constant 16 : index
      %swap3A_445 = tpu.vector_load %arg7[%swap3A_443, %swap3A_444] {strides = array<i32>} : memref<2x128xi32, #tpu.memory_space<vmem>>, vector<1x16xi32>,
      %swap3A_446 = vector.shape_cast %swap3A_445 : vector<1x16xi32> to vector<16xi32>
      %swap3A_447 = vector.shape_cast %and3A_441 : vector<16xi32> to vector<1x16xi32>
      tpu.vector_store %arg7[%swap3A_443, %swap3A_444], %swap3A_447 {strides = array<i32>} : memref<2x128xi32, #tpu.memory_space<vmem>>, vector<1x16xi32>,
      %get3A_448 = arith.index_cast %add3A_414 : i32 to index
      %get3A_449 = arith.constant 32 : index
      %get3A_450 = tpu.vector_load %arg5[%get3A_448, %get3A_449] {strides = array<i32>} : memref<120x128xi32, #tpu.memory_space<vmem>>, vector<1x16xi32>,
      %get3A_451 = vector.shape_cast %get3A_450 : vector<1x16xi32> to vector<16xi32>
      %and3A_452 = arith.constant 16383 : i32
      %and3A_453 = vector.broadcast %and3A_452 : i32 to vector<16xi32>
      %and3A_454 = arith.andi %get3A_451, %and3A_453 : vector<16xi32>
      %swap3A_455 = arith.constant 1 : i32
      %swap3A_456 = arith.index_cast %swap3A_455 : i32 to index
      %swap3A_457 = arith.constant 32 : index
      %swap3A_458 = tpu.vector_load %arg7[%swap3A_456, %swap3A_457] {strides = array<i32>} : memref<2x128xi32, #tpu.memory_space<vmem>>, vector<1x16xi32>,
      %swap3A_459 = vector.shape_cast %swap3A_458 : vector<1x16xi32> to vector<16xi32>
      %swap3A_460 = vector.shape_cast %and3A_454 : vector<16xi32> to vector<1x16xi32>
      tpu.vector_store %arg7[%swap3A_456, %swap3A_457], %swap3A_460 {strides = array<i32>} : memref<2x128xi32, #tpu.memory_space<vmem>>, vector<1x16xi32>,
      %get3A_461 = arith.index_cast %add3A_414 : i32 to index
      %get3A_462 = arith.constant 48 : index
      %get3A_463 = tpu.vector_load %arg5[%get3A_461, %get3A_462] {strides = array<i32>} : memref<120x128xi32, #tpu.memory_space<vmem>>, vector<1x16xi32>,
      %get3A_464 = vector.shape_cast %get3A_463 : vector<1x16xi32> to vector<16xi32>
      %and3A_465 = arith.constant 16383 : i32
      %and3A_466 = vector.broadcast %and3A_465 : i32 to vector<16xi32>
      %and3A_467 = arith.andi %get3A_464, %and3A_466 : vector<16xi32>
      %swap3A_468 = arith.constant 1 : i32
      %swap3A_469 = arith.index_cast %swap3A_468 : i32 to index
      %swap3A_470 = arith.constant 48 : index
      %swap3A_471 = tpu.vector_load %arg7[%swap3A_469, %swap3A_470] {strides = array<i32>} : memref<2x128xi32, #tpu.memory_space<vmem>>, vector<1x16xi32>,
      %swap3A_472 = vector.shape_cast %swap3A_471 : vector<1x16xi32> to vector<16xi32>
      %swap3A_473 = vector.shape_cast %and3A_467 : vector<16xi32> to vector<1x16xi32>
      tpu.vector_store %arg7[%swap3A_469, %swap3A_470], %swap3A_473 {strides = array<i32>} : memref<2x128xi32, #tpu.memory_space<vmem>>, vector<1x16xi32>,
      %get3A_474 = arith.index_cast %add3A_414 : i32 to index
      %get3A_475 = arith.constant 64 : index
      %get3A_476 = tpu.vector_load %arg5[%get3A_474, %get3A_475] {strides = array<i32>} : memref<120x128xi32, #tpu.memory_space<vmem>>, vector<1x16xi32>,
      %get3A_477 = vector.shape_cast %get3A_476 : vector<1x16xi32> to vector<16xi32>
      %and3A_478 = arith.constant 16383 : i32
      %and3A_479 = vector.broadcast %and3A_478 : i32 to vector<16xi32>
      %and3A_480 = arith.andi %get3A_477, %and3A_479 : vector<16xi32>
      %swap3A_481 = arith.constant 1 : i32
      %swap3A_482 = arith.index_cast %swap3A_481 : i32 to index
      %swap3A_483 = arith.constant 64 : index
      %swap3A_484 = tpu.vector_load %arg7[%swap3A_482, %swap3A_483] {strides = array<i32>} : memref<2x128xi32, #tpu.memory_space<vmem>>, vector<1x16xi32>,
      %swap3A_485 = vector.shape_cast %swap3A_484 : vector<1x16xi32> to vector<16xi32>
      %swap3A_486 = vector.shape_cast %and3A_480 : vector<16xi32> to vector<1x16xi32>
      tpu.vector_store %arg7[%swap3A_482, %swap3A_483], %swap3A_486 {strides = array<i32>} : memref<2x128xi32, #tpu.memory_space<vmem>>, vector<1x16xi32>,
      %get3A_487 = arith.index_cast %add3A_414 : i32 to index
      %get3A_488 = arith.constant 80 : index
      %get3A_489 = tpu.vector_load %arg5[%get3A_487, %get3A_488] {strides = array<i32>} : memref<120x128xi32, #tpu.memory_space<vmem>>, vector<1x16xi32>,
      %get3A_490 = vector.shape_cast %get3A_489 : vector<1x16xi32> to vector<16xi32>
      %and3A_491 = arith.constant 16383 : i32
      %and3A_492 = vector.broadcast %and3A_491 : i32 to vector<16xi32>
      %and3A_493 = arith.andi %get3A_490, %and3A_492 : vector<16xi32>
      %swap3A_494 = arith.constant 1 : i32
      %swap3A_495 = arith.index_cast %swap3A_494 : i32 to index
      %swap3A_496 = arith.constant 80 : index
      %swap3A_497 = tpu.vector_load %arg7[%swap3A_495, %swap3A_496] {strides = array<i32>} : memref<2x128xi32, #tpu.memory_space<vmem>>, vector<1x16xi32>,
      %swap3A_498 = vector.shape_cast %swap3A_497 : vector<1x16xi32> to vector<16xi32>
      %swap3A_499 = vector.shape_cast %and3A_493 : vector<16xi32> to vector<1x16xi32>
      tpu.vector_store %arg7[%swap3A_495, %swap3A_496], %swap3A_499 {strides = array<i32>} : memref<2x128xi32, #tpu.memory_space<vmem>>, vector<1x16xi32>,
      %get3A_500 = arith.index_cast %add3A_414 : i32 to index
      %get3A_501 = arith.constant 96 : index
      %get3A_502 = tpu.vector_load %arg5[%get3A_500, %get3A_501] {strides = array<i32>} : memref<120x128xi32, #tpu.memory_space<vmem>>, vector<1x16xi32>,
      %get3A_503 = vector.shape_cast %get3A_502 : vector<1x16xi32> to vector<16xi32>
      %and3A_504 = arith.constant 16383 : i32
      %and3A_505 = vector.broadcast %and3A_504 : i32 to vector<16xi32>
      %and3A_506 = arith.andi %get3A_503, %and3A_505 : vector<16xi32>
      %swap3A_507 = arith.constant 1 : i32
      %swap3A_508 = arith.index_cast %swap3A_507 : i32 to index
      %swap3A_509 = arith.constant 96 : index
      %swap3A_510 = tpu.vector_load %arg7[%swap3A_508, %swap3A_509] {strides = array<i32>} : memref<2x128xi32, #tpu.memory_space<vmem>>, vector<1x16xi32>,
      %swap3A_511 = vector.shape_cast %swap3A_510 : vector<1x16xi32> to vector<16xi32>
      %swap3A_512 = vector.shape_cast %and3A_506 : vector<16xi32> to vector<1x16xi32>
      tpu.vector_store %arg7[%swap3A_508, %swap3A_509], %swap3A_512 {strides = array<i32>} : memref<2x128xi32, #tpu.memory_space<vmem>>, vector<1x16xi32>,
      %get3A_513 = arith.index_cast %add3A_414 : i32 to index
      %get3A_514 = arith.constant 112 : index
      %get3A_515 = tpu.vector_load %arg5[%get3A_513, %get3A_514] {strides = array<i32>} : memref<120x128xi32, #tpu.memory_space<vmem>>, vector<1x16xi32>,
      %get3A_516 = vector.shape_cast %get3A_515 : vector<1x16xi32> to vector<16xi32>
      %and3A_517 = arith.constant 16383 : i32
      %and3A_518 = vector.broadcast %and3A_517 : i32 to vector<16xi32>
      %and3A_519 = arith.andi %get3A_516, %and3A_518 : vector<16xi32>
      %swap3A_520 = arith.constant 1 : i32
      %swap3A_521 = arith.index_cast %swap3A_520 : i32 to index
      %swap3A_522 = arith.constant 112 : index
      %swap3A_523 = tpu.vector_load %arg7[%swap3A_521, %swap3A_522] {strides = array<i32>} : memref<2x128xi32, #tpu.memory_space<vmem>>, vector<1x16xi32>,
      %swap3A_524 = vector.shape_cast %swap3A_523 : vector<1x16xi32> to vector<16xi32>
      %swap3A_525 = vector.shape_cast %and3A_519 : vector<16xi32> to vector<1x16xi32>
      tpu.vector_store %arg7[%swap3A_521, %swap3A_522], %swap3A_525 {strides = array<i32>} : memref<2x128xi32, #tpu.memory_space<vmem>>, vector<1x16xi32>,
      %run_scoped3A_526 = arith.constant 1 : i32
      "tpu.region"() ({
        %run_scoped3A_533 = tpu.sem_alloc : memref<!tpu.dma_semaphore, #tpu.memory_space<semaphore_mem>>
        %dma_start3A_534 = arith.constant 0 : i32
        %dma_start3A_535 = tpu.memref_slice %arg7[%run_scoped3A_526, %dma_start3A_534] : memref<2x128xi32, #tpu.memory_space<vmem>> -> memref<1x128xi32, #tpu.memory_space<vmem>>
        %dma_start3A_536 = tpu.memref_squeeze %dma_start3A_535 : memref<1x128xi32, #tpu.memory_space<vmem>> -> memref<128xi32, #tpu.memory_space<vmem>>
        %dma_start3A_537 = arith.constant 0 : i32
        %dma_start3A_538 = arith.constant 0 : i32
        %dma_start3A_539 = tpu.memref_slice %arg10[%dma_start3A_537, %dma_start3A_538] : memref<10240x128xf32, #tpu.memory_space<vmem_shared>> -> memref<10240x128xf32, #tpu.memory_space<vmem_shared>>
        tpu.enqueue_indirect_dma source(%arg9 : memref<128x128xf32, #tpu.memory_space<vmem>>) target(%dma_start3A_539 : memref<10240x128xf32, #tpu.memory_space<vmem_shared>>) offsets(%dma_start3A_536 : memref<128xi32, #tpu.memory_space<vmem>>) semaphore(%run_scoped3A_533 : memref<!tpu.dma_semaphore, #tpu.memory_space<semaphore_mem>>) {add = true}
        %dma_wait3A_540 = arith.constant 0 : i32
        %dma_wait3A_541 = tpu.memref_slice %arg7[%run_scoped3A_526, %dma_wait3A_540] : memref<2x128xi32, #tpu.memory_space<vmem>> -> memref<1x128xi32, #tpu.memory_space<vmem>>
        %dma_wait3A_542 = tpu.memref_squeeze %dma_wait3A_541 : memref<1x128xi32, #tpu.memory_space<vmem>> -> memref<128xi32, #tpu.memory_space<vmem>>
        %dma_wait3A_543 = arith.constant 0 : i32
        %dma_wait3A_544 = arith.constant 0 : i32
        %dma_wait3A_545 = tpu.memref_slice %arg10[%dma_wait3A_543, %dma_wait3A_544] : memref<10240x128xf32, #tpu.memory_space<vmem_shared>> -> memref<10240x128xf32, #tpu.memory_space<vmem_shared>>
        tpu.wait_indirect_dma semaphore(%run_scoped3A_533 : memref<!tpu.dma_semaphore, #tpu.memory_space<semaphore_mem>>) src(%arg9 : memref<128x128xf32, #tpu.memory_space<vmem>>) dst(%dma_wait3A_545 : memref<10240x128xf32, #tpu.memory_space<vmem_shared>>)
        tpu.yield
      }) : () -> ()
      %add3A_527 = arith.constant 2 : i32
      %add3A_528 = arith.addi %add3A_414, %add3A_527 : i32
      %lt3A_529 = arith.cmpi slt, %add3A_528, %select_n3A_6 : i32
      %convert_element_type3A_530 = arith.extui %lt3A_529 : i1 to i32
      %cond3A_531 = arith.constant 0 : i32
      %cond3A_532 = arith.cmpi ne, %convert_element_type3A_530, %cond3A_531 : i32
      scf.if %cond3A_532 {
        %get3A_533 = arith.index_cast %add3A_528 : i32 to index
        %get3A_534 = arith.constant 0 : index
        %get3A_535 = tpu.vector_load %arg5[%get3A_533, %get3A_534] {strides = array<i32>} : memref<120x128xi32, #tpu.memory_space<vmem>>, vector<1x16xi32>,
        %get3A_536 = vector.shape_cast %get3A_535 : vector<1x16xi32> to vector<16xi32>
        %shift_right_logical3A_537 = arith.constant 14 : i32
        %shift_right_logical3A_538 = vector.broadcast %shift_right_logical3A_537 : i32 to vector<16xi32>
        %shift_right_logical3A_539 = arith.shrui %get3A_536, %shift_right_logical3A_538 : vector<16xi32>
        %swap3A_540 = arith.constant 1 : i32
        %swap3A_541 = arith.index_cast %swap3A_540 : i32 to index
        %swap3A_542 = arith.constant 0 : index
        %swap3A_543 = tpu.vector_load %arg6[%swap3A_541, %swap3A_542] {strides = array<i32>} : memref<2x128xi32, #tpu.memory_space<vmem>>, vector<1x16xi32>,
        %swap3A_544 = vector.shape_cast %swap3A_543 : vector<1x16xi32> to vector<16xi32>
        %swap3A_545 = vector.shape_cast %shift_right_logical3A_539 : vector<16xi32> to vector<1x16xi32>
        tpu.vector_store %arg6[%swap3A_541, %swap3A_542], %swap3A_545 {strides = array<i32>} : memref<2x128xi32, #tpu.memory_space<vmem>>, vector<1x16xi32>,
        %get3A_546 = arith.index_cast %add3A_528 : i32 to index
        %get3A_547 = arith.constant 16 : index
        %get3A_548 = tpu.vector_load %arg5[%get3A_546, %get3A_547] {strides = array<i32>} : memref<120x128xi32, #tpu.memory_space<vmem>>, vector<1x16xi32>,
        %get3A_549 = vector.shape_cast %get3A_548 : vector<1x16xi32> to vector<16xi32>
        %shift_right_logical3A_550 = arith.constant 14 : i32
        %shift_right_logical3A_551 = vector.broadcast %shift_right_logical3A_550 : i32 to vector<16xi32>
        %shift_right_logical3A_552 = arith.shrui %get3A_549, %shift_right_logical3A_551 : vector<16xi32>
        %swap3A_553 = arith.constant 1 : i32
        %swap3A_554 = arith.index_cast %swap3A_553 : i32 to index
        %swap3A_555 = arith.constant 16 : index
        %swap3A_556 = tpu.vector_load %arg6[%swap3A_554, %swap3A_555] {strides = array<i32>} : memref<2x128xi32, #tpu.memory_space<vmem>>, vector<1x16xi32>,
        %swap3A_557 = vector.shape_cast %swap3A_556 : vector<1x16xi32> to vector<16xi32>
        %swap3A_558 = vector.shape_cast %shift_right_logical3A_552 : vector<16xi32> to vector<1x16xi32>
        tpu.vector_store %arg6[%swap3A_554, %swap3A_555], %swap3A_558 {strides = array<i32>} : memref<2x128xi32, #tpu.memory_space<vmem>>, vector<1x16xi32>,
        %get3A_559 = arith.index_cast %add3A_528 : i32 to index
        %get3A_560 = arith.constant 32 : index
        %get3A_561 = tpu.vector_load %arg5[%get3A_559, %get3A_560] {strides = array<i32>} : memref<120x128xi32, #tpu.memory_space<vmem>>, vector<1x16xi32>,
        %get3A_562 = vector.shape_cast %get3A_561 : vector<1x16xi32> to vector<16xi32>
        %shift_right_logical3A_563 = arith.constant 14 : i32
        %shift_right_logical3A_564 = vector.broadcast %shift_right_logical3A_563 : i32 to vector<16xi32>
        %shift_right_logical3A_565 = arith.shrui %get3A_562, %shift_right_logical3A_564 : vector<16xi32>
        %swap3A_566 = arith.constant 1 : i32
        %swap3A_567 = arith.index_cast %swap3A_566 : i32 to index
        %swap3A_568 = arith.constant 32 : index
        %swap3A_569 = tpu.vector_load %arg6[%swap3A_567, %swap3A_568] {strides = array<i32>} : memref<2x128xi32, #tpu.memory_space<vmem>>, vector<1x16xi32>,
        %swap3A_570 = vector.shape_cast %swap3A_569 : vector<1x16xi32> to vector<16xi32>
        %swap3A_571 = vector.shape_cast %shift_right_logical3A_565 : vector<16xi32> to vector<1x16xi32>
        tpu.vector_store %arg6[%swap3A_567, %swap3A_568], %swap3A_571 {strides = array<i32>} : memref<2x128xi32, #tpu.memory_space<vmem>>, vector<1x16xi32>,
        %get3A_572 = arith.index_cast %add3A_528 : i32 to index
        %get3A_573 = arith.constant 48 : index
        %get3A_574 = tpu.vector_load %arg5[%get3A_572, %get3A_573] {strides = array<i32>} : memref<120x128xi32, #tpu.memory_space<vmem>>, vector<1x16xi32>,
        %get3A_575 = vector.shape_cast %get3A_574 : vector<1x16xi32> to vector<16xi32>
        %shift_right_logical3A_576 = arith.constant 14 : i32
        %shift_right_logical3A_577 = vector.broadcast %shift_right_logical3A_576 : i32 to vector<16xi32>
        %shift_right_logical3A_578 = arith.shrui %get3A_575, %shift_right_logical3A_577 : vector<16xi32>
        %swap3A_579 = arith.constant 1 : i32
        %swap3A_580 = arith.index_cast %swap3A_579 : i32 to index
        %swap3A_581 = arith.constant 48 : index
        %swap3A_582 = tpu.vector_load %arg6[%swap3A_580, %swap3A_581] {strides = array<i32>} : memref<2x128xi32, #tpu.memory_space<vmem>>, vector<1x16xi32>,
        %swap3A_583 = vector.shape_cast %swap3A_582 : vector<1x16xi32> to vector<16xi32>
        %swap3A_584 = vector.shape_cast %shift_right_logical3A_578 : vector<16xi32> to vector<1x16xi32>
        tpu.vector_store %arg6[%swap3A_580, %swap3A_581], %swap3A_584 {strides = array<i32>} : memref<2x128xi32, #tpu.memory_space<vmem>>, vector<1x16xi32>,
        %get3A_585 = arith.index_cast %add3A_528 : i32 to index
        %get3A_586 = arith.constant 64 : index
        %get3A_587 = tpu.vector_load %arg5[%get3A_585, %get3A_586] {strides = array<i32>} : memref<120x128xi32, #tpu.memory_space<vmem>>, vector<1x16xi32>,
        %get3A_588 = vector.shape_cast %get3A_587 : vector<1x16xi32> to vector<16xi32>
        %shift_right_logical3A_589 = arith.constant 14 : i32
        %shift_right_logical3A_590 = vector.broadcast %shift_right_logical3A_589 : i32 to vector<16xi32>
        %shift_right_logical3A_591 = arith.shrui %get3A_588, %shift_right_logical3A_590 : vector<16xi32>
        %swap3A_592 = arith.constant 1 : i32
        %swap3A_593 = arith.index_cast %swap3A_592 : i32 to index
        %swap3A_594 = arith.constant 64 : index
        %swap3A_595 = tpu.vector_load %arg6[%swap3A_593, %swap3A_594] {strides = array<i32>} : memref<2x128xi32, #tpu.memory_space<vmem>>, vector<1x16xi32>,
        %swap3A_596 = vector.shape_cast %swap3A_595 : vector<1x16xi32> to vector<16xi32>
        %swap3A_597 = vector.shape_cast %shift_right_logical3A_591 : vector<16xi32> to vector<1x16xi32>
        tpu.vector_store %arg6[%swap3A_593, %swap3A_594], %swap3A_597 {strides = array<i32>} : memref<2x128xi32, #tpu.memory_space<vmem>>, vector<1x16xi32>,
        %get3A_598 = arith.index_cast %add3A_528 : i32 to index
        %get3A_599 = arith.constant 80 : index
        %get3A_600 = tpu.vector_load %arg5[%get3A_598, %get3A_599] {strides = array<i32>} : memref<120x128xi32, #tpu.memory_space<vmem>>, vector<1x16xi32>,
        %get3A_601 = vector.shape_cast %get3A_600 : vector<1x16xi32> to vector<16xi32>
        %shift_right_logical3A_602 = arith.constant 14 : i32
        %shift_right_logical3A_603 = vector.broadcast %shift_right_logical3A_602 : i32 to vector<16xi32>
        %shift_right_logical3A_604 = arith.shrui %get3A_601, %shift_right_logical3A_603 : vector<16xi32>
        %swap3A_605 = arith.constant 1 : i32
        %swap3A_606 = arith.index_cast %swap3A_605 : i32 to index
        %swap3A_607 = arith.constant 80 : index
        %swap3A_608 = tpu.vector_load %arg6[%swap3A_606, %swap3A_607] {strides = array<i32>} : memref<2x128xi32, #tpu.memory_space<vmem>>, vector<1x16xi32>,
        %swap3A_609 = vector.shape_cast %swap3A_608 : vector<1x16xi32> to vector<16xi32>
        %swap3A_610 = vector.shape_cast %shift_right_logical3A_604 : vector<16xi32> to vector<1x16xi32>
        tpu.vector_store %arg6[%swap3A_606, %swap3A_607], %swap3A_610 {strides = array<i32>} : memref<2x128xi32, #tpu.memory_space<vmem>>, vector<1x16xi32>,
        %get3A_611 = arith.index_cast %add3A_528 : i32 to index
        %get3A_612 = arith.constant 96 : index
        %get3A_613 = tpu.vector_load %arg5[%get3A_611, %get3A_612] {strides = array<i32>} : memref<120x128xi32, #tpu.memory_space<vmem>>, vector<1x16xi32>,
        %get3A_614 = vector.shape_cast %get3A_613 : vector<1x16xi32> to vector<16xi32>
        %shift_right_logical3A_615 = arith.constant 14 : i32
        %shift_right_logical3A_616 = vector.broadcast %shift_right_logical3A_615 : i32 to vector<16xi32>
        %shift_right_logical3A_617 = arith.shrui %get3A_614, %shift_right_logical3A_616 : vector<16xi32>
        %swap3A_618 = arith.constant 1 : i32
        %swap3A_619 = arith.index_cast %swap3A_618 : i32 to index
        %swap3A_620 = arith.constant 96 : index
        %swap3A_621 = tpu.vector_load %arg6[%swap3A_619, %swap3A_620] {strides = array<i32>} : memref<2x128xi32, #tpu.memory_space<vmem>>, vector<1x16xi32>,
        %swap3A_622 = vector.shape_cast %swap3A_621 : vector<1x16xi32> to vector<16xi32>
        %swap3A_623 = vector.shape_cast %shift_right_logical3A_617 : vector<16xi32> to vector<1x16xi32>
        tpu.vector_store %arg6[%swap3A_619, %swap3A_620], %swap3A_623 {strides = array<i32>} : memref<2x128xi32, #tpu.memory_space<vmem>>, vector<1x16xi32>,
        %get3A_624 = arith.index_cast %add3A_528 : i32 to index
        %get3A_625 = arith.constant 112 : index
        %get3A_626 = tpu.vector_load %arg5[%get3A_624, %get3A_625] {strides = array<i32>} : memref<120x128xi32, #tpu.memory_space<vmem>>, vector<1x16xi32>,
        %get3A_627 = vector.shape_cast %get3A_626 : vector<1x16xi32> to vector<16xi32>
        %shift_right_logical3A_628 = arith.constant 14 : i32
        %shift_right_logical3A_629 = vector.broadcast %shift_right_logical3A_628 : i32 to vector<16xi32>
        %shift_right_logical3A_630 = arith.shrui %get3A_627, %shift_right_logical3A_629 : vector<16xi32>
        %swap3A_631 = arith.constant 1 : i32
        %swap3A_632 = arith.index_cast %swap3A_631 : i32 to index
        %swap3A_633 = arith.constant 112 : index
        %swap3A_634 = tpu.vector_load %arg6[%swap3A_632, %swap3A_633] {strides = array<i32>} : memref<2x128xi32, #tpu.memory_space<vmem>>, vector<1x16xi32>,
        %swap3A_635 = vector.shape_cast %swap3A_634 : vector<1x16xi32> to vector<16xi32>
        %swap3A_636 = vector.shape_cast %shift_right_logical3A_630 : vector<16xi32> to vector<1x16xi32>
        tpu.vector_store %arg6[%swap3A_632, %swap3A_633], %swap3A_636 {strides = array<i32>} : memref<2x128xi32, #tpu.memory_space<vmem>>, vector<1x16xi32>,
        %dma_start3A_637 = arith.constant 1 : i32
        %dma_start3A_638 = arith.constant 0 : i32
        %dma_start3A_639 = tpu.memref_slice %arg6[%dma_start3A_637, %dma_start3A_638] : memref<2x128xi32, #tpu.memory_space<vmem>> -> memref<1x128xi32, #tpu.memory_space<vmem>>
        %dma_start3A_640 = tpu.memref_squeeze %dma_start3A_639 : memref<1x128xi32, #tpu.memory_space<vmem>> -> memref<128xi32, #tpu.memory_space<vmem>>
        %dma_start3A_641 = arith.constant 0 : i32
        %dma_start3A_642 = arith.constant 0 : i32
        %dma_start3A_643 = tpu.memref_slice %arg2[%dma_start3A_641, %dma_start3A_642] : memref<10240x128xf32, #tpu.memory_space<hbm>> -> memref<10240x128xf32, #tpu.memory_space<hbm>>
        tpu.enqueue_indirect_dma source(%dma_start3A_643 : memref<10240x128xf32, #tpu.memory_space<hbm>>) target(%arg9 : memref<128x128xf32, #tpu.memory_space<vmem>>) offsets(%dma_start3A_640 : memref<128xi32, #tpu.memory_space<vmem>>) semaphore(%arg12 : memref<!tpu.dma_semaphore, #tpu.memory_space<semaphore_mem>>)
      } else {
      }
    }
    %barrier3A_284 = arith.constant 0 : index
    tpu.barrier barrier_id(%barrier3A_284)
    %add3A_285 = arith.constant 0 : i32
    %add3A_286 = arith.addi %mul3A_13, %add3A_285 : i32
    "tpu.region"() ({
      %run_scoped3A = tpu.sem_alloc : memref<!tpu.dma_semaphore, #tpu.memory_space<semaphore_mem>>
      %dma_start3A_295 = arith.constant 0 : i32
      %dma_start3A_296 = tpu.memref_slice %arg10[%add3A_286, %dma_start3A_295] : memref<10240x128xf32, #tpu.memory_space<vmem_shared>> -> memref<128x128xf32, #tpu.memory_space<vmem_shared>>
      %dma_start3A_297 = arith.constant 0 : i32
      %dma_start3A_298 = tpu.memref_slice %arg10[%add3A_286, %dma_start3A_297] : memref<10240x128xf32, #tpu.memory_space<vmem_shared>> -> memref<128x128xf32, #tpu.memory_space<vmem_shared>>
      tpu.enqueue_dma source(%dma_start3A_298 : memref<128x128xf32, #tpu.memory_space<vmem_shared>>) target(%arg8 : memref<128x128xf32, #tpu.memory_space<vmem>>) target_semaphore(%run_scoped3A : memref<!tpu.dma_semaphore, #tpu.memory_space<semaphore_mem>>)
      %dma_wait3A = arith.constant 0 : i32
      %dma_wait3A_299 = tpu.memref_slice %arg10[%add3A_286, %dma_wait3A] : memref<10240x128xf32, #tpu.memory_space<vmem_shared>> -> memref<128x128xf32, #tpu.memory_space<vmem_shared>>
      %dma_wait3A_300 = arith.constant 0 : i32
      %dma_wait3A_301 = tpu.memref_slice %arg10[%add3A_286, %dma_wait3A_300] : memref<10240x128xf32, #tpu.memory_space<vmem_shared>> -> memref<128x128xf32, #tpu.memory_space<vmem_shared>>
      tpu.wait_dma2 semaphore(%run_scoped3A : memref<!tpu.dma_semaphore, #tpu.memory_space<semaphore_mem>>) src(%dma_wait3A_301 : memref<128x128xf32, #tpu.memory_space<vmem_shared>>) dst(%arg8 : memref<128x128xf32, #tpu.memory_space<vmem>>)
      tpu.yield
    }) : () -> ()
    "tpu.region"() ({
      %run_scoped3A = tpu.sem_alloc : memref<!tpu.dma_semaphore, #tpu.memory_space<semaphore_mem>>
      %dma_start3A_295 = arith.constant 0 : i32
      %dma_start3A_296 = tpu.memref_slice %arg4[%arg0, %add3A_286, %dma_start3A_295] : memref<2x10240x128xf32, #tpu.memory_space<hbm>> -> memref<1x128x128xf32, #tpu.memory_space<hbm>>
      %dma_start3A_297 = tpu.memref_squeeze %dma_start3A_296 : memref<1x128x128xf32, #tpu.memory_space<hbm>> -> memref<128x128xf32, #tpu.memory_space<hbm>>
      %dma_start3A_298 = arith.constant 0 : i32
      %dma_start3A_299 = tpu.memref_slice %arg4[%arg0, %add3A_286, %dma_start3A_298] : memref<2x10240x128xf32, #tpu.memory_space<hbm>> -> memref<1x128x128xf32, #tpu.memory_space<hbm>>
      %dma_start3A_300 = tpu.memref_squeeze %dma_start3A_299 : memref<1x128x128xf32, #tpu.memory_space<hbm>> -> memref<128x128xf32, #tpu.memory_space<hbm>>
      tpu.enqueue_dma source(%arg8 : memref<128x128xf32, #tpu.memory_space<vmem>>) target(%dma_start3A_300 : memref<128x128xf32, #tpu.memory_space<hbm>>) target_semaphore(%run_scoped3A : memref<!tpu.dma_semaphore, #tpu.memory_space<semaphore_mem>>)
      %dma_wait3A = arith.constant 0 : i32
      %dma_wait3A_301 = tpu.memref_slice %arg4[%arg0, %add3A_286, %dma_wait3A] : memref<2x10240x128xf32, #tpu.memory_space<hbm>> -> memref<1x128x128xf32, #tpu.memory_space<hbm>>
      %dma_wait3A_302 = tpu.memref_squeeze %dma_wait3A_301 : memref<1x128x128xf32, #tpu.memory_space<hbm>> -> memref<128x128xf32, #tpu.memory_space<hbm>>
      %dma_wait3A_303 = arith.constant 0 : i32
      %dma_wait3A_304 = tpu.memref_slice %arg4[%arg0, %add3A_286, %dma_wait3A_303] : memref<2x10240x128xf32, #tpu.memory_space<hbm>> -> memref<1x128x128xf32, #tpu.memory_space<hbm>>
      %dma_wait3A_305 = tpu.memref_squeeze %dma_wait3A_304 : memref<1x128x128xf32, #tpu.memory_space<hbm>> -> memref<128x128xf32, #tpu.memory_space<hbm>>
      tpu.wait_dma2 semaphore(%run_scoped3A : memref<!tpu.dma_semaphore, #tpu.memory_space<semaphore_mem>>) src(%arg8 : memref<128x128xf32, #tpu.memory_space<vmem>>) dst(%dma_wait3A_305 : memref<128x128xf32, #tpu.memory_space<hbm>>)
      tpu.yield
    }) : () -> ()
    %add3A_287 = arith.constant 128 : i32
    %add3A_288 = arith.addi %mul3A_13, %add3A_287 : i32
    "tpu.region"() ({
      %run_scoped3A = tpu.sem_alloc : memref<!tpu.dma_semaphore, #tpu.memory_space<semaphore_mem>>
      %dma_start3A_295 = arith.constant 0 : i32
      %dma_start3A_296 = tpu.memref_slice %arg10[%add3A_288, %dma_start3A_295] : memref<10240x128xf32, #tpu.memory_space<vmem_shared>> -> memref<128x128xf32, #tpu.memory_space<vmem_shared>>
      %dma_start3A_297 = arith.constant 0 : i32
      %dma_start3A_298 = tpu.memref_slice %arg10[%add3A_288, %dma_start3A_297] : memref<10240x128xf32, #tpu.memory_space<vmem_shared>> -> memref<128x128xf32, #tpu.memory_space<vmem_shared>>
      tpu.enqueue_dma source(%dma_start3A_298 : memref<128x128xf32, #tpu.memory_space<vmem_shared>>) target(%arg8 : memref<128x128xf32, #tpu.memory_space<vmem>>) target_semaphore(%run_scoped3A : memref<!tpu.dma_semaphore, #tpu.memory_space<semaphore_mem>>)
      %dma_wait3A = arith.constant 0 : i32
      %dma_wait3A_299 = tpu.memref_slice %arg10[%add3A_288, %dma_wait3A] : memref<10240x128xf32, #tpu.memory_space<vmem_shared>> -> memref<128x128xf32, #tpu.memory_space<vmem_shared>>
      %dma_wait3A_300 = arith.constant 0 : i32
      %dma_wait3A_301 = tpu.memref_slice %arg10[%add3A_288, %dma_wait3A_300] : memref<10240x128xf32, #tpu.memory_space<vmem_shared>> -> memref<128x128xf32, #tpu.memory_space<vmem_shared>>
      tpu.wait_dma2 semaphore(%run_scoped3A : memref<!tpu.dma_semaphore, #tpu.memory_space<semaphore_mem>>) src(%dma_wait3A_301 : memref<128x128xf32, #tpu.memory_space<vmem_shared>>) dst(%arg8 : memref<128x128xf32, #tpu.memory_space<vmem>>)
      tpu.yield
    }) : () -> ()
    "tpu.region"() ({
      %run_scoped3A = tpu.sem_alloc : memref<!tpu.dma_semaphore, #tpu.memory_space<semaphore_mem>>
      %dma_start3A_295 = arith.constant 0 : i32
      %dma_start3A_296 = tpu.memref_slice %arg4[%arg0, %add3A_288, %dma_start3A_295] : memref<2x10240x128xf32, #tpu.memory_space<hbm>> -> memref<1x128x128xf32, #tpu.memory_space<hbm>>
      %dma_start3A_297 = tpu.memref_squeeze %dma_start3A_296 : memref<1x128x128xf32, #tpu.memory_space<hbm>> -> memref<128x128xf32, #tpu.memory_space<hbm>>
      %dma_start3A_298 = arith.constant 0 : i32
      %dma_start3A_299 = tpu.memref_slice %arg4[%arg0, %add3A_288, %dma_start3A_298] : memref<2x10240x128xf32, #tpu.memory_space<hbm>> -> memref<1x128x128xf32, #tpu.memory_space<hbm>>
      %dma_start3A_300 = tpu.memref_squeeze %dma_start3A_299 : memref<1x128x128xf32, #tpu.memory_space<hbm>> -> memref<128x128xf32, #tpu.memory_space<hbm>>
      tpu.enqueue_dma source(%arg8 : memref<128x128xf32, #tpu.memory_space<vmem>>) target(%dma_start3A_300 : memref<128x128xf32, #tpu.memory_space<hbm>>) target_semaphore(%run_scoped3A : memref<!tpu.dma_semaphore, #tpu.memory_space<semaphore_mem>>)
      %dma_wait3A = arith.constant 0 : i32
      %dma_wait3A_301 = tpu.memref_slice %arg4[%arg0, %add3A_288, %dma_wait3A] : memref<2x10240x128xf32, #tpu.memory_space<hbm>> -> memref<1x128x128xf32, #tpu.memory_space<hbm>>
      %dma_wait3A_302 = tpu.memref_squeeze %dma_wait3A_301 : memref<1x128x128xf32, #tpu.memory_space<hbm>> -> memref<128x128xf32, #tpu.memory_space<hbm>>
      %dma_wait3A_303 = arith.constant 0 : i32
      %dma_wait3A_304 = tpu.memref_slice %arg4[%arg0, %add3A_288, %dma_wait3A_303] : memref<2x10240x128xf32, #tpu.memory_space<hbm>> -> memref<1x128x128xf32, #tpu.memory_space<hbm>>
      %dma_wait3A_305 = tpu.memref_squeeze %dma_wait3A_304 : memref<1x128x128xf32, #tpu.memory_space<hbm>> -> memref<128x128xf32, #tpu.memory_space<hbm>>
      tpu.wait_dma2 semaphore(%run_scoped3A : memref<!tpu.dma_semaphore, #tpu.memory_space<semaphore_mem>>) src(%arg8 : memref<128x128xf32, #tpu.memory_space<vmem>>) dst(%dma_wait3A_305 : memref<128x128xf32, #tpu.memory_space<hbm>>)
      tpu.yield
    }) : () -> ()
    %add3A_289 = arith.constant 256 : i32
    %add3A_290 = arith.addi %mul3A_13, %add3A_289 : i32
    "tpu.region"() ({
      %run_scoped3A = tpu.sem_alloc : memref<!tpu.dma_semaphore, #tpu.memory_space<semaphore_mem>>
      %dma_start3A_295 = arith.constant 0 : i32
      %dma_start3A_296 = tpu.memref_slice %arg10[%add3A_290, %dma_start3A_295] : memref<10240x128xf32, #tpu.memory_space<vmem_shared>> -> memref<128x128xf32, #tpu.memory_space<vmem_shared>>
      %dma_start3A_297 = arith.constant 0 : i32
      %dma_start3A_298 = tpu.memref_slice %arg10[%add3A_290, %dma_start3A_297] : memref<10240x128xf32, #tpu.memory_space<vmem_shared>> -> memref<128x128xf32, #tpu.memory_space<vmem_shared>>
      tpu.enqueue_dma source(%dma_start3A_298 : memref<128x128xf32, #tpu.memory_space<vmem_shared>>) target(%arg8 : memref<128x128xf32, #tpu.memory_space<vmem>>) target_semaphore(%run_scoped3A : memref<!tpu.dma_semaphore, #tpu.memory_space<semaphore_mem>>)
      %dma_wait3A = arith.constant 0 : i32
      %dma_wait3A_299 = tpu.memref_slice %arg10[%add3A_290, %dma_wait3A] : memref<10240x128xf32, #tpu.memory_space<vmem_shared>> -> memref<128x128xf32, #tpu.memory_space<vmem_shared>>
      %dma_wait3A_300 = arith.constant 0 : i32
      %dma_wait3A_301 = tpu.memref_slice %arg10[%add3A_290, %dma_wait3A_300] : memref<10240x128xf32, #tpu.memory_space<vmem_shared>> -> memref<128x128xf32, #tpu.memory_space<vmem_shared>>
      tpu.wait_dma2 semaphore(%run_scoped3A : memref<!tpu.dma_semaphore, #tpu.memory_space<semaphore_mem>>) src(%dma_wait3A_301 : memref<128x128xf32, #tpu.memory_space<vmem_shared>>) dst(%arg8 : memref<128x128xf32, #tpu.memory_space<vmem>>)
      tpu.yield
    }) : () -> ()
    "tpu.region"() ({
      %run_scoped3A = tpu.sem_alloc : memref<!tpu.dma_semaphore, #tpu.memory_space<semaphore_mem>>
      %dma_start3A_295 = arith.constant 0 : i32
      %dma_start3A_296 = tpu.memref_slice %arg4[%arg0, %add3A_290, %dma_start3A_295] : memref<2x10240x128xf32, #tpu.memory_space<hbm>> -> memref<1x128x128xf32, #tpu.memory_space<hbm>>
      %dma_start3A_297 = tpu.memref_squeeze %dma_start3A_296 : memref<1x128x128xf32, #tpu.memory_space<hbm>> -> memref<128x128xf32, #tpu.memory_space<hbm>>
      %dma_start3A_298 = arith.constant 0 : i32
      %dma_start3A_299 = tpu.memref_slice %arg4[%arg0, %add3A_290, %dma_start3A_298] : memref<2x10240x128xf32, #tpu.memory_space<hbm>> -> memref<1x128x128xf32, #tpu.memory_space<hbm>>
      %dma_start3A_300 = tpu.memref_squeeze %dma_start3A_299 : memref<1x128x128xf32, #tpu.memory_space<hbm>> -> memref<128x128xf32, #tpu.memory_space<hbm>>
      tpu.enqueue_dma source(%arg8 : memref<128x128xf32, #tpu.memory_space<vmem>>) target(%dma_start3A_300 : memref<128x128xf32, #tpu.memory_space<hbm>>) target_semaphore(%run_scoped3A : memref<!tpu.dma_semaphore, #tpu.memory_space<semaphore_mem>>)
      %dma_wait3A = arith.constant 0 : i32
      %dma_wait3A_301 = tpu.memref_slice %arg4[%arg0, %add3A_290, %dma_wait3A] : memref<2x10240x128xf32, #tpu.memory_space<hbm>> -> memref<1x128x128xf32, #tpu.memory_space<hbm>>
      %dma_wait3A_302 = tpu.memref_squeeze %dma_wait3A_301 : memref<1x128x128xf32, #tpu.memory_space<hbm>> -> memref<128x128xf32, #tpu.memory_space<hbm>>
      %dma_wait3A_303 = arith.constant 0 : i32
      %dma_wait3A_304 = tpu.memref_slice %arg4[%arg0, %add3A_290, %dma_wait3A_303] : memref<2x10240x128xf32, #tpu.memory_space<hbm>> -> memref<1x128x128xf32, #tpu.memory_space<hbm>>
      %dma_wait3A_305 = tpu.memref_squeeze %dma_wait3A_304 : memref<1x128x128xf32, #tpu.memory_space<hbm>> -> memref<128x128xf32, #tpu.memory_space<hbm>>
      tpu.wait_dma2 semaphore(%run_scoped3A : memref<!tpu.dma_semaphore, #tpu.memory_space<semaphore_mem>>) src(%arg8 : memref<128x128xf32, #tpu.memory_space<vmem>>) dst(%dma_wait3A_305 : memref<128x128xf32, #tpu.memory_space<hbm>>)
      tpu.yield
    }) : () -> ()
    %add3A_291 = arith.constant 384 : i32
    %add3A_292 = arith.addi %mul3A_13, %add3A_291 : i32
    "tpu.region"() ({
      %run_scoped3A = tpu.sem_alloc : memref<!tpu.dma_semaphore, #tpu.memory_space<semaphore_mem>>
      %dma_start3A_295 = arith.constant 0 : i32
      %dma_start3A_296 = tpu.memref_slice %arg10[%add3A_292, %dma_start3A_295] : memref<10240x128xf32, #tpu.memory_space<vmem_shared>> -> memref<128x128xf32, #tpu.memory_space<vmem_shared>>
      %dma_start3A_297 = arith.constant 0 : i32
      %dma_start3A_298 = tpu.memref_slice %arg10[%add3A_292, %dma_start3A_297] : memref<10240x128xf32, #tpu.memory_space<vmem_shared>> -> memref<128x128xf32, #tpu.memory_space<vmem_shared>>
      tpu.enqueue_dma source(%dma_start3A_298 : memref<128x128xf32, #tpu.memory_space<vmem_shared>>) target(%arg8 : memref<128x128xf32, #tpu.memory_space<vmem>>) target_semaphore(%run_scoped3A : memref<!tpu.dma_semaphore, #tpu.memory_space<semaphore_mem>>)
      %dma_wait3A = arith.constant 0 : i32
      %dma_wait3A_299 = tpu.memref_slice %arg10[%add3A_292, %dma_wait3A] : memref<10240x128xf32, #tpu.memory_space<vmem_shared>> -> memref<128x128xf32, #tpu.memory_space<vmem_shared>>
      %dma_wait3A_300 = arith.constant 0 : i32
      %dma_wait3A_301 = tpu.memref_slice %arg10[%add3A_292, %dma_wait3A_300] : memref<10240x128xf32, #tpu.memory_space<vmem_shared>> -> memref<128x128xf32, #tpu.memory_space<vmem_shared>>
      tpu.wait_dma2 semaphore(%run_scoped3A : memref<!tpu.dma_semaphore, #tpu.memory_space<semaphore_mem>>) src(%dma_wait3A_301 : memref<128x128xf32, #tpu.memory_space<vmem_shared>>) dst(%arg8 : memref<128x128xf32, #tpu.memory_space<vmem>>)
      tpu.yield
    }) : () -> ()
    "tpu.region"() ({
      %run_scoped3A = tpu.sem_alloc : memref<!tpu.dma_semaphore, #tpu.memory_space<semaphore_mem>>
      %dma_start3A_295 = arith.constant 0 : i32
      %dma_start3A_296 = tpu.memref_slice %arg4[%arg0, %add3A_292, %dma_start3A_295] : memref<2x10240x128xf32, #tpu.memory_space<hbm>> -> memref<1x128x128xf32, #tpu.memory_space<hbm>>
      %dma_start3A_297 = tpu.memref_squeeze %dma_start3A_296 : memref<1x128x128xf32, #tpu.memory_space<hbm>> -> memref<128x128xf32, #tpu.memory_space<hbm>>
      %dma_start3A_298 = arith.constant 0 : i32
      %dma_start3A_299 = tpu.memref_slice %arg4[%arg0, %add3A_292, %dma_start3A_298] : memref<2x10240x128xf32, #tpu.memory_space<hbm>> -> memref<1x128x128xf32, #tpu.memory_space<hbm>>
      %dma_start3A_300 = tpu.memref_squeeze %dma_start3A_299 : memref<1x128x128xf32, #tpu.memory_space<hbm>> -> memref<128x128xf32, #tpu.memory_space<hbm>>
      tpu.enqueue_dma source(%arg8 : memref<128x128xf32, #tpu.memory_space<vmem>>) target(%dma_start3A_300 : memref<128x128xf32, #tpu.memory_space<hbm>>) target_semaphore(%run_scoped3A : memref<!tpu.dma_semaphore, #tpu.memory_space<semaphore_mem>>)
      %dma_wait3A = arith.constant 0 : i32
      %dma_wait3A_301 = tpu.memref_slice %arg4[%arg0, %add3A_292, %dma_wait3A] : memref<2x10240x128xf32, #tpu.memory_space<hbm>> -> memref<1x128x128xf32, #tpu.memory_space<hbm>>
      %dma_wait3A_302 = tpu.memref_squeeze %dma_wait3A_301 : memref<1x128x128xf32, #tpu.memory_space<hbm>> -> memref<128x128xf32, #tpu.memory_space<hbm>>
      %dma_wait3A_303 = arith.constant 0 : i32
      %dma_wait3A_304 = tpu.memref_slice %arg4[%arg0, %add3A_292, %dma_wait3A_303] : memref<2x10240x128xf32, #tpu.memory_space<hbm>> -> memref<1x128x128xf32, #tpu.memory_space<hbm>>
      %dma_wait3A_305 = tpu.memref_squeeze %dma_wait3A_304 : memref<1x128x128xf32, #tpu.memory_space<hbm>> -> memref<128x128xf32, #tpu.memory_space<hbm>>
      tpu.wait_dma2 semaphore(%run_scoped3A : memref<!tpu.dma_semaphore, #tpu.memory_space<semaphore_mem>>) src(%arg8 : memref<128x128xf32, #tpu.memory_space<vmem>>) dst(%dma_wait3A_305 : memref<128x128xf32, #tpu.memory_space<hbm>>)
      tpu.yield
    }) : () -> ()
    %add3A_293 = arith.constant 512 : i32
    %add3A_294 = arith.addi %mul3A_13, %add3A_293 : i32
    "tpu.region"() ({
      %run_scoped3A = tpu.sem_alloc : memref<!tpu.dma_semaphore, #tpu.memory_space<semaphore_mem>>
      %dma_start3A_295 = arith.constant 0 : i32
      %dma_start3A_296 = tpu.memref_slice %arg10[%add3A_294, %dma_start3A_295] : memref<10240x128xf32, #tpu.memory_space<vmem_shared>> -> memref<128x128xf32, #tpu.memory_space<vmem_shared>>
      %dma_start3A_297 = arith.constant 0 : i32
      %dma_start3A_298 = tpu.memref_slice %arg10[%add3A_294, %dma_start3A_297] : memref<10240x128xf32, #tpu.memory_space<vmem_shared>> -> memref<128x128xf32, #tpu.memory_space<vmem_shared>>
      tpu.enqueue_dma source(%dma_start3A_298 : memref<128x128xf32, #tpu.memory_space<vmem_shared>>) target(%arg8 : memref<128x128xf32, #tpu.memory_space<vmem>>) target_semaphore(%run_scoped3A : memref<!tpu.dma_semaphore, #tpu.memory_space<semaphore_mem>>)
      %dma_wait3A = arith.constant 0 : i32
      %dma_wait3A_299 = tpu.memref_slice %arg10[%add3A_294, %dma_wait3A] : memref<10240x128xf32, #tpu.memory_space<vmem_shared>> -> memref<128x128xf32, #tpu.memory_space<vmem_shared>>
      %dma_wait3A_300 = arith.constant 0 : i32
      %dma_wait3A_301 = tpu.memref_slice %arg10[%add3A_294, %dma_wait3A_300] : memref<10240x128xf32, #tpu.memory_space<vmem_shared>> -> memref<128x128xf32, #tpu.memory_space<vmem_shared>>
      tpu.wait_dma2 semaphore(%run_scoped3A : memref<!tpu.dma_semaphore, #tpu.memory_space<semaphore_mem>>) src(%dma_wait3A_301 : memref<128x128xf32, #tpu.memory_space<vmem_shared>>) dst(%arg8 : memref<128x128xf32, #tpu.memory_space<vmem>>)
      tpu.yield
    }) : () -> ()
    "tpu.region"() ({
      %run_scoped3A = tpu.sem_alloc : memref<!tpu.dma_semaphore, #tpu.memory_space<semaphore_mem>>
      %dma_start3A_295 = arith.constant 0 : i32
      %dma_start3A_296 = tpu.memref_slice %arg4[%arg0, %add3A_294, %dma_start3A_295] : memref<2x10240x128xf32, #tpu.memory_space<hbm>> -> memref<1x128x128xf32, #tpu.memory_space<hbm>>
      %dma_start3A_297 = tpu.memref_squeeze %dma_start3A_296 : memref<1x128x128xf32, #tpu.memory_space<hbm>> -> memref<128x128xf32, #tpu.memory_space<hbm>>
      %dma_start3A_298 = arith.constant 0 : i32
      %dma_start3A_299 = tpu.memref_slice %arg4[%arg0, %add3A_294, %dma_start3A_298] : memref<2x10240x128xf32, #tpu.memory_space<hbm>> -> memref<1x128x128xf32, #tpu.memory_space<hbm>>
      %dma_start3A_300 = tpu.memref_squeeze %dma_start3A_299 : memref<1x128x128xf32, #tpu.memory_space<hbm>> -> memref<128x128xf32, #tpu.memory_space<hbm>>
      tpu.enqueue_dma source(%arg8 : memref<128x128xf32, #tpu.memory_space<vmem>>) target(%dma_start3A_300 : memref<128x128xf32, #tpu.memory_space<hbm>>) target_semaphore(%run_scoped3A : memref<!tpu.dma_semaphore, #tpu.memory_space<semaphore_mem>>)
      %dma_wait3A = arith.constant 0 : i32
      %dma_wait3A_301 = tpu.memref_slice %arg4[%arg0, %add3A_294, %dma_wait3A] : memref<2x10240x128xf32, #tpu.memory_space<hbm>> -> memref<1x128x128xf32, #tpu.memory_space<hbm>>
      %dma_wait3A_302 = tpu.memref_squeeze %dma_wait3A_301 : memref<1x128x128xf32, #tpu.memory_space<hbm>> -> memref<128x128xf32, #tpu.memory_space<hbm>>
      %dma_wait3A_303 = arith.constant 0 : i32
      %dma_wait3A_304 = tpu.memref_slice %arg4[%arg0, %add3A_294, %dma_wait3A_303] : memref<2x10240x128xf32, #tpu.memory_space<hbm>> -> memref<1x128x128xf32, #tpu.memory_space<hbm>>
      %dma_wait3A_305 = tpu.memref_squeeze %dma_wait3A_304 : memref<1x128x128xf32, #tpu.memory_space<hbm>> -> memref<128x128xf32, #tpu.memory_space<hbm>>
      tpu.wait_dma2 semaphore(%run_scoped3A : memref<!tpu.dma_semaphore, #tpu.memory_space<semaphore_mem>>) src(%arg8 : memref<128x128xf32, #tpu.memory_space<vmem>>) dst(%dma_wait3A_305 : memref<128x128xf32, #tpu.memory_space<hbm>>)
      tpu.yield
    }) : () -> ()
    return
  }
}

#map = affine_map<(d0, d1) -> (0, 0, 0)>
#map1 = affine_map<(d0, d1) -> (0, 0)>
module attributes {stable_mosaic.version = 14 : i64} {
  func.func @_cnt(%arg0: i32, %arg1: i32, %arg2: memref<32x80x128xi32, #tpu.memory_space<hbm>>, %arg3: memref<32x10240xf32, #tpu.memory_space<hbm>>, %arg4: memref<80x128xi32, #tpu.memory_space<vmem>>, %arg5: memref<10240xf32, #tpu.memory_space<vmem>>) attributes {dimension_semantics = [#tpu.dimension_semantics<core_parallel>, #tpu.dimension_semantics<subcore_parallel>], iteration_bounds = array<i64: 2, 16>, scalar_prefetch = 0 : i64, scratch_operands = 2 : i64, tpu.core_type = #tpu.core_type<sc_vector_subcore>, window_params = [{transform_indices = #map}, {transform_indices = #map1}]} {
    %mul3A = arith.constant 16 : i32
    %mul3A_0 = arith.muli %arg0, %mul3A : i32
    %add3A = arith.addi %mul3A_0, %arg1 : i32
    "tpu.region"() ({
      %run_scoped3A = tpu.sem_alloc : memref<!tpu.dma_semaphore, #tpu.memory_space<semaphore_mem>>
      %dma_start3A = arith.constant 0 : i32
      %dma_start3A_15 = arith.constant 0 : i32
      %dma_start3A_16 = tpu.memref_slice %arg2[%add3A, %dma_start3A, %dma_start3A_15] : memref<32x80x128xi32, #tpu.memory_space<hbm>> -> memref<1x80x128xi32, #tpu.memory_space<hbm>>
      %dma_start3A_17 = tpu.memref_squeeze %dma_start3A_16 : memref<1x80x128xi32, #tpu.memory_space<hbm>> -> memref<80x128xi32, #tpu.memory_space<hbm>>
      %dma_start3A_18 = arith.constant 0 : i32
      %dma_start3A_19 = arith.constant 0 : i32
      %dma_start3A_20 = tpu.memref_slice %arg2[%add3A, %dma_start3A_18, %dma_start3A_19] : memref<32x80x128xi32, #tpu.memory_space<hbm>> -> memref<1x80x128xi32, #tpu.memory_space<hbm>>
      %dma_start3A_21 = tpu.memref_squeeze %dma_start3A_20 : memref<1x80x128xi32, #tpu.memory_space<hbm>> -> memref<80x128xi32, #tpu.memory_space<hbm>>
      tpu.enqueue_dma source(%dma_start3A_21 : memref<80x128xi32, #tpu.memory_space<hbm>>) target(%arg4 : memref<80x128xi32, #tpu.memory_space<vmem>>) target_semaphore(%run_scoped3A : memref<!tpu.dma_semaphore, #tpu.memory_space<semaphore_mem>>)
      %dma_wait3A = arith.constant 0 : i32
      %dma_wait3A_22 = arith.constant 0 : i32
      %dma_wait3A_23 = tpu.memref_slice %arg2[%add3A, %dma_wait3A, %dma_wait3A_22] : memref<32x80x128xi32, #tpu.memory_space<hbm>> -> memref<1x80x128xi32, #tpu.memory_space<hbm>>
      %dma_wait3A_24 = tpu.memref_squeeze %dma_wait3A_23 : memref<1x80x128xi32, #tpu.memory_space<hbm>> -> memref<80x128xi32, #tpu.memory_space<hbm>>
      %dma_wait3A_25 = arith.constant 0 : i32
      %dma_wait3A_26 = arith.constant 0 : i32
      %dma_wait3A_27 = tpu.memref_slice %arg2[%add3A, %dma_wait3A_25, %dma_wait3A_26] : memref<32x80x128xi32, #tpu.memory_space<hbm>> -> memref<1x80x128xi32, #tpu.memory_space<hbm>>
      %dma_wait3A_28 = tpu.memref_squeeze %dma_wait3A_27 : memref<1x80x128xi32, #tpu.memory_space<hbm>> -> memref<80x128xi32, #tpu.memory_space<hbm>>
      tpu.wait_dma2 semaphore(%run_scoped3A : memref<!tpu.dma_semaphore, #tpu.memory_space<semaphore_mem>>) src(%dma_wait3A_28 : memref<80x128xi32, #tpu.memory_space<hbm>>) dst(%arg4 : memref<80x128xi32, #tpu.memory_space<vmem>>)
      tpu.yield
    }) : () -> ()
    %broadcast_in_dim3A = arith.constant 0.000000e+00 : f32
    %broadcast_in_dim3A_1 = vector.broadcast %broadcast_in_dim3A : f32 to vector<16xf32>
    %scan3A = arith.constant 0 : i32
    %scan3A_2 = arith.constant 0 : i32
    %scan3A_3 = arith.constant 640 : i32
    %scan3A_4 = arith.addi %scan3A_2, %scan3A_3 : i32
    %scan3A_5 = arith.constant 1 : i32
    scf.for %scan3A_15 = %scan3A_2 to %scan3A_4 step %scan3A_5  : i32 {
      %mul3A_16 = arith.constant 16 : i32
      %mul3A_17 = arith.muli %mul3A_16, %scan3A_15 : i32
      %swap3A = arith.index_cast %mul3A_17 : i32 to index
      %swap3A_18 = tpu.vector_load %arg5[%swap3A] {strides = array<i32>} : memref<10240xf32, #tpu.memory_space<vmem>>, vector<16xf32>,
      tpu.vector_store %arg5[%swap3A], %broadcast_in_dim3A_1 {strides = array<i32>} : memref<10240xf32, #tpu.memory_space<vmem>>, vector<16xf32>,
    }
    %scan3A_6 = arith.constant 640 : i32
    %broadcast_in_dim3A_7 = arith.constant 1.000000e+00 : f32
    %broadcast_in_dim3A_8 = vector.broadcast %broadcast_in_dim3A_7 : f32 to vector<16xf32>
    %scan3A_9 = arith.constant 0 : i32
    %scan3A_10 = arith.constant 0 : i32
    %scan3A_11 = arith.constant 80 : i32
    %scan3A_12 = arith.addi %scan3A_10, %scan3A_11 : i32
    %scan3A_13 = arith.constant 1 : i32
    scf.for %scan3A_15 = %scan3A_10 to %scan3A_12 step %scan3A_13  : i32 {
      %get3A = arith.index_cast %scan3A_15 : i32 to index
      %get3A_16 = arith.constant 0 : index
      %get3A_17 = tpu.vector_load %arg4[%get3A, %get3A_16] {strides = array<i32>} : memref<80x128xi32, #tpu.memory_space<vmem>>, vector<16xi32>,
      %and3A = arith.constant 16383 : i32
      %and3A_18 = vector.broadcast %and3A : i32 to vector<16xi32>
      %and3A_19 = arith.andi %get3A_17, %and3A_18 : vector<16xi32>
      tpu.vector_store_idx %arg5[%and3A_19], %broadcast_in_dim3A_8 {add = true} : memref<10240xf32, #tpu.memory_space<vmem>>[vector<16xi32>], vector<16xf32>,
      %get3A_20 = arith.index_cast %scan3A_15 : i32 to index
      %get3A_21 = arith.constant 16 : index
      %get3A_22 = tpu.vector_load %arg4[%get3A_20, %get3A_21] {strides = array<i32>} : memref<80x128xi32, #tpu.memory_space<vmem>>, vector<16xi32>,
      %and3A_23 = arith.constant 16383 : i32
      %and3A_24 = vector.broadcast %and3A_23 : i32 to vector<16xi32>
      %and3A_25 = arith.andi %get3A_22, %and3A_24 : vector<16xi32>
      tpu.vector_store_idx %arg5[%and3A_25], %broadcast_in_dim3A_8 {add = true} : memref<10240xf32, #tpu.memory_space<vmem>>[vector<16xi32>], vector<16xf32>,
      %get3A_26 = arith.index_cast %scan3A_15 : i32 to index
      %get3A_27 = arith.constant 32 : index
      %get3A_28 = tpu.vector_load %arg4[%get3A_26, %get3A_27] {strides = array<i32>} : memref<80x128xi32, #tpu.memory_space<vmem>>, vector<16xi32>,
      %and3A_29 = arith.constant 16383 : i32
      %and3A_30 = vector.broadcast %and3A_29 : i32 to vector<16xi32>
      %and3A_31 = arith.andi %get3A_28, %and3A_30 : vector<16xi32>
      tpu.vector_store_idx %arg5[%and3A_31], %broadcast_in_dim3A_8 {add = true} : memref<10240xf32, #tpu.memory_space<vmem>>[vector<16xi32>], vector<16xf32>,
      %get3A_32 = arith.index_cast %scan3A_15 : i32 to index
      %get3A_33 = arith.constant 48 : index
      %get3A_34 = tpu.vector_load %arg4[%get3A_32, %get3A_33] {strides = array<i32>} : memref<80x128xi32, #tpu.memory_space<vmem>>, vector<16xi32>,
      %and3A_35 = arith.constant 16383 : i32
      %and3A_36 = vector.broadcast %and3A_35 : i32 to vector<16xi32>
      %and3A_37 = arith.andi %get3A_34, %and3A_36 : vector<16xi32>
      tpu.vector_store_idx %arg5[%and3A_37], %broadcast_in_dim3A_8 {add = true} : memref<10240xf32, #tpu.memory_space<vmem>>[vector<16xi32>], vector<16xf32>,
      %get3A_38 = arith.index_cast %scan3A_15 : i32 to index
      %get3A_39 = arith.constant 64 : index
      %get3A_40 = tpu.vector_load %arg4[%get3A_38, %get3A_39] {strides = array<i32>} : memref<80x128xi32, #tpu.memory_space<vmem>>, vector<16xi32>,
      %and3A_41 = arith.constant 16383 : i32
      %and3A_42 = vector.broadcast %and3A_41 : i32 to vector<16xi32>
      %and3A_43 = arith.andi %get3A_40, %and3A_42 : vector<16xi32>
      tpu.vector_store_idx %arg5[%and3A_43], %broadcast_in_dim3A_8 {add = true} : memref<10240xf32, #tpu.memory_space<vmem>>[vector<16xi32>], vector<16xf32>,
      %get3A_44 = arith.index_cast %scan3A_15 : i32 to index
      %get3A_45 = arith.constant 80 : index
      %get3A_46 = tpu.vector_load %arg4[%get3A_44, %get3A_45] {strides = array<i32>} : memref<80x128xi32, #tpu.memory_space<vmem>>, vector<16xi32>,
      %and3A_47 = arith.constant 16383 : i32
      %and3A_48 = vector.broadcast %and3A_47 : i32 to vector<16xi32>
      %and3A_49 = arith.andi %get3A_46, %and3A_48 : vector<16xi32>
      tpu.vector_store_idx %arg5[%and3A_49], %broadcast_in_dim3A_8 {add = true} : memref<10240xf32, #tpu.memory_space<vmem>>[vector<16xi32>], vector<16xf32>,
      %get3A_50 = arith.index_cast %scan3A_15 : i32 to index
      %get3A_51 = arith.constant 96 : index
      %get3A_52 = tpu.vector_load %arg4[%get3A_50, %get3A_51] {strides = array<i32>} : memref<80x128xi32, #tpu.memory_space<vmem>>, vector<16xi32>,
      %and3A_53 = arith.constant 16383 : i32
      %and3A_54 = vector.broadcast %and3A_53 : i32 to vector<16xi32>
      %and3A_55 = arith.andi %get3A_52, %and3A_54 : vector<16xi32>
      tpu.vector_store_idx %arg5[%and3A_55], %broadcast_in_dim3A_8 {add = true} : memref<10240xf32, #tpu.memory_space<vmem>>[vector<16xi32>], vector<16xf32>,
      %get3A_56 = arith.index_cast %scan3A_15 : i32 to index
      %get3A_57 = arith.constant 112 : index
      %get3A_58 = tpu.vector_load %arg4[%get3A_56, %get3A_57] {strides = array<i32>} : memref<80x128xi32, #tpu.memory_space<vmem>>, vector<16xi32>,
      %and3A_59 = arith.constant 16383 : i32
      %and3A_60 = vector.broadcast %and3A_59 : i32 to vector<16xi32>
      %and3A_61 = arith.andi %get3A_58, %and3A_60 : vector<16xi32>
      tpu.vector_store_idx %arg5[%and3A_61], %broadcast_in_dim3A_8 {add = true} : memref<10240xf32, #tpu.memory_space<vmem>>[vector<16xi32>], vector<16xf32>,
    }
    %scan3A_14 = arith.constant 80 : i32
    "tpu.region"() ({
      %run_scoped3A = tpu.sem_alloc : memref<!tpu.dma_semaphore, #tpu.memory_space<semaphore_mem>>
      %dma_start3A = arith.constant 0 : i32
      %dma_start3A_15 = tpu.memref_slice %arg3[%add3A, %dma_start3A] : memref<32x10240xf32, #tpu.memory_space<hbm>> -> memref<1x10240xf32, #tpu.memory_space<hbm>>
      %dma_start3A_16 = tpu.memref_squeeze %dma_start3A_15 : memref<1x10240xf32, #tpu.memory_space<hbm>> -> memref<10240xf32, #tpu.memory_space<hbm>>
      %dma_start3A_17 = arith.constant 0 : i32
      %dma_start3A_18 = tpu.memref_slice %arg3[%add3A, %dma_start3A_17] : memref<32x10240xf32, #tpu.memory_space<hbm>> -> memref<1x10240xf32, #tpu.memory_space<hbm>>
      %dma_start3A_19 = tpu.memref_squeeze %dma_start3A_18 : memref<1x10240xf32, #tpu.memory_space<hbm>> -> memref<10240xf32, #tpu.memory_space<hbm>>
      tpu.enqueue_dma source(%arg5 : memref<10240xf32, #tpu.memory_space<vmem>>) target(%dma_start3A_19 : memref<10240xf32, #tpu.memory_space<hbm>>) target_semaphore(%run_scoped3A : memref<!tpu.dma_semaphore, #tpu.memory_space<semaphore_mem>>)
      %dma_wait3A = arith.constant 0 : i32
      %dma_wait3A_20 = tpu.memref_slice %arg3[%add3A, %dma_wait3A] : memref<32x10240xf32, #tpu.memory_space<hbm>> -> memref<1x10240xf32, #tpu.memory_space<hbm>>
      %dma_wait3A_21 = tpu.memref_squeeze %dma_wait3A_20 : memref<1x10240xf32, #tpu.memory_space<hbm>> -> memref<10240xf32, #tpu.memory_space<hbm>>
      %dma_wait3A_22 = arith.constant 0 : i32
      %dma_wait3A_23 = tpu.memref_slice %arg3[%add3A, %dma_wait3A_22] : memref<32x10240xf32, #tpu.memory_space<hbm>> -> memref<1x10240xf32, #tpu.memory_space<hbm>>
      %dma_wait3A_24 = tpu.memref_squeeze %dma_wait3A_23 : memref<1x10240xf32, #tpu.memory_space<hbm>> -> memref<10240xf32, #tpu.memory_space<hbm>>
      tpu.wait_dma2 semaphore(%run_scoped3A : memref<!tpu.dma_semaphore, #tpu.memory_space<semaphore_mem>>) src(%arg5 : memref<10240xf32, #tpu.memory_space<vmem>>) dst(%dma_wait3A_24 : memref<10240xf32, #tpu.memory_space<hbm>>)
      tpu.yield
    }) : () -> ()
    return
  }
}

#map = affine_map<(d0, d1) -> (0, 0)>
#map1 = affine_map<(d0, d1) -> (0, 0, 0)>
module attributes {stable_mosaic.version = 14 : i64} {
  func.func @_agg(%arg0: i32, %arg1: i32, %arg2: memref<10240x128xf32, #tpu.memory_space<hbm>>, %arg3: memref<16x160x128xi32, #tpu.memory_space<hbm>>, %arg4: memref<2x10240x128xf32, #tpu.memory_space<hbm>>, %arg5: memref<120x128xi32, #tpu.memory_space<vmem>>, %arg6: memref<2x128xi32, #tpu.memory_space<vmem>>, %arg7: memref<2x128xi32, #tpu.memory_space<vmem>>, %arg8: memref<128x128xf32, #tpu.memory_space<vmem>>, %arg9: memref<128x128xf32, #tpu.memory_space<vmem>>, %arg10: memref<10240x128xf32, #tpu.memory_space<vmem_shared>>, %arg11: memref<!tpu.dma_semaphore, #tpu.memory_space<semaphore_mem>>, %arg12: memref<!tpu.dma_semaphore, #tpu.memory_space<semaphore_mem>>) attributes {dimension_semantics = [#tpu.dimension_semantics<core_parallel>, #tpu.dimension_semantics<subcore_parallel>], iteration_bounds = array<i64: 2, 16>, scalar_prefetch = 0 : i64, scratch_operands = 8 : i64, tpu.core_type = #tpu.core_type<sc_vector_subcore>, window_params = [{transform_indices = #map}, {transform_indices = #map1}, {transform_indices = #map1}]} {
    %eq3A = arith.constant 0 : i32
    %eq3A_0 = arith.cmpi eq, %arg0, %eq3A : i32
    %jit3A = arith.constant 0 : i32
    %jit3A_1 = arith.constant 120 : i32
    %select_n3A = arith.select %eq3A_0, %jit3A, %jit3A_1 : i32
    %eq3A_2 = arith.constant 0 : i32
    %eq3A_3 = arith.cmpi eq, %arg0, %eq3A_2 : i32
    %jit3A_4 = arith.constant 120 : i32
    %jit3A_5 = arith.constant 40 : i32
    %select_n3A_6 = arith.select %eq3A_3, %jit3A_4, %jit3A_5 : i32
    "tpu.region"() ({
      %run_scoped3A = tpu.sem_alloc : memref<!tpu.dma_semaphore, #tpu.memory_space<semaphore_mem>>
      %dma_start3A_295 = arith.constant 0 : i32
      %dma_start3A_296 = tpu.memref_slice %arg3[%arg1, %select_n3A, %dma_start3A_295] : memref<16x160x128xi32, #tpu.memory_space<hbm>> -> memref<1x120x128xi32, #tpu.memory_space<hbm>>
      %dma_start3A_297 = tpu.memref_squeeze %dma_start3A_296 : memref<1x120x128xi32, #tpu.memory_space<hbm>> -> memref<120x128xi32, #tpu.memory_space<hbm>>
      %dma_start3A_298 = arith.constant 0 : i32
      %dma_start3A_299 = tpu.memref_slice %arg3[%arg1, %select_n3A, %dma_start3A_298] : memref<16x160x128xi32, #tpu.memory_space<hbm>> -> memref<1x120x128xi32, #tpu.memory_space<hbm>>
      %dma_start3A_300 = tpu.memref_squeeze %dma_start3A_299 : memref<1x120x128xi32, #tpu.memory_space<hbm>> -> memref<120x128xi32, #tpu.memory_space<hbm>>
      tpu.enqueue_dma source(%dma_start3A_300 : memref<120x128xi32, #tpu.memory_space<hbm>>) target(%arg5 : memref<120x128xi32, #tpu.memory_space<vmem>>) target_semaphore(%run_scoped3A : memref<!tpu.dma_semaphore, #tpu.memory_space<semaphore_mem>>)
      %dma_wait3A = arith.constant 0 : i32
      %dma_wait3A_301 = tpu.memref_slice %arg3[%arg1, %select_n3A, %dma_wait3A] : memref<16x160x128xi32, #tpu.memory_space<hbm>> -> memref<1x120x128xi32, #tpu.memory_space<hbm>>
      %dma_wait3A_302 = tpu.memref_squeeze %dma_wait3A_301 : memref<1x120x128xi32, #tpu.memory_space<hbm>> -> memref<120x128xi32, #tpu.memory_space<hbm>>
      %dma_wait3A_303 = arith.constant 0 : i32
      %dma_wait3A_304 = tpu.memref_slice %arg3[%arg1, %select_n3A, %dma_wait3A_303] : memref<16x160x128xi32, #tpu.memory_space<hbm>> -> memref<1x120x128xi32, #tpu.memory_space<hbm>>
      %dma_wait3A_305 = tpu.memref_squeeze %dma_wait3A_304 : memref<1x120x128xi32, #tpu.memory_space<hbm>> -> memref<120x128xi32, #tpu.memory_space<hbm>>
      tpu.wait_dma2 semaphore(%run_scoped3A : memref<!tpu.dma_semaphore, #tpu.memory_space<semaphore_mem>>) src(%dma_wait3A_305 : memref<120x128xi32, #tpu.memory_space<hbm>>) dst(%arg5 : memref<120x128xi32, #tpu.memory_space<vmem>>)
      tpu.yield
    }) : () -> ()
    %broadcast_in_dim3A = arith.constant 0.000000e+00 : f32
    %broadcast_in_dim3A_7 = vector.broadcast %broadcast_in_dim3A : f32 to vector<16xf32>
    %scan3A = arith.constant 0 : i32
    %scan3A_8 = arith.constant 0 : i32
    %scan3A_9 = arith.constant 128 : i32
    %scan3A_10 = arith.addi %scan3A_8, %scan3A_9 : i32
    %scan3A_11 = arith.constant 1 : i32
    scf.for %scan3A_295 = %scan3A_8 to %scan3A_10 step %scan3A_11  : i32 {
      %swap3A_296 = arith.index_cast %scan3A_295 : i32 to index
      %swap3A_297 = arith.constant 0 : index
      %swap3A_298 = tpu.vector_load %arg8[%swap3A_296, %swap3A_297] {strides = array<i32>} : memref<128x128xf32, #tpu.memory_space<vmem>>, vector<1x16xf32>,
      %swap3A_299 = vector.shape_cast %swap3A_298 : vector<1x16xf32> to vector<16xf32>
      %swap3A_300 = vector.shape_cast %broadcast_in_dim3A_7 : vector<16xf32> to vector<1x16xf32>
      tpu.vector_store %arg8[%swap3A_296, %swap3A_297], %swap3A_300 {strides = array<i32>} : memref<128x128xf32, #tpu.memory_space<vmem>>, vector<1x16xf32>,
      %swap3A_301 = arith.index_cast %scan3A_295 : i32 to index
      %swap3A_302 = arith.constant 16 : index
      %swap3A_303 = tpu.vector_load %arg8[%swap3A_301, %swap3A_302] {strides = array<i32>} : memref<128x128xf32, #tpu.memory_space<vmem>>, vector<1x16xf32>,
      %swap3A_304 = vector.shape_cast %swap3A_303 : vector<1x16xf32> to vector<16xf32>
      %swap3A_305 = vector.shape_cast %broadcast_in_dim3A_7 : vector<16xf32> to vector<1x16xf32>
      tpu.vector_store %arg8[%swap3A_301, %swap3A_302], %swap3A_305 {strides = array<i32>} : memref<128x128xf32, #tpu.memory_space<vmem>>, vector<1x16xf32>,
      %swap3A_306 = arith.index_cast %scan3A_295 : i32 to index
      %swap3A_307 = arith.constant 32 : index
      %swap3A_308 = tpu.vector_load %arg8[%swap3A_306, %swap3A_307] {strides = array<i32>} : memref<128x128xf32, #tpu.memory_space<vmem>>, vector<1x16xf32>,
      %swap3A_309 = vector.shape_cast %swap3A_308 : vector<1x16xf32> to vector<16xf32>
      %swap3A_310 = vector.shape_cast %broadcast_in_dim3A_7 : vector<16xf32> to vector<1x16xf32>
      tpu.vector_store %arg8[%swap3A_306, %swap3A_307], %swap3A_310 {strides = array<i32>} : memref<128x128xf32, #tpu.memory_space<vmem>>, vector<1x16xf32>,
      %swap3A_311 = arith.index_cast %scan3A_295 : i32 to index
      %swap3A_312 = arith.constant 48 : index
      %swap3A_313 = tpu.vector_load %arg8[%swap3A_311, %swap3A_312] {strides = array<i32>} : memref<128x128xf32, #tpu.memory_space<vmem>>, vector<1x16xf32>,
      %swap3A_314 = vector.shape_cast %swap3A_313 : vector<1x16xf32> to vector<16xf32>
      %swap3A_315 = vector.shape_cast %broadcast_in_dim3A_7 : vector<16xf32> to vector<1x16xf32>
      tpu.vector_store %arg8[%swap3A_311, %swap3A_312], %swap3A_315 {strides = array<i32>} : memref<128x128xf32, #tpu.memory_space<vmem>>, vector<1x16xf32>,
      %swap3A_316 = arith.index_cast %scan3A_295 : i32 to index
      %swap3A_317 = arith.constant 64 : index
      %swap3A_318 = tpu.vector_load %arg8[%swap3A_316, %swap3A_317] {strides = array<i32>} : memref<128x128xf32, #tpu.memory_space<vmem>>, vector<1x16xf32>,
      %swap3A_319 = vector.shape_cast %swap3A_318 : vector<1x16xf32> to vector<16xf32>
      %swap3A_320 = vector.shape_cast %broadcast_in_dim3A_7 : vector<16xf32> to vector<1x16xf32>
      tpu.vector_store %arg8[%swap3A_316, %swap3A_317], %swap3A_320 {strides = array<i32>} : memref<128x128xf32, #tpu.memory_space<vmem>>, vector<1x16xf32>,
      %swap3A_321 = arith.index_cast %scan3A_295 : i32 to index
      %swap3A_322 = arith.constant 80 : index
      %swap3A_323 = tpu.vector_load %arg8[%swap3A_321, %swap3A_322] {strides = array<i32>} : memref<128x128xf32, #tpu.memory_space<vmem>>, vector<1x16xf32>,
      %swap3A_324 = vector.shape_cast %swap3A_323 : vector<1x16xf32> to vector<16xf32>
      %swap3A_325 = vector.shape_cast %broadcast_in_dim3A_7 : vector<16xf32> to vector<1x16xf32>
      tpu.vector_store %arg8[%swap3A_321, %swap3A_322], %swap3A_325 {strides = array<i32>} : memref<128x128xf32, #tpu.memory_space<vmem>>, vector<1x16xf32>,
      %swap3A_326 = arith.index_cast %scan3A_295 : i32 to index
      %swap3A_327 = arith.constant 96 : index
      %swap3A_328 = tpu.vector_load %arg8[%swap3A_326, %swap3A_327] {strides = array<i32>} : memref<128x128xf32, #tpu.memory_space<vmem>>, vector<1x16xf32>,
      %swap3A_329 = vector.shape_cast %swap3A_328 : vector<1x16xf32> to vector<16xf32>
      %swap3A_330 = vector.shape_cast %broadcast_in_dim3A_7 : vector<16xf32> to vector<1x16xf32>
      tpu.vector_store %arg8[%swap3A_326, %swap3A_327], %swap3A_330 {strides = array<i32>} : memref<128x128xf32, #tpu.memory_space<vmem>>, vector<1x16xf32>,
      %swap3A_331 = arith.index_cast %scan3A_295 : i32 to index
      %swap3A_332 = arith.constant 112 : index
      %swap3A_333 = tpu.vector_load %arg8[%swap3A_331, %swap3A_332] {strides = array<i32>} : memref<128x128xf32, #tpu.memory_space<vmem>>, vector<1x16xf32>,
      %swap3A_334 = vector.shape_cast %swap3A_333 : vector<1x16xf32> to vector<16xf32>
      %swap3A_335 = vector.shape_cast %broadcast_in_dim3A_7 : vector<16xf32> to vector<1x16xf32>
      tpu.vector_store %arg8[%swap3A_331, %swap3A_332], %swap3A_335 {strides = array<i32>} : memref<128x128xf32, #tpu.memory_space<vmem>>, vector<1x16xf32>,
    }
    %scan3A_12 = arith.constant 128 : i32
    %mul3A = arith.constant 640 : i32
    %mul3A_13 = arith.muli %arg1, %mul3A : i32
    %add3A = arith.constant 0 : i32
    %add3A_14 = arith.addi %mul3A_13, %add3A : i32
    "tpu.region"() ({
      %run_scoped3A = tpu.sem_alloc : memref<!tpu.dma_semaphore, #tpu.memory_space<semaphore_mem>>
      %dma_start3A_295 = arith.constant 0 : i32
      %dma_start3A_296 = tpu.memref_slice %arg10[%add3A_14, %dma_start3A_295] : memref<10240x128xf32, #tpu.memory_space<vmem_shared>> -> memref<128x128xf32, #tpu.memory_space<vmem_shared>>
      %dma_start3A_297 = arith.constant 0 : i32
      %dma_start3A_298 = tpu.memref_slice %arg10[%add3A_14, %dma_start3A_297] : memref<10240x128xf32, #tpu.memory_space<vmem_shared>> -> memref<128x128xf32, #tpu.memory_space<vmem_shared>>
      tpu.enqueue_dma source(%arg8 : memref<128x128xf32, #tpu.memory_space<vmem>>) target(%dma_start3A_298 : memref<128x128xf32, #tpu.memory_space<vmem_shared>>) target_semaphore(%run_scoped3A : memref<!tpu.dma_semaphore, #tpu.memory_space<semaphore_mem>>)
      %dma_wait3A = arith.constant 0 : i32
      %dma_wait3A_299 = tpu.memref_slice %arg10[%add3A_14, %dma_wait3A] : memref<10240x128xf32, #tpu.memory_space<vmem_shared>> -> memref<128x128xf32, #tpu.memory_space<vmem_shared>>
      %dma_wait3A_300 = arith.constant 0 : i32
      %dma_wait3A_301 = tpu.memref_slice %arg10[%add3A_14, %dma_wait3A_300] : memref<10240x128xf32, #tpu.memory_space<vmem_shared>> -> memref<128x128xf32, #tpu.memory_space<vmem_shared>>
      tpu.wait_dma2 semaphore(%run_scoped3A : memref<!tpu.dma_semaphore, #tpu.memory_space<semaphore_mem>>) src(%arg8 : memref<128x128xf32, #tpu.memory_space<vmem>>) dst(%dma_wait3A_301 : memref<128x128xf32, #tpu.memory_space<vmem_shared>>)
      tpu.yield
    }) : () -> ()
    %add3A_15 = arith.constant 128 : i32
    %add3A_16 = arith.addi %mul3A_13, %add3A_15 : i32
    "tpu.region"() ({
      %run_scoped3A = tpu.sem_alloc : memref<!tpu.dma_semaphore, #tpu.memory_space<semaphore_mem>>
      %dma_start3A_295 = arith.constant 0 : i32
      %dma_start3A_296 = tpu.memref_slice %arg10[%add3A_16, %dma_start3A_295] : memref<10240x128xf32, #tpu.memory_space<vmem_shared>> -> memref<128x128xf32, #tpu.memory_space<vmem_shared>>
      %dma_start3A_297 = arith.constant 0 : i32
      %dma_start3A_298 = tpu.memref_slice %arg10[%add3A_16, %dma_start3A_297] : memref<10240x128xf32, #tpu.memory_space<vmem_shared>> -> memref<128x128xf32, #tpu.memory_space<vmem_shared>>
      tpu.enqueue_dma source(%arg8 : memref<128x128xf32, #tpu.memory_space<vmem>>) target(%dma_start3A_298 : memref<128x128xf32, #tpu.memory_space<vmem_shared>>) target_semaphore(%run_scoped3A : memref<!tpu.dma_semaphore, #tpu.memory_space<semaphore_mem>>)
      %dma_wait3A = arith.constant 0 : i32
      %dma_wait3A_299 = tpu.memref_slice %arg10[%add3A_16, %dma_wait3A] : memref<10240x128xf32, #tpu.memory_space<vmem_shared>> -> memref<128x128xf32, #tpu.memory_space<vmem_shared>>
      %dma_wait3A_300 = arith.constant 0 : i32
      %dma_wait3A_301 = tpu.memref_slice %arg10[%add3A_16, %dma_wait3A_300] : memref<10240x128xf32, #tpu.memory_space<vmem_shared>> -> memref<128x128xf32, #tpu.memory_space<vmem_shared>>
      tpu.wait_dma2 semaphore(%run_scoped3A : memref<!tpu.dma_semaphore, #tpu.memory_space<semaphore_mem>>) src(%arg8 : memref<128x128xf32, #tpu.memory_space<vmem>>) dst(%dma_wait3A_301 : memref<128x128xf32, #tpu.memory_space<vmem_shared>>)
      tpu.yield
    }) : () -> ()
    %add3A_17 = arith.constant 256 : i32
    %add3A_18 = arith.addi %mul3A_13, %add3A_17 : i32
    "tpu.region"() ({
      %run_scoped3A = tpu.sem_alloc : memref<!tpu.dma_semaphore, #tpu.memory_space<semaphore_mem>>
      %dma_start3A_295 = arith.constant 0 : i32
      %dma_start3A_296 = tpu.memref_slice %arg10[%add3A_18, %dma_start3A_295] : memref<10240x128xf32, #tpu.memory_space<vmem_shared>> -> memref<128x128xf32, #tpu.memory_space<vmem_shared>>
      %dma_start3A_297 = arith.constant 0 : i32
      %dma_start3A_298 = tpu.memref_slice %arg10[%add3A_18, %dma_start3A_297] : memref<10240x128xf32, #tpu.memory_space<vmem_shared>> -> memref<128x128xf32, #tpu.memory_space<vmem_shared>>
      tpu.enqueue_dma source(%arg8 : memref<128x128xf32, #tpu.memory_space<vmem>>) target(%dma_start3A_298 : memref<128x128xf32, #tpu.memory_space<vmem_shared>>) target_semaphore(%run_scoped3A : memref<!tpu.dma_semaphore, #tpu.memory_space<semaphore_mem>>)
      %dma_wait3A = arith.constant 0 : i32
      %dma_wait3A_299 = tpu.memref_slice %arg10[%add3A_18, %dma_wait3A] : memref<10240x128xf32, #tpu.memory_space<vmem_shared>> -> memref<128x128xf32, #tpu.memory_space<vmem_shared>>
      %dma_wait3A_300 = arith.constant 0 : i32
      %dma_wait3A_301 = tpu.memref_slice %arg10[%add3A_18, %dma_wait3A_300] : memref<10240x128xf32, #tpu.memory_space<vmem_shared>> -> memref<128x128xf32, #tpu.memory_space<vmem_shared>>
      tpu.wait_dma2 semaphore(%run_scoped3A : memref<!tpu.dma_semaphore, #tpu.memory_space<semaphore_mem>>) src(%arg8 : memref<128x128xf32, #tpu.memory_space<vmem>>) dst(%dma_wait3A_301 : memref<128x128xf32, #tpu.memory_space<vmem_shared>>)
      tpu.yield
    }) : () -> ()
    %add3A_19 = arith.constant 384 : i32
    %add3A_20 = arith.addi %mul3A_13, %add3A_19 : i32
    "tpu.region"() ({
      %run_scoped3A = tpu.sem_alloc : memref<!tpu.dma_semaphore, #tpu.memory_space<semaphore_mem>>
      %dma_start3A_295 = arith.constant 0 : i32
      %dma_start3A_296 = tpu.memref_slice %arg10[%add3A_20, %dma_start3A_295] : memref<10240x128xf32, #tpu.memory_space<vmem_shared>> -> memref<128x128xf32, #tpu.memory_space<vmem_shared>>
      %dma_start3A_297 = arith.constant 0 : i32
      %dma_start3A_298 = tpu.memref_slice %arg10[%add3A_20, %dma_start3A_297] : memref<10240x128xf32, #tpu.memory_space<vmem_shared>> -> memref<128x128xf32, #tpu.memory_space<vmem_shared>>
      tpu.enqueue_dma source(%arg8 : memref<128x128xf32, #tpu.memory_space<vmem>>) target(%dma_start3A_298 : memref<128x128xf32, #tpu.memory_space<vmem_shared>>) target_semaphore(%run_scoped3A : memref<!tpu.dma_semaphore, #tpu.memory_space<semaphore_mem>>)
      %dma_wait3A = arith.constant 0 : i32
      %dma_wait3A_299 = tpu.memref_slice %arg10[%add3A_20, %dma_wait3A] : memref<10240x128xf32, #tpu.memory_space<vmem_shared>> -> memref<128x128xf32, #tpu.memory_space<vmem_shared>>
      %dma_wait3A_300 = arith.constant 0 : i32
      %dma_wait3A_301 = tpu.memref_slice %arg10[%add3A_20, %dma_wait3A_300] : memref<10240x128xf32, #tpu.memory_space<vmem_shared>> -> memref<128x128xf32, #tpu.memory_space<vmem_shared>>
      tpu.wait_dma2 semaphore(%run_scoped3A : memref<!tpu.dma_semaphore, #tpu.memory_space<semaphore_mem>>) src(%arg8 : memref<128x128xf32, #tpu.memory_space<vmem>>) dst(%dma_wait3A_301 : memref<128x128xf32, #tpu.memory_space<vmem_shared>>)
      tpu.yield
    }) : () -> ()
    %add3A_21 = arith.constant 512 : i32
    %add3A_22 = arith.addi %mul3A_13, %add3A_21 : i32
    "tpu.region"() ({
      %run_scoped3A = tpu.sem_alloc : memref<!tpu.dma_semaphore, #tpu.memory_space<semaphore_mem>>
      %dma_start3A_295 = arith.constant 0 : i32
      %dma_start3A_296 = tpu.memref_slice %arg10[%add3A_22, %dma_start3A_295] : memref<10240x128xf32, #tpu.memory_space<vmem_shared>> -> memref<128x128xf32, #tpu.memory_space<vmem_shared>>
      %dma_start3A_297 = arith.constant 0 : i32
      %dma_start3A_298 = tpu.memref_slice %arg10[%add3A_22, %dma_start3A_297] : memref<10240x128xf32, #tpu.memory_space<vmem_shared>> -> memref<128x128xf32, #tpu.memory_space<vmem_shared>>
      tpu.enqueue_dma source(%arg8 : memref<128x128xf32, #tpu.memory_space<vmem>>) target(%dma_start3A_298 : memref<128x128xf32, #tpu.memory_space<vmem_shared>>) target_semaphore(%run_scoped3A : memref<!tpu.dma_semaphore, #tpu.memory_space<semaphore_mem>>)
      %dma_wait3A = arith.constant 0 : i32
      %dma_wait3A_299 = tpu.memref_slice %arg10[%add3A_22, %dma_wait3A] : memref<10240x128xf32, #tpu.memory_space<vmem_shared>> -> memref<128x128xf32, #tpu.memory_space<vmem_shared>>
      %dma_wait3A_300 = arith.constant 0 : i32
      %dma_wait3A_301 = tpu.memref_slice %arg10[%add3A_22, %dma_wait3A_300] : memref<10240x128xf32, #tpu.memory_space<vmem_shared>> -> memref<128x128xf32, #tpu.memory_space<vmem_shared>>
      tpu.wait_dma2 semaphore(%run_scoped3A : memref<!tpu.dma_semaphore, #tpu.memory_space<semaphore_mem>>) src(%arg8 : memref<128x128xf32, #tpu.memory_space<vmem>>) dst(%dma_wait3A_301 : memref<128x128xf32, #tpu.memory_space<vmem_shared>>)
      tpu.yield
    }) : () -> ()
    %barrier3A = arith.constant 0 : index
    tpu.barrier barrier_id(%barrier3A)
    %get3A = arith.constant 0 : i32
    %get3A_23 = arith.index_cast %get3A : i32 to index
    %get3A_24 = arith.constant 0 : index
    %get3A_25 = tpu.vector_load %arg5[%get3A_23, %get3A_24] {strides = array<i32>} : memref<120x128xi32, #tpu.memory_space<vmem>>, vector<1x16xi32>,
    %get3A_26 = vector.shape_cast %get3A_25 : vector<1x16xi32> to vector<16xi32>
    %shift_right_logical3A = arith.constant 14 : i32
    %shift_right_logical3A_27 = vector.broadcast %shift_right_logical3A : i32 to vector<16xi32>
    %shift_right_logical3A_28 = arith.shrui %get3A_26, %shift_right_logical3A_27 : vector<16xi32>
    %swap3A = arith.constant 0 : i32
    %swap3A_29 = arith.index_cast %swap3A : i32 to index
    %swap3A_30 = arith.constant 0 : index
    %swap3A_31 = tpu.vector_load %arg6[%swap3A_29, %swap3A_30] {strides = array<i32>} : memref<2x128xi32, #tpu.memory_space<vmem>>, vector<1x16xi32>,
    %swap3A_32 = vector.shape_cast %swap3A_31 : vector<1x16xi32> to vector<16xi32>
    %swap3A_33 = vector.shape_cast %shift_right_logical3A_28 : vector<16xi32> to vector<1x16xi32>
    tpu.vector_store %arg6[%swap3A_29, %swap3A_30], %swap3A_33 {strides = array<i32>} : memref<2x128xi32, #tpu.memory_space<vmem>>, vector<1x16xi32>,
    %get3A_34 = arith.constant 0 : i32
    %get3A_35 = arith.index_cast %get3A_34 : i32 to index
    %get3A_36 = arith.constant 16 : index
    %get3A_37 = tpu.vector_load %arg5[%get3A_35, %get3A_36] {strides = array<i32>} : memref<120x128xi32, #tpu.memory_space<vmem>>, vector<1x16xi32>,
    %get3A_38 = vector.shape_cast %get3A_37 : vector<1x16xi32> to vector<16xi32>
    %shift_right_logical3A_39 = arith.constant 14 : i32
    %shift_right_logical3A_40 = vector.broadcast %shift_right_logical3A_39 : i32 to vector<16xi32>
    %shift_right_logical3A_41 = arith.shrui %get3A_38, %shift_right_logical3A_40 : vector<16xi32>
    %swap3A_42 = arith.constant 0 : i32
    %swap3A_43 = arith.index_cast %swap3A_42 : i32 to index
    %swap3A_44 = arith.constant 16 : index
    %swap3A_45 = tpu.vector_load %arg6[%swap3A_43, %swap3A_44] {strides = array<i32>} : memref<2x128xi32, #tpu.memory_space<vmem>>, vector<1x16xi32>,
    %swap3A_46 = vector.shape_cast %swap3A_45 : vector<1x16xi32> to vector<16xi32>
    %swap3A_47 = vector.shape_cast %shift_right_logical3A_41 : vector<16xi32> to vector<1x16xi32>
    tpu.vector_store %arg6[%swap3A_43, %swap3A_44], %swap3A_47 {strides = array<i32>} : memref<2x128xi32, #tpu.memory_space<vmem>>, vector<1x16xi32>,
    %get3A_48 = arith.constant 0 : i32
    %get3A_49 = arith.index_cast %get3A_48 : i32 to index
    %get3A_50 = arith.constant 32 : index
    %get3A_51 = tpu.vector_load %arg5[%get3A_49, %get3A_50] {strides = array<i32>} : memref<120x128xi32, #tpu.memory_space<vmem>>, vector<1x16xi32>,
    %get3A_52 = vector.shape_cast %get3A_51 : vector<1x16xi32> to vector<16xi32>
    %shift_right_logical3A_53 = arith.constant 14 : i32
    %shift_right_logical3A_54 = vector.broadcast %shift_right_logical3A_53 : i32 to vector<16xi32>
    %shift_right_logical3A_55 = arith.shrui %get3A_52, %shift_right_logical3A_54 : vector<16xi32>
    %swap3A_56 = arith.constant 0 : i32
    %swap3A_57 = arith.index_cast %swap3A_56 : i32 to index
    %swap3A_58 = arith.constant 32 : index
    %swap3A_59 = tpu.vector_load %arg6[%swap3A_57, %swap3A_58] {strides = array<i32>} : memref<2x128xi32, #tpu.memory_space<vmem>>, vector<1x16xi32>,
    %swap3A_60 = vector.shape_cast %swap3A_59 : vector<1x16xi32> to vector<16xi32>
    %swap3A_61 = vector.shape_cast %shift_right_logical3A_55 : vector<16xi32> to vector<1x16xi32>
    tpu.vector_store %arg6[%swap3A_57, %swap3A_58], %swap3A_61 {strides = array<i32>} : memref<2x128xi32, #tpu.memory_space<vmem>>, vector<1x16xi32>,
    %get3A_62 = arith.constant 0 : i32
    %get3A_63 = arith.index_cast %get3A_62 : i32 to index
    %get3A_64 = arith.constant 48 : index
    %get3A_65 = tpu.vector_load %arg5[%get3A_63, %get3A_64] {strides = array<i32>} : memref<120x128xi32, #tpu.memory_space<vmem>>, vector<1x16xi32>,
    %get3A_66 = vector.shape_cast %get3A_65 : vector<1x16xi32> to vector<16xi32>
    %shift_right_logical3A_67 = arith.constant 14 : i32
    %shift_right_logical3A_68 = vector.broadcast %shift_right_logical3A_67 : i32 to vector<16xi32>
    %shift_right_logical3A_69 = arith.shrui %get3A_66, %shift_right_logical3A_68 : vector<16xi32>
    %swap3A_70 = arith.constant 0 : i32
    %swap3A_71 = arith.index_cast %swap3A_70 : i32 to index
    %swap3A_72 = arith.constant 48 : index
    %swap3A_73 = tpu.vector_load %arg6[%swap3A_71, %swap3A_72] {strides = array<i32>} : memref<2x128xi32, #tpu.memory_space<vmem>>, vector<1x16xi32>,
    %swap3A_74 = vector.shape_cast %swap3A_73 : vector<1x16xi32> to vector<16xi32>
    %swap3A_75 = vector.shape_cast %shift_right_logical3A_69 : vector<16xi32> to vector<1x16xi32>
    tpu.vector_store %arg6[%swap3A_71, %swap3A_72], %swap3A_75 {strides = array<i32>} : memref<2x128xi32, #tpu.memory_space<vmem>>, vector<1x16xi32>,
    %get3A_76 = arith.constant 0 : i32
    %get3A_77 = arith.index_cast %get3A_76 : i32 to index
    %get3A_78 = arith.constant 64 : index
    %get3A_79 = tpu.vector_load %arg5[%get3A_77, %get3A_78] {strides = array<i32>} : memref<120x128xi32, #tpu.memory_space<vmem>>, vector<1x16xi32>,
    %get3A_80 = vector.shape_cast %get3A_79 : vector<1x16xi32> to vector<16xi32>
    %shift_right_logical3A_81 = arith.constant 14 : i32
    %shift_right_logical3A_82 = vector.broadcast %shift_right_logical3A_81 : i32 to vector<16xi32>
    %shift_right_logical3A_83 = arith.shrui %get3A_80, %shift_right_logical3A_82 : vector<16xi32>
    %swap3A_84 = arith.constant 0 : i32
    %swap3A_85 = arith.index_cast %swap3A_84 : i32 to index
    %swap3A_86 = arith.constant 64 : index
    %swap3A_87 = tpu.vector_load %arg6[%swap3A_85, %swap3A_86] {strides = array<i32>} : memref<2x128xi32, #tpu.memory_space<vmem>>, vector<1x16xi32>,
    %swap3A_88 = vector.shape_cast %swap3A_87 : vector<1x16xi32> to vector<16xi32>
    %swap3A_89 = vector.shape_cast %shift_right_logical3A_83 : vector<16xi32> to vector<1x16xi32>
    tpu.vector_store %arg6[%swap3A_85, %swap3A_86], %swap3A_89 {strides = array<i32>} : memref<2x128xi32, #tpu.memory_space<vmem>>, vector<1x16xi32>,
    %get3A_90 = arith.constant 0 : i32
    %get3A_91 = arith.index_cast %get3A_90 : i32 to index
    %get3A_92 = arith.constant 80 : index
    %get3A_93 = tpu.vector_load %arg5[%get3A_91, %get3A_92] {strides = array<i32>} : memref<120x128xi32, #tpu.memory_space<vmem>>, vector<1x16xi32>,
    %get3A_94 = vector.shape_cast %get3A_93 : vector<1x16xi32> to vector<16xi32>
    %shift_right_logical3A_95 = arith.constant 14 : i32
    %shift_right_logical3A_96 = vector.broadcast %shift_right_logical3A_95 : i32 to vector<16xi32>
    %shift_right_logical3A_97 = arith.shrui %get3A_94, %shift_right_logical3A_96 : vector<16xi32>
    %swap3A_98 = arith.constant 0 : i32
    %swap3A_99 = arith.index_cast %swap3A_98 : i32 to index
    %swap3A_100 = arith.constant 80 : index
    %swap3A_101 = tpu.vector_load %arg6[%swap3A_99, %swap3A_100] {strides = array<i32>} : memref<2x128xi32, #tpu.memory_space<vmem>>, vector<1x16xi32>,
    %swap3A_102 = vector.shape_cast %swap3A_101 : vector<1x16xi32> to vector<16xi32>
    %swap3A_103 = vector.shape_cast %shift_right_logical3A_97 : vector<16xi32> to vector<1x16xi32>
    tpu.vector_store %arg6[%swap3A_99, %swap3A_100], %swap3A_103 {strides = array<i32>} : memref<2x128xi32, #tpu.memory_space<vmem>>, vector<1x16xi32>,
    %get3A_104 = arith.constant 0 : i32
    %get3A_105 = arith.index_cast %get3A_104 : i32 to index
    %get3A_106 = arith.constant 96 : index
    %get3A_107 = tpu.vector_load %arg5[%get3A_105, %get3A_106] {strides = array<i32>} : memref<120x128xi32, #tpu.memory_space<vmem>>, vector<1x16xi32>,
    %get3A_108 = vector.shape_cast %get3A_107 : vector<1x16xi32> to vector<16xi32>
    %shift_right_logical3A_109 = arith.constant 14 : i32
    %shift_right_logical3A_110 = vector.broadcast %shift_right_logical3A_109 : i32 to vector<16xi32>
    %shift_right_logical3A_111 = arith.shrui %get3A_108, %shift_right_logical3A_110 : vector<16xi32>
    %swap3A_112 = arith.constant 0 : i32
    %swap3A_113 = arith.index_cast %swap3A_112 : i32 to index
    %swap3A_114 = arith.constant 96 : index
    %swap3A_115 = tpu.vector_load %arg6[%swap3A_113, %swap3A_114] {strides = array<i32>} : memref<2x128xi32, #tpu.memory_space<vmem>>, vector<1x16xi32>,
    %swap3A_116 = vector.shape_cast %swap3A_115 : vector<1x16xi32> to vector<16xi32>
    %swap3A_117 = vector.shape_cast %shift_right_logical3A_111 : vector<16xi32> to vector<1x16xi32>
    tpu.vector_store %arg6[%swap3A_113, %swap3A_114], %swap3A_117 {strides = array<i32>} : memref<2x128xi32, #tpu.memory_space<vmem>>, vector<1x16xi32>,
    %get3A_118 = arith.constant 0 : i32
    %get3A_119 = arith.index_cast %get3A_118 : i32 to index
    %get3A_120 = arith.constant 112 : index
    %get3A_121 = tpu.vector_load %arg5[%get3A_119, %get3A_120] {strides = array<i32>} : memref<120x128xi32, #tpu.memory_space<vmem>>, vector<1x16xi32>,
    %get3A_122 = vector.shape_cast %get3A_121 : vector<1x16xi32> to vector<16xi32>
    %shift_right_logical3A_123 = arith.constant 14 : i32
    %shift_right_logical3A_124 = vector.broadcast %shift_right_logical3A_123 : i32 to vector<16xi32>
    %shift_right_logical3A_125 = arith.shrui %get3A_122, %shift_right_logical3A_124 : vector<16xi32>
    %swap3A_126 = arith.constant 0 : i32
    %swap3A_127 = arith.index_cast %swap3A_126 : i32 to index
    %swap3A_128 = arith.constant 112 : index
    %swap3A_129 = tpu.vector_load %arg6[%swap3A_127, %swap3A_128] {strides = array<i32>} : memref<2x128xi32, #tpu.memory_space<vmem>>, vector<1x16xi32>,
    %swap3A_130 = vector.shape_cast %swap3A_129 : vector<1x16xi32> to vector<16xi32>
    %swap3A_131 = vector.shape_cast %shift_right_logical3A_125 : vector<16xi32> to vector<1x16xi32>
    tpu.vector_store %arg6[%swap3A_127, %swap3A_128], %swap3A_131 {strides = array<i32>} : memref<2x128xi32, #tpu.memory_space<vmem>>, vector<1x16xi32>,
    %dma_start3A = arith.constant 0 : i32
    %dma_start3A_132 = arith.constant 0 : i32
    %dma_start3A_133 = tpu.memref_slice %arg6[%dma_start3A, %dma_start3A_132] : memref<2x128xi32, #tpu.memory_space<vmem>> -> memref<1x128xi32, #tpu.memory_space<vmem>>
    %dma_start3A_134 = tpu.memref_squeeze %dma_start3A_133 : memref<1x128xi32, #tpu.memory_space<vmem>> -> memref<128xi32, #tpu.memory_space<vmem>>
    %dma_start3A_135 = arith.constant 0 : i32
    %dma_start3A_136 = arith.constant 0 : i32
    %dma_start3A_137 = tpu.memref_slice %arg2[%dma_start3A_135, %dma_start3A_136] : memref<10240x128xf32, #tpu.memory_space<hbm>> -> memref<10240x128xf32, #tpu.memory_space<hbm>>
    tpu.enqueue_indirect_dma source(%dma_start3A_137 : memref<10240x128xf32, #tpu.memory_space<hbm>>) target(%arg8 : memref<128x128xf32, #tpu.memory_space<vmem>>) offsets(%dma_start3A_134 : memref<128xi32, #tpu.memory_space<vmem>>) semaphore(%arg11 : memref<!tpu.dma_semaphore, #tpu.memory_space<semaphore_mem>>)
    %get3A_138 = arith.constant 1 : i32
    %get3A_139 = arith.index_cast %get3A_138 : i32 to index
    %get3A_140 = arith.constant 0 : index
    %get3A_141 = tpu.vector_load %arg5[%get3A_139, %get3A_140] {strides = array<i32>} : memref<120x128xi32, #tpu.memory_space<vmem>>, vector<1x16xi32>,
    %get3A_142 = vector.shape_cast %get3A_141 : vector<1x16xi32> to vector<16xi32>
    %shift_right_logical3A_143 = arith.constant 14 : i32
    %shift_right_logical3A_144 = vector.broadcast %shift_right_logical3A_143 : i32 to vector<16xi32>
    %shift_right_logical3A_145 = arith.shrui %get3A_142, %shift_right_logical3A_144 : vector<16xi32>
    %swap3A_146 = arith.constant 1 : i32
    %swap3A_147 = arith.index_cast %swap3A_146 : i32 to index
    %swap3A_148 = arith.constant 0 : index
    %swap3A_149 = tpu.vector_load %arg6[%swap3A_147, %swap3A_148] {strides = array<i32>} : memref<2x128xi32, #tpu.memory_space<vmem>>, vector<1x16xi32>,
    %swap3A_150 = vector.shape_cast %swap3A_149 : vector<1x16xi32> to vector<16xi32>
    %swap3A_151 = vector.shape_cast %shift_right_logical3A_145 : vector<16xi32> to vector<1x16xi32>
    tpu.vector_store %arg6[%swap3A_147, %swap3A_148], %swap3A_151 {strides = array<i32>} : memref<2x128xi32, #tpu.memory_space<vmem>>, vector<1x16xi32>,
    %get3A_152 = arith.constant 1 : i32
    %get3A_153 = arith.index_cast %get3A_152 : i32 to index
    %get3A_154 = arith.constant 16 : index
    %get3A_155 = tpu.vector_load %arg5[%get3A_153, %get3A_154] {strides = array<i32>} : memref<120x128xi32, #tpu.memory_space<vmem>>, vector<1x16xi32>,
    %get3A_156 = vector.shape_cast %get3A_155 : vector<1x16xi32> to vector<16xi32>
    %shift_right_logical3A_157 = arith.constant 14 : i32
    %shift_right_logical3A_158 = vector.broadcast %shift_right_logical3A_157 : i32 to vector<16xi32>
    %shift_right_logical3A_159 = arith.shrui %get3A_156, %shift_right_logical3A_158 : vector<16xi32>
    %swap3A_160 = arith.constant 1 : i32
    %swap3A_161 = arith.index_cast %swap3A_160 : i32 to index
    %swap3A_162 = arith.constant 16 : index
    %swap3A_163 = tpu.vector_load %arg6[%swap3A_161, %swap3A_162] {strides = array<i32>} : memref<2x128xi32, #tpu.memory_space<vmem>>, vector<1x16xi32>,
    %swap3A_164 = vector.shape_cast %swap3A_163 : vector<1x16xi32> to vector<16xi32>
    %swap3A_165 = vector.shape_cast %shift_right_logical3A_159 : vector<16xi32> to vector<1x16xi32>
    tpu.vector_store %arg6[%swap3A_161, %swap3A_162], %swap3A_165 {strides = array<i32>} : memref<2x128xi32, #tpu.memory_space<vmem>>, vector<1x16xi32>,
    %get3A_166 = arith.constant 1 : i32
    %get3A_167 = arith.index_cast %get3A_166 : i32 to index
    %get3A_168 = arith.constant 32 : index
    %get3A_169 = tpu.vector_load %arg5[%get3A_167, %get3A_168] {strides = array<i32>} : memref<120x128xi32, #tpu.memory_space<vmem>>, vector<1x16xi32>,
    %get3A_170 = vector.shape_cast %get3A_169 : vector<1x16xi32> to vector<16xi32>
    %shift_right_logical3A_171 = arith.constant 14 : i32
    %shift_right_logical3A_172 = vector.broadcast %shift_right_logical3A_171 : i32 to vector<16xi32>
    %shift_right_logical3A_173 = arith.shrui %get3A_170, %shift_right_logical3A_172 : vector<16xi32>
    %swap3A_174 = arith.constant 1 : i32
    %swap3A_175 = arith.index_cast %swap3A_174 : i32 to index
    %swap3A_176 = arith.constant 32 : index
    %swap3A_177 = tpu.vector_load %arg6[%swap3A_175, %swap3A_176] {strides = array<i32>} : memref<2x128xi32, #tpu.memory_space<vmem>>, vector<1x16xi32>,
    %swap3A_178 = vector.shape_cast %swap3A_177 : vector<1x16xi32> to vector<16xi32>
    %swap3A_179 = vector.shape_cast %shift_right_logical3A_173 : vector<16xi32> to vector<1x16xi32>
    tpu.vector_store %arg6[%swap3A_175, %swap3A_176], %swap3A_179 {strides = array<i32>} : memref<2x128xi32, #tpu.memory_space<vmem>>, vector<1x16xi32>,
    %get3A_180 = arith.constant 1 : i32
    %get3A_181 = arith.index_cast %get3A_180 : i32 to index
    %get3A_182 = arith.constant 48 : index
    %get3A_183 = tpu.vector_load %arg5[%get3A_181, %get3A_182] {strides = array<i32>} : memref<120x128xi32, #tpu.memory_space<vmem>>, vector<1x16xi32>,
    %get3A_184 = vector.shape_cast %get3A_183 : vector<1x16xi32> to vector<16xi32>
    %shift_right_logical3A_185 = arith.constant 14 : i32
    %shift_right_logical3A_186 = vector.broadcast %shift_right_logical3A_185 : i32 to vector<16xi32>
    %shift_right_logical3A_187 = arith.shrui %get3A_184, %shift_right_logical3A_186 : vector<16xi32>
    %swap3A_188 = arith.constant 1 : i32
    %swap3A_189 = arith.index_cast %swap3A_188 : i32 to index
    %swap3A_190 = arith.constant 48 : index
    %swap3A_191 = tpu.vector_load %arg6[%swap3A_189, %swap3A_190] {strides = array<i32>} : memref<2x128xi32, #tpu.memory_space<vmem>>, vector<1x16xi32>,
    %swap3A_192 = vector.shape_cast %swap3A_191 : vector<1x16xi32> to vector<16xi32>
    %swap3A_193 = vector.shape_cast %shift_right_logical3A_187 : vector<16xi32> to vector<1x16xi32>
    tpu.vector_store %arg6[%swap3A_189, %swap3A_190], %swap3A_193 {strides = array<i32>} : memref<2x128xi32, #tpu.memory_space<vmem>>, vector<1x16xi32>,
    %get3A_194 = arith.constant 1 : i32
    %get3A_195 = arith.index_cast %get3A_194 : i32 to index
    %get3A_196 = arith.constant 64 : index
    %get3A_197 = tpu.vector_load %arg5[%get3A_195, %get3A_196] {strides = array<i32>} : memref<120x128xi32, #tpu.memory_space<vmem>>, vector<1x16xi32>,
    %get3A_198 = vector.shape_cast %get3A_197 : vector<1x16xi32> to vector<16xi32>
    %shift_right_logical3A_199 = arith.constant 14 : i32
    %shift_right_logical3A_200 = vector.broadcast %shift_right_logical3A_199 : i32 to vector<16xi32>
    %shift_right_logical3A_201 = arith.shrui %get3A_198, %shift_right_logical3A_200 : vector<16xi32>
    %swap3A_202 = arith.constant 1 : i32
    %swap3A_203 = arith.index_cast %swap3A_202 : i32 to index
    %swap3A_204 = arith.constant 64 : index
    %swap3A_205 = tpu.vector_load %arg6[%swap3A_203, %swap3A_204] {strides = array<i32>} : memref<2x128xi32, #tpu.memory_space<vmem>>, vector<1x16xi32>,
    %swap3A_206 = vector.shape_cast %swap3A_205 : vector<1x16xi32> to vector<16xi32>
    %swap3A_207 = vector.shape_cast %shift_right_logical3A_201 : vector<16xi32> to vector<1x16xi32>
    tpu.vector_store %arg6[%swap3A_203, %swap3A_204], %swap3A_207 {strides = array<i32>} : memref<2x128xi32, #tpu.memory_space<vmem>>, vector<1x16xi32>,
    %get3A_208 = arith.constant 1 : i32
    %get3A_209 = arith.index_cast %get3A_208 : i32 to index
    %get3A_210 = arith.constant 80 : index
    %get3A_211 = tpu.vector_load %arg5[%get3A_209, %get3A_210] {strides = array<i32>} : memref<120x128xi32, #tpu.memory_space<vmem>>, vector<1x16xi32>,
    %get3A_212 = vector.shape_cast %get3A_211 : vector<1x16xi32> to vector<16xi32>
    %shift_right_logical3A_213 = arith.constant 14 : i32
    %shift_right_logical3A_214 = vector.broadcast %shift_right_logical3A_213 : i32 to vector<16xi32>
    %shift_right_logical3A_215 = arith.shrui %get3A_212, %shift_right_logical3A_214 : vector<16xi32>
    %swap3A_216 = arith.constant 1 : i32
    %swap3A_217 = arith.index_cast %swap3A_216 : i32 to index
    %swap3A_218 = arith.constant 80 : index
    %swap3A_219 = tpu.vector_load %arg6[%swap3A_217, %swap3A_218] {strides = array<i32>} : memref<2x128xi32, #tpu.memory_space<vmem>>, vector<1x16xi32>,
    %swap3A_220 = vector.shape_cast %swap3A_219 : vector<1x16xi32> to vector<16xi32>
    %swap3A_221 = vector.shape_cast %shift_right_logical3A_215 : vector<16xi32> to vector<1x16xi32>
    tpu.vector_store %arg6[%swap3A_217, %swap3A_218], %swap3A_221 {strides = array<i32>} : memref<2x128xi32, #tpu.memory_space<vmem>>, vector<1x16xi32>,
    %get3A_222 = arith.constant 1 : i32
    %get3A_223 = arith.index_cast %get3A_222 : i32 to index
    %get3A_224 = arith.constant 96 : index
    %get3A_225 = tpu.vector_load %arg5[%get3A_223, %get3A_224] {strides = array<i32>} : memref<120x128xi32, #tpu.memory_space<vmem>>, vector<1x16xi32>,
    %get3A_226 = vector.shape_cast %get3A_225 : vector<1x16xi32> to vector<16xi32>
    %shift_right_logical3A_227 = arith.constant 14 : i32
    %shift_right_logical3A_228 = vector.broadcast %shift_right_logical3A_227 : i32 to vector<16xi32>
    %shift_right_logical3A_229 = arith.shrui %get3A_226, %shift_right_logical3A_228 : vector<16xi32>
    %swap3A_230 = arith.constant 1 : i32
    %swap3A_231 = arith.index_cast %swap3A_230 : i32 to index
    %swap3A_232 = arith.constant 96 : index
    %swap3A_233 = tpu.vector_load %arg6[%swap3A_231, %swap3A_232] {strides = array<i32>} : memref<2x128xi32, #tpu.memory_space<vmem>>, vector<1x16xi32>,
    %swap3A_234 = vector.shape_cast %swap3A_233 : vector<1x16xi32> to vector<16xi32>
    %swap3A_235 = vector.shape_cast %shift_right_logical3A_229 : vector<16xi32> to vector<1x16xi32>
    tpu.vector_store %arg6[%swap3A_231, %swap3A_232], %swap3A_235 {strides = array<i32>} : memref<2x128xi32, #tpu.memory_space<vmem>>, vector<1x16xi32>,
    %get3A_236 = arith.constant 1 : i32
    %get3A_237 = arith.index_cast %get3A_236 : i32 to index
    %get3A_238 = arith.constant 112 : index
    %get3A_239 = tpu.vector_load %arg5[%get3A_237, %get3A_238] {strides = array<i32>} : memref<120x128xi32, #tpu.memory_space<vmem>>, vector<1x16xi32>,
    %get3A_240 = vector.shape_cast %get3A_239 : vector<1x16xi32> to vector<16xi32>
    %shift_right_logical3A_241 = arith.constant 14 : i32
    %shift_right_logical3A_242 = vector.broadcast %shift_right_logical3A_241 : i32 to vector<16xi32>
    %shift_right_logical3A_243 = arith.shrui %get3A_240, %shift_right_logical3A_242 : vector<16xi32>
    %swap3A_244 = arith.constant 1 : i32
    %swap3A_245 = arith.index_cast %swap3A_244 : i32 to index
    %swap3A_246 = arith.constant 112 : index
    %swap3A_247 = tpu.vector_load %arg6[%swap3A_245, %swap3A_246] {strides = array<i32>} : memref<2x128xi32, #tpu.memory_space<vmem>>, vector<1x16xi32>,
    %swap3A_248 = vector.shape_cast %swap3A_247 : vector<1x16xi32> to vector<16xi32>
    %swap3A_249 = vector.shape_cast %shift_right_logical3A_243 : vector<16xi32> to vector<1x16xi32>
    tpu.vector_store %arg6[%swap3A_245, %swap3A_246], %swap3A_249 {strides = array<i32>} : memref<2x128xi32, #tpu.memory_space<vmem>>, vector<1x16xi32>,
    %dma_start3A_250 = arith.constant 1 : i32
    %dma_start3A_251 = arith.constant 0 : i32
    %dma_start3A_252 = tpu.memref_slice %arg6[%dma_start3A_250, %dma_start3A_251] : memref<2x128xi32, #tpu.memory_space<vmem>> -> memref<1x128xi32, #tpu.memory_space<vmem>>
    %dma_start3A_253 = tpu.memref_squeeze %dma_start3A_252 : memref<1x128xi32, #tpu.memory_space<vmem>> -> memref<128xi32, #tpu.memory_space<vmem>>
    %dma_start3A_254 = arith.constant 0 : i32
    %dma_start3A_255 = arith.constant 0 : i32
    %dma_start3A_256 = tpu.memref_slice %arg2[%dma_start3A_254, %dma_start3A_255] : memref<10240x128xf32, #tpu.memory_space<hbm>> -> memref<10240x128xf32, #tpu.memory_space<hbm>>
    tpu.enqueue_indirect_dma source(%dma_start3A_256 : memref<10240x128xf32, #tpu.memory_space<hbm>>) target(%arg9 : memref<128x128xf32, #tpu.memory_space<vmem>>) offsets(%dma_start3A_253 : memref<128xi32, #tpu.memory_space<vmem>>) semaphore(%arg12 : memref<!tpu.dma_semaphore, #tpu.memory_space<semaphore_mem>>)
    %jit3A_257 = arith.constant 2 : i32
    %div3A = arith.divsi %select_n3A_6, %jit3A_257 : i32
    %sign3A = arith.constant 0 : i32
    %sign3A_258 = arith.cmpi sgt, %select_n3A_6, %sign3A : i32
    %sign3A_259 = arith.extui %sign3A_258 : i1 to i32
    %sign3A_260 = arith.constant 0 : i32
    %sign3A_261 = arith.cmpi slt, %select_n3A_6, %sign3A_260 : i32
    %sign3A_262 = arith.extui %sign3A_261 : i1 to i32
    %sign3A_263 = arith.subi %sign3A_259, %sign3A_262 : i32
    %sign3A_264 = arith.constant 0 : i32
    %sign3A_265 = arith.cmpi sgt, %jit3A_257, %sign3A_264 : i32
    %sign3A_266 = arith.extui %sign3A_265 : i1 to i32
    %sign3A_267 = arith.constant 0 : i32
    %sign3A_268 = arith.cmpi slt, %jit3A_257, %sign3A_267 : i32
    %sign3A_269 = arith.extui %sign3A_268 : i1 to i32
    %sign3A_270 = arith.subi %sign3A_266, %sign3A_269 : i32
    %ne3A = arith.cmpi ne, %sign3A_263, %sign3A_270 : i32
    %rem3A = arith.remsi %select_n3A_6, %jit3A_257 : i32
    %ne3A_271 = arith.constant 0 : i32
    %ne3A_272 = arith.cmpi ne, %rem3A, %ne3A_271 : i32
    %and3A = arith.andi %ne3A, %ne3A_272 : i1
    %sub3A = arith.constant 1 : i32
    %sub3A_273 = arith.subi %div3A, %sub3A : i32
    %select_n3A_274 = arith.select %and3A, %sub3A_273, %div3A : i32
    %while3A = arith.constant 0 : i32
    %while3A_275 = arith.constant 0 : i32
    %while3A_276 = arith.subi %select_n3A_274, %while3A_275 : i32
    %while3A_277 = arith.addi %while3A_275, %while3A_276 : i32
    %while3A_278 = arith.constant 1 : i32
    %while3A_279 = arith.divsi %while3A_276, %while3A_278 : i32
    %while3A_280 = arith.muli %while3A_279, %while3A_278 : i32
    %while3A_281 = arith.addi %while3A_275, %while3A_280 : i32
    %while3A_282 = arith.constant 1 : i32
    scf.for %while3A_295 = %while3A_275 to %while3A_281 step %while3A_282  : i32 {
      %mul3A_296 = arith.constant 2 : i32
      %mul3A_297 = arith.muli %while3A_295, %mul3A_296 : i32
      %add3A_298 = arith.constant 0 : i32
      %add3A_299 = arith.addi %mul3A_297, %add3A_298 : i32
      %dma_wait3A = arith.constant 0 : i32
      %dma_wait3A_300 = arith.constant 0 : i32
      %dma_wait3A_301 = tpu.memref_slice %arg6[%dma_wait3A, %dma_wait3A_300] : memref<2x128xi32, #tpu.memory_space<vmem>> -> memref<1x128xi32, #tpu.memory_space<vmem>>
      %dma_wait3A_302 = tpu.memref_squeeze %dma_wait3A_301 : memref<1x128xi32, #tpu.memory_space<vmem>> -> memref<128xi32, #tpu.memory_space<vmem>>
      %dma_wait3A_303 = arith.constant 0 : i32
      %dma_wait3A_304 = arith.constant 0 : i32
      %dma_wait3A_305 = tpu.memref_slice %arg2[%dma_wait3A_303, %dma_wait3A_304] : memref<10240x128xf32, #tpu.memory_space<hbm>> -> memref<10240x128xf32, #tpu.memory_space<hbm>>
      tpu.wait_indirect_dma semaphore(%arg11 : memref<!tpu.dma_semaphore, #tpu.memory_space<semaphore_mem>>) src(%dma_wait3A_305 : memref<10240x128xf32, #tpu.memory_space<hbm>>) dst(%arg8 : memref<128x128xf32, #tpu.memory_space<vmem>>)
      %get3A_306 = arith.index_cast %add3A_299 : i32 to index
      %get3A_307 = arith.constant 0 : index
      %get3A_308 = tpu.vector_load %arg5[%get3A_306, %get3A_307] {strides = array<i32>} : memref<120x128xi32, #tpu.memory_space<vmem>>, vector<1x16xi32>,
      %get3A_309 = vector.shape_cast %get3A_308 : vector<1x16xi32> to vector<16xi32>
      %and3A_310 = arith.constant 16383 : i32
      %and3A_311 = vector.broadcast %and3A_310 : i32 to vector<16xi32>
      %and3A_312 = arith.andi %get3A_309, %and3A_311 : vector<16xi32>
      %swap3A_313 = arith.constant 0 : i32
      %swap3A_314 = arith.index_cast %swap3A_313 : i32 to index
      %swap3A_315 = arith.constant 0 : index
      %swap3A_316 = tpu.vector_load %arg7[%swap3A_314, %swap3A_315] {strides = array<i32>} : memref<2x128xi32, #tpu.memory_space<vmem>>, vector<1x16xi32>,
      %swap3A_317 = vector.shape_cast %swap3A_316 : vector<1x16xi32> to vector<16xi32>
      %swap3A_318 = vector.shape_cast %and3A_312 : vector<16xi32> to vector<1x16xi32>
      tpu.vector_store %arg7[%swap3A_314, %swap3A_315], %swap3A_318 {strides = array<i32>} : memref<2x128xi32, #tpu.memory_space<vmem>>, vector<1x16xi32>,
      %get3A_319 = arith.index_cast %add3A_299 : i32 to index
      %get3A_320 = arith.constant 16 : index
      %get3A_321 = tpu.vector_load %arg5[%get3A_319, %get3A_320] {strides = array<i32>} : memref<120x128xi32, #tpu.memory_space<vmem>>, vector<1x16xi32>,
      %get3A_322 = vector.shape_cast %get3A_321 : vector<1x16xi32> to vector<16xi32>
      %and3A_323 = arith.constant 16383 : i32
      %and3A_324 = vector.broadcast %and3A_323 : i32 to vector<16xi32>
      %and3A_325 = arith.andi %get3A_322, %and3A_324 : vector<16xi32>
      %swap3A_326 = arith.constant 0 : i32
      %swap3A_327 = arith.index_cast %swap3A_326 : i32 to index
      %swap3A_328 = arith.constant 16 : index
      %swap3A_329 = tpu.vector_load %arg7[%swap3A_327, %swap3A_328] {strides = array<i32>} : memref<2x128xi32, #tpu.memory_space<vmem>>, vector<1x16xi32>,
      %swap3A_330 = vector.shape_cast %swap3A_329 : vector<1x16xi32> to vector<16xi32>
      %swap3A_331 = vector.shape_cast %and3A_325 : vector<16xi32> to vector<1x16xi32>
      tpu.vector_store %arg7[%swap3A_327, %swap3A_328], %swap3A_331 {strides = array<i32>} : memref<2x128xi32, #tpu.memory_space<vmem>>, vector<1x16xi32>,
      %get3A_332 = arith.index_cast %add3A_299 : i32 to index
      %get3A_333 = arith.constant 32 : index
      %get3A_334 = tpu.vector_load %arg5[%get3A_332, %get3A_333] {strides = array<i32>} : memref<120x128xi32, #tpu.memory_space<vmem>>, vector<1x16xi32>,
      %get3A_335 = vector.shape_cast %get3A_334 : vector<1x16xi32> to vector<16xi32>
      %and3A_336 = arith.constant 16383 : i32
      %and3A_337 = vector.broadcast %and3A_336 : i32 to vector<16xi32>
      %and3A_338 = arith.andi %get3A_335, %and3A_337 : vector<16xi32>
      %swap3A_339 = arith.constant 0 : i32
      %swap3A_340 = arith.index_cast %swap3A_339 : i32 to index
      %swap3A_341 = arith.constant 32 : index
      %swap3A_342 = tpu.vector_load %arg7[%swap3A_340, %swap3A_341] {strides = array<i32>} : memref<2x128xi32, #tpu.memory_space<vmem>>, vector<1x16xi32>,
      %swap3A_343 = vector.shape_cast %swap3A_342 : vector<1x16xi32> to vector<16xi32>
      %swap3A_344 = vector.shape_cast %and3A_338 : vector<16xi32> to vector<1x16xi32>
      tpu.vector_store %arg7[%swap3A_340, %swap3A_341], %swap3A_344 {strides = array<i32>} : memref<2x128xi32, #tpu.memory_space<vmem>>, vector<1x16xi32>,
      %get3A_345 = arith.index_cast %add3A_299 : i32 to index
      %get3A_346 = arith.constant 48 : index
      %get3A_347 = tpu.vector_load %arg5[%get3A_345, %get3A_346] {strides = array<i32>} : memref<120x128xi32, #tpu.memory_space<vmem>>, vector<1x16xi32>,
      %get3A_348 = vector.shape_cast %get3A_347 : vector<1x16xi32> to vector<16xi32>
      %and3A_349 = arith.constant 16383 : i32
      %and3A_350 = vector.broadcast %and3A_349 : i32 to vector<16xi32>
      %and3A_351 = arith.andi %get3A_348, %and3A_350 : vector<16xi32>
      %swap3A_352 = arith.constant 0 : i32
      %swap3A_353 = arith.index_cast %swap3A_352 : i32 to index
      %swap3A_354 = arith.constant 48 : index
      %swap3A_355 = tpu.vector_load %arg7[%swap3A_353, %swap3A_354] {strides = array<i32>} : memref<2x128xi32, #tpu.memory_space<vmem>>, vector<1x16xi32>,
      %swap3A_356 = vector.shape_cast %swap3A_355 : vector<1x16xi32> to vector<16xi32>
      %swap3A_357 = vector.shape_cast %and3A_351 : vector<16xi32> to vector<1x16xi32>
      tpu.vector_store %arg7[%swap3A_353, %swap3A_354], %swap3A_357 {strides = array<i32>} : memref<2x128xi32, #tpu.memory_space<vmem>>, vector<1x16xi32>,
      %get3A_358 = arith.index_cast %add3A_299 : i32 to index
      %get3A_359 = arith.constant 64 : index
      %get3A_360 = tpu.vector_load %arg5[%get3A_358, %get3A_359] {strides = array<i32>} : memref<120x128xi32, #tpu.memory_space<vmem>>, vector<1x16xi32>,
      %get3A_361 = vector.shape_cast %get3A_360 : vector<1x16xi32> to vector<16xi32>
      %and3A_362 = arith.constant 16383 : i32
      %and3A_363 = vector.broadcast %and3A_362 : i32 to vector<16xi32>
      %and3A_364 = arith.andi %get3A_361, %and3A_363 : vector<16xi32>
      %swap3A_365 = arith.constant 0 : i32
      %swap3A_366 = arith.index_cast %swap3A_365 : i32 to index
      %swap3A_367 = arith.constant 64 : index
      %swap3A_368 = tpu.vector_load %arg7[%swap3A_366, %swap3A_367] {strides = array<i32>} : memref<2x128xi32, #tpu.memory_space<vmem>>, vector<1x16xi32>,
      %swap3A_369 = vector.shape_cast %swap3A_368 : vector<1x16xi32> to vector<16xi32>
      %swap3A_370 = vector.shape_cast %and3A_364 : vector<16xi32> to vector<1x16xi32>
      tpu.vector_store %arg7[%swap3A_366, %swap3A_367], %swap3A_370 {strides = array<i32>} : memref<2x128xi32, #tpu.memory_space<vmem>>, vector<1x16xi32>,
      %get3A_371 = arith.index_cast %add3A_299 : i32 to index
      %get3A_372 = arith.constant 80 : index
      %get3A_373 = tpu.vector_load %arg5[%get3A_371, %get3A_372] {strides = array<i32>} : memref<120x128xi32, #tpu.memory_space<vmem>>, vector<1x16xi32>,
      %get3A_374 = vector.shape_cast %get3A_373 : vector<1x16xi32> to vector<16xi32>
      %and3A_375 = arith.constant 16383 : i32
      %and3A_376 = vector.broadcast %and3A_375 : i32 to vector<16xi32>
      %and3A_377 = arith.andi %get3A_374, %and3A_376 : vector<16xi32>
      %swap3A_378 = arith.constant 0 : i32
      %swap3A_379 = arith.index_cast %swap3A_378 : i32 to index
      %swap3A_380 = arith.constant 80 : index
      %swap3A_381 = tpu.vector_load %arg7[%swap3A_379, %swap3A_380] {strides = array<i32>} : memref<2x128xi32, #tpu.memory_space<vmem>>, vector<1x16xi32>,
      %swap3A_382 = vector.shape_cast %swap3A_381 : vector<1x16xi32> to vector<16xi32>
      %swap3A_383 = vector.shape_cast %and3A_377 : vector<16xi32> to vector<1x16xi32>
      tpu.vector_store %arg7[%swap3A_379, %swap3A_380], %swap3A_383 {strides = array<i32>} : memref<2x128xi32, #tpu.memory_space<vmem>>, vector<1x16xi32>,
      %get3A_384 = arith.index_cast %add3A_299 : i32 to index
      %get3A_385 = arith.constant 96 : index
      %get3A_386 = tpu.vector_load %arg5[%get3A_384, %get3A_385] {strides = array<i32>} : memref<120x128xi32, #tpu.memory_space<vmem>>, vector<1x16xi32>,
      %get3A_387 = vector.shape_cast %get3A_386 : vector<1x16xi32> to vector<16xi32>
      %and3A_388 = arith.constant 16383 : i32
      %and3A_389 = vector.broadcast %and3A_388 : i32 to vector<16xi32>
      %and3A_390 = arith.andi %get3A_387, %and3A_389 : vector<16xi32>
      %swap3A_391 = arith.constant 0 : i32
      %swap3A_392 = arith.index_cast %swap3A_391 : i32 to index
      %swap3A_393 = arith.constant 96 : index
      %swap3A_394 = tpu.vector_load %arg7[%swap3A_392, %swap3A_393] {strides = array<i32>} : memref<2x128xi32, #tpu.memory_space<vmem>>, vector<1x16xi32>,
      %swap3A_395 = vector.shape_cast %swap3A_394 : vector<1x16xi32> to vector<16xi32>
      %swap3A_396 = vector.shape_cast %and3A_390 : vector<16xi32> to vector<1x16xi32>
      tpu.vector_store %arg7[%swap3A_392, %swap3A_393], %swap3A_396 {strides = array<i32>} : memref<2x128xi32, #tpu.memory_space<vmem>>, vector<1x16xi32>,
      %get3A_397 = arith.index_cast %add3A_299 : i32 to index
      %get3A_398 = arith.constant 112 : index
      %get3A_399 = tpu.vector_load %arg5[%get3A_397, %get3A_398] {strides = array<i32>} : memref<120x128xi32, #tpu.memory_space<vmem>>, vector<1x16xi32>,
      %get3A_400 = vector.shape_cast %get3A_399 : vector<1x16xi32> to vector<16xi32>
      %and3A_401 = arith.constant 16383 : i32
      %and3A_402 = vector.broadcast %and3A_401 : i32 to vector<16xi32>
      %and3A_403 = arith.andi %get3A_400, %and3A_402 : vector<16xi32>
      %swap3A_404 = arith.constant 0 : i32
      %swap3A_405 = arith.index_cast %swap3A_404 : i32 to index
      %swap3A_406 = arith.constant 112 : index
      %swap3A_407 = tpu.vector_load %arg7[%swap3A_405, %swap3A_406] {strides = array<i32>} : memref<2x128xi32, #tpu.memory_space<vmem>>, vector<1x16xi32>,
      %swap3A_408 = vector.shape_cast %swap3A_407 : vector<1x16xi32> to vector<16xi32>
      %swap3A_409 = vector.shape_cast %and3A_403 : vector<16xi32> to vector<1x16xi32>
      tpu.vector_store %arg7[%swap3A_405, %swap3A_406], %swap3A_409 {strides = array<i32>} : memref<2x128xi32, #tpu.memory_space<vmem>>, vector<1x16xi32>,
      %run_scoped3A = arith.constant 0 : i32
      "tpu.region"() ({
        %run_scoped3A_533 = tpu.sem_alloc : memref<!tpu.dma_semaphore, #tpu.memory_space<semaphore_mem>>
        %dma_start3A_534 = arith.constant 0 : i32
        %dma_start3A_535 = tpu.memref_slice %arg7[%run_scoped3A, %dma_start3A_534] : memref<2x128xi32, #tpu.memory_space<vmem>> -> memref<1x128xi32, #tpu.memory_space<vmem>>
        %dma_start3A_536 = tpu.memref_squeeze %dma_start3A_535 : memref<1x128xi32, #tpu.memory_space<vmem>> -> memref<128xi32, #tpu.memory_space<vmem>>
        %dma_start3A_537 = arith.constant 0 : i32
        %dma_start3A_538 = arith.constant 0 : i32
        %dma_start3A_539 = tpu.memref_slice %arg10[%dma_start3A_537, %dma_start3A_538] : memref<10240x128xf32, #tpu.memory_space<vmem_shared>> -> memref<10240x128xf32, #tpu.memory_space<vmem_shared>>
        tpu.enqueue_indirect_dma source(%arg8 : memref<128x128xf32, #tpu.memory_space<vmem>>) target(%dma_start3A_539 : memref<10240x128xf32, #tpu.memory_space<vmem_shared>>) offsets(%dma_start3A_536 : memref<128xi32, #tpu.memory_space<vmem>>) semaphore(%run_scoped3A_533 : memref<!tpu.dma_semaphore, #tpu.memory_space<semaphore_mem>>) {add = true}
        %dma_wait3A_540 = arith.constant 0 : i32
        %dma_wait3A_541 = tpu.memref_slice %arg7[%run_scoped3A, %dma_wait3A_540] : memref<2x128xi32, #tpu.memory_space<vmem>> -> memref<1x128xi32, #tpu.memory_space<vmem>>
        %dma_wait3A_542 = tpu.memref_squeeze %dma_wait3A_541 : memref<1x128xi32, #tpu.memory_space<vmem>> -> memref<128xi32, #tpu.memory_space<vmem>>
        %dma_wait3A_543 = arith.constant 0 : i32
        %dma_wait3A_544 = arith.constant 0 : i32
        %dma_wait3A_545 = tpu.memref_slice %arg10[%dma_wait3A_543, %dma_wait3A_544] : memref<10240x128xf32, #tpu.memory_space<vmem_shared>> -> memref<10240x128xf32, #tpu.memory_space<vmem_shared>>
        tpu.wait_indirect_dma semaphore(%run_scoped3A_533 : memref<!tpu.dma_semaphore, #tpu.memory_space<semaphore_mem>>) src(%arg8 : memref<128x128xf32, #tpu.memory_space<vmem>>) dst(%dma_wait3A_545 : memref<10240x128xf32, #tpu.memory_space<vmem_shared>>)
        tpu.yield
      }) : () -> ()
      %add3A_410 = arith.constant 2 : i32
      %add3A_411 = arith.addi %add3A_299, %add3A_410 : i32
      %lt3A = arith.cmpi slt, %add3A_411, %select_n3A_6 : i32
      %convert_element_type3A = arith.extui %lt3A : i1 to i32
      %cond3A = arith.constant 0 : i32
      %cond3A_412 = arith.cmpi ne, %convert_element_type3A, %cond3A : i32
      scf.if %cond3A_412 {
        %get3A_533 = arith.index_cast %add3A_411 : i32 to index
        %get3A_534 = arith.constant 0 : index
        %get3A_535 = tpu.vector_load %arg5[%get3A_533, %get3A_534] {strides = array<i32>} : memref<120x128xi32, #tpu.memory_space<vmem>>, vector<1x16xi32>,
        %get3A_536 = vector.shape_cast %get3A_535 : vector<1x16xi32> to vector<16xi32>
        %shift_right_logical3A_537 = arith.constant 14 : i32
        %shift_right_logical3A_538 = vector.broadcast %shift_right_logical3A_537 : i32 to vector<16xi32>
        %shift_right_logical3A_539 = arith.shrui %get3A_536, %shift_right_logical3A_538 : vector<16xi32>
        %swap3A_540 = arith.constant 0 : i32
        %swap3A_541 = arith.index_cast %swap3A_540 : i32 to index
        %swap3A_542 = arith.constant 0 : index
        %swap3A_543 = tpu.vector_load %arg6[%swap3A_541, %swap3A_542] {strides = array<i32>} : memref<2x128xi32, #tpu.memory_space<vmem>>, vector<1x16xi32>,
        %swap3A_544 = vector.shape_cast %swap3A_543 : vector<1x16xi32> to vector<16xi32>
        %swap3A_545 = vector.shape_cast %shift_right_logical3A_539 : vector<16xi32> to vector<1x16xi32>
        tpu.vector_store %arg6[%swap3A_541, %swap3A_542], %swap3A_545 {strides = array<i32>} : memref<2x128xi32, #tpu.memory_space<vmem>>, vector<1x16xi32>,
        %get3A_546 = arith.index_cast %add3A_411 : i32 to index
        %get3A_547 = arith.constant 16 : index
        %get3A_548 = tpu.vector_load %arg5[%get3A_546, %get3A_547] {strides = array<i32>} : memref<120x128xi32, #tpu.memory_space<vmem>>, vector<1x16xi32>,
        %get3A_549 = vector.shape_cast %get3A_548 : vector<1x16xi32> to vector<16xi32>
        %shift_right_logical3A_550 = arith.constant 14 : i32
        %shift_right_logical3A_551 = vector.broadcast %shift_right_logical3A_550 : i32 to vector<16xi32>
        %shift_right_logical3A_552 = arith.shrui %get3A_549, %shift_right_logical3A_551 : vector<16xi32>
        %swap3A_553 = arith.constant 0 : i32
        %swap3A_554 = arith.index_cast %swap3A_553 : i32 to index
        %swap3A_555 = arith.constant 16 : index
        %swap3A_556 = tpu.vector_load %arg6[%swap3A_554, %swap3A_555] {strides = array<i32>} : memref<2x128xi32, #tpu.memory_space<vmem>>, vector<1x16xi32>,
        %swap3A_557 = vector.shape_cast %swap3A_556 : vector<1x16xi32> to vector<16xi32>
        %swap3A_558 = vector.shape_cast %shift_right_logical3A_552 : vector<16xi32> to vector<1x16xi32>
        tpu.vector_store %arg6[%swap3A_554, %swap3A_555], %swap3A_558 {strides = array<i32>} : memref<2x128xi32, #tpu.memory_space<vmem>>, vector<1x16xi32>,
        %get3A_559 = arith.index_cast %add3A_411 : i32 to index
        %get3A_560 = arith.constant 32 : index
        %get3A_561 = tpu.vector_load %arg5[%get3A_559, %get3A_560] {strides = array<i32>} : memref<120x128xi32, #tpu.memory_space<vmem>>, vector<1x16xi32>,
        %get3A_562 = vector.shape_cast %get3A_561 : vector<1x16xi32> to vector<16xi32>
        %shift_right_logical3A_563 = arith.constant 14 : i32
        %shift_right_logical3A_564 = vector.broadcast %shift_right_logical3A_563 : i32 to vector<16xi32>
        %shift_right_logical3A_565 = arith.shrui %get3A_562, %shift_right_logical3A_564 : vector<16xi32>
        %swap3A_566 = arith.constant 0 : i32
        %swap3A_567 = arith.index_cast %swap3A_566 : i32 to index
        %swap3A_568 = arith.constant 32 : index
        %swap3A_569 = tpu.vector_load %arg6[%swap3A_567, %swap3A_568] {strides = array<i32>} : memref<2x128xi32, #tpu.memory_space<vmem>>, vector<1x16xi32>,
        %swap3A_570 = vector.shape_cast %swap3A_569 : vector<1x16xi32> to vector<16xi32>
        %swap3A_571 = vector.shape_cast %shift_right_logical3A_565 : vector<16xi32> to vector<1x16xi32>
        tpu.vector_store %arg6[%swap3A_567, %swap3A_568], %swap3A_571 {strides = array<i32>} : memref<2x128xi32, #tpu.memory_space<vmem>>, vector<1x16xi32>,
        %get3A_572 = arith.index_cast %add3A_411 : i32 to index
        %get3A_573 = arith.constant 48 : index
        %get3A_574 = tpu.vector_load %arg5[%get3A_572, %get3A_573] {strides = array<i32>} : memref<120x128xi32, #tpu.memory_space<vmem>>, vector<1x16xi32>,
        %get3A_575 = vector.shape_cast %get3A_574 : vector<1x16xi32> to vector<16xi32>
        %shift_right_logical3A_576 = arith.constant 14 : i32
        %shift_right_logical3A_577 = vector.broadcast %shift_right_logical3A_576 : i32 to vector<16xi32>
        %shift_right_logical3A_578 = arith.shrui %get3A_575, %shift_right_logical3A_577 : vector<16xi32>
        %swap3A_579 = arith.constant 0 : i32
        %swap3A_580 = arith.index_cast %swap3A_579 : i32 to index
        %swap3A_581 = arith.constant 48 : index
        %swap3A_582 = tpu.vector_load %arg6[%swap3A_580, %swap3A_581] {strides = array<i32>} : memref<2x128xi32, #tpu.memory_space<vmem>>, vector<1x16xi32>,
        %swap3A_583 = vector.shape_cast %swap3A_582 : vector<1x16xi32> to vector<16xi32>
        %swap3A_584 = vector.shape_cast %shift_right_logical3A_578 : vector<16xi32> to vector<1x16xi32>
        tpu.vector_store %arg6[%swap3A_580, %swap3A_581], %swap3A_584 {strides = array<i32>} : memref<2x128xi32, #tpu.memory_space<vmem>>, vector<1x16xi32>,
        %get3A_585 = arith.index_cast %add3A_411 : i32 to index
        %get3A_586 = arith.constant 64 : index
        %get3A_587 = tpu.vector_load %arg5[%get3A_585, %get3A_586] {strides = array<i32>} : memref<120x128xi32, #tpu.memory_space<vmem>>, vector<1x16xi32>,
        %get3A_588 = vector.shape_cast %get3A_587 : vector<1x16xi32> to vector<16xi32>
        %shift_right_logical3A_589 = arith.constant 14 : i32
        %shift_right_logical3A_590 = vector.broadcast %shift_right_logical3A_589 : i32 to vector<16xi32>
        %shift_right_logical3A_591 = arith.shrui %get3A_588, %shift_right_logical3A_590 : vector<16xi32>
        %swap3A_592 = arith.constant 0 : i32
        %swap3A_593 = arith.index_cast %swap3A_592 : i32 to index
        %swap3A_594 = arith.constant 64 : index
        %swap3A_595 = tpu.vector_load %arg6[%swap3A_593, %swap3A_594] {strides = array<i32>} : memref<2x128xi32, #tpu.memory_space<vmem>>, vector<1x16xi32>,
        %swap3A_596 = vector.shape_cast %swap3A_595 : vector<1x16xi32> to vector<16xi32>
        %swap3A_597 = vector.shape_cast %shift_right_logical3A_591 : vector<16xi32> to vector<1x16xi32>
        tpu.vector_store %arg6[%swap3A_593, %swap3A_594], %swap3A_597 {strides = array<i32>} : memref<2x128xi32, #tpu.memory_space<vmem>>, vector<1x16xi32>,
        %get3A_598 = arith.index_cast %add3A_411 : i32 to index
        %get3A_599 = arith.constant 80 : index
        %get3A_600 = tpu.vector_load %arg5[%get3A_598, %get3A_599] {strides = array<i32>} : memref<120x128xi32, #tpu.memory_space<vmem>>, vector<1x16xi32>,
        %get3A_601 = vector.shape_cast %get3A_600 : vector<1x16xi32> to vector<16xi32>
        %shift_right_logical3A_602 = arith.constant 14 : i32
        %shift_right_logical3A_603 = vector.broadcast %shift_right_logical3A_602 : i32 to vector<16xi32>
        %shift_right_logical3A_604 = arith.shrui %get3A_601, %shift_right_logical3A_603 : vector<16xi32>
        %swap3A_605 = arith.constant 0 : i32
        %swap3A_606 = arith.index_cast %swap3A_605 : i32 to index
        %swap3A_607 = arith.constant 80 : index
        %swap3A_608 = tpu.vector_load %arg6[%swap3A_606, %swap3A_607] {strides = array<i32>} : memref<2x128xi32, #tpu.memory_space<vmem>>, vector<1x16xi32>,
        %swap3A_609 = vector.shape_cast %swap3A_608 : vector<1x16xi32> to vector<16xi32>
        %swap3A_610 = vector.shape_cast %shift_right_logical3A_604 : vector<16xi32> to vector<1x16xi32>
        tpu.vector_store %arg6[%swap3A_606, %swap3A_607], %swap3A_610 {strides = array<i32>} : memref<2x128xi32, #tpu.memory_space<vmem>>, vector<1x16xi32>,
        %get3A_611 = arith.index_cast %add3A_411 : i32 to index
        %get3A_612 = arith.constant 96 : index
        %get3A_613 = tpu.vector_load %arg5[%get3A_611, %get3A_612] {strides = array<i32>} : memref<120x128xi32, #tpu.memory_space<vmem>>, vector<1x16xi32>,
        %get3A_614 = vector.shape_cast %get3A_613 : vector<1x16xi32> to vector<16xi32>
        %shift_right_logical3A_615 = arith.constant 14 : i32
        %shift_right_logical3A_616 = vector.broadcast %shift_right_logical3A_615 : i32 to vector<16xi32>
        %shift_right_logical3A_617 = arith.shrui %get3A_614, %shift_right_logical3A_616 : vector<16xi32>
        %swap3A_618 = arith.constant 0 : i32
        %swap3A_619 = arith.index_cast %swap3A_618 : i32 to index
        %swap3A_620 = arith.constant 96 : index
        %swap3A_621 = tpu.vector_load %arg6[%swap3A_619, %swap3A_620] {strides = array<i32>} : memref<2x128xi32, #tpu.memory_space<vmem>>, vector<1x16xi32>,
        %swap3A_622 = vector.shape_cast %swap3A_621 : vector<1x16xi32> to vector<16xi32>
        %swap3A_623 = vector.shape_cast %shift_right_logical3A_617 : vector<16xi32> to vector<1x16xi32>
        tpu.vector_store %arg6[%swap3A_619, %swap3A_620], %swap3A_623 {strides = array<i32>} : memref<2x128xi32, #tpu.memory_space<vmem>>, vector<1x16xi32>,
        %get3A_624 = arith.index_cast %add3A_411 : i32 to index
        %get3A_625 = arith.constant 112 : index
        %get3A_626 = tpu.vector_load %arg5[%get3A_624, %get3A_625] {strides = array<i32>} : memref<120x128xi32, #tpu.memory_space<vmem>>, vector<1x16xi32>,
        %get3A_627 = vector.shape_cast %get3A_626 : vector<1x16xi32> to vector<16xi32>
        %shift_right_logical3A_628 = arith.constant 14 : i32
        %shift_right_logical3A_629 = vector.broadcast %shift_right_logical3A_628 : i32 to vector<16xi32>
        %shift_right_logical3A_630 = arith.shrui %get3A_627, %shift_right_logical3A_629 : vector<16xi32>
        %swap3A_631 = arith.constant 0 : i32
        %swap3A_632 = arith.index_cast %swap3A_631 : i32 to index
        %swap3A_633 = arith.constant 112 : index
        %swap3A_634 = tpu.vector_load %arg6[%swap3A_632, %swap3A_633] {strides = array<i32>} : memref<2x128xi32, #tpu.memory_space<vmem>>, vector<1x16xi32>,
        %swap3A_635 = vector.shape_cast %swap3A_634 : vector<1x16xi32> to vector<16xi32>
        %swap3A_636 = vector.shape_cast %shift_right_logical3A_630 : vector<16xi32> to vector<1x16xi32>
        tpu.vector_store %arg6[%swap3A_632, %swap3A_633], %swap3A_636 {strides = array<i32>} : memref<2x128xi32, #tpu.memory_space<vmem>>, vector<1x16xi32>,
        %dma_start3A_637 = arith.constant 0 : i32
        %dma_start3A_638 = arith.constant 0 : i32
        %dma_start3A_639 = tpu.memref_slice %arg6[%dma_start3A_637, %dma_start3A_638] : memref<2x128xi32, #tpu.memory_space<vmem>> -> memref<1x128xi32, #tpu.memory_space<vmem>>
        %dma_start3A_640 = tpu.memref_squeeze %dma_start3A_639 : memref<1x128xi32, #tpu.memory_space<vmem>> -> memref<128xi32, #tpu.memory_space<vmem>>
        %dma_start3A_641 = arith.constant 0 : i32
        %dma_start3A_642 = arith.constant 0 : i32
        %dma_start3A_643 = tpu.memref_slice %arg2[%dma_start3A_641, %dma_start3A_642] : memref<10240x128xf32, #tpu.memory_space<hbm>> -> memref<10240x128xf32, #tpu.memory_space<hbm>>
        tpu.enqueue_indirect_dma source(%dma_start3A_643 : memref<10240x128xf32, #tpu.memory_space<hbm>>) target(%arg8 : memref<128x128xf32, #tpu.memory_space<vmem>>) offsets(%dma_start3A_640 : memref<128xi32, #tpu.memory_space<vmem>>) semaphore(%arg11 : memref<!tpu.dma_semaphore, #tpu.memory_space<semaphore_mem>>)
      } else {
      }
      %add3A_413 = arith.constant 1 : i32
      %add3A_414 = arith.addi %mul3A_297, %add3A_413 : i32
      %dma_wait3A_415 = arith.constant 1 : i32
      %dma_wait3A_416 = arith.constant 0 : i32
      %dma_wait3A_417 = tpu.memref_slice %arg6[%dma_wait3A_415, %dma_wait3A_416] : memref<2x128xi32, #tpu.memory_space<vmem>> -> memref<1x128xi32, #tpu.memory_space<vmem>>
      %dma_wait3A_418 = tpu.memref_squeeze %dma_wait3A_417 : memref<1x128xi32, #tpu.memory_space<vmem>> -> memref<128xi32, #tpu.memory_space<vmem>>
      %dma_wait3A_419 = arith.constant 0 : i32
      %dma_wait3A_420 = arith.constant 0 : i32
      %dma_wait3A_421 = tpu.memref_slice %arg2[%dma_wait3A_419, %dma_wait3A_420] : memref<10240x128xf32, #tpu.memory_space<hbm>> -> memref<10240x128xf32, #tpu.memory_space<hbm>>
      tpu.wait_indirect_dma semaphore(%arg12 : memref<!tpu.dma_semaphore, #tpu.memory_space<semaphore_mem>>) src(%dma_wait3A_421 : memref<10240x128xf32, #tpu.memory_space<hbm>>) dst(%arg9 : memref<128x128xf32, #tpu.memory_space<vmem>>)
      %get3A_422 = arith.index_cast %add3A_414 : i32 to index
      %get3A_423 = arith.constant 0 : index
      %get3A_424 = tpu.vector_load %arg5[%get3A_422, %get3A_423] {strides = array<i32>} : memref<120x128xi32, #tpu.memory_space<vmem>>, vector<1x16xi32>,
      %get3A_425 = vector.shape_cast %get3A_424 : vector<1x16xi32> to vector<16xi32>
      %and3A_426 = arith.constant 16383 : i32
      %and3A_427 = vector.broadcast %and3A_426 : i32 to vector<16xi32>
      %and3A_428 = arith.andi %get3A_425, %and3A_427 : vector<16xi32>
      %swap3A_429 = arith.constant 1 : i32
      %swap3A_430 = arith.index_cast %swap3A_429 : i32 to index
      %swap3A_431 = arith.constant 0 : index
      %swap3A_432 = tpu.vector_load %arg7[%swap3A_430, %swap3A_431] {strides = array<i32>} : memref<2x128xi32, #tpu.memory_space<vmem>>, vector<1x16xi32>,
      %swap3A_433 = vector.shape_cast %swap3A_432 : vector<1x16xi32> to vector<16xi32>
      %swap3A_434 = vector.shape_cast %and3A_428 : vector<16xi32> to vector<1x16xi32>
      tpu.vector_store %arg7[%swap3A_430, %swap3A_431], %swap3A_434 {strides = array<i32>} : memref<2x128xi32, #tpu.memory_space<vmem>>, vector<1x16xi32>,
      %get3A_435 = arith.index_cast %add3A_414 : i32 to index
      %get3A_436 = arith.constant 16 : index
      %get3A_437 = tpu.vector_load %arg5[%get3A_435, %get3A_436] {strides = array<i32>} : memref<120x128xi32, #tpu.memory_space<vmem>>, vector<1x16xi32>,
      %get3A_438 = vector.shape_cast %get3A_437 : vector<1x16xi32> to vector<16xi32>
      %and3A_439 = arith.constant 16383 : i32
      %and3A_440 = vector.broadcast %and3A_439 : i32 to vector<16xi32>
      %and3A_441 = arith.andi %get3A_438, %and3A_440 : vector<16xi32>
      %swap3A_442 = arith.constant 1 : i32
      %swap3A_443 = arith.index_cast %swap3A_442 : i32 to index
      %swap3A_444 = arith.constant 16 : index
      %swap3A_445 = tpu.vector_load %arg7[%swap3A_443, %swap3A_444] {strides = array<i32>} : memref<2x128xi32, #tpu.memory_space<vmem>>, vector<1x16xi32>,
      %swap3A_446 = vector.shape_cast %swap3A_445 : vector<1x16xi32> to vector<16xi32>
      %swap3A_447 = vector.shape_cast %and3A_441 : vector<16xi32> to vector<1x16xi32>
      tpu.vector_store %arg7[%swap3A_443, %swap3A_444], %swap3A_447 {strides = array<i32>} : memref<2x128xi32, #tpu.memory_space<vmem>>, vector<1x16xi32>,
      %get3A_448 = arith.index_cast %add3A_414 : i32 to index
      %get3A_449 = arith.constant 32 : index
      %get3A_450 = tpu.vector_load %arg5[%get3A_448, %get3A_449] {strides = array<i32>} : memref<120x128xi32, #tpu.memory_space<vmem>>, vector<1x16xi32>,
      %get3A_451 = vector.shape_cast %get3A_450 : vector<1x16xi32> to vector<16xi32>
      %and3A_452 = arith.constant 16383 : i32
      %and3A_453 = vector.broadcast %and3A_452 : i32 to vector<16xi32>
      %and3A_454 = arith.andi %get3A_451, %and3A_453 : vector<16xi32>
      %swap3A_455 = arith.constant 1 : i32
      %swap3A_456 = arith.index_cast %swap3A_455 : i32 to index
      %swap3A_457 = arith.constant 32 : index
      %swap3A_458 = tpu.vector_load %arg7[%swap3A_456, %swap3A_457] {strides = array<i32>} : memref<2x128xi32, #tpu.memory_space<vmem>>, vector<1x16xi32>,
      %swap3A_459 = vector.shape_cast %swap3A_458 : vector<1x16xi32> to vector<16xi32>
      %swap3A_460 = vector.shape_cast %and3A_454 : vector<16xi32> to vector<1x16xi32>
      tpu.vector_store %arg7[%swap3A_456, %swap3A_457], %swap3A_460 {strides = array<i32>} : memref<2x128xi32, #tpu.memory_space<vmem>>, vector<1x16xi32>,
      %get3A_461 = arith.index_cast %add3A_414 : i32 to index
      %get3A_462 = arith.constant 48 : index
      %get3A_463 = tpu.vector_load %arg5[%get3A_461, %get3A_462] {strides = array<i32>} : memref<120x128xi32, #tpu.memory_space<vmem>>, vector<1x16xi32>,
      %get3A_464 = vector.shape_cast %get3A_463 : vector<1x16xi32> to vector<16xi32>
      %and3A_465 = arith.constant 16383 : i32
      %and3A_466 = vector.broadcast %and3A_465 : i32 to vector<16xi32>
      %and3A_467 = arith.andi %get3A_464, %and3A_466 : vector<16xi32>
      %swap3A_468 = arith.constant 1 : i32
      %swap3A_469 = arith.index_cast %swap3A_468 : i32 to index
      %swap3A_470 = arith.constant 48 : index
      %swap3A_471 = tpu.vector_load %arg7[%swap3A_469, %swap3A_470] {strides = array<i32>} : memref<2x128xi32, #tpu.memory_space<vmem>>, vector<1x16xi32>,
      %swap3A_472 = vector.shape_cast %swap3A_471 : vector<1x16xi32> to vector<16xi32>
      %swap3A_473 = vector.shape_cast %and3A_467 : vector<16xi32> to vector<1x16xi32>
      tpu.vector_store %arg7[%swap3A_469, %swap3A_470], %swap3A_473 {strides = array<i32>} : memref<2x128xi32, #tpu.memory_space<vmem>>, vector<1x16xi32>,
      %get3A_474 = arith.index_cast %add3A_414 : i32 to index
      %get3A_475 = arith.constant 64 : index
      %get3A_476 = tpu.vector_load %arg5[%get3A_474, %get3A_475] {strides = array<i32>} : memref<120x128xi32, #tpu.memory_space<vmem>>, vector<1x16xi32>,
      %get3A_477 = vector.shape_cast %get3A_476 : vector<1x16xi32> to vector<16xi32>
      %and3A_478 = arith.constant 16383 : i32
      %and3A_479 = vector.broadcast %and3A_478 : i32 to vector<16xi32>
      %and3A_480 = arith.andi %get3A_477, %and3A_479 : vector<16xi32>
      %swap3A_481 = arith.constant 1 : i32
      %swap3A_482 = arith.index_cast %swap3A_481 : i32 to index
      %swap3A_483 = arith.constant 64 : index
      %swap3A_484 = tpu.vector_load %arg7[%swap3A_482, %swap3A_483] {strides = array<i32>} : memref<2x128xi32, #tpu.memory_space<vmem>>, vector<1x16xi32>,
      %swap3A_485 = vector.shape_cast %swap3A_484 : vector<1x16xi32> to vector<16xi32>
      %swap3A_486 = vector.shape_cast %and3A_480 : vector<16xi32> to vector<1x16xi32>
      tpu.vector_store %arg7[%swap3A_482, %swap3A_483], %swap3A_486 {strides = array<i32>} : memref<2x128xi32, #tpu.memory_space<vmem>>, vector<1x16xi32>,
      %get3A_487 = arith.index_cast %add3A_414 : i32 to index
      %get3A_488 = arith.constant 80 : index
      %get3A_489 = tpu.vector_load %arg5[%get3A_487, %get3A_488] {strides = array<i32>} : memref<120x128xi32, #tpu.memory_space<vmem>>, vector<1x16xi32>,
      %get3A_490 = vector.shape_cast %get3A_489 : vector<1x16xi32> to vector<16xi32>
      %and3A_491 = arith.constant 16383 : i32
      %and3A_492 = vector.broadcast %and3A_491 : i32 to vector<16xi32>
      %and3A_493 = arith.andi %get3A_490, %and3A_492 : vector<16xi32>
      %swap3A_494 = arith.constant 1 : i32
      %swap3A_495 = arith.index_cast %swap3A_494 : i32 to index
      %swap3A_496 = arith.constant 80 : index
      %swap3A_497 = tpu.vector_load %arg7[%swap3A_495, %swap3A_496] {strides = array<i32>} : memref<2x128xi32, #tpu.memory_space<vmem>>, vector<1x16xi32>,
      %swap3A_498 = vector.shape_cast %swap3A_497 : vector<1x16xi32> to vector<16xi32>
      %swap3A_499 = vector.shape_cast %and3A_493 : vector<16xi32> to vector<1x16xi32>
      tpu.vector_store %arg7[%swap3A_495, %swap3A_496], %swap3A_499 {strides = array<i32>} : memref<2x128xi32, #tpu.memory_space<vmem>>, vector<1x16xi32>,
      %get3A_500 = arith.index_cast %add3A_414 : i32 to index
      %get3A_501 = arith.constant 96 : index
      %get3A_502 = tpu.vector_load %arg5[%get3A_500, %get3A_501] {strides = array<i32>} : memref<120x128xi32, #tpu.memory_space<vmem>>, vector<1x16xi32>,
      %get3A_503 = vector.shape_cast %get3A_502 : vector<1x16xi32> to vector<16xi32>
      %and3A_504 = arith.constant 16383 : i32
      %and3A_505 = vector.broadcast %and3A_504 : i32 to vector<16xi32>
      %and3A_506 = arith.andi %get3A_503, %and3A_505 : vector<16xi32>
      %swap3A_507 = arith.constant 1 : i32
      %swap3A_508 = arith.index_cast %swap3A_507 : i32 to index
      %swap3A_509 = arith.constant 96 : index
      %swap3A_510 = tpu.vector_load %arg7[%swap3A_508, %swap3A_509] {strides = array<i32>} : memref<2x128xi32, #tpu.memory_space<vmem>>, vector<1x16xi32>,
      %swap3A_511 = vector.shape_cast %swap3A_510 : vector<1x16xi32> to vector<16xi32>
      %swap3A_512 = vector.shape_cast %and3A_506 : vector<16xi32> to vector<1x16xi32>
      tpu.vector_store %arg7[%swap3A_508, %swap3A_509], %swap3A_512 {strides = array<i32>} : memref<2x128xi32, #tpu.memory_space<vmem>>, vector<1x16xi32>,
      %get3A_513 = arith.index_cast %add3A_414 : i32 to index
      %get3A_514 = arith.constant 112 : index
      %get3A_515 = tpu.vector_load %arg5[%get3A_513, %get3A_514] {strides = array<i32>} : memref<120x128xi32, #tpu.memory_space<vmem>>, vector<1x16xi32>,
      %get3A_516 = vector.shape_cast %get3A_515 : vector<1x16xi32> to vector<16xi32>
      %and3A_517 = arith.constant 16383 : i32
      %and3A_518 = vector.broadcast %and3A_517 : i32 to vector<16xi32>
      %and3A_519 = arith.andi %get3A_516, %and3A_518 : vector<16xi32>
      %swap3A_520 = arith.constant 1 : i32
      %swap3A_521 = arith.index_cast %swap3A_520 : i32 to index
      %swap3A_522 = arith.constant 112 : index
      %swap3A_523 = tpu.vector_load %arg7[%swap3A_521, %swap3A_522] {strides = array<i32>} : memref<2x128xi32, #tpu.memory_space<vmem>>, vector<1x16xi32>,
      %swap3A_524 = vector.shape_cast %swap3A_523 : vector<1x16xi32> to vector<16xi32>
      %swap3A_525 = vector.shape_cast %and3A_519 : vector<16xi32> to vector<1x16xi32>
      tpu.vector_store %arg7[%swap3A_521, %swap3A_522], %swap3A_525 {strides = array<i32>} : memref<2x128xi32, #tpu.memory_space<vmem>>, vector<1x16xi32>,
      %run_scoped3A_526 = arith.constant 1 : i32
      "tpu.region"() ({
        %run_scoped3A_533 = tpu.sem_alloc : memref<!tpu.dma_semaphore, #tpu.memory_space<semaphore_mem>>
        %dma_start3A_534 = arith.constant 0 : i32
        %dma_start3A_535 = tpu.memref_slice %arg7[%run_scoped3A_526, %dma_start3A_534] : memref<2x128xi32, #tpu.memory_space<vmem>> -> memref<1x128xi32, #tpu.memory_space<vmem>>
        %dma_start3A_536 = tpu.memref_squeeze %dma_start3A_535 : memref<1x128xi32, #tpu.memory_space<vmem>> -> memref<128xi32, #tpu.memory_space<vmem>>
        %dma_start3A_537 = arith.constant 0 : i32
        %dma_start3A_538 = arith.constant 0 : i32
        %dma_start3A_539 = tpu.memref_slice %arg10[%dma_start3A_537, %dma_start3A_538] : memref<10240x128xf32, #tpu.memory_space<vmem_shared>> -> memref<10240x128xf32, #tpu.memory_space<vmem_shared>>
        tpu.enqueue_indirect_dma source(%arg9 : memref<128x128xf32, #tpu.memory_space<vmem>>) target(%dma_start3A_539 : memref<10240x128xf32, #tpu.memory_space<vmem_shared>>) offsets(%dma_start3A_536 : memref<128xi32, #tpu.memory_space<vmem>>) semaphore(%run_scoped3A_533 : memref<!tpu.dma_semaphore, #tpu.memory_space<semaphore_mem>>) {add = true}
        %dma_wait3A_540 = arith.constant 0 : i32
        %dma_wait3A_541 = tpu.memref_slice %arg7[%run_scoped3A_526, %dma_wait3A_540] : memref<2x128xi32, #tpu.memory_space<vmem>> -> memref<1x128xi32, #tpu.memory_space<vmem>>
        %dma_wait3A_542 = tpu.memref_squeeze %dma_wait3A_541 : memref<1x128xi32, #tpu.memory_space<vmem>> -> memref<128xi32, #tpu.memory_space<vmem>>
        %dma_wait3A_543 = arith.constant 0 : i32
        %dma_wait3A_544 = arith.constant 0 : i32
        %dma_wait3A_545 = tpu.memref_slice %arg10[%dma_wait3A_543, %dma_wait3A_544] : memref<10240x128xf32, #tpu.memory_space<vmem_shared>> -> memref<10240x128xf32, #tpu.memory_space<vmem_shared>>
        tpu.wait_indirect_dma semaphore(%run_scoped3A_533 : memref<!tpu.dma_semaphore, #tpu.memory_space<semaphore_mem>>) src(%arg9 : memref<128x128xf32, #tpu.memory_space<vmem>>) dst(%dma_wait3A_545 : memref<10240x128xf32, #tpu.memory_space<vmem_shared>>)
        tpu.yield
      }) : () -> ()
      %add3A_527 = arith.constant 2 : i32
      %add3A_528 = arith.addi %add3A_414, %add3A_527 : i32
      %lt3A_529 = arith.cmpi slt, %add3A_528, %select_n3A_6 : i32
      %convert_element_type3A_530 = arith.extui %lt3A_529 : i1 to i32
      %cond3A_531 = arith.constant 0 : i32
      %cond3A_532 = arith.cmpi ne, %convert_element_type3A_530, %cond3A_531 : i32
      scf.if %cond3A_532 {
        %get3A_533 = arith.index_cast %add3A_528 : i32 to index
        %get3A_534 = arith.constant 0 : index
        %get3A_535 = tpu.vector_load %arg5[%get3A_533, %get3A_534] {strides = array<i32>} : memref<120x128xi32, #tpu.memory_space<vmem>>, vector<1x16xi32>,
        %get3A_536 = vector.shape_cast %get3A_535 : vector<1x16xi32> to vector<16xi32>
        %shift_right_logical3A_537 = arith.constant 14 : i32
        %shift_right_logical3A_538 = vector.broadcast %shift_right_logical3A_537 : i32 to vector<16xi32>
        %shift_right_logical3A_539 = arith.shrui %get3A_536, %shift_right_logical3A_538 : vector<16xi32>
        %swap3A_540 = arith.constant 1 : i32
        %swap3A_541 = arith.index_cast %swap3A_540 : i32 to index
        %swap3A_542 = arith.constant 0 : index
        %swap3A_543 = tpu.vector_load %arg6[%swap3A_541, %swap3A_542] {strides = array<i32>} : memref<2x128xi32, #tpu.memory_space<vmem>>, vector<1x16xi32>,
        %swap3A_544 = vector.shape_cast %swap3A_543 : vector<1x16xi32> to vector<16xi32>
        %swap3A_545 = vector.shape_cast %shift_right_logical3A_539 : vector<16xi32> to vector<1x16xi32>
        tpu.vector_store %arg6[%swap3A_541, %swap3A_542], %swap3A_545 {strides = array<i32>} : memref<2x128xi32, #tpu.memory_space<vmem>>, vector<1x16xi32>,
        %get3A_546 = arith.index_cast %add3A_528 : i32 to index
        %get3A_547 = arith.constant 16 : index
        %get3A_548 = tpu.vector_load %arg5[%get3A_546, %get3A_547] {strides = array<i32>} : memref<120x128xi32, #tpu.memory_space<vmem>>, vector<1x16xi32>,
        %get3A_549 = vector.shape_cast %get3A_548 : vector<1x16xi32> to vector<16xi32>
        %shift_right_logical3A_550 = arith.constant 14 : i32
        %shift_right_logical3A_551 = vector.broadcast %shift_right_logical3A_550 : i32 to vector<16xi32>
        %shift_right_logical3A_552 = arith.shrui %get3A_549, %shift_right_logical3A_551 : vector<16xi32>
        %swap3A_553 = arith.constant 1 : i32
        %swap3A_554 = arith.index_cast %swap3A_553 : i32 to index
        %swap3A_555 = arith.constant 16 : index
        %swap3A_556 = tpu.vector_load %arg6[%swap3A_554, %swap3A_555] {strides = array<i32>} : memref<2x128xi32, #tpu.memory_space<vmem>>, vector<1x16xi32>,
        %swap3A_557 = vector.shape_cast %swap3A_556 : vector<1x16xi32> to vector<16xi32>
        %swap3A_558 = vector.shape_cast %shift_right_logical3A_552 : vector<16xi32> to vector<1x16xi32>
        tpu.vector_store %arg6[%swap3A_554, %swap3A_555], %swap3A_558 {strides = array<i32>} : memref<2x128xi32, #tpu.memory_space<vmem>>, vector<1x16xi32>,
        %get3A_559 = arith.index_cast %add3A_528 : i32 to index
        %get3A_560 = arith.constant 32 : index
        %get3A_561 = tpu.vector_load %arg5[%get3A_559, %get3A_560] {strides = array<i32>} : memref<120x128xi32, #tpu.memory_space<vmem>>, vector<1x16xi32>,
        %get3A_562 = vector.shape_cast %get3A_561 : vector<1x16xi32> to vector<16xi32>
        %shift_right_logical3A_563 = arith.constant 14 : i32
        %shift_right_logical3A_564 = vector.broadcast %shift_right_logical3A_563 : i32 to vector<16xi32>
        %shift_right_logical3A_565 = arith.shrui %get3A_562, %shift_right_logical3A_564 : vector<16xi32>
        %swap3A_566 = arith.constant 1 : i32
        %swap3A_567 = arith.index_cast %swap3A_566 : i32 to index
        %swap3A_568 = arith.constant 32 : index
        %swap3A_569 = tpu.vector_load %arg6[%swap3A_567, %swap3A_568] {strides = array<i32>} : memref<2x128xi32, #tpu.memory_space<vmem>>, vector<1x16xi32>,
        %swap3A_570 = vector.shape_cast %swap3A_569 : vector<1x16xi32> to vector<16xi32>
        %swap3A_571 = vector.shape_cast %shift_right_logical3A_565 : vector<16xi32> to vector<1x16xi32>
        tpu.vector_store %arg6[%swap3A_567, %swap3A_568], %swap3A_571 {strides = array<i32>} : memref<2x128xi32, #tpu.memory_space<vmem>>, vector<1x16xi32>,
        %get3A_572 = arith.index_cast %add3A_528 : i32 to index
        %get3A_573 = arith.constant 48 : index
        %get3A_574 = tpu.vector_load %arg5[%get3A_572, %get3A_573] {strides = array<i32>} : memref<120x128xi32, #tpu.memory_space<vmem>>, vector<1x16xi32>,
        %get3A_575 = vector.shape_cast %get3A_574 : vector<1x16xi32> to vector<16xi32>
        %shift_right_logical3A_576 = arith.constant 14 : i32
        %shift_right_logical3A_577 = vector.broadcast %shift_right_logical3A_576 : i32 to vector<16xi32>
        %shift_right_logical3A_578 = arith.shrui %get3A_575, %shift_right_logical3A_577 : vector<16xi32>
        %swap3A_579 = arith.constant 1 : i32
        %swap3A_580 = arith.index_cast %swap3A_579 : i32 to index
        %swap3A_581 = arith.constant 48 : index
        %swap3A_582 = tpu.vector_load %arg6[%swap3A_580, %swap3A_581] {strides = array<i32>} : memref<2x128xi32, #tpu.memory_space<vmem>>, vector<1x16xi32>,
        %swap3A_583 = vector.shape_cast %swap3A_582 : vector<1x16xi32> to vector<16xi32>
        %swap3A_584 = vector.shape_cast %shift_right_logical3A_578 : vector<16xi32> to vector<1x16xi32>
        tpu.vector_store %arg6[%swap3A_580, %swap3A_581], %swap3A_584 {strides = array<i32>} : memref<2x128xi32, #tpu.memory_space<vmem>>, vector<1x16xi32>,
        %get3A_585 = arith.index_cast %add3A_528 : i32 to index
        %get3A_586 = arith.constant 64 : index
        %get3A_587 = tpu.vector_load %arg5[%get3A_585, %get3A_586] {strides = array<i32>} : memref<120x128xi32, #tpu.memory_space<vmem>>, vector<1x16xi32>,
        %get3A_588 = vector.shape_cast %get3A_587 : vector<1x16xi32> to vector<16xi32>
        %shift_right_logical3A_589 = arith.constant 14 : i32
        %shift_right_logical3A_590 = vector.broadcast %shift_right_logical3A_589 : i32 to vector<16xi32>
        %shift_right_logical3A_591 = arith.shrui %get3A_588, %shift_right_logical3A_590 : vector<16xi32>
        %swap3A_592 = arith.constant 1 : i32
        %swap3A_593 = arith.index_cast %swap3A_592 : i32 to index
        %swap3A_594 = arith.constant 64 : index
        %swap3A_595 = tpu.vector_load %arg6[%swap3A_593, %swap3A_594] {strides = array<i32>} : memref<2x128xi32, #tpu.memory_space<vmem>>, vector<1x16xi32>,
        %swap3A_596 = vector.shape_cast %swap3A_595 : vector<1x16xi32> to vector<16xi32>
        %swap3A_597 = vector.shape_cast %shift_right_logical3A_591 : vector<16xi32> to vector<1x16xi32>
        tpu.vector_store %arg6[%swap3A_593, %swap3A_594], %swap3A_597 {strides = array<i32>} : memref<2x128xi32, #tpu.memory_space<vmem>>, vector<1x16xi32>,
        %get3A_598 = arith.index_cast %add3A_528 : i32 to index
        %get3A_599 = arith.constant 80 : index
        %get3A_600 = tpu.vector_load %arg5[%get3A_598, %get3A_599] {strides = array<i32>} : memref<120x128xi32, #tpu.memory_space<vmem>>, vector<1x16xi32>,
        %get3A_601 = vector.shape_cast %get3A_600 : vector<1x16xi32> to vector<16xi32>
        %shift_right_logical3A_602 = arith.constant 14 : i32
        %shift_right_logical3A_603 = vector.broadcast %shift_right_logical3A_602 : i32 to vector<16xi32>
        %shift_right_logical3A_604 = arith.shrui %get3A_601, %shift_right_logical3A_603 : vector<16xi32>
        %swap3A_605 = arith.constant 1 : i32
        %swap3A_606 = arith.index_cast %swap3A_605 : i32 to index
        %swap3A_607 = arith.constant 80 : index
        %swap3A_608 = tpu.vector_load %arg6[%swap3A_606, %swap3A_607] {strides = array<i32>} : memref<2x128xi32, #tpu.memory_space<vmem>>, vector<1x16xi32>,
        %swap3A_609 = vector.shape_cast %swap3A_608 : vector<1x16xi32> to vector<16xi32>
        %swap3A_610 = vector.shape_cast %shift_right_logical3A_604 : vector<16xi32> to vector<1x16xi32>
        tpu.vector_store %arg6[%swap3A_606, %swap3A_607], %swap3A_610 {strides = array<i32>} : memref<2x128xi32, #tpu.memory_space<vmem>>, vector<1x16xi32>,
        %get3A_611 = arith.index_cast %add3A_528 : i32 to index
        %get3A_612 = arith.constant 96 : index
        %get3A_613 = tpu.vector_load %arg5[%get3A_611, %get3A_612] {strides = array<i32>} : memref<120x128xi32, #tpu.memory_space<vmem>>, vector<1x16xi32>,
        %get3A_614 = vector.shape_cast %get3A_613 : vector<1x16xi32> to vector<16xi32>
        %shift_right_logical3A_615 = arith.constant 14 : i32
        %shift_right_logical3A_616 = vector.broadcast %shift_right_logical3A_615 : i32 to vector<16xi32>
        %shift_right_logical3A_617 = arith.shrui %get3A_614, %shift_right_logical3A_616 : vector<16xi32>
        %swap3A_618 = arith.constant 1 : i32
        %swap3A_619 = arith.index_cast %swap3A_618 : i32 to index
        %swap3A_620 = arith.constant 96 : index
        %swap3A_621 = tpu.vector_load %arg6[%swap3A_619, %swap3A_620] {strides = array<i32>} : memref<2x128xi32, #tpu.memory_space<vmem>>, vector<1x16xi32>,
        %swap3A_622 = vector.shape_cast %swap3A_621 : vector<1x16xi32> to vector<16xi32>
        %swap3A_623 = vector.shape_cast %shift_right_logical3A_617 : vector<16xi32> to vector<1x16xi32>
        tpu.vector_store %arg6[%swap3A_619, %swap3A_620], %swap3A_623 {strides = array<i32>} : memref<2x128xi32, #tpu.memory_space<vmem>>, vector<1x16xi32>,
        %get3A_624 = arith.index_cast %add3A_528 : i32 to index
        %get3A_625 = arith.constant 112 : index
        %get3A_626 = tpu.vector_load %arg5[%get3A_624, %get3A_625] {strides = array<i32>} : memref<120x128xi32, #tpu.memory_space<vmem>>, vector<1x16xi32>,
        %get3A_627 = vector.shape_cast %get3A_626 : vector<1x16xi32> to vector<16xi32>
        %shift_right_logical3A_628 = arith.constant 14 : i32
        %shift_right_logical3A_629 = vector.broadcast %shift_right_logical3A_628 : i32 to vector<16xi32>
        %shift_right_logical3A_630 = arith.shrui %get3A_627, %shift_right_logical3A_629 : vector<16xi32>
        %swap3A_631 = arith.constant 1 : i32
        %swap3A_632 = arith.index_cast %swap3A_631 : i32 to index
        %swap3A_633 = arith.constant 112 : index
        %swap3A_634 = tpu.vector_load %arg6[%swap3A_632, %swap3A_633] {strides = array<i32>} : memref<2x128xi32, #tpu.memory_space<vmem>>, vector<1x16xi32>,
        %swap3A_635 = vector.shape_cast %swap3A_634 : vector<1x16xi32> to vector<16xi32>
        %swap3A_636 = vector.shape_cast %shift_right_logical3A_630 : vector<16xi32> to vector<1x16xi32>
        tpu.vector_store %arg6[%swap3A_632, %swap3A_633], %swap3A_636 {strides = array<i32>} : memref<2x128xi32, #tpu.memory_space<vmem>>, vector<1x16xi32>,
        %dma_start3A_637 = arith.constant 1 : i32
        %dma_start3A_638 = arith.constant 0 : i32
        %dma_start3A_639 = tpu.memref_slice %arg6[%dma_start3A_637, %dma_start3A_638] : memref<2x128xi32, #tpu.memory_space<vmem>> -> memref<1x128xi32, #tpu.memory_space<vmem>>
        %dma_start3A_640 = tpu.memref_squeeze %dma_start3A_639 : memref<1x128xi32, #tpu.memory_space<vmem>> -> memref<128xi32, #tpu.memory_space<vmem>>
        %dma_start3A_641 = arith.constant 0 : i32
        %dma_start3A_642 = arith.constant 0 : i32
        %dma_start3A_643 = tpu.memref_slice %arg2[%dma_start3A_641, %dma_start3A_642] : memref<10240x128xf32, #tpu.memory_space<hbm>> -> memref<10240x128xf32, #tpu.memory_space<hbm>>
        tpu.enqueue_indirect_dma source(%dma_start3A_643 : memref<10240x128xf32, #tpu.memory_space<hbm>>) target(%arg9 : memref<128x128xf32, #tpu.memory_space<vmem>>) offsets(%dma_start3A_640 : memref<128xi32, #tpu.memory_space<vmem>>) semaphore(%arg12 : memref<!tpu.dma_semaphore, #tpu.memory_space<semaphore_mem>>)
      } else {
      }
    }
    %while3A_283 = arith.constant 1 : i32
    scf.for %while3A_295 = %while3A_281 to %while3A_277 step %while3A_283  : i32 {
      %mul3A_296 = arith.constant 2 : i32
      %mul3A_297 = arith.muli %while3A_295, %mul3A_296 : i32
      %add3A_298 = arith.constant 0 : i32
      %add3A_299 = arith.addi %mul3A_297, %add3A_298 : i32
      %dma_wait3A = arith.constant 0 : i32
      %dma_wait3A_300 = arith.constant 0 : i32
      %dma_wait3A_301 = tpu.memref_slice %arg6[%dma_wait3A, %dma_wait3A_300] : memref<2x128xi32, #tpu.memory_space<vmem>> -> memref<1x128xi32, #tpu.memory_space<vmem>>
      %dma_wait3A_302 = tpu.memref_squeeze %dma_wait3A_301 : memref<1x128xi32, #tpu.memory_space<vmem>> -> memref<128xi32, #tpu.memory_space<vmem>>
      %dma_wait3A_303 = arith.constant 0 : i32
      %dma_wait3A_304 = arith.constant 0 : i32
      %dma_wait3A_305 = tpu.memref_slice %arg2[%dma_wait3A_303, %dma_wait3A_304] : memref<10240x128xf32, #tpu.memory_space<hbm>> -> memref<10240x128xf32, #tpu.memory_space<hbm>>
      tpu.wait_indirect_dma semaphore(%arg11 : memref<!tpu.dma_semaphore, #tpu.memory_space<semaphore_mem>>) src(%dma_wait3A_305 : memref<10240x128xf32, #tpu.memory_space<hbm>>) dst(%arg8 : memref<128x128xf32, #tpu.memory_space<vmem>>)
      %get3A_306 = arith.index_cast %add3A_299 : i32 to index
      %get3A_307 = arith.constant 0 : index
      %get3A_308 = tpu.vector_load %arg5[%get3A_306, %get3A_307] {strides = array<i32>} : memref<120x128xi32, #tpu.memory_space<vmem>>, vector<1x16xi32>,
      %get3A_309 = vector.shape_cast %get3A_308 : vector<1x16xi32> to vector<16xi32>
      %and3A_310 = arith.constant 16383 : i32
      %and3A_311 = vector.broadcast %and3A_310 : i32 to vector<16xi32>
      %and3A_312 = arith.andi %get3A_309, %and3A_311 : vector<16xi32>
      %swap3A_313 = arith.constant 0 : i32
      %swap3A_314 = arith.index_cast %swap3A_313 : i32 to index
      %swap3A_315 = arith.constant 0 : index
      %swap3A_316 = tpu.vector_load %arg7[%swap3A_314, %swap3A_315] {strides = array<i32>} : memref<2x128xi32, #tpu.memory_space<vmem>>, vector<1x16xi32>,
      %swap3A_317 = vector.shape_cast %swap3A_316 : vector<1x16xi32> to vector<16xi32>
      %swap3A_318 = vector.shape_cast %and3A_312 : vector<16xi32> to vector<1x16xi32>
      tpu.vector_store %arg7[%swap3A_314, %swap3A_315], %swap3A_318 {strides = array<i32>} : memref<2x128xi32, #tpu.memory_space<vmem>>, vector<1x16xi32>,
      %get3A_319 = arith.index_cast %add3A_299 : i32 to index
      %get3A_320 = arith.constant 16 : index
      %get3A_321 = tpu.vector_load %arg5[%get3A_319, %get3A_320] {strides = array<i32>} : memref<120x128xi32, #tpu.memory_space<vmem>>, vector<1x16xi32>,
      %get3A_322 = vector.shape_cast %get3A_321 : vector<1x16xi32> to vector<16xi32>
      %and3A_323 = arith.constant 16383 : i32
      %and3A_324 = vector.broadcast %and3A_323 : i32 to vector<16xi32>
      %and3A_325 = arith.andi %get3A_322, %and3A_324 : vector<16xi32>
      %swap3A_326 = arith.constant 0 : i32
      %swap3A_327 = arith.index_cast %swap3A_326 : i32 to index
      %swap3A_328 = arith.constant 16 : index
      %swap3A_329 = tpu.vector_load %arg7[%swap3A_327, %swap3A_328] {strides = array<i32>} : memref<2x128xi32, #tpu.memory_space<vmem>>, vector<1x16xi32>,
      %swap3A_330 = vector.shape_cast %swap3A_329 : vector<1x16xi32> to vector<16xi32>
      %swap3A_331 = vector.shape_cast %and3A_325 : vector<16xi32> to vector<1x16xi32>
      tpu.vector_store %arg7[%swap3A_327, %swap3A_328], %swap3A_331 {strides = array<i32>} : memref<2x128xi32, #tpu.memory_space<vmem>>, vector<1x16xi32>,
      %get3A_332 = arith.index_cast %add3A_299 : i32 to index
      %get3A_333 = arith.constant 32 : index
      %get3A_334 = tpu.vector_load %arg5[%get3A_332, %get3A_333] {strides = array<i32>} : memref<120x128xi32, #tpu.memory_space<vmem>>, vector<1x16xi32>,
      %get3A_335 = vector.shape_cast %get3A_334 : vector<1x16xi32> to vector<16xi32>
      %and3A_336 = arith.constant 16383 : i32
      %and3A_337 = vector.broadcast %and3A_336 : i32 to vector<16xi32>
      %and3A_338 = arith.andi %get3A_335, %and3A_337 : vector<16xi32>
      %swap3A_339 = arith.constant 0 : i32
      %swap3A_340 = arith.index_cast %swap3A_339 : i32 to index
      %swap3A_341 = arith.constant 32 : index
      %swap3A_342 = tpu.vector_load %arg7[%swap3A_340, %swap3A_341] {strides = array<i32>} : memref<2x128xi32, #tpu.memory_space<vmem>>, vector<1x16xi32>,
      %swap3A_343 = vector.shape_cast %swap3A_342 : vector<1x16xi32> to vector<16xi32>
      %swap3A_344 = vector.shape_cast %and3A_338 : vector<16xi32> to vector<1x16xi32>
      tpu.vector_store %arg7[%swap3A_340, %swap3A_341], %swap3A_344 {strides = array<i32>} : memref<2x128xi32, #tpu.memory_space<vmem>>, vector<1x16xi32>,
      %get3A_345 = arith.index_cast %add3A_299 : i32 to index
      %get3A_346 = arith.constant 48 : index
      %get3A_347 = tpu.vector_load %arg5[%get3A_345, %get3A_346] {strides = array<i32>} : memref<120x128xi32, #tpu.memory_space<vmem>>, vector<1x16xi32>,
      %get3A_348 = vector.shape_cast %get3A_347 : vector<1x16xi32> to vector<16xi32>
      %and3A_349 = arith.constant 16383 : i32
      %and3A_350 = vector.broadcast %and3A_349 : i32 to vector<16xi32>
      %and3A_351 = arith.andi %get3A_348, %and3A_350 : vector<16xi32>
      %swap3A_352 = arith.constant 0 : i32
      %swap3A_353 = arith.index_cast %swap3A_352 : i32 to index
      %swap3A_354 = arith.constant 48 : index
      %swap3A_355 = tpu.vector_load %arg7[%swap3A_353, %swap3A_354] {strides = array<i32>} : memref<2x128xi32, #tpu.memory_space<vmem>>, vector<1x16xi32>,
      %swap3A_356 = vector.shape_cast %swap3A_355 : vector<1x16xi32> to vector<16xi32>
      %swap3A_357 = vector.shape_cast %and3A_351 : vector<16xi32> to vector<1x16xi32>
      tpu.vector_store %arg7[%swap3A_353, %swap3A_354], %swap3A_357 {strides = array<i32>} : memref<2x128xi32, #tpu.memory_space<vmem>>, vector<1x16xi32>,
      %get3A_358 = arith.index_cast %add3A_299 : i32 to index
      %get3A_359 = arith.constant 64 : index
      %get3A_360 = tpu.vector_load %arg5[%get3A_358, %get3A_359] {strides = array<i32>} : memref<120x128xi32, #tpu.memory_space<vmem>>, vector<1x16xi32>,
      %get3A_361 = vector.shape_cast %get3A_360 : vector<1x16xi32> to vector<16xi32>
      %and3A_362 = arith.constant 16383 : i32
      %and3A_363 = vector.broadcast %and3A_362 : i32 to vector<16xi32>
      %and3A_364 = arith.andi %get3A_361, %and3A_363 : vector<16xi32>
      %swap3A_365 = arith.constant 0 : i32
      %swap3A_366 = arith.index_cast %swap3A_365 : i32 to index
      %swap3A_367 = arith.constant 64 : index
      %swap3A_368 = tpu.vector_load %arg7[%swap3A_366, %swap3A_367] {strides = array<i32>} : memref<2x128xi32, #tpu.memory_space<vmem>>, vector<1x16xi32>,
      %swap3A_369 = vector.shape_cast %swap3A_368 : vector<1x16xi32> to vector<16xi32>
      %swap3A_370 = vector.shape_cast %and3A_364 : vector<16xi32> to vector<1x16xi32>
      tpu.vector_store %arg7[%swap3A_366, %swap3A_367], %swap3A_370 {strides = array<i32>} : memref<2x128xi32, #tpu.memory_space<vmem>>, vector<1x16xi32>,
      %get3A_371 = arith.index_cast %add3A_299 : i32 to index
      %get3A_372 = arith.constant 80 : index
      %get3A_373 = tpu.vector_load %arg5[%get3A_371, %get3A_372] {strides = array<i32>} : memref<120x128xi32, #tpu.memory_space<vmem>>, vector<1x16xi32>,
      %get3A_374 = vector.shape_cast %get3A_373 : vector<1x16xi32> to vector<16xi32>
      %and3A_375 = arith.constant 16383 : i32
      %and3A_376 = vector.broadcast %and3A_375 : i32 to vector<16xi32>
      %and3A_377 = arith.andi %get3A_374, %and3A_376 : vector<16xi32>
      %swap3A_378 = arith.constant 0 : i32
      %swap3A_379 = arith.index_cast %swap3A_378 : i32 to index
      %swap3A_380 = arith.constant 80 : index
      %swap3A_381 = tpu.vector_load %arg7[%swap3A_379, %swap3A_380] {strides = array<i32>} : memref<2x128xi32, #tpu.memory_space<vmem>>, vector<1x16xi32>,
      %swap3A_382 = vector.shape_cast %swap3A_381 : vector<1x16xi32> to vector<16xi32>
      %swap3A_383 = vector.shape_cast %and3A_377 : vector<16xi32> to vector<1x16xi32>
      tpu.vector_store %arg7[%swap3A_379, %swap3A_380], %swap3A_383 {strides = array<i32>} : memref<2x128xi32, #tpu.memory_space<vmem>>, vector<1x16xi32>,
      %get3A_384 = arith.index_cast %add3A_299 : i32 to index
      %get3A_385 = arith.constant 96 : index
      %get3A_386 = tpu.vector_load %arg5[%get3A_384, %get3A_385] {strides = array<i32>} : memref<120x128xi32, #tpu.memory_space<vmem>>, vector<1x16xi32>,
      %get3A_387 = vector.shape_cast %get3A_386 : vector<1x16xi32> to vector<16xi32>
      %and3A_388 = arith.constant 16383 : i32
      %and3A_389 = vector.broadcast %and3A_388 : i32 to vector<16xi32>
      %and3A_390 = arith.andi %get3A_387, %and3A_389 : vector<16xi32>
      %swap3A_391 = arith.constant 0 : i32
      %swap3A_392 = arith.index_cast %swap3A_391 : i32 to index
      %swap3A_393 = arith.constant 96 : index
      %swap3A_394 = tpu.vector_load %arg7[%swap3A_392, %swap3A_393] {strides = array<i32>} : memref<2x128xi32, #tpu.memory_space<vmem>>, vector<1x16xi32>,
      %swap3A_395 = vector.shape_cast %swap3A_394 : vector<1x16xi32> to vector<16xi32>
      %swap3A_396 = vector.shape_cast %and3A_390 : vector<16xi32> to vector<1x16xi32>
      tpu.vector_store %arg7[%swap3A_392, %swap3A_393], %swap3A_396 {strides = array<i32>} : memref<2x128xi32, #tpu.memory_space<vmem>>, vector<1x16xi32>,
      %get3A_397 = arith.index_cast %add3A_299 : i32 to index
      %get3A_398 = arith.constant 112 : index
      %get3A_399 = tpu.vector_load %arg5[%get3A_397, %get3A_398] {strides = array<i32>} : memref<120x128xi32, #tpu.memory_space<vmem>>, vector<1x16xi32>,
      %get3A_400 = vector.shape_cast %get3A_399 : vector<1x16xi32> to vector<16xi32>
      %and3A_401 = arith.constant 16383 : i32
      %and3A_402 = vector.broadcast %and3A_401 : i32 to vector<16xi32>
      %and3A_403 = arith.andi %get3A_400, %and3A_402 : vector<16xi32>
      %swap3A_404 = arith.constant 0 : i32
      %swap3A_405 = arith.index_cast %swap3A_404 : i32 to index
      %swap3A_406 = arith.constant 112 : index
      %swap3A_407 = tpu.vector_load %arg7[%swap3A_405, %swap3A_406] {strides = array<i32>} : memref<2x128xi32, #tpu.memory_space<vmem>>, vector<1x16xi32>,
      %swap3A_408 = vector.shape_cast %swap3A_407 : vector<1x16xi32> to vector<16xi32>
      %swap3A_409 = vector.shape_cast %and3A_403 : vector<16xi32> to vector<1x16xi32>
      tpu.vector_store %arg7[%swap3A_405, %swap3A_406], %swap3A_409 {strides = array<i32>} : memref<2x128xi32, #tpu.memory_space<vmem>>, vector<1x16xi32>,
      %run_scoped3A = arith.constant 0 : i32
      "tpu.region"() ({
        %run_scoped3A_533 = tpu.sem_alloc : memref<!tpu.dma_semaphore, #tpu.memory_space<semaphore_mem>>
        %dma_start3A_534 = arith.constant 0 : i32
        %dma_start3A_535 = tpu.memref_slice %arg7[%run_scoped3A, %dma_start3A_534] : memref<2x128xi32, #tpu.memory_space<vmem>> -> memref<1x128xi32, #tpu.memory_space<vmem>>
        %dma_start3A_536 = tpu.memref_squeeze %dma_start3A_535 : memref<1x128xi32, #tpu.memory_space<vmem>> -> memref<128xi32, #tpu.memory_space<vmem>>
        %dma_start3A_537 = arith.constant 0 : i32
        %dma_start3A_538 = arith.constant 0 : i32
        %dma_start3A_539 = tpu.memref_slice %arg10[%dma_start3A_537, %dma_start3A_538] : memref<10240x128xf32, #tpu.memory_space<vmem_shared>> -> memref<10240x128xf32, #tpu.memory_space<vmem_shared>>
        tpu.enqueue_indirect_dma source(%arg8 : memref<128x128xf32, #tpu.memory_space<vmem>>) target(%dma_start3A_539 : memref<10240x128xf32, #tpu.memory_space<vmem_shared>>) offsets(%dma_start3A_536 : memref<128xi32, #tpu.memory_space<vmem>>) semaphore(%run_scoped3A_533 : memref<!tpu.dma_semaphore, #tpu.memory_space<semaphore_mem>>) {add = true}
        %dma_wait3A_540 = arith.constant 0 : i32
        %dma_wait3A_541 = tpu.memref_slice %arg7[%run_scoped3A, %dma_wait3A_540] : memref<2x128xi32, #tpu.memory_space<vmem>> -> memref<1x128xi32, #tpu.memory_space<vmem>>
        %dma_wait3A_542 = tpu.memref_squeeze %dma_wait3A_541 : memref<1x128xi32, #tpu.memory_space<vmem>> -> memref<128xi32, #tpu.memory_space<vmem>>
        %dma_wait3A_543 = arith.constant 0 : i32
        %dma_wait3A_544 = arith.constant 0 : i32
        %dma_wait3A_545 = tpu.memref_slice %arg10[%dma_wait3A_543, %dma_wait3A_544] : memref<10240x128xf32, #tpu.memory_space<vmem_shared>> -> memref<10240x128xf32, #tpu.memory_space<vmem_shared>>
        tpu.wait_indirect_dma semaphore(%run_scoped3A_533 : memref<!tpu.dma_semaphore, #tpu.memory_space<semaphore_mem>>) src(%arg8 : memref<128x128xf32, #tpu.memory_space<vmem>>) dst(%dma_wait3A_545 : memref<10240x128xf32, #tpu.memory_space<vmem_shared>>)
        tpu.yield
      }) : () -> ()
      %add3A_410 = arith.constant 2 : i32
      %add3A_411 = arith.addi %add3A_299, %add3A_410 : i32
      %lt3A = arith.cmpi slt, %add3A_411, %select_n3A_6 : i32
      %convert_element_type3A = arith.extui %lt3A : i1 to i32
      %cond3A = arith.constant 0 : i32
      %cond3A_412 = arith.cmpi ne, %convert_element_type3A, %cond3A : i32
      scf.if %cond3A_412 {
        %get3A_533 = arith.index_cast %add3A_411 : i32 to index
        %get3A_534 = arith.constant 0 : index
        %get3A_535 = tpu.vector_load %arg5[%get3A_533, %get3A_534] {strides = array<i32>} : memref<120x128xi32, #tpu.memory_space<vmem>>, vector<1x16xi32>,
        %get3A_536 = vector.shape_cast %get3A_535 : vector<1x16xi32> to vector<16xi32>
        %shift_right_logical3A_537 = arith.constant 14 : i32
        %shift_right_logical3A_538 = vector.broadcast %shift_right_logical3A_537 : i32 to vector<16xi32>
        %shift_right_logical3A_539 = arith.shrui %get3A_536, %shift_right_logical3A_538 : vector<16xi32>
        %swap3A_540 = arith.constant 0 : i32
        %swap3A_541 = arith.index_cast %swap3A_540 : i32 to index
        %swap3A_542 = arith.constant 0 : index
        %swap3A_543 = tpu.vector_load %arg6[%swap3A_541, %swap3A_542] {strides = array<i32>} : memref<2x128xi32, #tpu.memory_space<vmem>>, vector<1x16xi32>,
        %swap3A_544 = vector.shape_cast %swap3A_543 : vector<1x16xi32> to vector<16xi32>
        %swap3A_545 = vector.shape_cast %shift_right_logical3A_539 : vector<16xi32> to vector<1x16xi32>
        tpu.vector_store %arg6[%swap3A_541, %swap3A_542], %swap3A_545 {strides = array<i32>} : memref<2x128xi32, #tpu.memory_space<vmem>>, vector<1x16xi32>,
        %get3A_546 = arith.index_cast %add3A_411 : i32 to index
        %get3A_547 = arith.constant 16 : index
        %get3A_548 = tpu.vector_load %arg5[%get3A_546, %get3A_547] {strides = array<i32>} : memref<120x128xi32, #tpu.memory_space<vmem>>, vector<1x16xi32>,
        %get3A_549 = vector.shape_cast %get3A_548 : vector<1x16xi32> to vector<16xi32>
        %shift_right_logical3A_550 = arith.constant 14 : i32
        %shift_right_logical3A_551 = vector.broadcast %shift_right_logical3A_550 : i32 to vector<16xi32>
        %shift_right_logical3A_552 = arith.shrui %get3A_549, %shift_right_logical3A_551 : vector<16xi32>
        %swap3A_553 = arith.constant 0 : i32
        %swap3A_554 = arith.index_cast %swap3A_553 : i32 to index
        %swap3A_555 = arith.constant 16 : index
        %swap3A_556 = tpu.vector_load %arg6[%swap3A_554, %swap3A_555] {strides = array<i32>} : memref<2x128xi32, #tpu.memory_space<vmem>>, vector<1x16xi32>,
        %swap3A_557 = vector.shape_cast %swap3A_556 : vector<1x16xi32> to vector<16xi32>
        %swap3A_558 = vector.shape_cast %shift_right_logical3A_552 : vector<16xi32> to vector<1x16xi32>
        tpu.vector_store %arg6[%swap3A_554, %swap3A_555], %swap3A_558 {strides = array<i32>} : memref<2x128xi32, #tpu.memory_space<vmem>>, vector<1x16xi32>,
        %get3A_559 = arith.index_cast %add3A_411 : i32 to index
        %get3A_560 = arith.constant 32 : index
        %get3A_561 = tpu.vector_load %arg5[%get3A_559, %get3A_560] {strides = array<i32>} : memref<120x128xi32, #tpu.memory_space<vmem>>, vector<1x16xi32>,
        %get3A_562 = vector.shape_cast %get3A_561 : vector<1x16xi32> to vector<16xi32>
        %shift_right_logical3A_563 = arith.constant 14 : i32
        %shift_right_logical3A_564 = vector.broadcast %shift_right_logical3A_563 : i32 to vector<16xi32>
        %shift_right_logical3A_565 = arith.shrui %get3A_562, %shift_right_logical3A_564 : vector<16xi32>
        %swap3A_566 = arith.constant 0 : i32
        %swap3A_567 = arith.index_cast %swap3A_566 : i32 to index
        %swap3A_568 = arith.constant 32 : index
        %swap3A_569 = tpu.vector_load %arg6[%swap3A_567, %swap3A_568] {strides = array<i32>} : memref<2x128xi32, #tpu.memory_space<vmem>>, vector<1x16xi32>,
        %swap3A_570 = vector.shape_cast %swap3A_569 : vector<1x16xi32> to vector<16xi32>
        %swap3A_571 = vector.shape_cast %shift_right_logical3A_565 : vector<16xi32> to vector<1x16xi32>
        tpu.vector_store %arg6[%swap3A_567, %swap3A_568], %swap3A_571 {strides = array<i32>} : memref<2x128xi32, #tpu.memory_space<vmem>>, vector<1x16xi32>,
        %get3A_572 = arith.index_cast %add3A_411 : i32 to index
        %get3A_573 = arith.constant 48 : index
        %get3A_574 = tpu.vector_load %arg5[%get3A_572, %get3A_573] {strides = array<i32>} : memref<120x128xi32, #tpu.memory_space<vmem>>, vector<1x16xi32>,
        %get3A_575 = vector.shape_cast %get3A_574 : vector<1x16xi32> to vector<16xi32>
        %shift_right_logical3A_576 = arith.constant 14 : i32
        %shift_right_logical3A_577 = vector.broadcast %shift_right_logical3A_576 : i32 to vector<16xi32>
        %shift_right_logical3A_578 = arith.shrui %get3A_575, %shift_right_logical3A_577 : vector<16xi32>
        %swap3A_579 = arith.constant 0 : i32
        %swap3A_580 = arith.index_cast %swap3A_579 : i32 to index
        %swap3A_581 = arith.constant 48 : index
        %swap3A_582 = tpu.vector_load %arg6[%swap3A_580, %swap3A_581] {strides = array<i32>} : memref<2x128xi32, #tpu.memory_space<vmem>>, vector<1x16xi32>,
        %swap3A_583 = vector.shape_cast %swap3A_582 : vector<1x16xi32> to vector<16xi32>
        %swap3A_584 = vector.shape_cast %shift_right_logical3A_578 : vector<16xi32> to vector<1x16xi32>
        tpu.vector_store %arg6[%swap3A_580, %swap3A_581], %swap3A_584 {strides = array<i32>} : memref<2x128xi32, #tpu.memory_space<vmem>>, vector<1x16xi32>,
        %get3A_585 = arith.index_cast %add3A_411 : i32 to index
        %get3A_586 = arith.constant 64 : index
        %get3A_587 = tpu.vector_load %arg5[%get3A_585, %get3A_586] {strides = array<i32>} : memref<120x128xi32, #tpu.memory_space<vmem>>, vector<1x16xi32>,
        %get3A_588 = vector.shape_cast %get3A_587 : vector<1x16xi32> to vector<16xi32>
        %shift_right_logical3A_589 = arith.constant 14 : i32
        %shift_right_logical3A_590 = vector.broadcast %shift_right_logical3A_589 : i32 to vector<16xi32>
        %shift_right_logical3A_591 = arith.shrui %get3A_588, %shift_right_logical3A_590 : vector<16xi32>
        %swap3A_592 = arith.constant 0 : i32
        %swap3A_593 = arith.index_cast %swap3A_592 : i32 to index
        %swap3A_594 = arith.constant 64 : index
        %swap3A_595 = tpu.vector_load %arg6[%swap3A_593, %swap3A_594] {strides = array<i32>} : memref<2x128xi32, #tpu.memory_space<vmem>>, vector<1x16xi32>,
        %swap3A_596 = vector.shape_cast %swap3A_595 : vector<1x16xi32> to vector<16xi32>
        %swap3A_597 = vector.shape_cast %shift_right_logical3A_591 : vector<16xi32> to vector<1x16xi32>
        tpu.vector_store %arg6[%swap3A_593, %swap3A_594], %swap3A_597 {strides = array<i32>} : memref<2x128xi32, #tpu.memory_space<vmem>>, vector<1x16xi32>,
        %get3A_598 = arith.index_cast %add3A_411 : i32 to index
        %get3A_599 = arith.constant 80 : index
        %get3A_600 = tpu.vector_load %arg5[%get3A_598, %get3A_599] {strides = array<i32>} : memref<120x128xi32, #tpu.memory_space<vmem>>, vector<1x16xi32>,
        %get3A_601 = vector.shape_cast %get3A_600 : vector<1x16xi32> to vector<16xi32>
        %shift_right_logical3A_602 = arith.constant 14 : i32
        %shift_right_logical3A_603 = vector.broadcast %shift_right_logical3A_602 : i32 to vector<16xi32>
        %shift_right_logical3A_604 = arith.shrui %get3A_601, %shift_right_logical3A_603 : vector<16xi32>
        %swap3A_605 = arith.constant 0 : i32
        %swap3A_606 = arith.index_cast %swap3A_605 : i32 to index
        %swap3A_607 = arith.constant 80 : index
        %swap3A_608 = tpu.vector_load %arg6[%swap3A_606, %swap3A_607] {strides = array<i32>} : memref<2x128xi32, #tpu.memory_space<vmem>>, vector<1x16xi32>,
        %swap3A_609 = vector.shape_cast %swap3A_608 : vector<1x16xi32> to vector<16xi32>
        %swap3A_610 = vector.shape_cast %shift_right_logical3A_604 : vector<16xi32> to vector<1x16xi32>
        tpu.vector_store %arg6[%swap3A_606, %swap3A_607], %swap3A_610 {strides = array<i32>} : memref<2x128xi32, #tpu.memory_space<vmem>>, vector<1x16xi32>,
        %get3A_611 = arith.index_cast %add3A_411 : i32 to index
        %get3A_612 = arith.constant 96 : index
        %get3A_613 = tpu.vector_load %arg5[%get3A_611, %get3A_612] {strides = array<i32>} : memref<120x128xi32, #tpu.memory_space<vmem>>, vector<1x16xi32>,
        %get3A_614 = vector.shape_cast %get3A_613 : vector<1x16xi32> to vector<16xi32>
        %shift_right_logical3A_615 = arith.constant 14 : i32
        %shift_right_logical3A_616 = vector.broadcast %shift_right_logical3A_615 : i32 to vector<16xi32>
        %shift_right_logical3A_617 = arith.shrui %get3A_614, %shift_right_logical3A_616 : vector<16xi32>
        %swap3A_618 = arith.constant 0 : i32
        %swap3A_619 = arith.index_cast %swap3A_618 : i32 to index
        %swap3A_620 = arith.constant 96 : index
        %swap3A_621 = tpu.vector_load %arg6[%swap3A_619, %swap3A_620] {strides = array<i32>} : memref<2x128xi32, #tpu.memory_space<vmem>>, vector<1x16xi32>,
        %swap3A_622 = vector.shape_cast %swap3A_621 : vector<1x16xi32> to vector<16xi32>
        %swap3A_623 = vector.shape_cast %shift_right_logical3A_617 : vector<16xi32> to vector<1x16xi32>
        tpu.vector_store %arg6[%swap3A_619, %swap3A_620], %swap3A_623 {strides = array<i32>} : memref<2x128xi32, #tpu.memory_space<vmem>>, vector<1x16xi32>,
        %get3A_624 = arith.index_cast %add3A_411 : i32 to index
        %get3A_625 = arith.constant 112 : index
        %get3A_626 = tpu.vector_load %arg5[%get3A_624, %get3A_625] {strides = array<i32>} : memref<120x128xi32, #tpu.memory_space<vmem>>, vector<1x16xi32>,
        %get3A_627 = vector.shape_cast %get3A_626 : vector<1x16xi32> to vector<16xi32>
        %shift_right_logical3A_628 = arith.constant 14 : i32
        %shift_right_logical3A_629 = vector.broadcast %shift_right_logical3A_628 : i32 to vector<16xi32>
        %shift_right_logical3A_630 = arith.shrui %get3A_627, %shift_right_logical3A_629 : vector<16xi32>
        %swap3A_631 = arith.constant 0 : i32
        %swap3A_632 = arith.index_cast %swap3A_631 : i32 to index
        %swap3A_633 = arith.constant 112 : index
        %swap3A_634 = tpu.vector_load %arg6[%swap3A_632, %swap3A_633] {strides = array<i32>} : memref<2x128xi32, #tpu.memory_space<vmem>>, vector<1x16xi32>,
        %swap3A_635 = vector.shape_cast %swap3A_634 : vector<1x16xi32> to vector<16xi32>
        %swap3A_636 = vector.shape_cast %shift_right_logical3A_630 : vector<16xi32> to vector<1x16xi32>
        tpu.vector_store %arg6[%swap3A_632, %swap3A_633], %swap3A_636 {strides = array<i32>} : memref<2x128xi32, #tpu.memory_space<vmem>>, vector<1x16xi32>,
        %dma_start3A_637 = arith.constant 0 : i32
        %dma_start3A_638 = arith.constant 0 : i32
        %dma_start3A_639 = tpu.memref_slice %arg6[%dma_start3A_637, %dma_start3A_638] : memref<2x128xi32, #tpu.memory_space<vmem>> -> memref<1x128xi32, #tpu.memory_space<vmem>>
        %dma_start3A_640 = tpu.memref_squeeze %dma_start3A_639 : memref<1x128xi32, #tpu.memory_space<vmem>> -> memref<128xi32, #tpu.memory_space<vmem>>
        %dma_start3A_641 = arith.constant 0 : i32
        %dma_start3A_642 = arith.constant 0 : i32
        %dma_start3A_643 = tpu.memref_slice %arg2[%dma_start3A_641, %dma_start3A_642] : memref<10240x128xf32, #tpu.memory_space<hbm>> -> memref<10240x128xf32, #tpu.memory_space<hbm>>
        tpu.enqueue_indirect_dma source(%dma_start3A_643 : memref<10240x128xf32, #tpu.memory_space<hbm>>) target(%arg8 : memref<128x128xf32, #tpu.memory_space<vmem>>) offsets(%dma_start3A_640 : memref<128xi32, #tpu.memory_space<vmem>>) semaphore(%arg11 : memref<!tpu.dma_semaphore, #tpu.memory_space<semaphore_mem>>)
      } else {
      }
      %add3A_413 = arith.constant 1 : i32
      %add3A_414 = arith.addi %mul3A_297, %add3A_413 : i32
      %dma_wait3A_415 = arith.constant 1 : i32
      %dma_wait3A_416 = arith.constant 0 : i32
      %dma_wait3A_417 = tpu.memref_slice %arg6[%dma_wait3A_415, %dma_wait3A_416] : memref<2x128xi32, #tpu.memory_space<vmem>> -> memref<1x128xi32, #tpu.memory_space<vmem>>
      %dma_wait3A_418 = tpu.memref_squeeze %dma_wait3A_417 : memref<1x128xi32, #tpu.memory_space<vmem>> -> memref<128xi32, #tpu.memory_space<vmem>>
      %dma_wait3A_419 = arith.constant 0 : i32
      %dma_wait3A_420 = arith.constant 0 : i32
      %dma_wait3A_421 = tpu.memref_slice %arg2[%dma_wait3A_419, %dma_wait3A_420] : memref<10240x128xf32, #tpu.memory_space<hbm>> -> memref<10240x128xf32, #tpu.memory_space<hbm>>
      tpu.wait_indirect_dma semaphore(%arg12 : memref<!tpu.dma_semaphore, #tpu.memory_space<semaphore_mem>>) src(%dma_wait3A_421 : memref<10240x128xf32, #tpu.memory_space<hbm>>) dst(%arg9 : memref<128x128xf32, #tpu.memory_space<vmem>>)
      %get3A_422 = arith.index_cast %add3A_414 : i32 to index
      %get3A_423 = arith.constant 0 : index
      %get3A_424 = tpu.vector_load %arg5[%get3A_422, %get3A_423] {strides = array<i32>} : memref<120x128xi32, #tpu.memory_space<vmem>>, vector<1x16xi32>,
      %get3A_425 = vector.shape_cast %get3A_424 : vector<1x16xi32> to vector<16xi32>
      %and3A_426 = arith.constant 16383 : i32
      %and3A_427 = vector.broadcast %and3A_426 : i32 to vector<16xi32>
      %and3A_428 = arith.andi %get3A_425, %and3A_427 : vector<16xi32>
      %swap3A_429 = arith.constant 1 : i32
      %swap3A_430 = arith.index_cast %swap3A_429 : i32 to index
      %swap3A_431 = arith.constant 0 : index
      %swap3A_432 = tpu.vector_load %arg7[%swap3A_430, %swap3A_431] {strides = array<i32>} : memref<2x128xi32, #tpu.memory_space<vmem>>, vector<1x16xi32>,
      %swap3A_433 = vector.shape_cast %swap3A_432 : vector<1x16xi32> to vector<16xi32>
      %swap3A_434 = vector.shape_cast %and3A_428 : vector<16xi32> to vector<1x16xi32>
      tpu.vector_store %arg7[%swap3A_430, %swap3A_431], %swap3A_434 {strides = array<i32>} : memref<2x128xi32, #tpu.memory_space<vmem>>, vector<1x16xi32>,
      %get3A_435 = arith.index_cast %add3A_414 : i32 to index
      %get3A_436 = arith.constant 16 : index
      %get3A_437 = tpu.vector_load %arg5[%get3A_435, %get3A_436] {strides = array<i32>} : memref<120x128xi32, #tpu.memory_space<vmem>>, vector<1x16xi32>,
      %get3A_438 = vector.shape_cast %get3A_437 : vector<1x16xi32> to vector<16xi32>
      %and3A_439 = arith.constant 16383 : i32
      %and3A_440 = vector.broadcast %and3A_439 : i32 to vector<16xi32>
      %and3A_441 = arith.andi %get3A_438, %and3A_440 : vector<16xi32>
      %swap3A_442 = arith.constant 1 : i32
      %swap3A_443 = arith.index_cast %swap3A_442 : i32 to index
      %swap3A_444 = arith.constant 16 : index
      %swap3A_445 = tpu.vector_load %arg7[%swap3A_443, %swap3A_444] {strides = array<i32>} : memref<2x128xi32, #tpu.memory_space<vmem>>, vector<1x16xi32>,
      %swap3A_446 = vector.shape_cast %swap3A_445 : vector<1x16xi32> to vector<16xi32>
      %swap3A_447 = vector.shape_cast %and3A_441 : vector<16xi32> to vector<1x16xi32>
      tpu.vector_store %arg7[%swap3A_443, %swap3A_444], %swap3A_447 {strides = array<i32>} : memref<2x128xi32, #tpu.memory_space<vmem>>, vector<1x16xi32>,
      %get3A_448 = arith.index_cast %add3A_414 : i32 to index
      %get3A_449 = arith.constant 32 : index
      %get3A_450 = tpu.vector_load %arg5[%get3A_448, %get3A_449] {strides = array<i32>} : memref<120x128xi32, #tpu.memory_space<vmem>>, vector<1x16xi32>,
      %get3A_451 = vector.shape_cast %get3A_450 : vector<1x16xi32> to vector<16xi32>
      %and3A_452 = arith.constant 16383 : i32
      %and3A_453 = vector.broadcast %and3A_452 : i32 to vector<16xi32>
      %and3A_454 = arith.andi %get3A_451, %and3A_453 : vector<16xi32>
      %swap3A_455 = arith.constant 1 : i32
      %swap3A_456 = arith.index_cast %swap3A_455 : i32 to index
      %swap3A_457 = arith.constant 32 : index
      %swap3A_458 = tpu.vector_load %arg7[%swap3A_456, %swap3A_457] {strides = array<i32>} : memref<2x128xi32, #tpu.memory_space<vmem>>, vector<1x16xi32>,
      %swap3A_459 = vector.shape_cast %swap3A_458 : vector<1x16xi32> to vector<16xi32>
      %swap3A_460 = vector.shape_cast %and3A_454 : vector<16xi32> to vector<1x16xi32>
      tpu.vector_store %arg7[%swap3A_456, %swap3A_457], %swap3A_460 {strides = array<i32>} : memref<2x128xi32, #tpu.memory_space<vmem>>, vector<1x16xi32>,
      %get3A_461 = arith.index_cast %add3A_414 : i32 to index
      %get3A_462 = arith.constant 48 : index
      %get3A_463 = tpu.vector_load %arg5[%get3A_461, %get3A_462] {strides = array<i32>} : memref<120x128xi32, #tpu.memory_space<vmem>>, vector<1x16xi32>,
      %get3A_464 = vector.shape_cast %get3A_463 : vector<1x16xi32> to vector<16xi32>
      %and3A_465 = arith.constant 16383 : i32
      %and3A_466 = vector.broadcast %and3A_465 : i32 to vector<16xi32>
      %and3A_467 = arith.andi %get3A_464, %and3A_466 : vector<16xi32>
      %swap3A_468 = arith.constant 1 : i32
      %swap3A_469 = arith.index_cast %swap3A_468 : i32 to index
      %swap3A_470 = arith.constant 48 : index
      %swap3A_471 = tpu.vector_load %arg7[%swap3A_469, %swap3A_470] {strides = array<i32>} : memref<2x128xi32, #tpu.memory_space<vmem>>, vector<1x16xi32>,
      %swap3A_472 = vector.shape_cast %swap3A_471 : vector<1x16xi32> to vector<16xi32>
      %swap3A_473 = vector.shape_cast %and3A_467 : vector<16xi32> to vector<1x16xi32>
      tpu.vector_store %arg7[%swap3A_469, %swap3A_470], %swap3A_473 {strides = array<i32>} : memref<2x128xi32, #tpu.memory_space<vmem>>, vector<1x16xi32>,
      %get3A_474 = arith.index_cast %add3A_414 : i32 to index
      %get3A_475 = arith.constant 64 : index
      %get3A_476 = tpu.vector_load %arg5[%get3A_474, %get3A_475] {strides = array<i32>} : memref<120x128xi32, #tpu.memory_space<vmem>>, vector<1x16xi32>,
      %get3A_477 = vector.shape_cast %get3A_476 : vector<1x16xi32> to vector<16xi32>
      %and3A_478 = arith.constant 16383 : i32
      %and3A_479 = vector.broadcast %and3A_478 : i32 to vector<16xi32>
      %and3A_480 = arith.andi %get3A_477, %and3A_479 : vector<16xi32>
      %swap3A_481 = arith.constant 1 : i32
      %swap3A_482 = arith.index_cast %swap3A_481 : i32 to index
      %swap3A_483 = arith.constant 64 : index
      %swap3A_484 = tpu.vector_load %arg7[%swap3A_482, %swap3A_483] {strides = array<i32>} : memref<2x128xi32, #tpu.memory_space<vmem>>, vector<1x16xi32>,
      %swap3A_485 = vector.shape_cast %swap3A_484 : vector<1x16xi32> to vector<16xi32>
      %swap3A_486 = vector.shape_cast %and3A_480 : vector<16xi32> to vector<1x16xi32>
      tpu.vector_store %arg7[%swap3A_482, %swap3A_483], %swap3A_486 {strides = array<i32>} : memref<2x128xi32, #tpu.memory_space<vmem>>, vector<1x16xi32>,
      %get3A_487 = arith.index_cast %add3A_414 : i32 to index
      %get3A_488 = arith.constant 80 : index
      %get3A_489 = tpu.vector_load %arg5[%get3A_487, %get3A_488] {strides = array<i32>} : memref<120x128xi32, #tpu.memory_space<vmem>>, vector<1x16xi32>,
      %get3A_490 = vector.shape_cast %get3A_489 : vector<1x16xi32> to vector<16xi32>
      %and3A_491 = arith.constant 16383 : i32
      %and3A_492 = vector.broadcast %and3A_491 : i32 to vector<16xi32>
      %and3A_493 = arith.andi %get3A_490, %and3A_492 : vector<16xi32>
      %swap3A_494 = arith.constant 1 : i32
      %swap3A_495 = arith.index_cast %swap3A_494 : i32 to index
      %swap3A_496 = arith.constant 80 : index
      %swap3A_497 = tpu.vector_load %arg7[%swap3A_495, %swap3A_496] {strides = array<i32>} : memref<2x128xi32, #tpu.memory_space<vmem>>, vector<1x16xi32>,
      %swap3A_498 = vector.shape_cast %swap3A_497 : vector<1x16xi32> to vector<16xi32>
      %swap3A_499 = vector.shape_cast %and3A_493 : vector<16xi32> to vector<1x16xi32>
      tpu.vector_store %arg7[%swap3A_495, %swap3A_496], %swap3A_499 {strides = array<i32>} : memref<2x128xi32, #tpu.memory_space<vmem>>, vector<1x16xi32>,
      %get3A_500 = arith.index_cast %add3A_414 : i32 to index
      %get3A_501 = arith.constant 96 : index
      %get3A_502 = tpu.vector_load %arg5[%get3A_500, %get3A_501] {strides = array<i32>} : memref<120x128xi32, #tpu.memory_space<vmem>>, vector<1x16xi32>,
      %get3A_503 = vector.shape_cast %get3A_502 : vector<1x16xi32> to vector<16xi32>
      %and3A_504 = arith.constant 16383 : i32
      %and3A_505 = vector.broadcast %and3A_504 : i32 to vector<16xi32>
      %and3A_506 = arith.andi %get3A_503, %and3A_505 : vector<16xi32>
      %swap3A_507 = arith.constant 1 : i32
      %swap3A_508 = arith.index_cast %swap3A_507 : i32 to index
      %swap3A_509 = arith.constant 96 : index
      %swap3A_510 = tpu.vector_load %arg7[%swap3A_508, %swap3A_509] {strides = array<i32>} : memref<2x128xi32, #tpu.memory_space<vmem>>, vector<1x16xi32>,
      %swap3A_511 = vector.shape_cast %swap3A_510 : vector<1x16xi32> to vector<16xi32>
      %swap3A_512 = vector.shape_cast %and3A_506 : vector<16xi32> to vector<1x16xi32>
      tpu.vector_store %arg7[%swap3A_508, %swap3A_509], %swap3A_512 {strides = array<i32>} : memref<2x128xi32, #tpu.memory_space<vmem>>, vector<1x16xi32>,
      %get3A_513 = arith.index_cast %add3A_414 : i32 to index
      %get3A_514 = arith.constant 112 : index
      %get3A_515 = tpu.vector_load %arg5[%get3A_513, %get3A_514] {strides = array<i32>} : memref<120x128xi32, #tpu.memory_space<vmem>>, vector<1x16xi32>,
      %get3A_516 = vector.shape_cast %get3A_515 : vector<1x16xi32> to vector<16xi32>
      %and3A_517 = arith.constant 16383 : i32
      %and3A_518 = vector.broadcast %and3A_517 : i32 to vector<16xi32>
      %and3A_519 = arith.andi %get3A_516, %and3A_518 : vector<16xi32>
      %swap3A_520 = arith.constant 1 : i32
      %swap3A_521 = arith.index_cast %swap3A_520 : i32 to index
      %swap3A_522 = arith.constant 112 : index
      %swap3A_523 = tpu.vector_load %arg7[%swap3A_521, %swap3A_522] {strides = array<i32>} : memref<2x128xi32, #tpu.memory_space<vmem>>, vector<1x16xi32>,
      %swap3A_524 = vector.shape_cast %swap3A_523 : vector<1x16xi32> to vector<16xi32>
      %swap3A_525 = vector.shape_cast %and3A_519 : vector<16xi32> to vector<1x16xi32>
      tpu.vector_store %arg7[%swap3A_521, %swap3A_522], %swap3A_525 {strides = array<i32>} : memref<2x128xi32, #tpu.memory_space<vmem>>, vector<1x16xi32>,
      %run_scoped3A_526 = arith.constant 1 : i32
      "tpu.region"() ({
        %run_scoped3A_533 = tpu.sem_alloc : memref<!tpu.dma_semaphore, #tpu.memory_space<semaphore_mem>>
        %dma_start3A_534 = arith.constant 0 : i32
        %dma_start3A_535 = tpu.memref_slice %arg7[%run_scoped3A_526, %dma_start3A_534] : memref<2x128xi32, #tpu.memory_space<vmem>> -> memref<1x128xi32, #tpu.memory_space<vmem>>
        %dma_start3A_536 = tpu.memref_squeeze %dma_start3A_535 : memref<1x128xi32, #tpu.memory_space<vmem>> -> memref<128xi32, #tpu.memory_space<vmem>>
        %dma_start3A_537 = arith.constant 0 : i32
        %dma_start3A_538 = arith.constant 0 : i32
        %dma_start3A_539 = tpu.memref_slice %arg10[%dma_start3A_537, %dma_start3A_538] : memref<10240x128xf32, #tpu.memory_space<vmem_shared>> -> memref<10240x128xf32, #tpu.memory_space<vmem_shared>>
        tpu.enqueue_indirect_dma source(%arg9 : memref<128x128xf32, #tpu.memory_space<vmem>>) target(%dma_start3A_539 : memref<10240x128xf32, #tpu.memory_space<vmem_shared>>) offsets(%dma_start3A_536 : memref<128xi32, #tpu.memory_space<vmem>>) semaphore(%run_scoped3A_533 : memref<!tpu.dma_semaphore, #tpu.memory_space<semaphore_mem>>) {add = true}
        %dma_wait3A_540 = arith.constant 0 : i32
        %dma_wait3A_541 = tpu.memref_slice %arg7[%run_scoped3A_526, %dma_wait3A_540] : memref<2x128xi32, #tpu.memory_space<vmem>> -> memref<1x128xi32, #tpu.memory_space<vmem>>
        %dma_wait3A_542 = tpu.memref_squeeze %dma_wait3A_541 : memref<1x128xi32, #tpu.memory_space<vmem>> -> memref<128xi32, #tpu.memory_space<vmem>>
        %dma_wait3A_543 = arith.constant 0 : i32
        %dma_wait3A_544 = arith.constant 0 : i32
        %dma_wait3A_545 = tpu.memref_slice %arg10[%dma_wait3A_543, %dma_wait3A_544] : memref<10240x128xf32, #tpu.memory_space<vmem_shared>> -> memref<10240x128xf32, #tpu.memory_space<vmem_shared>>
        tpu.wait_indirect_dma semaphore(%run_scoped3A_533 : memref<!tpu.dma_semaphore, #tpu.memory_space<semaphore_mem>>) src(%arg9 : memref<128x128xf32, #tpu.memory_space<vmem>>) dst(%dma_wait3A_545 : memref<10240x128xf32, #tpu.memory_space<vmem_shared>>)
        tpu.yield
      }) : () -> ()
      %add3A_527 = arith.constant 2 : i32
      %add3A_528 = arith.addi %add3A_414, %add3A_527 : i32
      %lt3A_529 = arith.cmpi slt, %add3A_528, %select_n3A_6 : i32
      %convert_element_type3A_530 = arith.extui %lt3A_529 : i1 to i32
      %cond3A_531 = arith.constant 0 : i32
      %cond3A_532 = arith.cmpi ne, %convert_element_type3A_530, %cond3A_531 : i32
      scf.if %cond3A_532 {
        %get3A_533 = arith.index_cast %add3A_528 : i32 to index
        %get3A_534 = arith.constant 0 : index
        %get3A_535 = tpu.vector_load %arg5[%get3A_533, %get3A_534] {strides = array<i32>} : memref<120x128xi32, #tpu.memory_space<vmem>>, vector<1x16xi32>,
        %get3A_536 = vector.shape_cast %get3A_535 : vector<1x16xi32> to vector<16xi32>
        %shift_right_logical3A_537 = arith.constant 14 : i32
        %shift_right_logical3A_538 = vector.broadcast %shift_right_logical3A_537 : i32 to vector<16xi32>
        %shift_right_logical3A_539 = arith.shrui %get3A_536, %shift_right_logical3A_538 : vector<16xi32>
        %swap3A_540 = arith.constant 1 : i32
        %swap3A_541 = arith.index_cast %swap3A_540 : i32 to index
        %swap3A_542 = arith.constant 0 : index
        %swap3A_543 = tpu.vector_load %arg6[%swap3A_541, %swap3A_542] {strides = array<i32>} : memref<2x128xi32, #tpu.memory_space<vmem>>, vector<1x16xi32>,
        %swap3A_544 = vector.shape_cast %swap3A_543 : vector<1x16xi32> to vector<16xi32>
        %swap3A_545 = vector.shape_cast %shift_right_logical3A_539 : vector<16xi32> to vector<1x16xi32>
        tpu.vector_store %arg6[%swap3A_541, %swap3A_542], %swap3A_545 {strides = array<i32>} : memref<2x128xi32, #tpu.memory_space<vmem>>, vector<1x16xi32>,
        %get3A_546 = arith.index_cast %add3A_528 : i32 to index
        %get3A_547 = arith.constant 16 : index
        %get3A_548 = tpu.vector_load %arg5[%get3A_546, %get3A_547] {strides = array<i32>} : memref<120x128xi32, #tpu.memory_space<vmem>>, vector<1x16xi32>,
        %get3A_549 = vector.shape_cast %get3A_548 : vector<1x16xi32> to vector<16xi32>
        %shift_right_logical3A_550 = arith.constant 14 : i32
        %shift_right_logical3A_551 = vector.broadcast %shift_right_logical3A_550 : i32 to vector<16xi32>
        %shift_right_logical3A_552 = arith.shrui %get3A_549, %shift_right_logical3A_551 : vector<16xi32>
        %swap3A_553 = arith.constant 1 : i32
        %swap3A_554 = arith.index_cast %swap3A_553 : i32 to index
        %swap3A_555 = arith.constant 16 : index
        %swap3A_556 = tpu.vector_load %arg6[%swap3A_554, %swap3A_555] {strides = array<i32>} : memref<2x128xi32, #tpu.memory_space<vmem>>, vector<1x16xi32>,
        %swap3A_557 = vector.shape_cast %swap3A_556 : vector<1x16xi32> to vector<16xi32>
        %swap3A_558 = vector.shape_cast %shift_right_logical3A_552 : vector<16xi32> to vector<1x16xi32>
        tpu.vector_store %arg6[%swap3A_554, %swap3A_555], %swap3A_558 {strides = array<i32>} : memref<2x128xi32, #tpu.memory_space<vmem>>, vector<1x16xi32>,
        %get3A_559 = arith.index_cast %add3A_528 : i32 to index
        %get3A_560 = arith.constant 32 : index
        %get3A_561 = tpu.vector_load %arg5[%get3A_559, %get3A_560] {strides = array<i32>} : memref<120x128xi32, #tpu.memory_space<vmem>>, vector<1x16xi32>,
        %get3A_562 = vector.shape_cast %get3A_561 : vector<1x16xi32> to vector<16xi32>
        %shift_right_logical3A_563 = arith.constant 14 : i32
        %shift_right_logical3A_564 = vector.broadcast %shift_right_logical3A_563 : i32 to vector<16xi32>
        %shift_right_logical3A_565 = arith.shrui %get3A_562, %shift_right_logical3A_564 : vector<16xi32>
        %swap3A_566 = arith.constant 1 : i32
        %swap3A_567 = arith.index_cast %swap3A_566 : i32 to index
        %swap3A_568 = arith.constant 32 : index
        %swap3A_569 = tpu.vector_load %arg6[%swap3A_567, %swap3A_568] {strides = array<i32>} : memref<2x128xi32, #tpu.memory_space<vmem>>, vector<1x16xi32>,
        %swap3A_570 = vector.shape_cast %swap3A_569 : vector<1x16xi32> to vector<16xi32>
        %swap3A_571 = vector.shape_cast %shift_right_logical3A_565 : vector<16xi32> to vector<1x16xi32>
        tpu.vector_store %arg6[%swap3A_567, %swap3A_568], %swap3A_571 {strides = array<i32>} : memref<2x128xi32, #tpu.memory_space<vmem>>, vector<1x16xi32>,
        %get3A_572 = arith.index_cast %add3A_528 : i32 to index
        %get3A_573 = arith.constant 48 : index
        %get3A_574 = tpu.vector_load %arg5[%get3A_572, %get3A_573] {strides = array<i32>} : memref<120x128xi32, #tpu.memory_space<vmem>>, vector<1x16xi32>,
        %get3A_575 = vector.shape_cast %get3A_574 : vector<1x16xi32> to vector<16xi32>
        %shift_right_logical3A_576 = arith.constant 14 : i32
        %shift_right_logical3A_577 = vector.broadcast %shift_right_logical3A_576 : i32 to vector<16xi32>
        %shift_right_logical3A_578 = arith.shrui %get3A_575, %shift_right_logical3A_577 : vector<16xi32>
        %swap3A_579 = arith.constant 1 : i32
        %swap3A_580 = arith.index_cast %swap3A_579 : i32 to index
        %swap3A_581 = arith.constant 48 : index
        %swap3A_582 = tpu.vector_load %arg6[%swap3A_580, %swap3A_581] {strides = array<i32>} : memref<2x128xi32, #tpu.memory_space<vmem>>, vector<1x16xi32>,
        %swap3A_583 = vector.shape_cast %swap3A_582 : vector<1x16xi32> to vector<16xi32>
        %swap3A_584 = vector.shape_cast %shift_right_logical3A_578 : vector<16xi32> to vector<1x16xi32>
        tpu.vector_store %arg6[%swap3A_580, %swap3A_581], %swap3A_584 {strides = array<i32>} : memref<2x128xi32, #tpu.memory_space<vmem>>, vector<1x16xi32>,
        %get3A_585 = arith.index_cast %add3A_528 : i32 to index
        %get3A_586 = arith.constant 64 : index
        %get3A_587 = tpu.vector_load %arg5[%get3A_585, %get3A_586] {strides = array<i32>} : memref<120x128xi32, #tpu.memory_space<vmem>>, vector<1x16xi32>,
        %get3A_588 = vector.shape_cast %get3A_587 : vector<1x16xi32> to vector<16xi32>
        %shift_right_logical3A_589 = arith.constant 14 : i32
        %shift_right_logical3A_590 = vector.broadcast %shift_right_logical3A_589 : i32 to vector<16xi32>
        %shift_right_logical3A_591 = arith.shrui %get3A_588, %shift_right_logical3A_590 : vector<16xi32>
        %swap3A_592 = arith.constant 1 : i32
        %swap3A_593 = arith.index_cast %swap3A_592 : i32 to index
        %swap3A_594 = arith.constant 64 : index
        %swap3A_595 = tpu.vector_load %arg6[%swap3A_593, %swap3A_594] {strides = array<i32>} : memref<2x128xi32, #tpu.memory_space<vmem>>, vector<1x16xi32>,
        %swap3A_596 = vector.shape_cast %swap3A_595 : vector<1x16xi32> to vector<16xi32>
        %swap3A_597 = vector.shape_cast %shift_right_logical3A_591 : vector<16xi32> to vector<1x16xi32>
        tpu.vector_store %arg6[%swap3A_593, %swap3A_594], %swap3A_597 {strides = array<i32>} : memref<2x128xi32, #tpu.memory_space<vmem>>, vector<1x16xi32>,
        %get3A_598 = arith.index_cast %add3A_528 : i32 to index
        %get3A_599 = arith.constant 80 : index
        %get3A_600 = tpu.vector_load %arg5[%get3A_598, %get3A_599] {strides = array<i32>} : memref<120x128xi32, #tpu.memory_space<vmem>>, vector<1x16xi32>,
        %get3A_601 = vector.shape_cast %get3A_600 : vector<1x16xi32> to vector<16xi32>
        %shift_right_logical3A_602 = arith.constant 14 : i32
        %shift_right_logical3A_603 = vector.broadcast %shift_right_logical3A_602 : i32 to vector<16xi32>
        %shift_right_logical3A_604 = arith.shrui %get3A_601, %shift_right_logical3A_603 : vector<16xi32>
        %swap3A_605 = arith.constant 1 : i32
        %swap3A_606 = arith.index_cast %swap3A_605 : i32 to index
        %swap3A_607 = arith.constant 80 : index
        %swap3A_608 = tpu.vector_load %arg6[%swap3A_606, %swap3A_607] {strides = array<i32>} : memref<2x128xi32, #tpu.memory_space<vmem>>, vector<1x16xi32>,
        %swap3A_609 = vector.shape_cast %swap3A_608 : vector<1x16xi32> to vector<16xi32>
        %swap3A_610 = vector.shape_cast %shift_right_logical3A_604 : vector<16xi32> to vector<1x16xi32>
        tpu.vector_store %arg6[%swap3A_606, %swap3A_607], %swap3A_610 {strides = array<i32>} : memref<2x128xi32, #tpu.memory_space<vmem>>, vector<1x16xi32>,
        %get3A_611 = arith.index_cast %add3A_528 : i32 to index
        %get3A_612 = arith.constant 96 : index
        %get3A_613 = tpu.vector_load %arg5[%get3A_611, %get3A_612] {strides = array<i32>} : memref<120x128xi32, #tpu.memory_space<vmem>>, vector<1x16xi32>,
        %get3A_614 = vector.shape_cast %get3A_613 : vector<1x16xi32> to vector<16xi32>
        %shift_right_logical3A_615 = arith.constant 14 : i32
        %shift_right_logical3A_616 = vector.broadcast %shift_right_logical3A_615 : i32 to vector<16xi32>
        %shift_right_logical3A_617 = arith.shrui %get3A_614, %shift_right_logical3A_616 : vector<16xi32>
        %swap3A_618 = arith.constant 1 : i32
        %swap3A_619 = arith.index_cast %swap3A_618 : i32 to index
        %swap3A_620 = arith.constant 96 : index
        %swap3A_621 = tpu.vector_load %arg6[%swap3A_619, %swap3A_620] {strides = array<i32>} : memref<2x128xi32, #tpu.memory_space<vmem>>, vector<1x16xi32>,
        %swap3A_622 = vector.shape_cast %swap3A_621 : vector<1x16xi32> to vector<16xi32>
        %swap3A_623 = vector.shape_cast %shift_right_logical3A_617 : vector<16xi32> to vector<1x16xi32>
        tpu.vector_store %arg6[%swap3A_619, %swap3A_620], %swap3A_623 {strides = array<i32>} : memref<2x128xi32, #tpu.memory_space<vmem>>, vector<1x16xi32>,
        %get3A_624 = arith.index_cast %add3A_528 : i32 to index
        %get3A_625 = arith.constant 112 : index
        %get3A_626 = tpu.vector_load %arg5[%get3A_624, %get3A_625] {strides = array<i32>} : memref<120x128xi32, #tpu.memory_space<vmem>>, vector<1x16xi32>,
        %get3A_627 = vector.shape_cast %get3A_626 : vector<1x16xi32> to vector<16xi32>
        %shift_right_logical3A_628 = arith.constant 14 : i32
        %shift_right_logical3A_629 = vector.broadcast %shift_right_logical3A_628 : i32 to vector<16xi32>
        %shift_right_logical3A_630 = arith.shrui %get3A_627, %shift_right_logical3A_629 : vector<16xi32>
        %swap3A_631 = arith.constant 1 : i32
        %swap3A_632 = arith.index_cast %swap3A_631 : i32 to index
        %swap3A_633 = arith.constant 112 : index
        %swap3A_634 = tpu.vector_load %arg6[%swap3A_632, %swap3A_633] {strides = array<i32>} : memref<2x128xi32, #tpu.memory_space<vmem>>, vector<1x16xi32>,
        %swap3A_635 = vector.shape_cast %swap3A_634 : vector<1x16xi32> to vector<16xi32>
        %swap3A_636 = vector.shape_cast %shift_right_logical3A_630 : vector<16xi32> to vector<1x16xi32>
        tpu.vector_store %arg6[%swap3A_632, %swap3A_633], %swap3A_636 {strides = array<i32>} : memref<2x128xi32, #tpu.memory_space<vmem>>, vector<1x16xi32>,
        %dma_start3A_637 = arith.constant 1 : i32
        %dma_start3A_638 = arith.constant 0 : i32
        %dma_start3A_639 = tpu.memref_slice %arg6[%dma_start3A_637, %dma_start3A_638] : memref<2x128xi32, #tpu.memory_space<vmem>> -> memref<1x128xi32, #tpu.memory_space<vmem>>
        %dma_start3A_640 = tpu.memref_squeeze %dma_start3A_639 : memref<1x128xi32, #tpu.memory_space<vmem>> -> memref<128xi32, #tpu.memory_space<vmem>>
        %dma_start3A_641 = arith.constant 0 : i32
        %dma_start3A_642 = arith.constant 0 : i32
        %dma_start3A_643 = tpu.memref_slice %arg2[%dma_start3A_641, %dma_start3A_642] : memref<10240x128xf32, #tpu.memory_space<hbm>> -> memref<10240x128xf32, #tpu.memory_space<hbm>>
        tpu.enqueue_indirect_dma source(%dma_start3A_643 : memref<10240x128xf32, #tpu.memory_space<hbm>>) target(%arg9 : memref<128x128xf32, #tpu.memory_space<vmem>>) offsets(%dma_start3A_640 : memref<128xi32, #tpu.memory_space<vmem>>) semaphore(%arg12 : memref<!tpu.dma_semaphore, #tpu.memory_space<semaphore_mem>>)
      } else {
      }
    }
    %barrier3A_284 = arith.constant 0 : index
    tpu.barrier barrier_id(%barrier3A_284)
    %add3A_285 = arith.constant 0 : i32
    %add3A_286 = arith.addi %mul3A_13, %add3A_285 : i32
    "tpu.region"() ({
      %run_scoped3A = tpu.sem_alloc : memref<!tpu.dma_semaphore, #tpu.memory_space<semaphore_mem>>
      %dma_start3A_295 = arith.constant 0 : i32
      %dma_start3A_296 = tpu.memref_slice %arg10[%add3A_286, %dma_start3A_295] : memref<10240x128xf32, #tpu.memory_space<vmem_shared>> -> memref<128x128xf32, #tpu.memory_space<vmem_shared>>
      %dma_start3A_297 = arith.constant 0 : i32
      %dma_start3A_298 = tpu.memref_slice %arg10[%add3A_286, %dma_start3A_297] : memref<10240x128xf32, #tpu.memory_space<vmem_shared>> -> memref<128x128xf32, #tpu.memory_space<vmem_shared>>
      tpu.enqueue_dma source(%dma_start3A_298 : memref<128x128xf32, #tpu.memory_space<vmem_shared>>) target(%arg8 : memref<128x128xf32, #tpu.memory_space<vmem>>) target_semaphore(%run_scoped3A : memref<!tpu.dma_semaphore, #tpu.memory_space<semaphore_mem>>)
      %dma_wait3A = arith.constant 0 : i32
      %dma_wait3A_299 = tpu.memref_slice %arg10[%add3A_286, %dma_wait3A] : memref<10240x128xf32, #tpu.memory_space<vmem_shared>> -> memref<128x128xf32, #tpu.memory_space<vmem_shared>>
      %dma_wait3A_300 = arith.constant 0 : i32
      %dma_wait3A_301 = tpu.memref_slice %arg10[%add3A_286, %dma_wait3A_300] : memref<10240x128xf32, #tpu.memory_space<vmem_shared>> -> memref<128x128xf32, #tpu.memory_space<vmem_shared>>
      tpu.wait_dma2 semaphore(%run_scoped3A : memref<!tpu.dma_semaphore, #tpu.memory_space<semaphore_mem>>) src(%dma_wait3A_301 : memref<128x128xf32, #tpu.memory_space<vmem_shared>>) dst(%arg8 : memref<128x128xf32, #tpu.memory_space<vmem>>)
      tpu.yield
    }) : () -> ()
    "tpu.region"() ({
      %run_scoped3A = tpu.sem_alloc : memref<!tpu.dma_semaphore, #tpu.memory_space<semaphore_mem>>
      %dma_start3A_295 = arith.constant 0 : i32
      %dma_start3A_296 = tpu.memref_slice %arg4[%arg0, %add3A_286, %dma_start3A_295] : memref<2x10240x128xf32, #tpu.memory_space<hbm>> -> memref<1x128x128xf32, #tpu.memory_space<hbm>>
      %dma_start3A_297 = tpu.memref_squeeze %dma_start3A_296 : memref<1x128x128xf32, #tpu.memory_space<hbm>> -> memref<128x128xf32, #tpu.memory_space<hbm>>
      %dma_start3A_298 = arith.constant 0 : i32
      %dma_start3A_299 = tpu.memref_slice %arg4[%arg0, %add3A_286, %dma_start3A_298] : memref<2x10240x128xf32, #tpu.memory_space<hbm>> -> memref<1x128x128xf32, #tpu.memory_space<hbm>>
      %dma_start3A_300 = tpu.memref_squeeze %dma_start3A_299 : memref<1x128x128xf32, #tpu.memory_space<hbm>> -> memref<128x128xf32, #tpu.memory_space<hbm>>
      tpu.enqueue_dma source(%arg8 : memref<128x128xf32, #tpu.memory_space<vmem>>) target(%dma_start3A_300 : memref<128x128xf32, #tpu.memory_space<hbm>>) target_semaphore(%run_scoped3A : memref<!tpu.dma_semaphore, #tpu.memory_space<semaphore_mem>>)
      %dma_wait3A = arith.constant 0 : i32
      %dma_wait3A_301 = tpu.memref_slice %arg4[%arg0, %add3A_286, %dma_wait3A] : memref<2x10240x128xf32, #tpu.memory_space<hbm>> -> memref<1x128x128xf32, #tpu.memory_space<hbm>>
      %dma_wait3A_302 = tpu.memref_squeeze %dma_wait3A_301 : memref<1x128x128xf32, #tpu.memory_space<hbm>> -> memref<128x128xf32, #tpu.memory_space<hbm>>
      %dma_wait3A_303 = arith.constant 0 : i32
      %dma_wait3A_304 = tpu.memref_slice %arg4[%arg0, %add3A_286, %dma_wait3A_303] : memref<2x10240x128xf32, #tpu.memory_space<hbm>> -> memref<1x128x128xf32, #tpu.memory_space<hbm>>
      %dma_wait3A_305 = tpu.memref_squeeze %dma_wait3A_304 : memref<1x128x128xf32, #tpu.memory_space<hbm>> -> memref<128x128xf32, #tpu.memory_space<hbm>>
      tpu.wait_dma2 semaphore(%run_scoped3A : memref<!tpu.dma_semaphore, #tpu.memory_space<semaphore_mem>>) src(%arg8 : memref<128x128xf32, #tpu.memory_space<vmem>>) dst(%dma_wait3A_305 : memref<128x128xf32, #tpu.memory_space<hbm>>)
      tpu.yield
    }) : () -> ()
    %add3A_287 = arith.constant 128 : i32
    %add3A_288 = arith.addi %mul3A_13, %add3A_287 : i32
    "tpu.region"() ({
      %run_scoped3A = tpu.sem_alloc : memref<!tpu.dma_semaphore, #tpu.memory_space<semaphore_mem>>
      %dma_start3A_295 = arith.constant 0 : i32
      %dma_start3A_296 = tpu.memref_slice %arg10[%add3A_288, %dma_start3A_295] : memref<10240x128xf32, #tpu.memory_space<vmem_shared>> -> memref<128x128xf32, #tpu.memory_space<vmem_shared>>
      %dma_start3A_297 = arith.constant 0 : i32
      %dma_start3A_298 = tpu.memref_slice %arg10[%add3A_288, %dma_start3A_297] : memref<10240x128xf32, #tpu.memory_space<vmem_shared>> -> memref<128x128xf32, #tpu.memory_space<vmem_shared>>
      tpu.enqueue_dma source(%dma_start3A_298 : memref<128x128xf32, #tpu.memory_space<vmem_shared>>) target(%arg8 : memref<128x128xf32, #tpu.memory_space<vmem>>) target_semaphore(%run_scoped3A : memref<!tpu.dma_semaphore, #tpu.memory_space<semaphore_mem>>)
      %dma_wait3A = arith.constant 0 : i32
      %dma_wait3A_299 = tpu.memref_slice %arg10[%add3A_288, %dma_wait3A] : memref<10240x128xf32, #tpu.memory_space<vmem_shared>> -> memref<128x128xf32, #tpu.memory_space<vmem_shared>>
      %dma_wait3A_300 = arith.constant 0 : i32
      %dma_wait3A_301 = tpu.memref_slice %arg10[%add3A_288, %dma_wait3A_300] : memref<10240x128xf32, #tpu.memory_space<vmem_shared>> -> memref<128x128xf32, #tpu.memory_space<vmem_shared>>
      tpu.wait_dma2 semaphore(%run_scoped3A : memref<!tpu.dma_semaphore, #tpu.memory_space<semaphore_mem>>) src(%dma_wait3A_301 : memref<128x128xf32, #tpu.memory_space<vmem_shared>>) dst(%arg8 : memref<128x128xf32, #tpu.memory_space<vmem>>)
      tpu.yield
    }) : () -> ()
    "tpu.region"() ({
      %run_scoped3A = tpu.sem_alloc : memref<!tpu.dma_semaphore, #tpu.memory_space<semaphore_mem>>
      %dma_start3A_295 = arith.constant 0 : i32
      %dma_start3A_296 = tpu.memref_slice %arg4[%arg0, %add3A_288, %dma_start3A_295] : memref<2x10240x128xf32, #tpu.memory_space<hbm>> -> memref<1x128x128xf32, #tpu.memory_space<hbm>>
      %dma_start3A_297 = tpu.memref_squeeze %dma_start3A_296 : memref<1x128x128xf32, #tpu.memory_space<hbm>> -> memref<128x128xf32, #tpu.memory_space<hbm>>
      %dma_start3A_298 = arith.constant 0 : i32
      %dma_start3A_299 = tpu.memref_slice %arg4[%arg0, %add3A_288, %dma_start3A_298] : memref<2x10240x128xf32, #tpu.memory_space<hbm>> -> memref<1x128x128xf32, #tpu.memory_space<hbm>>
      %dma_start3A_300 = tpu.memref_squeeze %dma_start3A_299 : memref<1x128x128xf32, #tpu.memory_space<hbm>> -> memref<128x128xf32, #tpu.memory_space<hbm>>
      tpu.enqueue_dma source(%arg8 : memref<128x128xf32, #tpu.memory_space<vmem>>) target(%dma_start3A_300 : memref<128x128xf32, #tpu.memory_space<hbm>>) target_semaphore(%run_scoped3A : memref<!tpu.dma_semaphore, #tpu.memory_space<semaphore_mem>>)
      %dma_wait3A = arith.constant 0 : i32
      %dma_wait3A_301 = tpu.memref_slice %arg4[%arg0, %add3A_288, %dma_wait3A] : memref<2x10240x128xf32, #tpu.memory_space<hbm>> -> memref<1x128x128xf32, #tpu.memory_space<hbm>>
      %dma_wait3A_302 = tpu.memref_squeeze %dma_wait3A_301 : memref<1x128x128xf32, #tpu.memory_space<hbm>> -> memref<128x128xf32, #tpu.memory_space<hbm>>
      %dma_wait3A_303 = arith.constant 0 : i32
      %dma_wait3A_304 = tpu.memref_slice %arg4[%arg0, %add3A_288, %dma_wait3A_303] : memref<2x10240x128xf32, #tpu.memory_space<hbm>> -> memref<1x128x128xf32, #tpu.memory_space<hbm>>
      %dma_wait3A_305 = tpu.memref_squeeze %dma_wait3A_304 : memref<1x128x128xf32, #tpu.memory_space<hbm>> -> memref<128x128xf32, #tpu.memory_space<hbm>>
      tpu.wait_dma2 semaphore(%run_scoped3A : memref<!tpu.dma_semaphore, #tpu.memory_space<semaphore_mem>>) src(%arg8 : memref<128x128xf32, #tpu.memory_space<vmem>>) dst(%dma_wait3A_305 : memref<128x128xf32, #tpu.memory_space<hbm>>)
      tpu.yield
    }) : () -> ()
    %add3A_289 = arith.constant 256 : i32
    %add3A_290 = arith.addi %mul3A_13, %add3A_289 : i32
    "tpu.region"() ({
      %run_scoped3A = tpu.sem_alloc : memref<!tpu.dma_semaphore, #tpu.memory_space<semaphore_mem>>
      %dma_start3A_295 = arith.constant 0 : i32
      %dma_start3A_296 = tpu.memref_slice %arg10[%add3A_290, %dma_start3A_295] : memref<10240x128xf32, #tpu.memory_space<vmem_shared>> -> memref<128x128xf32, #tpu.memory_space<vmem_shared>>
      %dma_start3A_297 = arith.constant 0 : i32
      %dma_start3A_298 = tpu.memref_slice %arg10[%add3A_290, %dma_start3A_297] : memref<10240x128xf32, #tpu.memory_space<vmem_shared>> -> memref<128x128xf32, #tpu.memory_space<vmem_shared>>
      tpu.enqueue_dma source(%dma_start3A_298 : memref<128x128xf32, #tpu.memory_space<vmem_shared>>) target(%arg8 : memref<128x128xf32, #tpu.memory_space<vmem>>) target_semaphore(%run_scoped3A : memref<!tpu.dma_semaphore, #tpu.memory_space<semaphore_mem>>)
      %dma_wait3A = arith.constant 0 : i32
      %dma_wait3A_299 = tpu.memref_slice %arg10[%add3A_290, %dma_wait3A] : memref<10240x128xf32, #tpu.memory_space<vmem_shared>> -> memref<128x128xf32, #tpu.memory_space<vmem_shared>>
      %dma_wait3A_300 = arith.constant 0 : i32
      %dma_wait3A_301 = tpu.memref_slice %arg10[%add3A_290, %dma_wait3A_300] : memref<10240x128xf32, #tpu.memory_space<vmem_shared>> -> memref<128x128xf32, #tpu.memory_space<vmem_shared>>
      tpu.wait_dma2 semaphore(%run_scoped3A : memref<!tpu.dma_semaphore, #tpu.memory_space<semaphore_mem>>) src(%dma_wait3A_301 : memref<128x128xf32, #tpu.memory_space<vmem_shared>>) dst(%arg8 : memref<128x128xf32, #tpu.memory_space<vmem>>)
      tpu.yield
    }) : () -> ()
    "tpu.region"() ({
      %run_scoped3A = tpu.sem_alloc : memref<!tpu.dma_semaphore, #tpu.memory_space<semaphore_mem>>
      %dma_start3A_295 = arith.constant 0 : i32
      %dma_start3A_296 = tpu.memref_slice %arg4[%arg0, %add3A_290, %dma_start3A_295] : memref<2x10240x128xf32, #tpu.memory_space<hbm>> -> memref<1x128x128xf32, #tpu.memory_space<hbm>>
      %dma_start3A_297 = tpu.memref_squeeze %dma_start3A_296 : memref<1x128x128xf32, #tpu.memory_space<hbm>> -> memref<128x128xf32, #tpu.memory_space<hbm>>
      %dma_start3A_298 = arith.constant 0 : i32
      %dma_start3A_299 = tpu.memref_slice %arg4[%arg0, %add3A_290, %dma_start3A_298] : memref<2x10240x128xf32, #tpu.memory_space<hbm>> -> memref<1x128x128xf32, #tpu.memory_space<hbm>>
      %dma_start3A_300 = tpu.memref_squeeze %dma_start3A_299 : memref<1x128x128xf32, #tpu.memory_space<hbm>> -> memref<128x128xf32, #tpu.memory_space<hbm>>
      tpu.enqueue_dma source(%arg8 : memref<128x128xf32, #tpu.memory_space<vmem>>) target(%dma_start3A_300 : memref<128x128xf32, #tpu.memory_space<hbm>>) target_semaphore(%run_scoped3A : memref<!tpu.dma_semaphore, #tpu.memory_space<semaphore_mem>>)
      %dma_wait3A = arith.constant 0 : i32
      %dma_wait3A_301 = tpu.memref_slice %arg4[%arg0, %add3A_290, %dma_wait3A] : memref<2x10240x128xf32, #tpu.memory_space<hbm>> -> memref<1x128x128xf32, #tpu.memory_space<hbm>>
      %dma_wait3A_302 = tpu.memref_squeeze %dma_wait3A_301 : memref<1x128x128xf32, #tpu.memory_space<hbm>> -> memref<128x128xf32, #tpu.memory_space<hbm>>
      %dma_wait3A_303 = arith.constant 0 : i32
      %dma_wait3A_304 = tpu.memref_slice %arg4[%arg0, %add3A_290, %dma_wait3A_303] : memref<2x10240x128xf32, #tpu.memory_space<hbm>> -> memref<1x128x128xf32, #tpu.memory_space<hbm>>
      %dma_wait3A_305 = tpu.memref_squeeze %dma_wait3A_304 : memref<1x128x128xf32, #tpu.memory_space<hbm>> -> memref<128x128xf32, #tpu.memory_space<hbm>>
      tpu.wait_dma2 semaphore(%run_scoped3A : memref<!tpu.dma_semaphore, #tpu.memory_space<semaphore_mem>>) src(%arg8 : memref<128x128xf32, #tpu.memory_space<vmem>>) dst(%dma_wait3A_305 : memref<128x128xf32, #tpu.memory_space<hbm>>)
      tpu.yield
    }) : () -> ()
    %add3A_291 = arith.constant 384 : i32
    %add3A_292 = arith.addi %mul3A_13, %add3A_291 : i32
    "tpu.region"() ({
      %run_scoped3A = tpu.sem_alloc : memref<!tpu.dma_semaphore, #tpu.memory_space<semaphore_mem>>
      %dma_start3A_295 = arith.constant 0 : i32
      %dma_start3A_296 = tpu.memref_slice %arg10[%add3A_292, %dma_start3A_295] : memref<10240x128xf32, #tpu.memory_space<vmem_shared>> -> memref<128x128xf32, #tpu.memory_space<vmem_shared>>
      %dma_start3A_297 = arith.constant 0 : i32
      %dma_start3A_298 = tpu.memref_slice %arg10[%add3A_292, %dma_start3A_297] : memref<10240x128xf32, #tpu.memory_space<vmem_shared>> -> memref<128x128xf32, #tpu.memory_space<vmem_shared>>
      tpu.enqueue_dma source(%dma_start3A_298 : memref<128x128xf32, #tpu.memory_space<vmem_shared>>) target(%arg8 : memref<128x128xf32, #tpu.memory_space<vmem>>) target_semaphore(%run_scoped3A : memref<!tpu.dma_semaphore, #tpu.memory_space<semaphore_mem>>)
      %dma_wait3A = arith.constant 0 : i32
      %dma_wait3A_299 = tpu.memref_slice %arg10[%add3A_292, %dma_wait3A] : memref<10240x128xf32, #tpu.memory_space<vmem_shared>> -> memref<128x128xf32, #tpu.memory_space<vmem_shared>>
      %dma_wait3A_300 = arith.constant 0 : i32
      %dma_wait3A_301 = tpu.memref_slice %arg10[%add3A_292, %dma_wait3A_300] : memref<10240x128xf32, #tpu.memory_space<vmem_shared>> -> memref<128x128xf32, #tpu.memory_space<vmem_shared>>
      tpu.wait_dma2 semaphore(%run_scoped3A : memref<!tpu.dma_semaphore, #tpu.memory_space<semaphore_mem>>) src(%dma_wait3A_301 : memref<128x128xf32, #tpu.memory_space<vmem_shared>>) dst(%arg8 : memref<128x128xf32, #tpu.memory_space<vmem>>)
      tpu.yield
    }) : () -> ()
    "tpu.region"() ({
      %run_scoped3A = tpu.sem_alloc : memref<!tpu.dma_semaphore, #tpu.memory_space<semaphore_mem>>
      %dma_start3A_295 = arith.constant 0 : i32
      %dma_start3A_296 = tpu.memref_slice %arg4[%arg0, %add3A_292, %dma_start3A_295] : memref<2x10240x128xf32, #tpu.memory_space<hbm>> -> memref<1x128x128xf32, #tpu.memory_space<hbm>>
      %dma_start3A_297 = tpu.memref_squeeze %dma_start3A_296 : memref<1x128x128xf32, #tpu.memory_space<hbm>> -> memref<128x128xf32, #tpu.memory_space<hbm>>
      %dma_start3A_298 = arith.constant 0 : i32
      %dma_start3A_299 = tpu.memref_slice %arg4[%arg0, %add3A_292, %dma_start3A_298] : memref<2x10240x128xf32, #tpu.memory_space<hbm>> -> memref<1x128x128xf32, #tpu.memory_space<hbm>>
      %dma_start3A_300 = tpu.memref_squeeze %dma_start3A_299 : memref<1x128x128xf32, #tpu.memory_space<hbm>> -> memref<128x128xf32, #tpu.memory_space<hbm>>
      tpu.enqueue_dma source(%arg8 : memref<128x128xf32, #tpu.memory_space<vmem>>) target(%dma_start3A_300 : memref<128x128xf32, #tpu.memory_space<hbm>>) target_semaphore(%run_scoped3A : memref<!tpu.dma_semaphore, #tpu.memory_space<semaphore_mem>>)
      %dma_wait3A = arith.constant 0 : i32
      %dma_wait3A_301 = tpu.memref_slice %arg4[%arg0, %add3A_292, %dma_wait3A] : memref<2x10240x128xf32, #tpu.memory_space<hbm>> -> memref<1x128x128xf32, #tpu.memory_space<hbm>>
      %dma_wait3A_302 = tpu.memref_squeeze %dma_wait3A_301 : memref<1x128x128xf32, #tpu.memory_space<hbm>> -> memref<128x128xf32, #tpu.memory_space<hbm>>
      %dma_wait3A_303 = arith.constant 0 : i32
      %dma_wait3A_304 = tpu.memref_slice %arg4[%arg0, %add3A_292, %dma_wait3A_303] : memref<2x10240x128xf32, #tpu.memory_space<hbm>> -> memref<1x128x128xf32, #tpu.memory_space<hbm>>
      %dma_wait3A_305 = tpu.memref_squeeze %dma_wait3A_304 : memref<1x128x128xf32, #tpu.memory_space<hbm>> -> memref<128x128xf32, #tpu.memory_space<hbm>>
      tpu.wait_dma2 semaphore(%run_scoped3A : memref<!tpu.dma_semaphore, #tpu.memory_space<semaphore_mem>>) src(%arg8 : memref<128x128xf32, #tpu.memory_space<vmem>>) dst(%dma_wait3A_305 : memref<128x128xf32, #tpu.memory_space<hbm>>)
      tpu.yield
    }) : () -> ()
    %add3A_293 = arith.constant 512 : i32
    %add3A_294 = arith.addi %mul3A_13, %add3A_293 : i32
    "tpu.region"() ({
      %run_scoped3A = tpu.sem_alloc : memref<!tpu.dma_semaphore, #tpu.memory_space<semaphore_mem>>
      %dma_start3A_295 = arith.constant 0 : i32
      %dma_start3A_296 = tpu.memref_slice %arg10[%add3A_294, %dma_start3A_295] : memref<10240x128xf32, #tpu.memory_space<vmem_shared>> -> memref<128x128xf32, #tpu.memory_space<vmem_shared>>
      %dma_start3A_297 = arith.constant 0 : i32
      %dma_start3A_298 = tpu.memref_slice %arg10[%add3A_294, %dma_start3A_297] : memref<10240x128xf32, #tpu.memory_space<vmem_shared>> -> memref<128x128xf32, #tpu.memory_space<vmem_shared>>
      tpu.enqueue_dma source(%dma_start3A_298 : memref<128x128xf32, #tpu.memory_space<vmem_shared>>) target(%arg8 : memref<128x128xf32, #tpu.memory_space<vmem>>) target_semaphore(%run_scoped3A : memref<!tpu.dma_semaphore, #tpu.memory_space<semaphore_mem>>)
      %dma_wait3A = arith.constant 0 : i32
      %dma_wait3A_299 = tpu.memref_slice %arg10[%add3A_294, %dma_wait3A] : memref<10240x128xf32, #tpu.memory_space<vmem_shared>> -> memref<128x128xf32, #tpu.memory_space<vmem_shared>>
      %dma_wait3A_300 = arith.constant 0 : i32
      %dma_wait3A_301 = tpu.memref_slice %arg10[%add3A_294, %dma_wait3A_300] : memref<10240x128xf32, #tpu.memory_space<vmem_shared>> -> memref<128x128xf32, #tpu.memory_space<vmem_shared>>
      tpu.wait_dma2 semaphore(%run_scoped3A : memref<!tpu.dma_semaphore, #tpu.memory_space<semaphore_mem>>) src(%dma_wait3A_301 : memref<128x128xf32, #tpu.memory_space<vmem_shared>>) dst(%arg8 : memref<128x128xf32, #tpu.memory_space<vmem>>)
      tpu.yield
    }) : () -> ()
    "tpu.region"() ({
      %run_scoped3A = tpu.sem_alloc : memref<!tpu.dma_semaphore, #tpu.memory_space<semaphore_mem>>
      %dma_start3A_295 = arith.constant 0 : i32
      %dma_start3A_296 = tpu.memref_slice %arg4[%arg0, %add3A_294, %dma_start3A_295] : memref<2x10240x128xf32, #tpu.memory_space<hbm>> -> memref<1x128x128xf32, #tpu.memory_space<hbm>>
      %dma_start3A_297 = tpu.memref_squeeze %dma_start3A_296 : memref<1x128x128xf32, #tpu.memory_space<hbm>> -> memref<128x128xf32, #tpu.memory_space<hbm>>
      %dma_start3A_298 = arith.constant 0 : i32
      %dma_start3A_299 = tpu.memref_slice %arg4[%arg0, %add3A_294, %dma_start3A_298] : memref<2x10240x128xf32, #tpu.memory_space<hbm>> -> memref<1x128x128xf32, #tpu.memory_space<hbm>>
      %dma_start3A_300 = tpu.memref_squeeze %dma_start3A_299 : memref<1x128x128xf32, #tpu.memory_space<hbm>> -> memref<128x128xf32, #tpu.memory_space<hbm>>
      tpu.enqueue_dma source(%arg8 : memref<128x128xf32, #tpu.memory_space<vmem>>) target(%dma_start3A_300 : memref<128x128xf32, #tpu.memory_space<hbm>>) target_semaphore(%run_scoped3A : memref<!tpu.dma_semaphore, #tpu.memory_space<semaphore_mem>>)
      %dma_wait3A = arith.constant 0 : i32
      %dma_wait3A_301 = tpu.memref_slice %arg4[%arg0, %add3A_294, %dma_wait3A] : memref<2x10240x128xf32, #tpu.memory_space<hbm>> -> memref<1x128x128xf32, #tpu.memory_space<hbm>>
      %dma_wait3A_302 = tpu.memref_squeeze %dma_wait3A_301 : memref<1x128x128xf32, #tpu.memory_space<hbm>> -> memref<128x128xf32, #tpu.memory_space<hbm>>
      %dma_wait3A_303 = arith.constant 0 : i32
      %dma_wait3A_304 = tpu.memref_slice %arg4[%arg0, %add3A_294, %dma_wait3A_303] : memref<2x10240x128xf32, #tpu.memory_space<hbm>> -> memref<1x128x128xf32, #tpu.memory_space<hbm>>
      %dma_wait3A_305 = tpu.memref_squeeze %dma_wait3A_304 : memref<1x128x128xf32, #tpu.memory_space<hbm>> -> memref<128x128xf32, #tpu.memory_space<hbm>>
      tpu.wait_dma2 semaphore(%run_scoped3A : memref<!tpu.dma_semaphore, #tpu.memory_space<semaphore_mem>>) src(%arg8 : memref<128x128xf32, #tpu.memory_space<vmem>>) dst(%dma_wait3A_305 : memref<128x128xf32, #tpu.memory_space<hbm>>)
      tpu.yield
    }) : () -> ()
    return
  }
}

module attributes {stable_mosaic.version = 14 : i64} {
  func.func @_tc1_body(%arg0: i32, %arg1: memref<2x2048x128xf32, #tpu.memory_space<vmem>>, %arg2: memref<32x2048xf32, #tpu.memory_space<vmem>>, %arg3: memref<2048x128xf32, #tpu.memory_space<vmem>>, %arg4: memref<128x128xf32, #tpu.memory_space<vmem>>, %arg5: memref<1x128xf32, #tpu.memory_space<vmem>>, %arg6: memref<128x128xf32, #tpu.memory_space<vmem>>, %arg7: memref<1x128xf32, #tpu.memory_space<vmem>>, %arg8: memref<1x128xf32, #tpu.memory_space<vmem>>, %arg9: memref<2048x128xf32, #tpu.memory_space<vmem>>) attributes {dimension_semantics = [#tpu.dimension_semantics<arbitrary>], iteration_bounds = array<i64: 5>, scalar_prefetch = 0 : i64, scratch_operands = 0 : i64, tpu.core_type = #tpu.core_type<tc>, window_params = [{transform_indices = @transform_0, window_bounds = array<i64: 2, 2048, 128>}, {transform_indices = @transform_1, window_bounds = array<i64: 32, 2048>}, {transform_indices = @transform_2, window_bounds = array<i64: 2048, 128>}, {pipeline_mode = #tpu.pipeline_mode<synchronous>, transform_indices = @transform_3, window_bounds = array<i64: 128, 128>}, {pipeline_mode = #tpu.pipeline_mode<synchronous>, transform_indices = @transform_4, window_bounds = array<i64: 1, 128>}, {pipeline_mode = #tpu.pipeline_mode<synchronous>, transform_indices = @transform_5, window_bounds = array<i64: 128, 128>}, {pipeline_mode = #tpu.pipeline_mode<synchronous>, transform_indices = @transform_6, window_bounds = array<i64: 1, 128>}, {pipeline_mode = #tpu.pipeline_mode<synchronous>, transform_indices = @transform_7, window_bounds = array<i64: 1, 128>}, {transform_indices = @transform_8, window_bounds = array<i64: 2048, 128>}]} {
    %get3A = arith.constant 0 : index
    %get3A_0 = arith.constant 0 : index
    %get3A_1 = arith.constant 0 : index
    %get3A_2 = vector.load %arg1[%get3A, %get3A_0, %get3A_1] : memref<2x2048x128xf32, #tpu.memory_space<vmem>>, vector<1x2048x128xf32>
    %get3A_3 = vector.shape_cast %get3A_2 : vector<1x2048x128xf32> to vector<2048x128xf32>
    %get3A_4 = arith.constant 1 : index
    %get3A_5 = arith.constant 0 : index
    %get3A_6 = arith.constant 0 : index
    %get3A_7 = vector.load %arg1[%get3A_4, %get3A_5, %get3A_6] : memref<2x2048x128xf32, #tpu.memory_space<vmem>>, vector<1x2048x128xf32>
    %get3A_8 = vector.shape_cast %get3A_7 : vector<1x2048x128xf32> to vector<2048x128xf32>
    %add3A = arith.addf %get3A_3, %get3A_8 : vector<2048x128xf32>
    %get3A_9 = arith.constant 0 : index
    %get3A_10 = arith.constant 0 : index
    %get3A_11 = vector.load %arg2[%get3A_9, %get3A_10] : memref<32x2048xf32, #tpu.memory_space<vmem>>, vector<32x2048xf32>
    %reduce_sum3A = arith.constant dense<0.000000e+00> : vector<2048xf32>
    %reduce_sum3A_12 = vector.multi_reduction <add>, %get3A_11, %reduce_sum3A [0] : vector<32x2048xf32> to vector<2048xf32>
    %broadcast_in_dim3A = vector.shape_cast %reduce_sum3A_12 : vector<2048xf32> to vector<2048x1xf32>
    %max3A = arith.constant 1.000000e+00 : f32
    %max3A_13 = vector.broadcast %max3A : f32 to vector<2048x1xf32>
    %max3A_14 = arith.maximumf %broadcast_in_dim3A, %max3A_13 : vector<2048x1xf32>
    %div3A = vector.broadcast %max3A_14 : vector<2048x1xf32> to vector<2048x128xf32>
    %div3A_15 = arith.divf %add3A, %div3A : vector<2048x128xf32>
    %get3A_16 = arith.constant 0 : index
    %get3A_17 = arith.constant 0 : index
    %get3A_18 = vector.load %arg4[%get3A_16, %get3A_17] : memref<128x128xf32, #tpu.memory_space<vmem>>, vector<128x128xf32>
    %dot_general3A = arith.constant dense<0.000000e+00> : vector<2048x128xf32>
    %dot_general3A_19 = tpu.matmul %div3A_15, %get3A_18, %dot_general3A {dimension_numbers = #tpu.dot_dimension_numbers<[1], [0], [0], [1], [0, 0, 1, 1], [], []>, transpose_lhs_hint = false} : vector<2048x128xf32>, vector<128x128xf32>, vector<2048x128xf32> -> vector<2048x128xf32>
    %get3A_20 = arith.constant 0 : index
    %get3A_21 = arith.constant 0 : index
    %get3A_22 = vector.load %arg5[%get3A_20, %get3A_21] : memref<1x128xf32, #tpu.memory_space<vmem>>, vector<1x128xf32>
    %add3A_23 = vector.broadcast %get3A_22 : vector<1x128xf32> to vector<2048x128xf32>
    %add3A_24 = arith.addf %dot_general3A_19, %add3A_23 : vector<2048x128xf32>
    %get3A_25 = arith.constant 0 : index
    %get3A_26 = arith.constant 0 : index
    %get3A_27 = vector.load %arg3[%get3A_25, %get3A_26] : memref<2048x128xf32, #tpu.memory_space<vmem>>, vector<2048x128xf32>
    %get3A_28 = arith.constant 0 : index
    %get3A_29 = arith.constant 0 : index
    %get3A_30 = vector.load %arg6[%get3A_28, %get3A_29] : memref<128x128xf32, #tpu.memory_space<vmem>>, vector<128x128xf32>
    %dot_general3A_31 = arith.constant dense<0.000000e+00> : vector<2048x128xf32>
    %dot_general3A_32 = tpu.matmul %get3A_27, %get3A_30, %dot_general3A_31 {dimension_numbers = #tpu.dot_dimension_numbers<[1], [0], [0], [1], [0, 0, 1, 1], [], []>, transpose_lhs_hint = false} : vector<2048x128xf32>, vector<128x128xf32>, vector<2048x128xf32> -> vector<2048x128xf32>
    %add3A_33 = arith.addf %add3A_24, %dot_general3A_32 : vector<2048x128xf32>
    %get3A_34 = arith.constant 0 : index
    %get3A_35 = arith.constant 0 : index
    %get3A_36 = vector.load %arg7[%get3A_34, %get3A_35] : memref<1x128xf32, #tpu.memory_space<vmem>>, vector<1x128xf32>
    %mul3A = vector.broadcast %get3A_36 : vector<1x128xf32> to vector<2048x128xf32>
    %mul3A_37 = arith.mulf %add3A_33, %mul3A : vector<2048x128xf32>
    %get3A_38 = arith.constant 0 : index
    %get3A_39 = arith.constant 0 : index
    %get3A_40 = vector.load %arg8[%get3A_38, %get3A_39] : memref<1x128xf32, #tpu.memory_space<vmem>>, vector<1x128xf32>
    %add3A_41 = vector.broadcast %get3A_40 : vector<1x128xf32> to vector<2048x128xf32>
    %add3A_42 = arith.addf %mul3A_37, %add3A_41 : vector<2048x128xf32>
    %max3A_43 = arith.constant 0.000000e+00 : f32
    %max3A_44 = vector.broadcast %max3A_43 : f32 to vector<2048x128xf32>
    %max3A_45 = arith.maximumf %add3A_42, %max3A_44 : vector<2048x128xf32>
    %swap3A = arith.constant 0 : index
    %swap3A_46 = arith.constant 0 : index
    %swap3A_47 = vector.load %arg9[%swap3A, %swap3A_46] : memref<2048x128xf32, #tpu.memory_space<vmem>>, vector<2048x128xf32>
    tpu.vector_store %arg9[%swap3A, %swap3A_46], %max3A_45 {strides = array<i32>} : memref<2048x128xf32, #tpu.memory_space<vmem>>, vector<2048x128xf32>,
    return
  }
  func.func @transform_0(%arg0: i32) -> (i32, i32, i32) {
    %c0_i32 = arith.constant 0 : i32
    %c0_i32_0 = arith.constant 0 : i32
    %c0_i32_1 = arith.constant 0 : i32
    return %c0_i32, %arg0, %c0_i32_0 : i32, i32, i32
  }
  func.func @transform_1(%arg0: i32) -> (i32, i32) {
    %c0_i32 = arith.constant 0 : i32
    %c0_i32_0 = arith.constant 0 : i32
    return %c0_i32, %arg0 : i32, i32
  }
  func.func @transform_2(%arg0: i32) -> (i32, i32) {
    %c0_i32 = arith.constant 0 : i32
    %c0_i32_0 = arith.constant 0 : i32
    return %arg0, %c0_i32 : i32, i32
  }
  func.func @transform_3(%arg0: i32) -> (i32, i32) {
    %c0_i32 = arith.constant 0 : i32
    %c0_i32_0 = arith.constant 0 : i32
    %c0_i32_1 = arith.constant 0 : i32
    return %c0_i32, %c0_i32_0 : i32, i32
  }
  func.func @transform_4(%arg0: i32) -> (i32, i32) {
    %c0_i32 = arith.constant 0 : i32
    %c0_i32_0 = arith.constant 0 : i32
    %c0_i32_1 = arith.constant 0 : i32
    return %c0_i32, %c0_i32_0 : i32, i32
  }
  func.func @transform_5(%arg0: i32) -> (i32, i32) {
    %c0_i32 = arith.constant 0 : i32
    %c0_i32_0 = arith.constant 0 : i32
    %c0_i32_1 = arith.constant 0 : i32
    return %c0_i32, %c0_i32_0 : i32, i32
  }
  func.func @transform_6(%arg0: i32) -> (i32, i32) {
    %c0_i32 = arith.constant 0 : i32
    %c0_i32_0 = arith.constant 0 : i32
    %c0_i32_1 = arith.constant 0 : i32
    return %c0_i32, %c0_i32_0 : i32, i32
  }
  func.func @transform_7(%arg0: i32) -> (i32, i32) {
    %c0_i32 = arith.constant 0 : i32
    %c0_i32_0 = arith.constant 0 : i32
    %c0_i32_1 = arith.constant 0 : i32
    return %c0_i32, %c0_i32_0 : i32, i32
  }
  func.func @transform_8(%arg0: i32) -> (i32, i32) {
    %c0_i32 = arith.constant 0 : i32
    %c0_i32_0 = arith.constant 0 : i32
    return %arg0, %c0_i32 : i32, i32
  }
}

module attributes {stable_mosaic.version = 14 : i64} {
  func.func @_tc2_body(%arg0: i32, %arg1: memref<2x2048x128xf32, #tpu.memory_space<vmem>>, %arg2: memref<32x2048xf32, #tpu.memory_space<vmem>>, %arg3: memref<2048x128xf32, #tpu.memory_space<vmem>>, %arg4: memref<128x128xf32, #tpu.memory_space<vmem>>, %arg5: memref<1x128xf32, #tpu.memory_space<vmem>>, %arg6: memref<128x128xf32, #tpu.memory_space<vmem>>, %arg7: memref<1x128xf32, #tpu.memory_space<vmem>>, %arg8: memref<1x128xf32, #tpu.memory_space<vmem>>, %arg9: memref<128x64xf32, #tpu.memory_space<vmem>>, %arg10: memref<1x64xf32, #tpu.memory_space<vmem>>, %arg11: memref<64x128xf32, #tpu.memory_space<vmem>>, %arg12: memref<1x128xf32, #tpu.memory_space<vmem>>, %arg13: memref<2048x128xf32, #tpu.memory_space<vmem>>, %arg14: memref<2048x128xf32, #tpu.memory_space<vmem>>) attributes {dimension_semantics = [#tpu.dimension_semantics<arbitrary>], iteration_bounds = array<i64: 5>, scalar_prefetch = 0 : i64, scratch_operands = 0 : i64, tpu.core_type = #tpu.core_type<tc>, window_params = [{transform_indices = @transform_0, window_bounds = array<i64: 2, 2048, 128>}, {transform_indices = @transform_1, window_bounds = array<i64: 32, 2048>}, {transform_indices = @transform_2, window_bounds = array<i64: 2048, 128>}, {pipeline_mode = #tpu.pipeline_mode<synchronous>, transform_indices = @transform_3, window_bounds = array<i64: 128, 128>}, {pipeline_mode = #tpu.pipeline_mode<synchronous>, transform_indices = @transform_4, window_bounds = array<i64: 1, 128>}, {pipeline_mode = #tpu.pipeline_mode<synchronous>, transform_indices = @transform_5, window_bounds = array<i64: 128, 128>}, {pipeline_mode = #tpu.pipeline_mode<synchronous>, transform_indices = @transform_6, window_bounds = array<i64: 1, 128>}, {pipeline_mode = #tpu.pipeline_mode<synchronous>, transform_indices = @transform_7, window_bounds = array<i64: 1, 128>}, {pipeline_mode = #tpu.pipeline_mode<synchronous>, transform_indices = @transform_8, window_bounds = array<i64: 128, 64>}, {pipeline_mode = #tpu.pipeline_mode<synchronous>, transform_indices = @transform_9, window_bounds = array<i64: 1, 64>}, {pipeline_mode = #tpu.pipeline_mode<synchronous>, transform_indices = @transform_10, window_bounds = array<i64: 64, 128>}, {pipeline_mode = #tpu.pipeline_mode<synchronous>, transform_indices = @transform_11, window_bounds = array<i64: 1, 128>}, {transform_indices = @transform_12, window_bounds = array<i64: 2048, 128>}, {transform_indices = @transform_13, window_bounds = array<i64: 2048, 128>}]} {
    %get3A = arith.constant 0 : index
    %get3A_0 = arith.constant 0 : index
    %get3A_1 = arith.constant 0 : index
    %get3A_2 = vector.load %arg1[%get3A, %get3A_0, %get3A_1] : memref<2x2048x128xf32, #tpu.memory_space<vmem>>, vector<1x2048x128xf32>
    %get3A_3 = vector.shape_cast %get3A_2 : vector<1x2048x128xf32> to vector<2048x128xf32>
    %get3A_4 = arith.constant 1 : index
    %get3A_5 = arith.constant 0 : index
    %get3A_6 = arith.constant 0 : index
    %get3A_7 = vector.load %arg1[%get3A_4, %get3A_5, %get3A_6] : memref<2x2048x128xf32, #tpu.memory_space<vmem>>, vector<1x2048x128xf32>
    %get3A_8 = vector.shape_cast %get3A_7 : vector<1x2048x128xf32> to vector<2048x128xf32>
    %add3A = arith.addf %get3A_3, %get3A_8 : vector<2048x128xf32>
    %get3A_9 = arith.constant 0 : index
    %get3A_10 = arith.constant 0 : index
    %get3A_11 = vector.load %arg2[%get3A_9, %get3A_10] : memref<32x2048xf32, #tpu.memory_space<vmem>>, vector<32x2048xf32>
    %reduce_sum3A = arith.constant dense<0.000000e+00> : vector<2048xf32>
    %reduce_sum3A_12 = vector.multi_reduction <add>, %get3A_11, %reduce_sum3A [0] : vector<32x2048xf32> to vector<2048xf32>
    %broadcast_in_dim3A = vector.shape_cast %reduce_sum3A_12 : vector<2048xf32> to vector<2048x1xf32>
    %max3A = arith.constant 1.000000e+00 : f32
    %max3A_13 = vector.broadcast %max3A : f32 to vector<2048x1xf32>
    %max3A_14 = arith.maximumf %broadcast_in_dim3A, %max3A_13 : vector<2048x1xf32>
    %div3A = vector.broadcast %max3A_14 : vector<2048x1xf32> to vector<2048x128xf32>
    %div3A_15 = arith.divf %add3A, %div3A : vector<2048x128xf32>
    %get3A_16 = arith.constant 0 : index
    %get3A_17 = arith.constant 0 : index
    %get3A_18 = vector.load %arg4[%get3A_16, %get3A_17] : memref<128x128xf32, #tpu.memory_space<vmem>>, vector<128x128xf32>
    %dot_general3A = arith.constant dense<0.000000e+00> : vector<2048x128xf32>
    %dot_general3A_19 = tpu.matmul %div3A_15, %get3A_18, %dot_general3A {dimension_numbers = #tpu.dot_dimension_numbers<[1], [0], [0], [1], [0, 0, 1, 1], [], []>, transpose_lhs_hint = false} : vector<2048x128xf32>, vector<128x128xf32>, vector<2048x128xf32> -> vector<2048x128xf32>
    %get3A_20 = arith.constant 0 : index
    %get3A_21 = arith.constant 0 : index
    %get3A_22 = vector.load %arg5[%get3A_20, %get3A_21] : memref<1x128xf32, #tpu.memory_space<vmem>>, vector<1x128xf32>
    %add3A_23 = vector.broadcast %get3A_22 : vector<1x128xf32> to vector<2048x128xf32>
    %add3A_24 = arith.addf %dot_general3A_19, %add3A_23 : vector<2048x128xf32>
    %get3A_25 = arith.constant 0 : index
    %get3A_26 = arith.constant 0 : index
    %get3A_27 = vector.load %arg3[%get3A_25, %get3A_26] : memref<2048x128xf32, #tpu.memory_space<vmem>>, vector<2048x128xf32>
    %get3A_28 = arith.constant 0 : index
    %get3A_29 = arith.constant 0 : index
    %get3A_30 = vector.load %arg6[%get3A_28, %get3A_29] : memref<128x128xf32, #tpu.memory_space<vmem>>, vector<128x128xf32>
    %dot_general3A_31 = arith.constant dense<0.000000e+00> : vector<2048x128xf32>
    %dot_general3A_32 = tpu.matmul %get3A_27, %get3A_30, %dot_general3A_31 {dimension_numbers = #tpu.dot_dimension_numbers<[1], [0], [0], [1], [0, 0, 1, 1], [], []>, transpose_lhs_hint = false} : vector<2048x128xf32>, vector<128x128xf32>, vector<2048x128xf32> -> vector<2048x128xf32>
    %add3A_33 = arith.addf %add3A_24, %dot_general3A_32 : vector<2048x128xf32>
    %get3A_34 = arith.constant 0 : index
    %get3A_35 = arith.constant 0 : index
    %get3A_36 = vector.load %arg7[%get3A_34, %get3A_35] : memref<1x128xf32, #tpu.memory_space<vmem>>, vector<1x128xf32>
    %mul3A = vector.broadcast %get3A_36 : vector<1x128xf32> to vector<2048x128xf32>
    %mul3A_37 = arith.mulf %add3A_33, %mul3A : vector<2048x128xf32>
    %get3A_38 = arith.constant 0 : index
    %get3A_39 = arith.constant 0 : index
    %get3A_40 = vector.load %arg8[%get3A_38, %get3A_39] : memref<1x128xf32, #tpu.memory_space<vmem>>, vector<1x128xf32>
    %add3A_41 = vector.broadcast %get3A_40 : vector<1x128xf32> to vector<2048x128xf32>
    %add3A_42 = arith.addf %mul3A_37, %add3A_41 : vector<2048x128xf32>
    %max3A_43 = arith.constant 0.000000e+00 : f32
    %max3A_44 = vector.broadcast %max3A_43 : f32 to vector<2048x128xf32>
    %max3A_45 = arith.maximumf %add3A_42, %max3A_44 : vector<2048x128xf32>
    %get3A_46 = arith.constant 0 : index
    %get3A_47 = arith.constant 0 : index
    %get3A_48 = vector.load %arg9[%get3A_46, %get3A_47] : memref<128x64xf32, #tpu.memory_space<vmem>>, vector<128x64xf32>
    %dot_general3A_49 = arith.constant dense<0.000000e+00> : vector<2048x64xf32>
    %dot_general3A_50 = tpu.matmul %max3A_45, %get3A_48, %dot_general3A_49 {dimension_numbers = #tpu.dot_dimension_numbers<[1], [0], [0], [1], [0, 0, 1, 1], [], []>, transpose_lhs_hint = false} : vector<2048x128xf32>, vector<128x64xf32>, vector<2048x64xf32> -> vector<2048x64xf32>
    %get3A_51 = arith.constant 0 : index
    %get3A_52 = arith.constant 0 : index
    %get3A_53 = vector.load %arg10[%get3A_51, %get3A_52] : memref<1x64xf32, #tpu.memory_space<vmem>>, vector<1x64xf32>
    %add3A_54 = vector.broadcast %get3A_53 : vector<1x64xf32> to vector<2048x64xf32>
    %add3A_55 = arith.addf %dot_general3A_50, %add3A_54 : vector<2048x64xf32>
    %max3A_56 = arith.constant 0.000000e+00 : f32
    %max3A_57 = vector.broadcast %max3A_56 : f32 to vector<2048x64xf32>
    %max3A_58 = arith.maximumf %add3A_55, %max3A_57 : vector<2048x64xf32>
    %get3A_59 = arith.constant 0 : index
    %get3A_60 = arith.constant 0 : index
    %get3A_61 = vector.load %arg11[%get3A_59, %get3A_60] : memref<64x128xf32, #tpu.memory_space<vmem>>, vector<64x128xf32>
    %dot_general3A_62 = arith.constant dense<0.000000e+00> : vector<2048x128xf32>
    %dot_general3A_63 = tpu.matmul %max3A_58, %get3A_61, %dot_general3A_62 {dimension_numbers = #tpu.dot_dimension_numbers<[1], [0], [0], [1], [0, 0, 1, 1], [], []>, transpose_lhs_hint = false} : vector<2048x64xf32>, vector<64x128xf32>, vector<2048x128xf32> -> vector<2048x128xf32>
    %get3A_64 = arith.constant 0 : index
    %get3A_65 = arith.constant 0 : index
    %get3A_66 = vector.load %arg12[%get3A_64, %get3A_65] : memref<1x128xf32, #tpu.memory_space<vmem>>, vector<1x128xf32>
    %add3A_67 = vector.broadcast %get3A_66 : vector<1x128xf32> to vector<2048x128xf32>
    %add3A_68 = arith.addf %dot_general3A_63, %add3A_67 : vector<2048x128xf32>
    %reduce_max3A = arith.constant dense<0xFF800000> : vector<2048xf32>
    %reduce_max3A_69 = vector.multi_reduction <maximumf>, %add3A_68, %reduce_max3A [1] : vector<2048x128xf32> to vector<2048xf32>
    %broadcast_in_dim3A_70 = vector.shape_cast %reduce_max3A_69 : vector<2048xf32> to vector<2048x1xf32>
    %sub3A = vector.broadcast %broadcast_in_dim3A_70 : vector<2048x1xf32> to vector<2048x128xf32>
    %sub3A_71 = arith.subf %add3A_68, %sub3A : vector<2048x128xf32>
    %exp3A = math.exp %sub3A_71 : vector<2048x128xf32>
    %reduce_sum3A_72 = arith.constant dense<0.000000e+00> : vector<2048xf32>
    %reduce_sum3A_73 = vector.multi_reduction <add>, %exp3A, %reduce_sum3A_72 [1] : vector<2048x128xf32> to vector<2048xf32>
    %broadcast_in_dim3A_74 = vector.shape_cast %reduce_sum3A_73 : vector<2048xf32> to vector<2048x1xf32>
    %div3A_75 = vector.broadcast %broadcast_in_dim3A_74 : vector<2048x1xf32> to vector<2048x128xf32>
    %div3A_76 = arith.divf %exp3A, %div3A_75 : vector<2048x128xf32>
    %swap3A = arith.constant 0 : index
    %swap3A_77 = arith.constant 0 : index
    %swap3A_78 = vector.load %arg13[%swap3A, %swap3A_77] : memref<2048x128xf32, #tpu.memory_space<vmem>>, vector<2048x128xf32>
    tpu.vector_store %arg13[%swap3A, %swap3A_77], %add3A_68 {strides = array<i32>} : memref<2048x128xf32, #tpu.memory_space<vmem>>, vector<2048x128xf32>,
    %swap3A_79 = arith.constant 0 : index
    %swap3A_80 = arith.constant 0 : index
    %swap3A_81 = vector.load %arg14[%swap3A_79, %swap3A_80] : memref<2048x128xf32, #tpu.memory_space<vmem>>, vector<2048x128xf32>
    tpu.vector_store %arg14[%swap3A_79, %swap3A_80], %div3A_76 {strides = array<i32>} : memref<2048x128xf32, #tpu.memory_space<vmem>>, vector<2048x128xf32>,
    return
  }
  func.func @transform_0(%arg0: i32) -> (i32, i32, i32) {
    %c0_i32 = arith.constant 0 : i32
    %c0_i32_0 = arith.constant 0 : i32
    %c0_i32_1 = arith.constant 0 : i32
    return %c0_i32, %arg0, %c0_i32_0 : i32, i32, i32
  }
  func.func @transform_1(%arg0: i32) -> (i32, i32) {
    %c0_i32 = arith.constant 0 : i32
    %c0_i32_0 = arith.constant 0 : i32
    return %c0_i32, %arg0 : i32, i32
  }
  func.func @transform_2(%arg0: i32) -> (i32, i32) {
    %c0_i32 = arith.constant 0 : i32
    %c0_i32_0 = arith.constant 0 : i32
    return %arg0, %c0_i32 : i32, i32
  }
  func.func @transform_3(%arg0: i32) -> (i32, i32) {
    %c0_i32 = arith.constant 0 : i32
    %c0_i32_0 = arith.constant 0 : i32
    %c0_i32_1 = arith.constant 0 : i32
    return %c0_i32, %c0_i32_0 : i32, i32
  }
  func.func @transform_4(%arg0: i32) -> (i32, i32) {
    %c0_i32 = arith.constant 0 : i32
    %c0_i32_0 = arith.constant 0 : i32
    %c0_i32_1 = arith.constant 0 : i32
    return %c0_i32, %c0_i32_0 : i32, i32
  }
  func.func @transform_5(%arg0: i32) -> (i32, i32) {
    %c0_i32 = arith.constant 0 : i32
    %c0_i32_0 = arith.constant 0 : i32
    %c0_i32_1 = arith.constant 0 : i32
    return %c0_i32, %c0_i32_0 : i32, i32
  }
  func.func @transform_6(%arg0: i32) -> (i32, i32) {
    %c0_i32 = arith.constant 0 : i32
    %c0_i32_0 = arith.constant 0 : i32
    %c0_i32_1 = arith.constant 0 : i32
    return %c0_i32, %c0_i32_0 : i32, i32
  }
  func.func @transform_7(%arg0: i32) -> (i32, i32) {
    %c0_i32 = arith.constant 0 : i32
    %c0_i32_0 = arith.constant 0 : i32
    %c0_i32_1 = arith.constant 0 : i32
    return %c0_i32, %c0_i32_0 : i32, i32
  }
  func.func @transform_8(%arg0: i32) -> (i32, i32) {
    %c0_i32 = arith.constant 0 : i32
    %c0_i32_0 = arith.constant 0 : i32
    %c0_i32_1 = arith.constant 0 : i32
    return %c0_i32, %c0_i32_0 : i32, i32
  }
  func.func @transform_9(%arg0: i32) -> (i32, i32) {
    %c0_i32 = arith.constant 0 : i32
    %c0_i32_0 = arith.constant 0 : i32
    %c0_i32_1 = arith.constant 0 : i32
    return %c0_i32, %c0_i32_0 : i32, i32
  }
  func.func @transform_10(%arg0: i32) -> (i32, i32) {
    %c0_i32 = arith.constant 0 : i32
    %c0_i32_0 = arith.constant 0 : i32
    %c0_i32_1 = arith.constant 0 : i32
    return %c0_i32, %c0_i32_0 : i32, i32
  }
  func.func @transform_11(%arg0: i32) -> (i32, i32) {
    %c0_i32 = arith.constant 0 : i32
    %c0_i32_0 = arith.constant 0 : i32
    %c0_i32_1 = arith.constant 0 : i32
    return %c0_i32, %c0_i32_0 : i32, i32
  }
  func.func @transform_12(%arg0: i32) -> (i32, i32) {
    %c0_i32 = arith.constant 0 : i32
    %c0_i32_0 = arith.constant 0 : i32
    return %arg0, %c0_i32 : i32, i32
  }
  func.func @transform_13(%arg0: i32) -> (i32, i32) {
    %c0_i32 = arith.constant 0 : i32
    %c0_i32_0 = arith.constant 0 : i32
    return %arg0, %c0_i32 : i32, i32
  }
}

</mosaic_0001>

<sc_bundles>
// kernel: kernel.10.cloned.1.call-start
scs
__scs_entry_jumppad:
0x0: {  	(pc) =	sbr.rel $0x88, $3  }
0x1: {  	(tag) =	ssettag $0x0;
	lr =	simm.s32 $0x1  }
0x2: {  	[smem:$0x3F91] =	sst lr;
	_ =	strace $0xD0000000  }
0x3: {  	_ = 	snop  }
0x4: {  	_ = 	snop  }
0x5: {  	_ = 	snop  }
0x6: {  	_ = 	snop  }
0x7: {  	_ = 	snop  }
__scs_overlays_trampoline_lowered:
0x8: {  	[smem:$0x3FA0] =	sst s0  }
0x9: {  	[smem:$0x3FA1] =	sst s1  }
0xa: {  	[smem:$0x3FA2] =	sst s2  }
0xb: {  	[smem:$0x3FA3] =	sst s3  }
0xc: {  	[smem:$0x3FA4] =	sst s4  }
0xd: {  	[smem:$0x3FA5] =	sst s5  }
0xe: {  	[smem:$0x3FA6] =	sst s6  }
0xf: {  	[smem:$0x3FA7] =	sst s7  }
0x10: {  	[smem:$0x3FA8] =	sst s8  }
0x11: {  	[smem:$0x3FA9] =	sst s9;
	s0 =	simm.s32 @!p0 $0x0  }
0x12: {  	s1 =	sld [smem:$0x3F8F];
	s0 =	simm.s32 @p0 $0x1  }
0x13: {  	[smem:$0x3FAA] =	sst s0;
	s0 =	simm.s32 @!p1 $0x0  }
0x14: {  	s2 =	sld [smem:$0x3F8E];
	s0 =	simm.s32 @p1 $0x1  }
0x15: {  	[smem:$0x3FAB] =	sst s0;
	s0 =	simm.s32 @!p2 $0x0  }
0x16: {  	s3 =	sld [smem:$0x3FDB];
	s0 =	simm.s32 @p2 $0x1  }
0x17: {  	s4 =	simm.s32 $0x1BF5;
	[smem:$0x3FAD] =	sst s0  }
0x18: {  	s0 =	sld [smem:$0x3F90];
	_ =	swait.ge [sflag:s4], $0x0  }
0x19: {  	s7 =	sld [smem:$0x3F91]  }
0x1a: {  	s8 =	sadd.s32 $0xFFFFE003, lr  }
0x1b: {  	s9 =	sadd.s32 $0xFFFFFEF7, lr;
	s5 =	simm.s32 $0xFFFFFFFF;
	p2 =	slt.u32 s8, $0xFFFFF086  }
0x1c: {  	p1 =	slt.u32 s9, $0xF7A;
	s5 =	simm.s32 @!p2 $0x0  }
0x1d: {  	s5 =	simm.s32 @p1 $0x1;
	p0 =	seq.s32 s7, s2  }
0x1e: {  	s7 =	smul.u32 @!p0 $0xF7A, s2;
	p2 =	seq.s32 @!p0 s5, $0x0  }
0x1f: {  	s9 =	smul.u32 $0xF7A, s1;
	s8 =	simm.s32 @!p0 $0x1BF5;
	p2 =	por !p2, p0  }
0x20: {  	[sflag:s8] =	ssyncset.s32 @!p0 $0xFFFFF086;
	s6 =	sadd.s32 @!p0 s3, s7;
	s7 =	simm.s32 @!p0 $0x108  }
0x21: {  	s3 =	sadd.s32 s3, s9;
	s6 =	sadd.s32 @!p0 $0x88, s6;
	s7 =	simm.s32 @p2 $0x1082  }
0x22: {  	[simem:s7], [sflag:s8] =	dma.local @!p0 [hbm:s6], $0xF7A  }
0x23: {  	s9 =	sor.u32 $0xD0000000, s2;
	s6 =	simm.s32 $0x108;
	_ =	swait.ge @!p0 [sflag:s8], $0x0  }
0x24: {  	s3 =	sadd.s32 $0x88, s3;
	s6 =	simm.s32 @!p1 $0x1082;
	[sflag:s4] =	ssyncset.s32 $0xFFFFF086  }
0x25: {  	[simem:s6], [sflag:s4] =	dma.local [hbm:s3], $0xF7A  }
0x26: {  	[smem:$0x3F91] =	sst s1;
	(tag) =	ssettag s2;
	_ =	strace s9  }
0x27: {  	s1 =	sld [smem:$0x3FA1]  }
0x28: {  	s2 =	sld [smem:$0x3FA2]  }
0x29: {  	s4 =	sld [smem:$0x3FA4]  }
0x2a: {  	p0 =	seq.s32 s5, $0x0;
	s5 =	sld [smem:$0x3FA5]  }
0x2b: {  	s6 =	sld [smem:$0x3FA6]  }
0x2c: {  	s7 =	sld [smem:$0x3FA7]  }
0x2d: {  	s3 =	simm.s32 $0x108;
	s8 =	sld [smem:$0x3FA8]  }
0x2e: {  	s3 =	simm.s32 @!p0 $0x1082;
	s9 =	sld [smem:$0x3FA9]  }
0x2f: {  	lr =	sadd.s32 s0, s3;
	s0 =	sld [smem:$0x3FA0]  }
0x30: {  	s3 =	sld [smem:$0x3FA3]  }
0x31: {  	[smem:$0x3FAC] =	sst s10  }
0x32: {  	s10 =	sld [smem:$0x3FAA];
	_ =	sdelay $0x3  }
0x33: {  	p0 =	seq.s32 s10, $0x1;
	s10 =	sld [smem:$0x3FAC];
	_ =	sdelay $0x3  }
0x34: {  	[smem:$0x3FAC] =	sst s10  }
0x35: {  	s10 =	sld [smem:$0x3FAB];
	_ =	sdelay $0x3  }
0x36: {  	p1 =	seq.s32 s10, $0x1;
	s10 =	sld [smem:$0x3FAC];
	_ =	sdelay $0x3  }
0x37: {  	[smem:$0x3FAC] =	sst s10  }
0x38: {  	s10 =	sld [smem:$0x3FAD]  }
0x39: {  	_ = 	snop;
	(pc) =	sbr.ind lr, $3  }
0x3a: {  	_ = 	snop  }
0x3b: {  	_ = 	snop  }
0x3c: {  	p2 =	seq.s32 s10, $0x1;
	s10 =	sld [smem:$0x3FAC]  }
0x3d: {  	_ =	shalt  }
0x3e: {  	_ =	shalt  }
0x3f: {  	_ =	shalt  }
0x40: {  	_ =	shalt  }
0x41: {  	_ =	shalt  }
0x42: {  	_ =	shalt  }
0x43: {  	_ =	shalt  }
0x44: {  	_ =	shalt  }
0x45: {  	_ =	shalt  }
0x46: {  	_ =	shalt  }
0x47: {  	_ =	shalt  }
0x48: {  	_ =	shalt  }
0x49: {  	_ =	shalt  }
0x4a: {  	_ =	shalt  }
0x4b: {  	_ =	shalt  }
0x4c: {  	_ =	shalt  }
0x4d: {  	_ =	shalt  }
0x4e: {  	_ =	shalt  }
0x4f: {  	_ =	shalt  }
0x50: {  	_ =	shalt  }
0x51: {  	_ =	shalt  }
0x52: {  	_ =	shalt  }
0x53: {  	_ =	shalt  }
0x54: {  	_ =	shalt  }
0x55: {  	_ =	shalt  }
0x56: {  	_ =	shalt  }
0x57: {  	_ =	shalt  }
0x58: {  	_ =	shalt  }
0x59: {  	_ =	shalt  }
0x5a: {  	_ =	shalt  }
0x5b: {  	_ =	shalt  }
0x5c: {  	_ =	shalt  }
0x5d: {  	_ =	shalt  }
0x5e: {  	_ =	shalt  }
0x5f: {  	_ =	shalt  }
0x60: {  	_ =	shalt  }
0x61: {  	_ =	shalt  }
0x62: {  	_ =	shalt  }
0x63: {  	_ =	shalt  }
0x64: {  	_ =	shalt  }
0x65: {  	_ =	shalt  }
0x66: {  	_ =	shalt  }
0x67: {  	_ =	shalt  }
0x68: {  	_ =	shalt  }
0x69: {  	_ =	shalt  }
0x6a: {  	_ =	shalt  }
0x6b: {  	_ =	shalt  }
0x6c: {  	_ =	shalt  }
0x6d: {  	_ =	shalt  }
0x6e: {  	_ =	shalt  }
0x6f: {  	_ =	shalt  }
0x70: {  	_ =	shalt  }
0x71: {  	_ =	shalt  }
0x72: {  	_ =	shalt  }
0x73: {  	_ =	shalt  }
0x74: {  	_ =	shalt  }
0x75: {  	_ =	shalt  }
0x76: {  	_ =	shalt  }
0x77: {  	_ =	shalt  }
0x78: {  	_ =	shalt  }
0x79: {  	_ =	shalt  }
0x7a: {  	_ =	shalt  }
0x7b: {  	_ =	shalt  }
0x7c: {  	_ =	shalt  }
0x7d: {  	_ =	shalt  }
0x7e: {  	_ =	shalt  }
0x7f: {  	_ =	shalt  }
0x80: {  	_ =	shalt  }
0x81: {  	_ =	shalt  }
0x82: {  	_ =	shalt  }
0x83: {  	_ =	shalt  }
0x84: {  	_ =	shalt  }
0x85: {  	_ =	shalt  }
0x86: {  	_ =	shalt  }
0x87: {  	_ =	shalt  }
.Lfunc_end0:
.L_simem_size_0:
called_computation.1_lowered:
.L_overlay_start_0:
0x88: {  	s2 =	sld [smem:$0x3FD9]  }
0x89: {  	s3 =	sld [smem:$0x3FFE];
	_ =	sdelay $0x1  }
0x8a: {  	s1 =	srdreg.scid  }
0x8b: {  	s0 =	sand.u32 $0x1, s1  }
0x8c: {  	s16 =	sshll.u32 s0, $0xA;
	s2 =	sadd.s32 s3, s2  }
0x8d: {  	s2 =	sadd.s32 s2, s16  }
0x8e: {  	[smem:$0x3FB8] =	sst s2  }
0x8f: {  	_ = 	snop  }
0x90: {  	(tm) =	ssettm $0x1  }
0x91: {  	s17 =	sld [smem:$0x3FFB];
	_ =	sdelay $0x3  }
0x92: {  	_ =	strace s17  }
0x93: {  	s2 =	sld [smem:$0x3FFC];
	_ =	sdelay $0x3  }
0x94: {  	_ =	strace s2  }
0x95: {  	s2 =	sld [smem:$0x3FFD];
	_ =	sdelay $0x3  }
0x96: {  	_ =	strace s2  }
0x97: {  	_ =	strace $0x8FFFFFFF  }
0x98: {  	s18 =	sld [smem:$0x3FDB];
	_ =	sdelay $0x1  }
0x99: {  	s19 =	simm.s32 $_scs_section_size  }
0x9a: {  	s4 =	simm.s32 $_size__tile_overlayer_lowered;
	s5 =	simm.s32 $_tile_overlayer_lowered  }
0x9b: {  	s22 =	simm.s32 $0x1BFF;
	s21 =	sshll.u32 s5, $0x1;
	s2 =	sadd.s32 s19, s18  }
0x9c: {  	s6 =	simm.s32 $0x0;
	s20 =	sshll.u32 s4, $0x1;
	s4 =	sadd.s32 s21, s2  }
0x9d: {  	[timem:s6], [sflag:s22] =	dma.local [hbm:s4], s20  }
0x9e: {  	_ =	swait.ge [sflag:s22], s20  }
0x9f: {  	s3 =	ssub.s32 $0x0, s20;
	[sflag:s22] =	ssyncset.done $0x0  }
0xa0: {  	[sflag:s22] =	ssyncadd.s32 s3;
	_ =	sdelay $0x1  }
0xa1: {  	s23 =	simm.s32 $0x1B8B  }
0xa2: {  	_ =	swait.ge [sflag:s23], $0x1  }
0xa3: {  	[sflag:s23] =	ssyncset.done $0x0  }
0xa4: {  	s25 =	simm.s32 $0x1B8E;
	s24 =	sld [smem:$0x3FFE];
	[sflag:s23] =	ssyncadd.s32 $0xFFFFFFFF  }
0xa5: {  	s26 =	simm.s32 $execute0_lowered;
	[smem:$0x3FD2] =	sst s25  }
0xa6: {  	s4 =	sshll.u32 s26, $0x1;
	_ =	strace $0x80000046;
	[dreg:$0x1] =	wrdreg $0xFFFFFFFF  }
0xa7: {  	s28 =	simm.s32 $_size_execute0_lowered;
	s2 =	sadd.s32 s2, s4;
	[dreg:$0x0] =	wrdreg $0x0  }
0xa8: {  	s4 =	sshll.u32 s28, $0x1;
	[dreg:$0x2] =	wrdreg s2  }
0xa9: {  	[dreg:$0x3] =	wrdreg s4  }
0xaa: {  	[dreg:$0x4] =	wrdreg $0xC0  }
0xab: {  	_ =	task [dreg:s6], $0x5FFFF  }
0xac: {  	[dreg:$0x1] =	wrdreg $0xFFFFFFFF  }
0xad: {  	[dreg:$0x0] =	wrdreg $0x60  }
0xae: {  	[dreg:$0x2] =	wrdreg s24  }
0xaf: {  	[dreg:$0x3] =	wrdreg $0xA  }
0xb0: {  	_ =	task.clear_ibuf [dreg:s6], $0x4FFFF;
	_ =	strace $0x90000046  }
0xb1: {  	s29 =	simm.s32 $0xA;
	_ =	strace $0x80000048  }
0xb2: {  	_ =	swait.ge [sflag:s29], $0x1  }
0xb3: {  	[sflag:s29] =	ssyncadd.s32 $0xFFFFFFFF  }
0xb4: {  	_ =	strace $0x90000048  }
0xb5: {  	_ =	sfence  }
0xb6: {  	s30 =	sld [smem:$0x0];
	_ =	sdelay $0x2  }
0xb7: {  	s31 =	sshll.u32 s1, $0xD;
	s1 =	sshrl.u32 s1, $0x2  }
0xb8: {  	s3 =	sand.u32 $0x4000, s31;
	s1 =	sadd.s32 s1, s30  }
0xb9: {  	s0 =	sor.u32 s3, s0;
	s1 =	sshll.u32 s1, $0x11  }
0xba: {  	s0 =	sor.u32 s1, s0  }
0xbb: {  	s0 =	sadd.s32 $0x8F2B, s0  }
0xbc: {  	[sflag:s0] =	ssyncadd.remote.s32 $0x1  }
0xbd: {  	_ =	sfence.sel $0xFFFF  }
0xbe: {  	[dreg:$0x0] =	wrdreg $0xFFFFFFFF;
	(pc) =	sbr.abs _section_cstart, $3  }
0xbf: {  	[dreg:$0x1] =	wrdreg $0xFFFFFFFF  }
0xc0: {  	_ =	task.clear_ibuf [dreg:s6], $0x2FFFF;
	_ =	strace $0x9FFFFFFF  }
0xc1: {  	(tm) =	ssettm $0x7FFFFFFF  }
tec
execute0_lowered:
.L_overlay_start_1:
0x0: {  	(tag) =	ssettag $0x1  }
0x1: {  	s0 =	srdreg.scid  }
0x2: {  	s5 =	rddreg [dreg:$0x0];
	s3 =	sand.u32 $0x1, s0  }
0x3: {  	s2 =	simm.s32 $0x0;
	s0 =	stileid.u32;
	s1 =	sshll.u32 s3, $0x4  }
0x4: {  	s8 =	simm.s32 $0x80;
	s9 =	simm.s32 $0x400;
	s4 =	sor.u32 s0, s1  }
0x5: {  	s10 =	simm.s32 $0x0;
	[smem:$0x7FF] =	sst s2;
	s1 =	sshrl.u32 s4, $0x3  }
0x6: {  	s7 =	sshll.u32 s0, $0x7;
	s3 =	ssub.s32 $0x2, s3;
	s6 =	smul.u32 $0x14000, s1  }
0x7: {  	s7 =	sand.u32 $0x380, s7;
	s31 =	sshrl.u32 s3, $0x1;
	s4 =	smul.u32 $0x500, s4  }
0x8: {  	s1 =	rddreg [dreg:$0x1];
	_ =	strace $0x80000047;
	s6 =	sor.u32 s7, s6  }
0x9: {  	s4 =	sadd.s32 s4, s5;
	s7 =	simm.s32 $0x2800;
	s6 =	sshrl.u32 s6, $0x3  }
0xa: {  	s5 =	sadd.s32 s6, s5;
	s6 =	ssub.s32 s3, s31;
	s3 =	sadd.s32 $0x3A00, s4  }
0xb: {  	v0 =	vimm.f32 $0.0e+00;
	v1 =	vimm.f32 $1.000000000e+00;
	s4 =	sadd.s32 $0xDA00, s5;
	s5 =	smax.u32 s6, $0x1;
	s6 =	simm.s32 $0x1  }
.LBB2_1:
0xc: {  	[tilespmem:s2], [sflag:$0x1] =	stream.linear.gather [hbm4b:s3+s2], $0x2800, $0x38;
	[tilespmem:$0x5000] =	vst v63  }
0xd: {  	_ =	swait.ge [sflag:s6], $0x2800  }
0xe: {  	[sflag:s6] =	ssyncset.done $0x0  }
0xf: {  	s11 =	simm.s32 $0x0;
	[sflag:s6] =	ssyncadd.s32 $0xFFFFD800  }
.LBB2_2:
0x10: {  	p0 =	sne.s32 s11, $0x9FC0  }
.Ltmp0:
0x11: {  	_ = 	snop;
	(pc) =	sbr.rel @p0 .LBB2_2-.Ltmp0, $3  }
0x12: {  	_ =	sdelay $0x1  }
0x13: {  	s12 =	sshra.s32 s11, $0x2  }
0x14: {  	s11 =	sadd.s32 $0x40, s11;
	[tilespmem:s12+$0x2800] =	vst v0  }
0x15: {  	s11 =	simm.s32 $0x0  }
.LBB2_4:
0x16: {  	s12 =	sshra.s32 s11, $0x2  }
0x17: {  	v2 =	vld [tilespmem:s12+$0x0];
	_ =	sdelay $0x4  }
0x18: {  	v2 =	vand.u32 $0x3FFF, v2;
	_ =	sdelay $0x4  }
0x19: {  	[tilespmem:v2+s7+$0x0] =	vst.idx.add.f32.msk $0xffff, v1  }
0x1a: {  	v2 =	vld [tilespmem:s12+$0x10];
	_ =	sdelay $0x4  }
0x1b: {  	v2 =	vand.u32 $0x3FFF, v2;
	_ =	sdelay $0x4  }
0x1c: {  	[tilespmem:v2+s7+$0x0] =	vst.idx.add.f32.msk $0xffff, v1  }
0x1d: {  	v2 =	vld [tilespmem:s12+$0x20];
	_ =	sdelay $0x4  }
0x1e: {  	v2 =	vand.u32 $0x3FFF, v2;
	_ =	sdelay $0x4  }
0x1f: {  	[tilespmem:v2+s7+$0x0] =	vst.idx.add.f32.msk $0xffff, v1  }
0x20: {  	v2 =	vld [tilespmem:s12+$0x30];
	_ =	sdelay $0x4  }
0x21: {  	v2 =	vand.u32 $0x3FFF, v2;
	_ =	sdelay $0x4  }
0x22: {  	[tilespmem:v2+s7+$0x0] =	vst.idx.add.f32.msk $0xffff, v1  }
0x23: {  	v2 =	vld [tilespmem:s12+$0x40];
	_ =	sdelay $0x4  }
0x24: {  	v2 =	vand.u32 $0x3FFF, v2;
	_ =	sdelay $0x4  }
0x25: {  	[tilespmem:v2+s7+$0x0] =	vst.idx.add.f32.msk $0xffff, v1  }
0x26: {  	v2 =	vld [tilespmem:s12+$0x50];
	_ =	sdelay $0x4  }
0x27: {  	v2 =	vand.u32 $0x3FFF, v2;
	_ =	sdelay $0x4  }
0x28: {  	[tilespmem:v2+s7+$0x0] =	vst.idx.add.f32.msk $0xffff, v1  }
0x29: {  	v2 =	vld [tilespmem:s12+$0x60];
	_ =	sdelay $0x4  }
0x2a: {  	v2 =	vand.u32 $0x3FFF, v2;
	_ =	sdelay $0x4  }
0x2b: {  	[tilespmem:v2+s7+$0x0] =	vst.idx.add.f32.msk $0xffff, v1  }
0x2c: {  	v2 =	vld [tilespmem:s12+$0x70];
	_ =	sdelay $0x4  }
0x2d: {  	p0 =	sne.s32 s11, $0x9E00;
	v2 =	vand.u32 $0x3FFF, v2  }
.Ltmp1:
0x2e: {  	_ = 	snop;
	(pc) =	sbr.rel @p0 .LBB2_4-.Ltmp1, $2  }
0x2f: {  	_ =	sdelay $0x2  }
0x30: {  	s11 =	sadd.s32 $0x200, s11;
	[tilespmem:v2+s7+$0x0] =	vst.idx.add.f32.msk $0xffff, v1  }
0x31: {  	s10 =	sadd.s32 $0x1, s10  }
0x32: {  	p0 =	sne.s32 s10, s5  }
.Ltmp2:
0x33: {  	_ = 	snop;
	(pc) =	sbr.rel @p0 .LBB2_1-.Ltmp2, $4  }
0x34: {  	[hbm4b:s4+s8] =	stream.strided.scatter [tilespmem:s7], [sflag:$0x1], $0x2800, s9, s8, $0x38;
	[tilespmem:$0x5000] =	vst v63  }
0x35: {  	_ =	swait.ge [sflag:s6], $0x2800  }
0x36: {  	[sflag:s6] =	ssyncset.done $0x0  }
0x37: {  	[sflag:s6] =	ssyncadd.s32 $0xFFFFD800  }
0x38: {  	_ =	sfence.sel $0x180000  }
0x39: {  	[bflag:$0x0] =	sbarrier.arrive $0xFFFF  }
0x3a: {  	p0 =	sne.s32 s0, $0x0;
	_ =	strace $0x90000047  }
0x3b: {  	s0 =	sadd.s32 @!p0 $0x100000, s1;
	[bflag:$0x2] =	sbarrier.arrive $0xFFFF  }
0x3c: {  	[sflag:s0] =	ssyncadd.tile.s32 @!p0 $0x1;
	_ =	shalt  }
.Lfunc_end2:
_tile_overlayer_lowered:
.L_overlay_start_2:
0x3d: {  	(tag) =	ssettag $0x2  }
0x3e: {  	s0 =	rddreg [dreg:$0x0];
	s2 =	stileid.u32  }
0x3f: {  	s1 =	rddreg [dreg:$0x1];
	p0 =	sne.s32 s2, $0x0  }
0x40: {  	s3 =	rddreg [dreg:$0x2];
	[bflag:$0x3] =	sbarrier.arrive $0xFFFF;
	s2 =	simm.s32 @!p0 $0x1C01  }
0x41: {  	[timem:s3], [sflag:s2] =	dma.local @!p0 [hbm:s0], s1  }
0x42: {  	s0 =	simm.s32 @!p0 $0x1  }
0x43: {  	_ =	swait.ge @!p0 [sflag:s0], s1  }
0x44: {  	s1 =	ssub.s32 @!p0 $0x0, s1;
	[sflag:s0] =	ssyncset.done @!p0 $0x0  }
0x45: {  	[sflag:s0] =	ssyncadd.s32 @!p0 s1  }
0x46: {  	[bflag:$0x3] =	sbarrier.arrive $0xFFFF  }
0x47: {  	_ =	shalt  }

// kernel: kernel.13.cloned.1.call-start
scs
__scs_entry_jumppad:
0x0: {  	(pc) =	sbr.rel $0x88, $3  }
0x1: {  	(tag) =	ssettag $0x0;
	lr =	simm.s32 $0x1  }
0x2: {  	[smem:$0x3F91] =	sst lr;
	_ =	strace $0xD0000000  }
0x3: {  	_ = 	snop  }
0x4: {  	_ = 	snop  }
0x5: {  	_ = 	snop  }
0x6: {  	_ = 	snop  }
0x7: {  	_ = 	snop  }
__scs_overlays_trampoline_lowered:
0x8: {  	[smem:$0x3FA0] =	sst s0  }
0x9: {  	[smem:$0x3FA1] =	sst s1  }
0xa: {  	[smem:$0x3FA2] =	sst s2  }
0xb: {  	[smem:$0x3FA3] =	sst s3  }
0xc: {  	[smem:$0x3FA4] =	sst s4  }
0xd: {  	[smem:$0x3FA5] =	sst s5  }
0xe: {  	[smem:$0x3FA6] =	sst s6  }
0xf: {  	[smem:$0x3FA7] =	sst s7  }
0x10: {  	[smem:$0x3FA8] =	sst s8  }
0x11: {  	[smem:$0x3FA9] =	sst s9;
	s0 =	simm.s32 @!p0 $0x0  }
0x12: {  	s1 =	sld [smem:$0x3F8F];
	s0 =	simm.s32 @p0 $0x1  }
0x13: {  	[smem:$0x3FAA] =	sst s0;
	s0 =	simm.s32 @!p1 $0x0  }
0x14: {  	s2 =	sld [smem:$0x3F8E];
	s0 =	simm.s32 @p1 $0x1  }
0x15: {  	[smem:$0x3FAB] =	sst s0;
	s0 =	simm.s32 @!p2 $0x0  }
0x16: {  	s3 =	sld [smem:$0x3FDB];
	s0 =	simm.s32 @p2 $0x1  }
0x17: {  	s4 =	simm.s32 $0x1BF5;
	[smem:$0x3FAD] =	sst s0  }
0x18: {  	s0 =	sld [smem:$0x3F90];
	_ =	swait.ge [sflag:s4], $0x0  }
0x19: {  	s7 =	sld [smem:$0x3F91]  }
0x1a: {  	s8 =	sadd.s32 $0xFFFFE003, lr  }
0x1b: {  	s9 =	sadd.s32 $0xFFFFFEF7, lr;
	s5 =	simm.s32 $0xFFFFFFFF;
	p2 =	slt.u32 s8, $0xFFFFF086  }
0x1c: {  	p1 =	slt.u32 s9, $0xF7A;
	s5 =	simm.s32 @!p2 $0x0  }
0x1d: {  	s5 =	simm.s32 @p1 $0x1;
	p0 =	seq.s32 s7, s2  }
0x1e: {  	s7 =	smul.u32 @!p0 $0xF7A, s2;
	p2 =	seq.s32 @!p0 s5, $0x0  }
0x1f: {  	s9 =	smul.u32 $0xF7A, s1;
	s8 =	simm.s32 @!p0 $0x1BF5;
	p2 =	por !p2, p0  }
0x20: {  	[sflag:s8] =	ssyncset.s32 @!p0 $0xFFFFF086;
	s6 =	sadd.s32 @!p0 s3, s7;
	s7 =	simm.s32 @!p0 $0x108  }
0x21: {  	s3 =	sadd.s32 s3, s9;
	s6 =	sadd.s32 @!p0 $0x88, s6;
	s7 =	simm.s32 @p2 $0x1082  }
0x22: {  	[simem:s7], [sflag:s8] =	dma.local @!p0 [hbm:s6], $0xF7A  }
0x23: {  	s9 =	sor.u32 $0xD0000000, s2;
	s6 =	simm.s32 $0x108;
	_ =	swait.ge @!p0 [sflag:s8], $0x0  }
0x24: {  	s3 =	sadd.s32 $0x88, s3;
	s6 =	simm.s32 @!p1 $0x1082;
	[sflag:s4] =	ssyncset.s32 $0xFFFFF086  }
0x25: {  	[simem:s6], [sflag:s4] =	dma.local [hbm:s3], $0xF7A  }
0x26: {  	[smem:$0x3F91] =	sst s1;
	(tag) =	ssettag s2;
	_ =	strace s9  }
0x27: {  	s1 =	sld [smem:$0x3FA1]  }
0x28: {  	s2 =	sld [smem:$0x3FA2]  }
0x29: {  	s4 =	sld [smem:$0x3FA4]  }
0x2a: {  	p0 =	seq.s32 s5, $0x0;
	s5 =	sld [smem:$0x3FA5]  }
0x2b: {  	s6 =	sld [smem:$0x3FA6]  }
0x2c: {  	s7 =	sld [smem:$0x3FA7]  }
0x2d: {  	s3 =	simm.s32 $0x108;
	s8 =	sld [smem:$0x3FA8]  }
0x2e: {  	s3 =	simm.s32 @!p0 $0x1082;
	s9 =	sld [smem:$0x3FA9]  }
0x2f: {  	lr =	sadd.s32 s0, s3;
	s0 =	sld [smem:$0x3FA0]  }
0x30: {  	s3 =	sld [smem:$0x3FA3]  }
0x31: {  	[smem:$0x3FAC] =	sst s10  }
0x32: {  	s10 =	sld [smem:$0x3FAA];
	_ =	sdelay $0x3  }
0x33: {  	p0 =	seq.s32 s10, $0x1;
	s10 =	sld [smem:$0x3FAC];
	_ =	sdelay $0x3  }
0x34: {  	[smem:$0x3FAC] =	sst s10  }
0x35: {  	s10 =	sld [smem:$0x3FAB];
	_ =	sdelay $0x3  }
0x36: {  	p1 =	seq.s32 s10, $0x1;
	s10 =	sld [smem:$0x3FAC];
	_ =	sdelay $0x3  }
0x37: {  	[smem:$0x3FAC] =	sst s10  }
0x38: {  	s10 =	sld [smem:$0x3FAD]  }
0x39: {  	_ = 	snop;
	(pc) =	sbr.ind lr, $3  }
0x3a: {  	_ = 	snop  }
0x3b: {  	_ = 	snop  }
0x3c: {  	p2 =	seq.s32 s10, $0x1;
	s10 =	sld [smem:$0x3FAC]  }
0x3d: {  	_ =	shalt  }
0x3e: {  	_ =	shalt  }
0x3f: {  	_ =	shalt  }
0x40: {  	_ =	shalt  }
0x41: {  	_ =	shalt  }
0x42: {  	_ =	shalt  }
0x43: {  	_ =	shalt  }
0x44: {  	_ =	shalt  }
0x45: {  	_ =	shalt  }
0x46: {  	_ =	shalt  }
0x47: {  	_ =	shalt  }
0x48: {  	_ =	shalt  }
0x49: {  	_ =	shalt  }
0x4a: {  	_ =	shalt  }
0x4b: {  	_ =	shalt  }
0x4c: {  	_ =	shalt  }
0x4d: {  	_ =	shalt  }
0x4e: {  	_ =	shalt  }
0x4f: {  	_ =	shalt  }
0x50: {  	_ =	shalt  }
0x51: {  	_ =	shalt  }
0x52: {  	_ =	shalt  }
0x53: {  	_ =	shalt  }
0x54: {  	_ =	shalt  }
0x55: {  	_ =	shalt  }
0x56: {  	_ =	shalt  }
0x57: {  	_ =	shalt  }
0x58: {  	_ =	shalt  }
0x59: {  	_ =	shalt  }
0x5a: {  	_ =	shalt  }
0x5b: {  	_ =	shalt  }
0x5c: {  	_ =	shalt  }
0x5d: {  	_ =	shalt  }
0x5e: {  	_ =	shalt  }
0x5f: {  	_ =	shalt  }
0x60: {  	_ =	shalt  }
0x61: {  	_ =	shalt  }
0x62: {  	_ =	shalt  }
0x63: {  	_ =	shalt  }
0x64: {  	_ =	shalt  }
0x65: {  	_ =	shalt  }
0x66: {  	_ =	shalt  }
0x67: {  	_ =	shalt  }
0x68: {  	_ =	shalt  }
0x69: {  	_ =	shalt  }
0x6a: {  	_ =	shalt  }
0x6b: {  	_ =	shalt  }
0x6c: {  	_ =	shalt  }
0x6d: {  	_ =	shalt  }
0x6e: {  	_ =	shalt  }
0x6f: {  	_ =	shalt  }
0x70: {  	_ =	shalt  }
0x71: {  	_ =	shalt  }
0x72: {  	_ =	shalt  }
0x73: {  	_ =	shalt  }
0x74: {  	_ =	shalt  }
0x75: {  	_ =	shalt  }
0x76: {  	_ =	shalt  }
0x77: {  	_ =	shalt  }
0x78: {  	_ =	shalt  }
0x79: {  	_ =	shalt  }
0x7a: {  	_ =	shalt  }
0x7b: {  	_ =	shalt  }
0x7c: {  	_ =	shalt  }
0x7d: {  	_ =	shalt  }
0x7e: {  	_ =	shalt  }
0x7f: {  	_ =	shalt  }
0x80: {  	_ =	shalt  }
0x81: {  	_ =	shalt  }
0x82: {  	_ =	shalt  }
0x83: {  	_ =	shalt  }
0x84: {  	_ =	shalt  }
0x85: {  	_ =	shalt  }
0x86: {  	_ =	shalt  }
0x87: {  	_ =	shalt  }
.Lfunc_end0:
.L_simem_size_0:
called_computation.2_lowered:
.L_overlay_start_0:
0x88: {  	s2 =	sld [smem:$0x3FD9]  }
0x89: {  	s3 =	sld [smem:$0x3FFE];
	_ =	sdelay $0x1  }
0x8a: {  	s1 =	srdreg.scid  }
0x8b: {  	s0 =	sand.u32 $0x1, s1  }
0x8c: {  	s16 =	sshll.u32 s0, $0xA;
	s2 =	sadd.s32 s3, s2  }
0x8d: {  	s2 =	sadd.s32 s2, s16  }
0x8e: {  	[smem:$0x3FB8] =	sst s2  }
0x8f: {  	_ = 	snop  }
0x90: {  	(tm) =	ssettm $0x1  }
0x91: {  	s17 =	sld [smem:$0x3FFB];
	_ =	sdelay $0x3  }
0x92: {  	_ =	strace s17  }
0x93: {  	s2 =	sld [smem:$0x3FFC];
	_ =	sdelay $0x3  }
0x94: {  	_ =	strace s2  }
0x95: {  	s2 =	sld [smem:$0x3FFD];
	_ =	sdelay $0x3  }
0x96: {  	_ =	strace s2  }
0x97: {  	_ =	strace $0x8FFFFFFF  }
0x98: {  	s18 =	sld [smem:$0x3FDB];
	_ =	sdelay $0x1  }
0x99: {  	s19 =	simm.s32 $_scs_section_size  }
0x9a: {  	s4 =	simm.s32 $_size__tile_overlayer_lowered;
	s5 =	simm.s32 $_tile_overlayer_lowered  }
0x9b: {  	s22 =	simm.s32 $0x1BFF;
	s21 =	sshll.u32 s5, $0x1;
	s2 =	sadd.s32 s19, s18  }
0x9c: {  	s6 =	simm.s32 $0x0;
	s20 =	sshll.u32 s4, $0x1;
	s4 =	sadd.s32 s21, s2  }
0x9d: {  	[timem:s6], [sflag:s22] =	dma.local [hbm:s4], s20  }
0x9e: {  	_ =	swait.ge [sflag:s22], s20  }
0x9f: {  	s3 =	ssub.s32 $0x0, s20;
	[sflag:s22] =	ssyncset.done $0x0  }
0xa0: {  	[sflag:s22] =	ssyncadd.s32 s3;
	_ =	sdelay $0x1  }
0xa1: {  	s23 =	simm.s32 $0x1B8B  }
0xa2: {  	_ =	swait.ge [sflag:s23], $0x1  }
0xa3: {  	[sflag:s23] =	ssyncset.done $0x0  }
0xa4: {  	s25 =	simm.s32 $0x1B8E;
	s24 =	sld [smem:$0x3FFE];
	[sflag:s23] =	ssyncadd.s32 $0xFFFFFFFF  }
0xa5: {  	s26 =	simm.s32 $execute0_lowered;
	[smem:$0x3FD2] =	sst s25  }
0xa6: {  	s4 =	sshll.u32 s26, $0x1;
	_ =	strace $0x8000004C;
	[dreg:$0x1] =	wrdreg $0xFFFFFFFF  }
0xa7: {  	s28 =	simm.s32 $_size_execute0_lowered;
	s2 =	sadd.s32 s2, s4;
	[dreg:$0x0] =	wrdreg $0x0  }
0xa8: {  	s4 =	sshll.u32 s28, $0x1;
	[dreg:$0x2] =	wrdreg s2  }
0xa9: {  	[dreg:$0x3] =	wrdreg s4  }
0xaa: {  	[dreg:$0x4] =	wrdreg $0xC0  }
0xab: {  	_ =	task [dreg:s6], $0x5FFFF  }
0xac: {  	[dreg:$0x1] =	wrdreg $0xFFFFFFFF  }
0xad: {  	[dreg:$0x0] =	wrdreg $0x60  }
0xae: {  	[dreg:$0x2] =	wrdreg s24  }
0xaf: {  	[dreg:$0x3] =	wrdreg $0xBE000  }
0xb0: {  	[dreg:$0x4] =	wrdreg $0x9  }
0xb1: {  	_ =	task.clear_ibuf [dreg:s6], $0x5FFFF;
	_ =	strace $0x9000004C  }
0xb2: {  	s29 =	simm.s32 $0x9;
	_ =	strace $0x8000004E  }
0xb3: {  	_ =	swait.ge [sflag:s29], $0x1  }
0xb4: {  	[sflag:s29] =	ssyncadd.s32 $0xFFFFFFFF  }
0xb5: {  	_ =	strace $0x9000004E  }
0xb6: {  	_ =	sfence  }
0xb7: {  	s30 =	sld [smem:$0x0];
	_ =	sdelay $0x2  }
0xb8: {  	s31 =	sshll.u32 s1, $0xD;
	s1 =	sshrl.u32 s1, $0x2  }
0xb9: {  	s3 =	sand.u32 $0x4000, s31;
	s1 =	sadd.s32 s1, s30  }
0xba: {  	s0 =	sor.u32 s3, s0;
	s1 =	sshll.u32 s1, $0x11  }
0xbb: {  	s0 =	sor.u32 s1, s0  }
0xbc: {  	s0 =	sadd.s32 $0x8F2B, s0  }
0xbd: {  	[sflag:s0] =	ssyncadd.remote.s32 $0x1  }
0xbe: {  	_ =	sfence.sel $0xFFFF  }
0xbf: {  	[dreg:$0x0] =	wrdreg $0xFFFFFFFF;
	(pc) =	sbr.abs _section_cstart, $3  }
0xc0: {  	[dreg:$0x1] =	wrdreg $0xFFFFFFFF  }
0xc1: {  	_ =	task.clear_ibuf [dreg:s6], $0x2FFFF;
	_ =	strace $0x9FFFFFFF  }
0xc2: {  	(tm) =	ssettm $0x7FFFFFFF  }
0xc3: {  	_ =	shalt  }
tec
execute0_lowered:
.L_overlay_start_1:
0x0: {  	(tag) =	ssettag $0x1  }
0x1: {  	s0 =	srdreg.scid  }
0x2: {  	s1 =	rddreg [dreg:$0x0];
	s10 =	stileid.u32  }
0x3: {  	s2 =	rddreg [dreg:$0x1];
	s3 =	simm.s32 $0x0;
	s19 =	simm.s32 $0x3  }
0x4: {  	s20 =	simm.s32 $0x3E00;
	s21 =	simm.s32 $0x80;
	s28 =	simm.s32 $0x2  }
0x5: {  	s29 =	simm.s32 $0x3D80;
	s30 =	simm.s32 $0x0;
	s5 =	smul.u32 $0x5000, s10  }
0x6: {  	s0 =	sand.u32 $0x1, s0;
	[smem:$0x7FF] =	sst s3;
	s9 =	smul.u32 $0x50000, s10  }
0x7: {  	s11 =	smul.u32 $0x14000, s10;
	s4 =	ssub.s32 $0x0, s0;
	_ =	strace $0x8000004D  }
0x8: {  	s7 =	ssub.s32 $0x2, s0;
	p0 =	seq.s32 s0, $0x0;
	s0 =	smul.u32 $0x140000, s0  }
0x9: {  	s4 =	sand.u32 $0x3C00, s4;
	s8 =	sshrl.u32 s7, $0x1;
	s24 =	sshrl.u32 s9, $0x2  }
0xa: {  	s25 =	sadd.s32 $0x4000, s11;
	s15 =	sadd.s32 $0x8000, s11;
	s16 =	sadd.s32 $0xC000, s11  }
0xb: {  	s17 =	sadd.s32 $0x10000, s11;
	s4 =	sadd.s32 s5, s4;
	s18 =	ssub.s32 s7, s8  }
0xc: {  	s7 =	sadd.s32 s24, s2;
	s8 =	sadd.s32 s25, s2;
	s9 =	sadd.s32 s15, s2  }
0xd: {  	s10 =	sadd.s32 s16, s2;
	s12 =	sadd.s32 s11, s0;
	s11 =	sadd.s32 s17, s2  }
0xe: {  	s26 =	sadd.s32 s0, s15;
	s31 =	sadd.s32 s0, s16;
	s24 =	simm.s32 $0x7E00  }
0xf: {  	s5 =	sshrl.u32 s4, $0x3;
	s4 =	sadd.s32 $0x17A00, s1;
	s13 =	sshrl.u32 s12, $0x3  }
0x10: {  	s16 =	sshrl.u32 s31, $0x3;
	s6 =	sadd.s32 s5, s1;
	s5 =	simm.s32 $0x78  }
0x11: {  	s18 =	smax.u32 s18, $0x1;
	s1 =	sadd.s32 $0x3FA00, s1;
	s5 =	simm.s32 @!p0 $0x28  }
0x12: {  	s6 =	sadd.s32 $0x3A00, s6;
	s13 =	sadd.s32 s1, s13;
	s16 =	sadd.s32 s1, s16  }
0x13: {  	[dreg:$0x3] =	wrdreg s6;
	s6 =	sadd.s32 s0, s25;
	s12 =	sshrl.u32 s5, $0x1  }
0x14: {  	s0 =	sadd.s32 s0, s17;
	s25 =	simm.s32 $0x1;
	s6 =	sshrl.u32 s6, $0x3  }
0x15: {  	s0 =	sshrl.u32 s0, $0x3;
	s14 =	sadd.s32 s1, s6;
	s6 =	sshrl.u32 s26, $0x3  }
0x16: {  	v0 =	vimm.f32 $0.0e+00;
	s17 =	sadd.s32 s1, s0;
	s26 =	simm.s32 $0x3D00;
	s15 =	sadd.s32 s1, s6  }
.LBB2_1:
0x17: {  	s0 =	rddreg [dreg:$0x3]  }
0x18: {  	[tilespmem:s3], [sflag:$0x3] =	stream.linear.gather [hbm4b:s0+s3], $0x3C00, $0x38;
	[tilespmem:$0x1FE00] =	vst v63  }
0x19: {  	_ =	swait.ge [sflag:s19], $0x3C00  }
0x1a: {  	[sflag:s19] =	ssyncset.done $0x0  }
0x1b: {  	s1 =	simm.s32 $0x200;
	s0 =	simm.s32 $0x0;
	[sflag:s19] =	ssyncadd.s32 $0xFFFFC400  }
.LBB2_2:
0x1c: {  	p0 =	sne.s32 s1, $0xFE00;
	[tilespmem:s0+$0x3E70] =	vst v0  }
0x1d: {  	[tilespmem:s0+$0x3E00] =	vst v0  }
0x1e: {  	[tilespmem:s0+$0x3E10] =	vst v0  }
.Ltmp0:
0x1f: {  	[tilespmem:s0+$0x3E20] =	vst v0;
	(pc) =	sbr.rel @p0 .LBB2_2-.Ltmp0, $4  }
0x20: {  	[tilespmem:s0+$0x3E30] =	vst v0  }
0x21: {  	[tilespmem:s0+$0x3E40] =	vst v0  }
0x22: {  	[tilespmem:s0+$0x3E50] =	vst v0  }
0x23: {  	[tilespmem:s0+$0x3E60] =	vst v0;
	s0 =	sshra.s32 s1, $0x2;
	s1 =	sadd.s32 $0x200, s1  }
0x24: {  	[tilespmem:s0+$0x3E70] =	vst v0  }
0x25: {  	[tilespmem:s0+$0x3E00] =	vst v0  }
0x26: {  	[tilespmem:s0+$0x3E10] =	vst v0  }
0x27: {  	[tilespmem:s0+$0x3E20] =	vst v0  }
0x28: {  	[tilespmem:s0+$0x3E30] =	vst v0  }
0x29: {  	[tilespmem:s0+$0x3E40] =	vst v0  }
0x2a: {  	[tilespmem:s0+$0x3E50] =	vst v0  }
0x2b: {  	[tilespmem:s0+$0x3E60] =	vst v0;
	s6 =	simm.s32 $0x3  }
0x2c: {  	[spmem:s7] =	stream.linear.scatter [tilespmem:s20], [sflag:$0x3], $0x4000, $0x38;
	[tilespmem:$0x1FE00] =	vst v63  }
0x2d: {  	_ =	swait.ge [sflag:s6], $0x4000  }
0x2e: {  	[sflag:s6] =	ssyncset.done $0x0  }
0x2f: {  	[sflag:s6] =	ssyncadd.s32 $0xFFFFC000  }
0x30: {  	[spmem:s8] =	stream.linear.scatter [tilespmem:s20], [sflag:$0x3], $0x4000, $0x38;
	[tilespmem:$0x1FE00] =	vst v63  }
0x31: {  	_ =	swait.ge [sflag:s6], $0x4000  }
0x32: {  	[sflag:s6] =	ssyncset.done $0x0  }
0x33: {  	[sflag:s6] =	ssyncadd.s32 $0xFFFFC000  }
0x34: {  	[spmem:s9] =	stream.linear.scatter [tilespmem:s20], [sflag:$0x3], $0x4000, $0x38;
	[tilespmem:$0x1FE00] =	vst v63  }
0x35: {  	_ =	swait.ge [sflag:s6], $0x4000  }
0x36: {  	[sflag:s6] =	ssyncset.done $0x0  }
0x37: {  	[sflag:s6] =	ssyncadd.s32 $0xFFFFC000  }
0x38: {  	[spmem:s10] =	stream.linear.scatter [tilespmem:s20], [sflag:$0x3], $0x4000, $0x38;
	[tilespmem:$0x1FE00] =	vst v63  }
0x39: {  	_ =	swait.ge [sflag:s6], $0x4000  }
0x3a: {  	[sflag:s6] =	ssyncset.done $0x0  }
0x3b: {  	[sflag:s6] =	ssyncadd.s32 $0xFFFFC000  }
0x3c: {  	[spmem:s11] =	stream.linear.scatter [tilespmem:s20], [sflag:$0x3], $0x4000, $0x38;
	[tilespmem:$0x1FE00] =	vst v63  }
0x3d: {  	_ =	swait.ge [sflag:s6], $0x4000  }
0x3e: {  	[sflag:s6] =	ssyncset.done $0x0  }
0x3f: {  	[sflag:s6] =	ssyncadd.s32 $0xFFFFC000  }
0x40: {  	[bflag:$0x0] =	sbarrier.arrive $0xFFFF  }
0x41: {  	v1 =	vld [tilespmem:$0x0]  }
0x42: {  	v2 =	vld [tilespmem:$0x10]  }
0x43: {  	v3 =	vld [tilespmem:$0x20]  }
0x44: {  	v4 =	vld [tilespmem:$0x30]  }
0x45: {  	v5 =	vld [tilespmem:$0x40]  }
0x46: {  	v6 =	vld [tilespmem:$0x50];
	v1 =	vshrl.u32 v1, $0xE  }
0x47: {  	[tilespmem:$0x3C00] =	vst v1;
	v1 =	vshrl.u32 v2, $0xE;
	v2 =	vld [tilespmem:$0x60]  }
0x48: {  	[tilespmem:$0x3C10] =	vst v1;
	v1 =	vshrl.u32 v3, $0xE;
	v3 =	vld [tilespmem:$0x70]  }
0x49: {  	[tilespmem:$0x3C20] =	vst v1;
	v1 =	vshrl.u32 v4, $0xE  }
0x4a: {  	[tilespmem:$0x3C30] =	vst v1;
	v1 =	vshrl.u32 v5, $0xE  }
0x4b: {  	[tilespmem:$0x3C40] =	vst v1;
	v1 =	vshrl.u32 v6, $0xE  }
0x4c: {  	[tilespmem:$0x3C50] =	vst v1;
	v1 =	vshrl.u32 v2, $0xE  }
0x4d: {  	[tilespmem:$0x3C60] =	vst v1;
	v1 =	vshrl.u32 v3, $0xE  }
0x4e: {  	s22 =	simm.s32 $0x3C00;
	[tilespmem:$0x3C70] =	vst v1  }
0x4f: {  	[tilespmem:s20], [sflag:$0x1] =	stream.indirect.gather [hbm4b:s4+s21], $0x80, s22, s21, $0xb8;
	[tilespmem:$0x1FE00] =	vst v63  }
0x50: {  	v1 =	vld [tilespmem:$0x80]  }
0x51: {  	v2 =	vld [tilespmem:$0x90]  }
0x52: {  	v3 =	vld [tilespmem:$0xA0]  }
0x53: {  	v61 =	vld [tilespmem:$0xB0]  }
0x54: {  	v62 =	vld [tilespmem:$0xC0]  }
0x55: {  	v63 =	vld [tilespmem:$0xD0];
	v1 =	vshrl.u32 v1, $0xE  }
0x56: {  	[tilespmem:$0x3C80] =	vst v1;
	v1 =	vshrl.u32 v2, $0xE;
	v2 =	vld [tilespmem:$0xE0]  }
0x57: {  	[tilespmem:$0x3C90] =	vst v1;
	v1 =	vshrl.u32 v3, $0xE;
	v3 =	vld [tilespmem:$0xF0]  }
0x58: {  	[tilespmem:$0x3CA0] =	vst v1;
	v1 =	vshrl.u32 v61, $0xE  }
0x59: {  	[tilespmem:$0x3CB0] =	vst v1;
	v1 =	vshrl.u32 v62, $0xE  }
0x5a: {  	[tilespmem:$0x3CC0] =	vst v1;
	v1 =	vshrl.u32 v63, $0xE  }
0x5b: {  	[tilespmem:$0x3CD0] =	vst v1;
	v1 =	vshrl.u32 v2, $0xE  }
0x5c: {  	[tilespmem:$0x3CE0] =	vst v1;
	v1 =	vshrl.u32 v3, $0xE  }
0x5d: {  	s23 =	simm.s32 $0x3C80;
	[tilespmem:$0x3CF0] =	vst v1  }
0x5e: {  	[tilespmem:s24], [sflag:$0x2] =	stream.indirect.gather [hbm4b:s4+s21], $0x80, s23, s21, $0xb8;
	[tilespmem:$0x1FE00] =	vst v63  }
0x5f: {  	_ =	swait.ge [sflag:s25], $0x4000  }
0x60: {  	[sflag:s25] =	ssyncset.done $0x0  }
0x61: {  	s0 =	simm.s32 $0x100;
	[sflag:s25] =	ssyncadd.s32 $0xFFFFC000  }
0x62: {  	v1 =	vld [tilespmem:s0+$0xFFFFFF00];
	_ =	sdelay $0x4  }
0x63: {  	v1 =	vand.u32 $0x3FFF, v1  }
0x64: {  	[tilespmem:$0x3D00] =	vst v1  }
0x65: {  	v1 =	vld [tilespmem:s0+$0xFFFFFF10];
	_ =	sdelay $0x4  }
0x66: {  	v1 =	vand.u32 $0x3FFF, v1  }
0x67: {  	[tilespmem:$0x3D10] =	vst v1  }
0x68: {  	v1 =	vld [tilespmem:s0+$0xFFFFFF20];
	_ =	sdelay $0x4  }
0x69: {  	v1 =	vand.u32 $0x3FFF, v1  }
0x6a: {  	[tilespmem:$0x3D20] =	vst v1  }
0x6b: {  	v1 =	vld [tilespmem:s0+$0xFFFFFF30];
	_ =	sdelay $0x4  }
0x6c: {  	v1 =	vand.u32 $0x3FFF, v1  }
0x6d: {  	[tilespmem:$0x3D30] =	vst v1  }
0x6e: {  	v1 =	vld [tilespmem:s0+$0xFFFFFF40];
	_ =	sdelay $0x4  }
0x6f: {  	v1 =	vand.u32 $0x3FFF, v1  }
0x70: {  	[tilespmem:$0x3D40] =	vst v1  }
0x71: {  	v1 =	vld [tilespmem:s0+$0xFFFFFF50];
	_ =	sdelay $0x4  }
0x72: {  	v1 =	vand.u32 $0x3FFF, v1  }
0x73: {  	[tilespmem:$0x3D50] =	vst v1  }
0x74: {  	v1 =	vld [tilespmem:s0+$0xFFFFFF60];
	_ =	sdelay $0x4  }
0x75: {  	v1 =	vand.u32 $0x3FFF, v1  }
0x76: {  	[tilespmem:$0x3D60] =	vst v1  }
0x77: {  	v1 =	vld [tilespmem:s0+$0xFFFFFF70];
	_ =	sdelay $0x4  }
0x78: {  	v1 =	vand.u32 $0x3FFF, v1  }
0x79: {  	[tilespmem:$0x3D70] =	vst v1  }
0x7a: {  	[spmem:s2] =	stream.indirect.scatter.add.f32 [tilespmem:s20], [sflag:$0x3], $0x80, s26, s21, $0xb8;
	[tilespmem:$0x1FE00] =	vst v63  }
0x7b: {  	_ =	swait.ge [sflag:s19], $0x4000  }
0x7c: {  	[sflag:s19] =	ssyncset.done $0x0  }
0x7d: {  	p0 =	sle.u32 s5, $0x2;
	[sflag:s19] =	ssyncadd.s32 $0xFFFFC000  }
0x7e: {  	v1 =	vld @!p0 [tilespmem:s0+$0x0];
	_ =	sdelay $0x4  }
0x7f: {  	v1 =	vshrl.u32 @!p0 v1, $0xE  }
0x80: {  	[tilespmem:$0x3C00] =	vst @!p0 v1  }
0x81: {  	v1 =	vld @!p0 [tilespmem:s0+$0x10];
	_ =	sdelay $0x4  }
0x82: {  	v1 =	vshrl.u32 @!p0 v1, $0xE  }
0x83: {  	[tilespmem:$0x3C10] =	vst @!p0 v1  }
0x84: {  	v1 =	vld @!p0 [tilespmem:s0+$0x20];
	_ =	sdelay $0x4  }
0x85: {  	v1 =	vshrl.u32 @!p0 v1, $0xE  }
0x86: {  	[tilespmem:$0x3C20] =	vst @!p0 v1  }
0x87: {  	v1 =	vld @!p0 [tilespmem:s0+$0x30];
	_ =	sdelay $0x4  }
0x88: {  	v1 =	vshrl.u32 @!p0 v1, $0xE  }
0x89: {  	[tilespmem:$0x3C30] =	vst @!p0 v1  }
0x8a: {  	v1 =	vld @!p0 [tilespmem:s0+$0x40];
	_ =	sdelay $0x4  }
0x8b: {  	v1 =	vshrl.u32 @!p0 v1, $0xE  }
0x8c: {  	[tilespmem:$0x3C40] =	vst @!p0 v1  }
0x8d: {  	v1 =	vld @!p0 [tilespmem:s0+$0x50];
	_ =	sdelay $0x4  }
0x8e: {  	v1 =	vshrl.u32 @!p0 v1, $0xE  }
0x8f: {  	[tilespmem:$0x3C50] =	vst @!p0 v1  }
0x90: {  	v1 =	vld @!p0 [tilespmem:s0+$0x60];
	_ =	sdelay $0x4  }
0x91: {  	v1 =	vshrl.u32 @!p0 v1, $0xE  }
0x92: {  	[tilespmem:$0x3C60] =	vst @!p0 v1  }
0x93: {  	v1 =	vld @!p0 [tilespmem:s0+$0x70];
	_ =	sdelay $0x4  }
0x94: {  	v1 =	vshrl.u32 @!p0 v1, $0xE  }
0x95: {  	s1 =	simm.s32 @!p0 $0x80;
	s6 =	simm.s32 @!p0 $0x3C00;
	s22 =	simm.s32 @!p0 $0x3E00;
	[tilespmem:$0x3C70] =	vst @!p0 v1  }
0x96: {  	[tilespmem:s22], [sflag:$0x1] =	stream.indirect.gather @!p0 [hbm4b:s4+s1], $0x80, s6, s1, $0xb8;
	[tilespmem:$0x1FE00] =	vst v63  }
0x97: {  	_ =	swait.ge [sflag:s28], $0x4000  }
0x98: {  	[sflag:s28] =	ssyncset.done $0x0  }
0x99: {  	[sflag:s28] =	ssyncadd.s32 $0xFFFFC000  }
0x9a: {  	v1 =	vld [tilespmem:s0+$0xFFFFFF80];
	_ =	sdelay $0x4  }
0x9b: {  	v1 =	vand.u32 $0x3FFF, v1  }
0x9c: {  	[tilespmem:$0x3D80] =	vst v1  }
0x9d: {  	v1 =	vld [tilespmem:s0+$0xFFFFFF90];
	_ =	sdelay $0x4  }
0x9e: {  	v1 =	vand.u32 $0x3FFF, v1  }
0x9f: {  	[tilespmem:$0x3D90] =	vst v1  }
0xa0: {  	v1 =	vld [tilespmem:s0+$0xFFFFFFA0];
	_ =	sdelay $0x4  }
0xa1: {  	v1 =	vand.u32 $0x3FFF, v1  }
0xa2: {  	[tilespmem:$0x3DA0] =	vst v1  }
0xa3: {  	v1 =	vld [tilespmem:s0+$0xFFFFFFB0];
	_ =	sdelay $0x4  }
0xa4: {  	v1 =	vand.u32 $0x3FFF, v1  }
0xa5: {  	[tilespmem:$0x3DB0] =	vst v1  }
0xa6: {  	v1 =	vld [tilespmem:s0+$0xFFFFFFC0];
	_ =	sdelay $0x4  }
0xa7: {  	v1 =	vand.u32 $0x3FFF, v1  }
0xa8: {  	[tilespmem:$0x3DC0] =	vst v1  }
0xa9: {  	v1 =	vld [tilespmem:s0+$0xFFFFFFD0];
	_ =	sdelay $0x4  }
0xaa: {  	v1 =	vand.u32 $0x3FFF, v1  }
0xab: {  	[tilespmem:$0x3DD0] =	vst v1  }
0xac: {  	v1 =	vld [tilespmem:s0+$0xFFFFFFE0];
	_ =	sdelay $0x4  }
0xad: {  	v1 =	vand.u32 $0x3FFF, v1  }
0xae: {  	[tilespmem:$0x3DE0] =	vst v1  }
0xaf: {  	v1 =	vld [tilespmem:s0+$0xFFFFFFF0];
	_ =	sdelay $0x4  }
0xb0: {  	v1 =	vand.u32 $0x3FFF, v1  }
0xb1: {  	[tilespmem:$0x3DF0] =	vst v1  }
0xb2: {  	[spmem:s2] =	stream.indirect.scatter.add.f32 [tilespmem:s24], [sflag:$0x3], $0x80, s29, s21, $0xb8;
	[tilespmem:$0x1FE00] =	vst v63  }
0xb3: {  	_ =	swait.ge [sflag:s19], $0x4000  }
0xb4: {  	[sflag:s19] =	ssyncset.done $0x0  }
0xb5: {  	p1 =	sle.u32 s5, $0x3;
	[sflag:s19] =	ssyncadd.s32 $0xFFFFC000  }
0xb6: {  	v1 =	vld @!p1 [tilespmem:s0+$0x80];
	_ =	sdelay $0x4  }
0xb7: {  	v1 =	vshrl.u32 @!p1 v1, $0xE  }
0xb8: {  	[tilespmem:$0x3C80] =	vst @!p1 v1  }
0xb9: {  	v1 =	vld @!p1 [tilespmem:s0+$0x90];
	_ =	sdelay $0x4  }
0xba: {  	v1 =	vshrl.u32 @!p1 v1, $0xE  }
0xbb: {  	[tilespmem:$0x3C90] =	vst @!p1 v1  }
0xbc: {  	v1 =	vld @!p1 [tilespmem:s0+$0xA0];
	_ =	sdelay $0x4  }
0xbd: {  	v1 =	vshrl.u32 @!p1 v1, $0xE  }
0xbe: {  	[tilespmem:$0x3CA0] =	vst @!p1 v1  }
0xbf: {  	v1 =	vld @!p1 [tilespmem:s0+$0xB0];
	_ =	sdelay $0x4  }
0xc0: {  	v1 =	vshrl.u32 @!p1 v1, $0xE  }
0xc1: {  	[tilespmem:$0x3CB0] =	vst @!p1 v1  }
0xc2: {  	v1 =	vld @!p1 [tilespmem:s0+$0xC0];
	_ =	sdelay $0x4  }
0xc3: {  	v1 =	vshrl.u32 @!p1 v1, $0xE  }
0xc4: {  	[tilespmem:$0x3CC0] =	vst @!p1 v1  }
0xc5: {  	v1 =	vld @!p1 [tilespmem:s0+$0xD0];
	_ =	sdelay $0x4  }
0xc6: {  	v1 =	vshrl.u32 @!p1 v1, $0xE  }
0xc7: {  	[tilespmem:$0x3CD0] =	vst @!p1 v1  }
0xc8: {  	v1 =	vld @!p1 [tilespmem:s0+$0xE0];
	_ =	sdelay $0x4  }
0xc9: {  	v1 =	vshrl.u32 @!p1 v1, $0xE  }
0xca: {  	[tilespmem:$0x3CE0] =	vst @!p1 v1  }
0xcb: {  	s31 =	sadd.s32 $0xFFFFFFFF, s12;
	v1 =	vld @!p1 [tilespmem:s0+$0xF0]  }
0xcc: {  	p0 =	sne.s32 s31, $0x0  }
.Ltmp1:
0xcd: {  	_ = 	snop;
	(pc) =	sbr.rel @!p0 .LBB2_5-.Ltmp1, $3  }
0xce: {  	_ =	sdelay $0x1  }
0xcf: {  	s23 =	simm.s32 @!p1 $0x3C80;
	s1 =	simm.s32 $0x5;
	v1 =	vshrl.u32 @!p1 v1, $0xE  }
0xd0: {  	s22 =	simm.s32 @!p1 $0x80;
	s6 =	simm.s32 @!p1 $0x7E00;
	s0 =	simm.s32 $0x200;
	[tilespmem:$0x3CF0] =	vst @!p1 v1  }
.LBB2_4:
0xd1: {  	[tilespmem:s6], [sflag:$0x2] =	stream.indirect.gather @!p1 [hbm4b:s4+s22], $0x80, s23, s22, $0xb8;
	[tilespmem:$0x1FE00] =	vst v63  }
0xd2: {  	s31 =	sadd.s32 $0xFFFFFFFF, s31;
	_ =	swait.ge [sflag:s25], $0x4000  }
0xd3: {  	p0 =	sne.s32 s31, $0x0;
	[sflag:s25] =	ssyncset.done $0x0  }
0xd4: {  	[sflag:s25] =	ssyncadd.s32 $0xFFFFC000  }
0xd5: {  	v1 =	vld [tilespmem:s0+$0xFFFFFF00];
	_ =	sdelay $0x4  }
0xd6: {  	v1 =	vand.u32 $0x3FFF, v1  }
0xd7: {  	[tilespmem:$0x3D00] =	vst v1  }
0xd8: {  	v1 =	vld [tilespmem:s0+$0xFFFFFF10];
	_ =	sdelay $0x4  }
0xd9: {  	v1 =	vand.u32 $0x3FFF, v1  }
0xda: {  	[tilespmem:$0x3D10] =	vst v1  }
0xdb: {  	v1 =	vld [tilespmem:s0+$0xFFFFFF20];
	_ =	sdelay $0x4  }
0xdc: {  	v1 =	vand.u32 $0x3FFF, v1  }
0xdd: {  	[tilespmem:$0x3D20] =	vst v1  }
0xde: {  	v1 =	vld [tilespmem:s0+$0xFFFFFF30];
	_ =	sdelay $0x4  }
0xdf: {  	v1 =	vand.u32 $0x3FFF, v1  }
0xe0: {  	[tilespmem:$0x3D30] =	vst v1  }
0xe1: {  	v1 =	vld [tilespmem:s0+$0xFFFFFF40];
	_ =	sdelay $0x4  }
0xe2: {  	v1 =	vand.u32 $0x3FFF, v1  }
0xe3: {  	[tilespmem:$0x3D40] =	vst v1  }
0xe4: {  	v1 =	vld [tilespmem:s0+$0xFFFFFF50];
	_ =	sdelay $0x4  }
0xe5: {  	v1 =	vand.u32 $0x3FFF, v1  }
0xe6: {  	[tilespmem:$0x3D50] =	vst v1  }
0xe7: {  	v1 =	vld [tilespmem:s0+$0xFFFFFF60];
	_ =	sdelay $0x4  }
0xe8: {  	v1 =	vand.u32 $0x3FFF, v1  }
0xe9: {  	[tilespmem:$0x3D60] =	vst v1  }
0xea: {  	v1 =	vld [tilespmem:s0+$0xFFFFFF70];
	_ =	sdelay $0x4  }
0xeb: {  	v1 =	vand.u32 $0x3FFF, v1  }
0xec: {  	[tilespmem:$0x3D70] =	vst v1  }
0xed: {  	[spmem:s2] =	stream.indirect.scatter.add.f32 [tilespmem:s20], [sflag:$0x3], $0x80, s26, s21, $0xb8;
	[tilespmem:$0x1FE00] =	vst v63  }
0xee: {  	_ =	swait.ge [sflag:s19], $0x4000  }
0xef: {  	s6 =	sadd.s32 $0xFFFFFFFF, s1;
	[sflag:s19] =	ssyncset.done $0x0  }
0xf0: {  	p1 =	sge.u32 s6, s5;
	[sflag:s19] =	ssyncadd.s32 $0xFFFFC000  }
0xf1: {  	v1 =	vld @!p1 [tilespmem:s0+$0x0];
	_ =	sdelay $0x4  }
0xf2: {  	v1 =	vshrl.u32 @!p1 v1, $0xE  }
0xf3: {  	[tilespmem:$0x3C00] =	vst @!p1 v1  }
0xf4: {  	v1 =	vld @!p1 [tilespmem:s0+$0x10];
	_ =	sdelay $0x4  }
0xf5: {  	v1 =	vshrl.u32 @!p1 v1, $0xE  }
0xf6: {  	[tilespmem:$0x3C10] =	vst @!p1 v1  }
0xf7: {  	v1 =	vld @!p1 [tilespmem:s0+$0x20];
	_ =	sdelay $0x4  }
0xf8: {  	v1 =	vshrl.u32 @!p1 v1, $0xE  }
0xf9: {  	[tilespmem:$0x3C20] =	vst @!p1 v1  }
0xfa: {  	v1 =	vld @!p1 [tilespmem:s0+$0x30];
	_ =	sdelay $0x4  }
0xfb: {  	v1 =	vshrl.u32 @!p1 v1, $0xE  }
0xfc: {  	[tilespmem:$0x3C30] =	vst @!p1 v1  }
0xfd: {  	v1 =	vld @!p1 [tilespmem:s0+$0x40];
	_ =	sdelay $0x4  }
0xfe: {  	v1 =	vshrl.u32 @!p1 v1, $0xE  }
0xff: {  	[tilespmem:$0x3C40] =	vst @!p1 v1  }
0x100: {  	v1 =	vld @!p1 [tilespmem:s0+$0x50];
	_ =	sdelay $0x4  }
0x101: {  	v1 =	vshrl.u32 @!p1 v1, $0xE  }
0x102: {  	[tilespmem:$0x3C50] =	vst @!p1 v1  }
0x103: {  	v1 =	vld @!p1 [tilespmem:s0+$0x60];
	_ =	sdelay $0x4  }
0x104: {  	v1 =	vshrl.u32 @!p1 v1, $0xE  }
0x105: {  	[tilespmem:$0x3C60] =	vst @!p1 v1  }
0x106: {  	v1 =	vld @!p1 [tilespmem:s0+$0x70];
	_ =	sdelay $0x4  }
0x107: {  	v1 =	vshrl.u32 @!p1 v1, $0xE  }
0x108: {  	s6 =	simm.s32 @!p1 $0x80;
	s22 =	simm.s32 @!p1 $0x3C00;
	s23 =	simm.s32 @!p1 $0x3E00;
	[tilespmem:$0x3C70] =	vst @!p1 v1  }
0x109: {  	[tilespmem:s23], [sflag:$0x1] =	stream.indirect.gather @!p1 [hbm4b:s4+s6], $0x80, s22, s6, $0xb8;
	[tilespmem:$0x1FE00] =	vst v63  }
0x10a: {  	_ =	swait.ge [sflag:s28], $0x4000  }
0x10b: {  	[sflag:s28] =	ssyncset.done $0x0  }
0x10c: {  	[sflag:s28] =	ssyncadd.s32 $0xFFFFC000  }
0x10d: {  	v1 =	vld [tilespmem:s0+$0xFFFFFF80];
	_ =	sdelay $0x4  }
0x10e: {  	v1 =	vand.u32 $0x3FFF, v1  }
0x10f: {  	[tilespmem:$0x3D80] =	vst v1  }
0x110: {  	v1 =	vld [tilespmem:s0+$0xFFFFFF90];
	_ =	sdelay $0x4  }
0x111: {  	v1 =	vand.u32 $0x3FFF, v1  }
0x112: {  	[tilespmem:$0x3D90] =	vst v1  }
0x113: {  	v1 =	vld [tilespmem:s0+$0xFFFFFFA0];
	_ =	sdelay $0x4  }
0x114: {  	v1 =	vand.u32 $0x3FFF, v1  }
0x115: {  	[tilespmem:$0x3DA0] =	vst v1  }
0x116: {  	v1 =	vld [tilespmem:s0+$0xFFFFFFB0];
	_ =	sdelay $0x4  }
0x117: {  	v1 =	vand.u32 $0x3FFF, v1  }
0x118: {  	[tilespmem:$0x3DB0] =	vst v1  }
0x119: {  	v1 =	vld [tilespmem:s0+$0xFFFFFFC0];
	_ =	sdelay $0x4  }
0x11a: {  	v1 =	vand.u32 $0x3FFF, v1  }
0x11b: {  	[tilespmem:$0x3DC0] =	vst v1  }
0x11c: {  	v1 =	vld [tilespmem:s0+$0xFFFFFFD0];
	_ =	sdelay $0x4  }
0x11d: {  	v1 =	vand.u32 $0x3FFF, v1  }
0x11e: {  	[tilespmem:$0x3DD0] =	vst v1  }
0x11f: {  	v1 =	vld [tilespmem:s0+$0xFFFFFFE0];
	_ =	sdelay $0x4  }
0x120: {  	v1 =	vand.u32 $0x3FFF, v1  }
0x121: {  	[tilespmem:$0x3DE0] =	vst v1  }
0x122: {  	v1 =	vld [tilespmem:s0+$0xFFFFFFF0];
	_ =	sdelay $0x4  }
0x123: {  	v1 =	vand.u32 $0x3FFF, v1  }
0x124: {  	[tilespmem:$0x3DF0] =	vst v1  }
0x125: {  	[spmem:s2] =	stream.indirect.scatter.add.f32 [tilespmem:s24], [sflag:$0x3], $0x80, s29, s21, $0xb8;
	[tilespmem:$0x1FE00] =	vst v63  }
0x126: {  	_ =	swait.ge [sflag:s19], $0x4000  }
0x127: {  	[sflag:s19] =	ssyncset.done $0x0  }
0x128: {  	p1 =	sge.u32 s1, s5;
	[sflag:s19] =	ssyncadd.s32 $0xFFFFC000  }
0x129: {  	v1 =	vld @!p1 [tilespmem:s0+$0x80];
	_ =	sdelay $0x4  }
0x12a: {  	v1 =	vshrl.u32 @!p1 v1, $0xE  }
0x12b: {  	[tilespmem:$0x3C80] =	vst @!p1 v1  }
0x12c: {  	v1 =	vld @!p1 [tilespmem:s0+$0x90];
	_ =	sdelay $0x4  }
0x12d: {  	v1 =	vshrl.u32 @!p1 v1, $0xE  }
0x12e: {  	[tilespmem:$0x3C90] =	vst @!p1 v1  }
0x12f: {  	v1 =	vld @!p1 [tilespmem:s0+$0xA0];
	_ =	sdelay $0x4  }
0x130: {  	v1 =	vshrl.u32 @!p1 v1, $0xE  }
0x131: {  	[tilespmem:$0x3CA0] =	vst @!p1 v1  }
0x132: {  	v1 =	vld @!p1 [tilespmem:s0+$0xB0];
	_ =	sdelay $0x4  }
0x133: {  	v1 =	vshrl.u32 @!p1 v1, $0xE  }
0x134: {  	[tilespmem:$0x3CB0] =	vst @!p1 v1  }
0x135: {  	v1 =	vld @!p1 [tilespmem:s0+$0xC0];
	_ =	sdelay $0x4  }
0x136: {  	v1 =	vshrl.u32 @!p1 v1, $0xE  }
0x137: {  	[tilespmem:$0x3CC0] =	vst @!p1 v1  }
0x138: {  	v1 =	vld @!p1 [tilespmem:s0+$0xD0];
	_ =	sdelay $0x4  }
0x139: {  	v1 =	vshrl.u32 @!p1 v1, $0xE  }
0x13a: {  	[tilespmem:$0x3CD0] =	vst @!p1 v1  }
0x13b: {  	v1 =	vld @!p1 [tilespmem:s0+$0xE0];
	_ =	sdelay $0x4  }
0x13c: {  	v1 =	vshrl.u32 @!p1 v1, $0xE  }
0x13d: {  	[tilespmem:$0x3CE0] =	vst @!p1 v1  }
0x13e: {  	v1 =	vld @!p1 [tilespmem:s0+$0xF0];
	_ =	sdelay $0x1  }
.Ltmp2:
0x13f: {  	(pc) =	sbr.rel @p0 .LBB2_4-.Ltmp2, $3  }
0x140: {  	_ =	sdelay $0x1  }
0x141: {  	s1 =	sadd.s32 $0x2, s1;
	s0 =	sadd.s32 $0x100, s0;
	v1 =	vshrl.u32 @!p1 v1, $0xE  }
0x142: {  	s22 =	simm.s32 @!p1 $0x80;
	s23 =	simm.s32 @!p1 $0x3C80;
	s6 =	simm.s32 @!p1 $0x7E00;
	[tilespmem:$0x3CF0] =	vst @!p1 v1  }
.LBB2_5:
0x143: {  	[tilespmem:s6], [sflag:$0x2] =	stream.indirect.gather @!p1 [hbm4b:s4+s22], $0x80, s23, s22, $0xb8;
	[tilespmem:$0x1FE00] =	vst v63  }
0x144: {  	[bflag:$0x0] =	sbarrier.arrive $0xFFFF  }
0x145: {  	[tilespmem:s20], [sflag:$0x3] =	stream.linear.gather [spmem:s7], $0x4000, $0x38;
	[tilespmem:$0x1FE00] =	vst v63  }
0x146: {  	_ =	swait.ge [sflag:s19], $0x4000  }
0x147: {  	[sflag:s19] =	ssyncset.done $0x0  }
0x148: {  	[sflag:s19] =	ssyncadd.s32 $0xFFFFC000  }
0x149: {  	[hbm4b:s13+s3] =	stream.linear.scatter [tilespmem:s20], [sflag:$0x3], $0x4000, $0x38;
	[tilespmem:$0x1FE00] =	vst v63  }
0x14a: {  	_ =	swait.ge [sflag:s19], $0x4000  }
0x14b: {  	[sflag:s19] =	ssyncset.done $0x0  }
0x14c: {  	[sflag:s19] =	ssyncadd.s32 $0xFFFFC000  }
0x14d: {  	[tilespmem:s20], [sflag:$0x3] =	stream.linear.gather [spmem:s8], $0x4000, $0x38;
	[tilespmem:$0x1FE00] =	vst v63  }
0x14e: {  	_ =	swait.ge [sflag:s19], $0x4000  }
0x14f: {  	[sflag:s19] =	ssyncset.done $0x0  }
0x150: {  	[sflag:s19] =	ssyncadd.s32 $0xFFFFC000  }
0x151: {  	[hbm4b:s14+s3] =	stream.linear.scatter [tilespmem:s20], [sflag:$0x3], $0x4000, $0x38;
	[tilespmem:$0x1FE00] =	vst v63  }
0x152: {  	_ =	swait.ge [sflag:s19], $0x4000  }
0x153: {  	[sflag:s19] =	ssyncset.done $0x0  }
0x154: {  	[sflag:s19] =	ssyncadd.s32 $0xFFFFC000  }
0x155: {  	[tilespmem:s20], [sflag:$0x3] =	stream.linear.gather [spmem:s9], $0x4000, $0x38;
	[tilespmem:$0x1FE00] =	vst v63  }
0x156: {  	_ =	swait.ge [sflag:s19], $0x4000  }
0x157: {  	[sflag:s19] =	ssyncset.done $0x0  }
0x158: {  	[sflag:s19] =	ssyncadd.s32 $0xFFFFC000  }
0x159: {  	[hbm4b:s15+s3] =	stream.linear.scatter [tilespmem:s20], [sflag:$0x3], $0x4000, $0x38;
	[tilespmem:$0x1FE00] =	vst v63  }
0x15a: {  	_ =	swait.ge [sflag:s19], $0x4000  }
0x15b: {  	[sflag:s19] =	ssyncset.done $0x0  }
0x15c: {  	[sflag:s19] =	ssyncadd.s32 $0xFFFFC000  }
0x15d: {  	[tilespmem:s20], [sflag:$0x3] =	stream.linear.gather [spmem:s10], $0x4000, $0x38;
	[tilespmem:$0x1FE00] =	vst v63  }
0x15e: {  	_ =	swait.ge [sflag:s19], $0x4000  }
0x15f: {  	[sflag:s19] =	ssyncset.done $0x0  }
0x160: {  	[sflag:s19] =	ssyncadd.s32 $0xFFFFC000  }
0x161: {  	[hbm4b:s16+s3] =	stream.linear.scatter [tilespmem:s20], [sflag:$0x3], $0x4000, $0x38;
	[tilespmem:$0x1FE00] =	vst v63  }
0x162: {  	_ =	swait.ge [sflag:s19], $0x4000  }
0x163: {  	[sflag:s19] =	ssyncset.done $0x0  }
0x164: {  	[sflag:s19] =	ssyncadd.s32 $0xFFFFC000  }
0x165: {  	[tilespmem:s20], [sflag:$0x3] =	stream.linear.gather [spmem:s11], $0x4000, $0x38;
	[tilespmem:$0x1FE00] =	vst v63  }
0x166: {  	s30 =	sadd.s32 $0x1, s30;
	_ =	swait.ge [sflag:s19], $0x4000  }
0x167: {  	p0 =	sne.s32 s30, s18;
	[sflag:s19] =	ssyncset.done $0x0  }
.Ltmp3:
0x168: {  	[sflag:s19] =	ssyncadd.s32 $0xFFFFC000;
	(pc) =	sbr.rel @p0 .LBB2_1-.Ltmp3, $4  }
0x169: {  	[hbm4b:s17+s3] =	stream.linear.scatter [tilespmem:s20], [sflag:$0x3], $0x4000, $0x38;
	[tilespmem:$0x1FE00] =	vst v63  }
0x16a: {  	_ =	swait.ge [sflag:s19], $0x4000  }
0x16b: {  	[sflag:s19] =	ssyncset.done $0x0  }
0x16c: {  	[sflag:s19] =	ssyncadd.s32 $0xFFFFC000  }
0x16d: {  	_ =	sfence.sel $0x180000  }
0x16e: {  	[bflag:$0x0] =	sbarrier.arrive $0xFFFF  }
0x16f: {  	_ =	strace $0x9000004D  }
0x170: {  	s0 =	stileid.u32;
	[bflag:$0x2] =	sbarrier.arrive $0xFFFF  }
0x171: {  	p0 =	sne.s32 s0, $0x0;
	s0 =	rddreg [dreg:$0x2]  }
0x172: {  	s0 =	sadd.s32 @!p0 $0x100000, s0  }
0x173: {  	[sflag:s0] =	ssyncadd.tile.s32 @!p0 $0x1;
	_ =	shalt  }
.Lfunc_end2:
_tile_overlayer_lowered:
.L_overlay_start_2:
0x174: {  	(tag) =	ssettag $0x2  }
0x175: {  	s0 =	rddreg [dreg:$0x0];
	s2 =	stileid.u32  }
0x176: {  	s1 =	rddreg [dreg:$0x1];
	p0 =	sne.s32 s2, $0x0  }
0x177: {  	s3 =	rddreg [dreg:$0x2];
	[bflag:$0x3] =	sbarrier.arrive $0xFFFF;
	s2 =	simm.s32 @!p0 $0x1C03  }
0x178: {  	[timem:s3], [sflag:s2] =	dma.local @!p0 [hbm:s0], s1  }
0x179: {  	s0 =	simm.s32 @!p0 $0x3  }
0x17a: {  	_ =	swait.ge @!p0 [sflag:s0], s1  }
0x17b: {  	s1 =	ssub.s32 @!p0 $0x0, s1;
	[sflag:s0] =	ssyncset.done @!p0 $0x0  }
0x17c: {  	[sflag:s0] =	ssyncadd.s32 @!p0 s1  }
0x17d: {  	[bflag:$0x3] =	sbarrier.arrive $0xFFFF  }
0x17e: {  	_ =	shalt  }

// kernel: kernel.7.cloned.1.call-start
scs
__scs_entry_jumppad:
0x0: {  	(pc) =	sbr.rel $0x88, $3  }
0x1: {  	(tag) =	ssettag $0x0;
	lr =	simm.s32 $0x1  }
0x2: {  	[smem:$0x3F91] =	sst lr;
	_ =	strace $0xD0000000  }
0x3: {  	_ = 	snop  }
0x4: {  	_ = 	snop  }
0x5: {  	_ = 	snop  }
0x6: {  	_ = 	snop  }
0x7: {  	_ = 	snop  }
__scs_overlays_trampoline_lowered:
0x8: {  	[smem:$0x3FA0] =	sst s0  }
0x9: {  	[smem:$0x3FA1] =	sst s1  }
0xa: {  	[smem:$0x3FA2] =	sst s2  }
0xb: {  	[smem:$0x3FA3] =	sst s3  }
0xc: {  	[smem:$0x3FA4] =	sst s4  }
0xd: {  	[smem:$0x3FA5] =	sst s5  }
0xe: {  	[smem:$0x3FA6] =	sst s6  }
0xf: {  	[smem:$0x3FA7] =	sst s7  }
0x10: {  	[smem:$0x3FA8] =	sst s8  }
0x11: {  	[smem:$0x3FA9] =	sst s9;
	s0 =	simm.s32 @!p0 $0x0  }
0x12: {  	s1 =	sld [smem:$0x3F8F];
	s0 =	simm.s32 @p0 $0x1  }
0x13: {  	[smem:$0x3FAA] =	sst s0;
	s0 =	simm.s32 @!p1 $0x0  }
0x14: {  	s2 =	sld [smem:$0x3F8E];
	s0 =	simm.s32 @p1 $0x1  }
0x15: {  	[smem:$0x3FAB] =	sst s0;
	s0 =	simm.s32 @!p2 $0x0  }
0x16: {  	s3 =	sld [smem:$0x3FDB];
	s0 =	simm.s32 @p2 $0x1  }
0x17: {  	s4 =	simm.s32 $0x1BF5;
	[smem:$0x3FAD] =	sst s0  }
0x18: {  	s0 =	sld [smem:$0x3F90];
	_ =	swait.ge [sflag:s4], $0x0  }
0x19: {  	s7 =	sld [smem:$0x3F91]  }
0x1a: {  	s8 =	sadd.s32 $0xFFFFE003, lr  }
0x1b: {  	s9 =	sadd.s32 $0xFFFFFEF7, lr;
	s5 =	simm.s32 $0xFFFFFFFF;
	p2 =	slt.u32 s8, $0xFFFFF086  }
0x1c: {  	p1 =	slt.u32 s9, $0xF7A;
	s5 =	simm.s32 @!p2 $0x0  }
0x1d: {  	s5 =	simm.s32 @p1 $0x1;
	p0 =	seq.s32 s7, s2  }
0x1e: {  	s7 =	smul.u32 @!p0 $0xF7A, s2;
	p2 =	seq.s32 @!p0 s5, $0x0  }
0x1f: {  	s9 =	smul.u32 $0xF7A, s1;
	s8 =	simm.s32 @!p0 $0x1BF5;
	p2 =	por !p2, p0  }
0x20: {  	[sflag:s8] =	ssyncset.s32 @!p0 $0xFFFFF086;
	s6 =	sadd.s32 @!p0 s3, s7;
	s7 =	simm.s32 @!p0 $0x108  }
0x21: {  	s3 =	sadd.s32 s3, s9;
	s6 =	sadd.s32 @!p0 $0x88, s6;
	s7 =	simm.s32 @p2 $0x1082  }
0x22: {  	[simem:s7], [sflag:s8] =	dma.local @!p0 [hbm:s6], $0xF7A  }
0x23: {  	s9 =	sor.u32 $0xD0000000, s2;
	s6 =	simm.s32 $0x108;
	_ =	swait.ge @!p0 [sflag:s8], $0x0  }
0x24: {  	s3 =	sadd.s32 $0x88, s3;
	s6 =	simm.s32 @!p1 $0x1082;
	[sflag:s4] =	ssyncset.s32 $0xFFFFF086  }
0x25: {  	[simem:s6], [sflag:s4] =	dma.local [hbm:s3], $0xF7A  }
0x26: {  	[smem:$0x3F91] =	sst s1;
	(tag) =	ssettag s2;
	_ =	strace s9  }
0x27: {  	s1 =	sld [smem:$0x3FA1]  }
0x28: {  	s2 =	sld [smem:$0x3FA2]  }
0x29: {  	s4 =	sld [smem:$0x3FA4]  }
0x2a: {  	p0 =	seq.s32 s5, $0x0;
	s5 =	sld [smem:$0x3FA5]  }
0x2b: {  	s6 =	sld [smem:$0x3FA6]  }
0x2c: {  	s7 =	sld [smem:$0x3FA7]  }
0x2d: {  	s3 =	simm.s32 $0x108;
	s8 =	sld [smem:$0x3FA8]  }
0x2e: {  	s3 =	simm.s32 @!p0 $0x1082;
	s9 =	sld [smem:$0x3FA9]  }
0x2f: {  	lr =	sadd.s32 s0, s3;
	s0 =	sld [smem:$0x3FA0]  }
0x30: {  	s3 =	sld [smem:$0x3FA3]  }
0x31: {  	[smem:$0x3FAC] =	sst s10  }
0x32: {  	s10 =	sld [smem:$0x3FAA];
	_ =	sdelay $0x3  }
0x33: {  	p0 =	seq.s32 s10, $0x1;
	s10 =	sld [smem:$0x3FAC];
	_ =	sdelay $0x3  }
0x34: {  	[smem:$0x3FAC] =	sst s10  }
0x35: {  	s10 =	sld [smem:$0x3FAB];
	_ =	sdelay $0x3  }
0x36: {  	p1 =	seq.s32 s10, $0x1;
	s10 =	sld [smem:$0x3FAC];
	_ =	sdelay $0x3  }
0x37: {  	[smem:$0x3FAC] =	sst s10  }
0x38: {  	s10 =	sld [smem:$0x3FAD]  }
0x39: {  	_ = 	snop;
	(pc) =	sbr.ind lr, $3  }
0x3a: {  	_ = 	snop  }
0x3b: {  	_ = 	snop  }
0x3c: {  	p2 =	seq.s32 s10, $0x1;
	s10 =	sld [smem:$0x3FAC]  }
0x3d: {  	_ =	shalt  }
0x3e: {  	_ =	shalt  }
0x3f: {  	_ =	shalt  }
0x40: {  	_ =	shalt  }
0x41: {  	_ =	shalt  }
0x42: {  	_ =	shalt  }
0x43: {  	_ =	shalt  }
0x44: {  	_ =	shalt  }
0x45: {  	_ =	shalt  }
0x46: {  	_ =	shalt  }
0x47: {  	_ =	shalt  }
0x48: {  	_ =	shalt  }
0x49: {  	_ =	shalt  }
0x4a: {  	_ =	shalt  }
0x4b: {  	_ =	shalt  }
0x4c: {  	_ =	shalt  }
0x4d: {  	_ =	shalt  }
0x4e: {  	_ =	shalt  }
0x4f: {  	_ =	shalt  }
0x50: {  	_ =	shalt  }
0x51: {  	_ =	shalt  }
0x52: {  	_ =	shalt  }
0x53: {  	_ =	shalt  }
0x54: {  	_ =	shalt  }
0x55: {  	_ =	shalt  }
0x56: {  	_ =	shalt  }
0x57: {  	_ =	shalt  }
0x58: {  	_ =	shalt  }
0x59: {  	_ =	shalt  }
0x5a: {  	_ =	shalt  }
0x5b: {  	_ =	shalt  }
0x5c: {  	_ =	shalt  }
0x5d: {  	_ =	shalt  }
0x5e: {  	_ =	shalt  }
0x5f: {  	_ =	shalt  }
0x60: {  	_ =	shalt  }
0x61: {  	_ =	shalt  }
0x62: {  	_ =	shalt  }
0x63: {  	_ =	shalt  }
0x64: {  	_ =	shalt  }
0x65: {  	_ =	shalt  }
0x66: {  	_ =	shalt  }
0x67: {  	_ =	shalt  }
0x68: {  	_ =	shalt  }
0x69: {  	_ =	shalt  }
0x6a: {  	_ =	shalt  }
0x6b: {  	_ =	shalt  }
0x6c: {  	_ =	shalt  }
0x6d: {  	_ =	shalt  }
0x6e: {  	_ =	shalt  }
0x6f: {  	_ =	shalt  }
0x70: {  	_ =	shalt  }
0x71: {  	_ =	shalt  }
0x72: {  	_ =	shalt  }
0x73: {  	_ =	shalt  }
0x74: {  	_ =	shalt  }
0x75: {  	_ =	shalt  }
0x76: {  	_ =	shalt  }
0x77: {  	_ =	shalt  }
0x78: {  	_ =	shalt  }
0x79: {  	_ =	shalt  }
0x7a: {  	_ =	shalt  }
0x7b: {  	_ =	shalt  }
0x7c: {  	_ =	shalt  }
0x7d: {  	_ =	shalt  }
0x7e: {  	_ =	shalt  }
0x7f: {  	_ =	shalt  }
0x80: {  	_ =	shalt  }
0x81: {  	_ =	shalt  }
0x82: {  	_ =	shalt  }
0x83: {  	_ =	shalt  }
0x84: {  	_ =	shalt  }
0x85: {  	_ =	shalt  }
0x86: {  	_ =	shalt  }
0x87: {  	_ =	shalt  }
.Lfunc_end0:
.L_simem_size_0:
called_computation_lowered:
.L_overlay_start_0:
0x88: {  	s2 =	sld [smem:$0x3FD9]  }
0x89: {  	s3 =	sld [smem:$0x3FFE];
	_ =	sdelay $0x1  }
0x8a: {  	s1 =	srdreg.scid  }
0x8b: {  	s0 =	sand.u32 $0x1, s1  }
0x8c: {  	s17 =	sshll.u32 s0, $0xA;
	s2 =	sadd.s32 s3, s2  }
0x8d: {  	s2 =	sadd.s32 s2, s17  }
0x8e: {  	[smem:$0x3FB8] =	sst s2  }
0x8f: {  	_ = 	snop  }
0x90: {  	(tm) =	ssettm $0x1  }
0x91: {  	s18 =	sld [smem:$0x3FFB];
	_ =	sdelay $0x3  }
0x92: {  	_ =	strace s18  }
0x93: {  	s2 =	sld [smem:$0x3FFC];
	_ =	sdelay $0x3  }
0x94: {  	_ =	strace s2  }
0x95: {  	s2 =	sld [smem:$0x3FFD];
	_ =	sdelay $0x3  }
0x96: {  	_ =	strace s2  }
0x97: {  	_ =	strace $0x8FFFFFFF  }
0x98: {  	s19 =	sld [smem:$0x3FDB];
	_ =	sdelay $0x1  }
0x99: {  	s20 =	simm.s32 $_scs_section_size  }
0x9a: {  	s4 =	simm.s32 $_size__tile_overlayer_lowered;
	s5 =	simm.s32 $_tile_overlayer_lowered  }
0x9b: {  	s6 =	simm.s32 $0x1BFF;
	s21 =	sshll.u32 s5, $0x1;
	s3 =	sadd.s32 s20, s19  }
0x9c: {  	s22 =	simm.s32 $0x0;
	s4 =	sshll.u32 s4, $0x1;
	s5 =	sadd.s32 s21, s3  }
0x9d: {  	[timem:s22], [sflag:s6] =	dma.local [hbm:s5], s4  }
0x9e: {  	_ =	swait.ge [sflag:s6], s4  }
0x9f: {  	s4 =	ssub.s32 $0x0, s4;
	[sflag:s6] =	ssyncset.done $0x0  }
0xa0: {  	[sflag:s6] =	ssyncadd.s32 s4;
	_ =	sdelay $0x1  }
0xa1: {  	s23 =	simm.s32 $0x1B8B  }
0xa2: {  	_ =	swait.ge [sflag:s23], $0x1  }
0xa3: {  	[sflag:s23] =	ssyncset.done $0x0  }
0xa4: {  	[sflag:s23] =	ssyncadd.s32 $0xFFFFFFFF  }
0xa5: {  	s4 =	sld [smem:$0x0]  }
0xa6: {  	s5 =	sand.u32 $0xFFFFFFFE, s1  }
0xa7: {  	p0 =	sne.s32 s1, s5  }
0xa8: {  	s5 =	sshll.u32 @p0 s5, $0xE  }
0xa9: {  	s5 =	sadd.s32 @p0 $0x11B8D, s5;
	s6 =	sshll.u32 @p0 s4, $0x11  }
0xaa: {  	s5 =	sor.u32 @p0 s6, s5  }
0xab: {  	[sflag:s5] =	ssyncadd.remote.s32 @p0 $0x1;
	_ =	sdelay $0x1  }
0xac: {  	s5 =	simm.s32 @p0 $0x1B8D  }
0xad: {  	_ =	swait.eq @p0 [sflag:s5], $0x1  }
0xae: {  	[sflag:s5] =	ssyncadd.s32 @p0 $0xFFFFFFFF  }
0xaf: {  	s6 =	sshll.u32 @!p0 s1, $0xE  }
0xb0: {  	s6 =	sor.u32 @!p0 $0x4000, s6;
	s5 =	simm.s32 @!p0 $0x1B8D  }
0xb1: {  	s4 =	sshll.u32 @!p0 s4, $0x11;
	s6 =	sadd.s32 @!p0 $0x11B8D, s6;
	_ =	swait.eq @!p0 [sflag:s5], $0x1  }
0xb2: {  	s4 =	sor.u32 @!p0 s4, s6;
	[sflag:s5] =	ssyncadd.s32 @!p0 $0xFFFFFFFF  }
0xb3: {  	s25 =	simm.s32 $0x1B8E;
	s24 =	sld [smem:$0x3FFE];
	[sflag:s4] =	ssyncadd.remote.s32 @!p0 $0x1  }
0xb4: {  	s26 =	simm.s32 $execute0_lowered;
	[smem:$0x3FD2] =	sst s25  }
0xb5: {  	s5 =	sshll.u32 s26, $0x1;
	_ =	strace $0x80000049;
	[dreg:$0x1] =	wrdreg $0xFFFFFFFF  }
0xb6: {  	s28 =	simm.s32 $_size_execute0_lowered;
	s3 =	sadd.s32 s3, s5;
	[dreg:$0x0] =	wrdreg $0x0  }
0xb7: {  	s5 =	sshll.u32 s28, $0x1;
	[dreg:$0x2] =	wrdreg s3  }
0xb8: {  	[dreg:$0x3] =	wrdreg s5  }
0xb9: {  	[dreg:$0x4] =	wrdreg $0xC0  }
0xba: {  	_ =	task [dreg:s22], $0x5FFFF  }
0xbb: {  	[dreg:$0x1] =	wrdreg $0xFFFFFFFF  }
0xbc: {  	[dreg:$0x0] =	wrdreg $0x60  }
0xbd: {  	[dreg:$0x2] =	wrdreg s24  }
0xbe: {  	[dreg:$0x3] =	wrdreg $0xBE000  }
0xbf: {  	[dreg:$0x4] =	wrdreg $0x9  }
0xc0: {  	_ =	task.clear_ibuf [dreg:s22], $0x5FFFF;
	_ =	strace $0x90000049  }
0xc1: {  	s29 =	simm.s32 $0x9;
	_ =	strace $0x8000004B  }
0xc2: {  	_ =	swait.ge [sflag:s29], $0x1  }
0xc3: {  	[sflag:s29] =	ssyncadd.s32 $0xFFFFFFFF  }
0xc4: {  	_ =	strace $0x9000004B  }
0xc5: {  	_ =	sfence  }
0xc6: {  	s30 =	sld [smem:$0x0];
	_ =	sdelay $0x2  }
0xc7: {  	s31 =	sshll.u32 s1, $0xD;
	s1 =	sshrl.u32 s1, $0x2  }
0xc8: {  	s4 =	sand.u32 $0x4000, s31;
	s1 =	sadd.s32 s1, s30  }
0xc9: {  	s0 =	sor.u32 s4, s0;
	s1 =	sshll.u32 s1, $0x11  }
0xca: {  	s0 =	sor.u32 s1, s0  }
0xcb: {  	s0 =	sadd.s32 $0x8F2B, s0  }
0xcc: {  	[sflag:s0] =	ssyncadd.remote.s32 $0x1  }
0xcd: {  	_ =	sfence.sel $0xFFFF  }
0xce: {  	[dreg:$0x0] =	wrdreg $0xFFFFFFFF;
	(pc) =	sbr.abs _section_cstart, $3  }
0xcf: {  	[dreg:$0x1] =	wrdreg $0xFFFFFFFF  }
0xd0: {  	_ =	task.clear_ibuf [dreg:s22], $0x2FFFF;
	_ =	strace $0x9FFFFFFF  }
0xd1: {  	(tm) =	ssettm $0x7FFFFFFF  }
tec
execute0_lowered:
.L_overlay_start_1:
0x0: {  	(tag) =	ssettag $0x1  }
0x1: {  	s0 =	srdreg.scid  }
0x2: {  	s1 =	rddreg [dreg:$0x0];
	s10 =	stileid.u32  }
0x3: {  	s2 =	rddreg [dreg:$0x1];
	s3 =	simm.s32 $0x0;
	s19 =	simm.s32 $0x3  }
0x4: {  	s20 =	simm.s32 $0x3E00;
	s21 =	simm.s32 $0x80;
	s28 =	simm.s32 $0x2  }
0x5: {  	s29 =	simm.s32 $0x3D80;
	s30 =	simm.s32 $0x0;
	s5 =	smul.u32 $0x5000, s10  }
0x6: {  	s0 =	sand.u32 $0x1, s0;
	[smem:$0x7FF] =	sst s3;
	s9 =	smul.u32 $0x50000, s10  }
0x7: {  	s11 =	smul.u32 $0x14000, s10;
	s4 =	ssub.s32 $0x0, s0;
	_ =	strace $0x8000004A  }
0x8: {  	s7 =	ssub.s32 $0x2, s0;
	p0 =	seq.s32 s0, $0x0;
	s0 =	smul.u32 $0x140000, s0  }
0x9: {  	s4 =	sand.u32 $0x3C00, s4;
	s8 =	sshrl.u32 s7, $0x1;
	s24 =	sshrl.u32 s9, $0x2  }
0xa: {  	s25 =	sadd.s32 $0x4000, s11;
	s15 =	sadd.s32 $0x8000, s11;
	s16 =	sadd.s32 $0xC000, s11  }
0xb: {  	s17 =	sadd.s32 $0x10000, s11;
	s4 =	sadd.s32 s5, s4;
	s18 =	ssub.s32 s7, s8  }
0xc: {  	s7 =	sadd.s32 s24, s2;
	s8 =	sadd.s32 s25, s2;
	s9 =	sadd.s32 s15, s2  }
0xd: {  	s10 =	sadd.s32 s16, s2;
	s12 =	sadd.s32 s11, s0;
	s11 =	sadd.s32 s17, s2  }
0xe: {  	s26 =	sadd.s32 s0, s15;
	s31 =	sadd.s32 s0, s16;
	s24 =	simm.s32 $0x7E00  }
0xf: {  	s5 =	sshrl.u32 s4, $0x3;
	s4 =	sadd.s32 $0x17A00, s1;
	s13 =	sshrl.u32 s12, $0x3  }
0x10: {  	s16 =	sshrl.u32 s31, $0x3;
	s6 =	sadd.s32 s5, s1;
	s5 =	simm.s32 $0x78  }
0x11: {  	s18 =	smax.u32 s18, $0x1;
	s1 =	sadd.s32 $0x3FA00, s1;
	s5 =	simm.s32 @!p0 $0x28  }
0x12: {  	s6 =	sadd.s32 $0x3A00, s6;
	s13 =	sadd.s32 s1, s13;
	s16 =	sadd.s32 s1, s16  }
0x13: {  	[dreg:$0x3] =	wrdreg s6;
	s6 =	sadd.s32 s0, s25;
	s12 =	sshrl.u32 s5, $0x1  }
0x14: {  	s0 =	sadd.s32 s0, s17;
	s25 =	simm.s32 $0x1;
	s6 =	sshrl.u32 s6, $0x3  }
0x15: {  	s0 =	sshrl.u32 s0, $0x3;
	s14 =	sadd.s32 s1, s6;
	s6 =	sshrl.u32 s26, $0x3  }
0x16: {  	v0 =	vimm.f32 $0.0e+00;
	s17 =	sadd.s32 s1, s0;
	s26 =	simm.s32 $0x3D00;
	s15 =	sadd.s32 s1, s6  }
.LBB2_1:
0x17: {  	s0 =	rddreg [dreg:$0x3]  }
0x18: {  	[tilespmem:s3], [sflag:$0x3] =	stream.linear.gather [hbm4b:s0+s3], $0x3C00, $0x38;
	[tilespmem:$0x1FE00] =	vst v63  }
0x19: {  	_ =	swait.ge [sflag:s19], $0x3C00  }
0x1a: {  	[sflag:s19] =	ssyncset.done $0x0  }
0x1b: {  	s1 =	simm.s32 $0x200;
	s0 =	simm.s32 $0x0;
	[sflag:s19] =	ssyncadd.s32 $0xFFFFC400  }
.LBB2_2:
0x1c: {  	p0 =	sne.s32 s1, $0xFE00;
	[tilespmem:s0+$0x3E70] =	vst v0  }
0x1d: {  	[tilespmem:s0+$0x3E00] =	vst v0  }
0x1e: {  	[tilespmem:s0+$0x3E10] =	vst v0  }
.Ltmp0:
0x1f: {  	[tilespmem:s0+$0x3E20] =	vst v0;
	(pc) =	sbr.rel @p0 .LBB2_2-.Ltmp0, $4  }
0x20: {  	[tilespmem:s0+$0x3E30] =	vst v0  }
0x21: {  	[tilespmem:s0+$0x3E40] =	vst v0  }
0x22: {  	[tilespmem:s0+$0x3E50] =	vst v0  }
0x23: {  	[tilespmem:s0+$0x3E60] =	vst v0;
	s0 =	sshra.s32 s1, $0x2;
	s1 =	sadd.s32 $0x200, s1  }
0x24: {  	[tilespmem:s0+$0x3E70] =	vst v0  }
0x25: {  	[tilespmem:s0+$0x3E00] =	vst v0  }
0x26: {  	[tilespmem:s0+$0x3E10] =	vst v0  }
0x27: {  	[tilespmem:s0+$0x3E20] =	vst v0  }
0x28: {  	[tilespmem:s0+$0x3E30] =	vst v0  }
0x29: {  	[tilespmem:s0+$0x3E40] =	vst v0  }
0x2a: {  	[tilespmem:s0+$0x3E50] =	vst v0  }
0x2b: {  	[tilespmem:s0+$0x3E60] =	vst v0;
	s6 =	simm.s32 $0x3  }
0x2c: {  	[spmem:s7] =	stream.linear.scatter [tilespmem:s20], [sflag:$0x3], $0x4000, $0x38;
	[tilespmem:$0x1FE00] =	vst v63  }
0x2d: {  	_ =	swait.ge [sflag:s6], $0x4000  }
0x2e: {  	[sflag:s6] =	ssyncset.done $0x0  }
0x2f: {  	[sflag:s6] =	ssyncadd.s32 $0xFFFFC000  }
0x30: {  	[spmem:s8] =	stream.linear.scatter [tilespmem:s20], [sflag:$0x3], $0x4000, $0x38;
	[tilespmem:$0x1FE00] =	vst v63  }
0x31: {  	_ =	swait.ge [sflag:s6], $0x4000  }
0x32: {  	[sflag:s6] =	ssyncset.done $0x0  }
0x33: {  	[sflag:s6] =	ssyncadd.s32 $0xFFFFC000  }
0x34: {  	[spmem:s9] =	stream.linear.scatter [tilespmem:s20], [sflag:$0x3], $0x4000, $0x38;
	[tilespmem:$0x1FE00] =	vst v63  }
0x35: {  	_ =	swait.ge [sflag:s6], $0x4000  }
0x36: {  	[sflag:s6] =	ssyncset.done $0x0  }
0x37: {  	[sflag:s6] =	ssyncadd.s32 $0xFFFFC000  }
0x38: {  	[spmem:s10] =	stream.linear.scatter [tilespmem:s20], [sflag:$0x3], $0x4000, $0x38;
	[tilespmem:$0x1FE00] =	vst v63  }
0x39: {  	_ =	swait.ge [sflag:s6], $0x4000  }
0x3a: {  	[sflag:s6] =	ssyncset.done $0x0  }
0x3b: {  	[sflag:s6] =	ssyncadd.s32 $0xFFFFC000  }
0x3c: {  	[spmem:s11] =	stream.linear.scatter [tilespmem:s20], [sflag:$0x3], $0x4000, $0x38;
	[tilespmem:$0x1FE00] =	vst v63  }
0x3d: {  	_ =	swait.ge [sflag:s6], $0x4000  }
0x3e: {  	[sflag:s6] =	ssyncset.done $0x0  }
0x3f: {  	[sflag:s6] =	ssyncadd.s32 $0xFFFFC000  }
0x40: {  	[bflag:$0x0] =	sbarrier.arrive $0xFFFF  }
0x41: {  	v1 =	vld [tilespmem:$0x0]  }
0x42: {  	v2 =	vld [tilespmem:$0x10]  }
0x43: {  	v3 =	vld [tilespmem:$0x20]  }
0x44: {  	v4 =	vld [tilespmem:$0x30]  }
0x45: {  	v5 =	vld [tilespmem:$0x40]  }
0x46: {  	v6 =	vld [tilespmem:$0x50];
	v1 =	vshrl.u32 v1, $0xE  }
0x47: {  	[tilespmem:$0x3C00] =	vst v1;
	v1 =	vshrl.u32 v2, $0xE;
	v2 =	vld [tilespmem:$0x60]  }
0x48: {  	[tilespmem:$0x3C10] =	vst v1;
	v1 =	vshrl.u32 v3, $0xE;
	v3 =	vld [tilespmem:$0x70]  }
0x49: {  	[tilespmem:$0x3C20] =	vst v1;
	v1 =	vshrl.u32 v4, $0xE  }
0x4a: {  	[tilespmem:$0x3C30] =	vst v1;
	v1 =	vshrl.u32 v5, $0xE  }
0x4b: {  	[tilespmem:$0x3C40] =	vst v1;
	v1 =	vshrl.u32 v6, $0xE  }
0x4c: {  	[tilespmem:$0x3C50] =	vst v1;
	v1 =	vshrl.u32 v2, $0xE  }
0x4d: {  	[tilespmem:$0x3C60] =	vst v1;
	v1 =	vshrl.u32 v3, $0xE  }
0x4e: {  	s22 =	simm.s32 $0x3C00;
	[tilespmem:$0x3C70] =	vst v1  }
0x4f: {  	[tilespmem:s20], [sflag:$0x1] =	stream.indirect.gather [hbm4b:s4+s21], $0x80, s22, s21, $0xb8;
	[tilespmem:$0x1FE00] =	vst v63  }
0x50: {  	v1 =	vld [tilespmem:$0x80]  }
0x51: {  	v2 =	vld [tilespmem:$0x90]  }
0x52: {  	v3 =	vld [tilespmem:$0xA0]  }
0x53: {  	v61 =	vld [tilespmem:$0xB0]  }
0x54: {  	v62 =	vld [tilespmem:$0xC0]  }
0x55: {  	v63 =	vld [tilespmem:$0xD0];
	v1 =	vshrl.u32 v1, $0xE  }
0x56: {  	[tilespmem:$0x3C80] =	vst v1;
	v1 =	vshrl.u32 v2, $0xE;
	v2 =	vld [tilespmem:$0xE0]  }
0x57: {  	[tilespmem:$0x3C90] =	vst v1;
	v1 =	vshrl.u32 v3, $0xE;
	v3 =	vld [tilespmem:$0xF0]  }
0x58: {  	[tilespmem:$0x3CA0] =	vst v1;
	v1 =	vshrl.u32 v61, $0xE  }
0x59: {  	[tilespmem:$0x3CB0] =	vst v1;
	v1 =	vshrl.u32 v62, $0xE  }
0x5a: {  	[tilespmem:$0x3CC0] =	vst v1;
	v1 =	vshrl.u32 v63, $0xE  }
0x5b: {  	[tilespmem:$0x3CD0] =	vst v1;
	v1 =	vshrl.u32 v2, $0xE  }
0x5c: {  	[tilespmem:$0x3CE0] =	vst v1;
	v1 =	vshrl.u32 v3, $0xE  }
0x5d: {  	s23 =	simm.s32 $0x3C80;
	[tilespmem:$0x3CF0] =	vst v1  }
0x5e: {  	[tilespmem:s24], [sflag:$0x2] =	stream.indirect.gather [hbm4b:s4+s21], $0x80, s23, s21, $0xb8;
	[tilespmem:$0x1FE00] =	vst v63  }
0x5f: {  	_ =	swait.ge [sflag:s25], $0x4000  }
0x60: {  	[sflag:s25] =	ssyncset.done $0x0  }
0x61: {  	s0 =	simm.s32 $0x100;
	[sflag:s25] =	ssyncadd.s32 $0xFFFFC000  }
0x62: {  	v1 =	vld [tilespmem:s0+$0xFFFFFF00];
	_ =	sdelay $0x4  }
0x63: {  	v1 =	vand.u32 $0x3FFF, v1  }
0x64: {  	[tilespmem:$0x3D00] =	vst v1  }
0x65: {  	v1 =	vld [tilespmem:s0+$0xFFFFFF10];
	_ =	sdelay $0x4  }
0x66: {  	v1 =	vand.u32 $0x3FFF, v1  }
0x67: {  	[tilespmem:$0x3D10] =	vst v1  }
0x68: {  	v1 =	vld [tilespmem:s0+$0xFFFFFF20];
	_ =	sdelay $0x4  }
0x69: {  	v1 =	vand.u32 $0x3FFF, v1  }
0x6a: {  	[tilespmem:$0x3D20] =	vst v1  }
0x6b: {  	v1 =	vld [tilespmem:s0+$0xFFFFFF30];
	_ =	sdelay $0x4  }
0x6c: {  	v1 =	vand.u32 $0x3FFF, v1  }
0x6d: {  	[tilespmem:$0x3D30] =	vst v1  }
0x6e: {  	v1 =	vld [tilespmem:s0+$0xFFFFFF40];
	_ =	sdelay $0x4  }
0x6f: {  	v1 =	vand.u32 $0x3FFF, v1  }
0x70: {  	[tilespmem:$0x3D40] =	vst v1  }
0x71: {  	v1 =	vld [tilespmem:s0+$0xFFFFFF50];
	_ =	sdelay $0x4  }
0x72: {  	v1 =	vand.u32 $0x3FFF, v1  }
0x73: {  	[tilespmem:$0x3D50] =	vst v1  }
0x74: {  	v1 =	vld [tilespmem:s0+$0xFFFFFF60];
	_ =	sdelay $0x4  }
0x75: {  	v1 =	vand.u32 $0x3FFF, v1  }
0x76: {  	[tilespmem:$0x3D60] =	vst v1  }
0x77: {  	v1 =	vld [tilespmem:s0+$0xFFFFFF70];
	_ =	sdelay $0x4  }
0x78: {  	v1 =	vand.u32 $0x3FFF, v1  }
0x79: {  	[tilespmem:$0x3D70] =	vst v1  }
0x7a: {  	[spmem:s2] =	stream.indirect.scatter.add.f32 [tilespmem:s20], [sflag:$0x3], $0x80, s26, s21, $0xb8;
	[tilespmem:$0x1FE00] =	vst v63  }
0x7b: {  	_ =	swait.ge [sflag:s19], $0x4000  }
0x7c: {  	[sflag:s19] =	ssyncset.done $0x0  }
0x7d: {  	p0 =	sle.u32 s5, $0x2;
	[sflag:s19] =	ssyncadd.s32 $0xFFFFC000  }
0x7e: {  	v1 =	vld @!p0 [tilespmem:s0+$0x0];
	_ =	sdelay $0x4  }
0x7f: {  	v1 =	vshrl.u32 @!p0 v1, $0xE  }
0x80: {  	[tilespmem:$0x3C00] =	vst @!p0 v1  }
0x81: {  	v1 =	vld @!p0 [tilespmem:s0+$0x10];
	_ =	sdelay $0x4  }
0x82: {  	v1 =	vshrl.u32 @!p0 v1, $0xE  }
0x83: {  	[tilespmem:$0x3C10] =	vst @!p0 v1  }
0x84: {  	v1 =	vld @!p0 [tilespmem:s0+$0x20];
	_ =	sdelay $0x4  }
0x85: {  	v1 =	vshrl.u32 @!p0 v1, $0xE  }
0x86: {  	[tilespmem:$0x3C20] =	vst @!p0 v1  }
0x87: {  	v1 =	vld @!p0 [tilespmem:s0+$0x30];
	_ =	sdelay $0x4  }
0x88: {  	v1 =	vshrl.u32 @!p0 v1, $0xE  }
0x89: {  	[tilespmem:$0x3C30] =	vst @!p0 v1  }
0x8a: {  	v1 =	vld @!p0 [tilespmem:s0+$0x40];
	_ =	sdelay $0x4  }
0x8b: {  	v1 =	vshrl.u32 @!p0 v1, $0xE  }
0x8c: {  	[tilespmem:$0x3C40] =	vst @!p0 v1  }
0x8d: {  	v1 =	vld @!p0 [tilespmem:s0+$0x50];
	_ =	sdelay $0x4  }
0x8e: {  	v1 =	vshrl.u32 @!p0 v1, $0xE  }
0x8f: {  	[tilespmem:$0x3C50] =	vst @!p0 v1  }
0x90: {  	v1 =	vld @!p0 [tilespmem:s0+$0x60];
	_ =	sdelay $0x4  }
0x91: {  	v1 =	vshrl.u32 @!p0 v1, $0xE  }
0x92: {  	[tilespmem:$0x3C60] =	vst @!p0 v1  }
0x93: {  	v1 =	vld @!p0 [tilespmem:s0+$0x70];
	_ =	sdelay $0x4  }
0x94: {  	v1 =	vshrl.u32 @!p0 v1, $0xE  }
0x95: {  	s1 =	simm.s32 @!p0 $0x80;
	s6 =	simm.s32 @!p0 $0x3C00;
	s22 =	simm.s32 @!p0 $0x3E00;
	[tilespmem:$0x3C70] =	vst @!p0 v1  }
0x96: {  	[tilespmem:s22], [sflag:$0x1] =	stream.indirect.gather @!p0 [hbm4b:s4+s1], $0x80, s6, s1, $0xb8;
	[tilespmem:$0x1FE00] =	vst v63  }
0x97: {  	_ =	swait.ge [sflag:s28], $0x4000  }
0x98: {  	[sflag:s28] =	ssyncset.done $0x0  }
0x99: {  	[sflag:s28] =	ssyncadd.s32 $0xFFFFC000  }
0x9a: {  	v1 =	vld [tilespmem:s0+$0xFFFFFF80];
	_ =	sdelay $0x4  }
0x9b: {  	v1 =	vand.u32 $0x3FFF, v1  }
0x9c: {  	[tilespmem:$0x3D80] =	vst v1  }
0x9d: {  	v1 =	vld [tilespmem:s0+$0xFFFFFF90];
	_ =	sdelay $0x4  }
0x9e: {  	v1 =	vand.u32 $0x3FFF, v1  }
0x9f: {  	[tilespmem:$0x3D90] =	vst v1  }
0xa0: {  	v1 =	vld [tilespmem:s0+$0xFFFFFFA0];
	_ =	sdelay $0x4  }
0xa1: {  	v1 =	vand.u32 $0x3FFF, v1  }
0xa2: {  	[tilespmem:$0x3DA0] =	vst v1  }
0xa3: {  	v1 =	vld [tilespmem:s0+$0xFFFFFFB0];
	_ =	sdelay $0x4  }
0xa4: {  	v1 =	vand.u32 $0x3FFF, v1  }
0xa5: {  	[tilespmem:$0x3DB0] =	vst v1  }
0xa6: {  	v1 =	vld [tilespmem:s0+$0xFFFFFFC0];
	_ =	sdelay $0x4  }
0xa7: {  	v1 =	vand.u32 $0x3FFF, v1  }
0xa8: {  	[tilespmem:$0x3DC0] =	vst v1  }
0xa9: {  	v1 =	vld [tilespmem:s0+$0xFFFFFFD0];
	_ =	sdelay $0x4  }
0xaa: {  	v1 =	vand.u32 $0x3FFF, v1  }
0xab: {  	[tilespmem:$0x3DD0] =	vst v1  }
0xac: {  	v1 =	vld [tilespmem:s0+$0xFFFFFFE0];
	_ =	sdelay $0x4  }
0xad: {  	v1 =	vand.u32 $0x3FFF, v1  }
0xae: {  	[tilespmem:$0x3DE0] =	vst v1  }
0xaf: {  	v1 =	vld [tilespmem:s0+$0xFFFFFFF0];
	_ =	sdelay $0x4  }
0xb0: {  	v1 =	vand.u32 $0x3FFF, v1  }
0xb1: {  	[tilespmem:$0x3DF0] =	vst v1  }
0xb2: {  	[spmem:s2] =	stream.indirect.scatter.add.f32 [tilespmem:s24], [sflag:$0x3], $0x80, s29, s21, $0xb8;
	[tilespmem:$0x1FE00] =	vst v63  }
0xb3: {  	_ =	swait.ge [sflag:s19], $0x4000  }
0xb4: {  	[sflag:s19] =	ssyncset.done $0x0  }
0xb5: {  	p1 =	sle.u32 s5, $0x3;
	[sflag:s19] =	ssyncadd.s32 $0xFFFFC000  }
0xb6: {  	v1 =	vld @!p1 [tilespmem:s0+$0x80];
	_ =	sdelay $0x4  }
0xb7: {  	v1 =	vshrl.u32 @!p1 v1, $0xE  }
0xb8: {  	[tilespmem:$0x3C80] =	vst @!p1 v1  }
0xb9: {  	v1 =	vld @!p1 [tilespmem:s0+$0x90];
	_ =	sdelay $0x4  }
0xba: {  	v1 =	vshrl.u32 @!p1 v1, $0xE  }
0xbb: {  	[tilespmem:$0x3C90] =	vst @!p1 v1  }
0xbc: {  	v1 =	vld @!p1 [tilespmem:s0+$0xA0];
	_ =	sdelay $0x4  }
0xbd: {  	v1 =	vshrl.u32 @!p1 v1, $0xE  }
0xbe: {  	[tilespmem:$0x3CA0] =	vst @!p1 v1  }
0xbf: {  	v1 =	vld @!p1 [tilespmem:s0+$0xB0];
	_ =	sdelay $0x4  }
0xc0: {  	v1 =	vshrl.u32 @!p1 v1, $0xE  }
0xc1: {  	[tilespmem:$0x3CB0] =	vst @!p1 v1  }
0xc2: {  	v1 =	vld @!p1 [tilespmem:s0+$0xC0];
	_ =	sdelay $0x4  }
0xc3: {  	v1 =	vshrl.u32 @!p1 v1, $0xE  }
0xc4: {  	[tilespmem:$0x3CC0] =	vst @!p1 v1  }
0xc5: {  	v1 =	vld @!p1 [tilespmem:s0+$0xD0];
	_ =	sdelay $0x4  }
0xc6: {  	v1 =	vshrl.u32 @!p1 v1, $0xE  }
0xc7: {  	[tilespmem:$0x3CD0] =	vst @!p1 v1  }
0xc8: {  	v1 =	vld @!p1 [tilespmem:s0+$0xE0];
	_ =	sdelay $0x4  }
0xc9: {  	v1 =	vshrl.u32 @!p1 v1, $0xE  }
0xca: {  	[tilespmem:$0x3CE0] =	vst @!p1 v1  }
0xcb: {  	s31 =	sadd.s32 $0xFFFFFFFF, s12;
	v1 =	vld @!p1 [tilespmem:s0+$0xF0]  }
0xcc: {  	p0 =	sne.s32 s31, $0x0  }
.Ltmp1:
0xcd: {  	_ = 	snop;
	(pc) =	sbr.rel @!p0 .LBB2_5-.Ltmp1, $3  }
0xce: {  	_ =	sdelay $0x1  }
0xcf: {  	s23 =	simm.s32 @!p1 $0x3C80;
	s1 =	simm.s32 $0x5;
	v1 =	vshrl.u32 @!p1 v1, $0xE  }
0xd0: {  	s22 =	simm.s32 @!p1 $0x80;
	s6 =	simm.s32 @!p1 $0x7E00;
	s0 =	simm.s32 $0x200;
	[tilespmem:$0x3CF0] =	vst @!p1 v1  }
.LBB2_4:
0xd1: {  	[tilespmem:s6], [sflag:$0x2] =	stream.indirect.gather @!p1 [hbm4b:s4+s22], $0x80, s23, s22, $0xb8;
	[tilespmem:$0x1FE00] =	vst v63  }
0xd2: {  	s31 =	sadd.s32 $0xFFFFFFFF, s31;
	_ =	swait.ge [sflag:s25], $0x4000  }
0xd3: {  	p0 =	sne.s32 s31, $0x0;
	[sflag:s25] =	ssyncset.done $0x0  }
0xd4: {  	[sflag:s25] =	ssyncadd.s32 $0xFFFFC000  }
0xd5: {  	v1 =	vld [tilespmem:s0+$0xFFFFFF00];
	_ =	sdelay $0x4  }
0xd6: {  	v1 =	vand.u32 $0x3FFF, v1  }
0xd7: {  	[tilespmem:$0x3D00] =	vst v1  }
0xd8: {  	v1 =	vld [tilespmem:s0+$0xFFFFFF10];
	_ =	sdelay $0x4  }
0xd9: {  	v1 =	vand.u32 $0x3FFF, v1  }
0xda: {  	[tilespmem:$0x3D10] =	vst v1  }
0xdb: {  	v1 =	vld [tilespmem:s0+$0xFFFFFF20];
	_ =	sdelay $0x4  }
0xdc: {  	v1 =	vand.u32 $0x3FFF, v1  }
0xdd: {  	[tilespmem:$0x3D20] =	vst v1  }
0xde: {  	v1 =	vld [tilespmem:s0+$0xFFFFFF30];
	_ =	sdelay $0x4  }
0xdf: {  	v1 =	vand.u32 $0x3FFF, v1  }
0xe0: {  	[tilespmem:$0x3D30] =	vst v1  }
0xe1: {  	v1 =	vld [tilespmem:s0+$0xFFFFFF40];
	_ =	sdelay $0x4  }
0xe2: {  	v1 =	vand.u32 $0x3FFF, v1  }
0xe3: {  	[tilespmem:$0x3D40] =	vst v1  }
0xe4: {  	v1 =	vld [tilespmem:s0+$0xFFFFFF50];
	_ =	sdelay $0x4  }
0xe5: {  	v1 =	vand.u32 $0x3FFF, v1  }
0xe6: {  	[tilespmem:$0x3D50] =	vst v1  }
0xe7: {  	v1 =	vld [tilespmem:s0+$0xFFFFFF60];
	_ =	sdelay $0x4  }
0xe8: {  	v1 =	vand.u32 $0x3FFF, v1  }
0xe9: {  	[tilespmem:$0x3D60] =	vst v1  }
0xea: {  	v1 =	vld [tilespmem:s0+$0xFFFFFF70];
	_ =	sdelay $0x4  }
0xeb: {  	v1 =	vand.u32 $0x3FFF, v1  }
0xec: {  	[tilespmem:$0x3D70] =	vst v1  }
0xed: {  	[spmem:s2] =	stream.indirect.scatter.add.f32 [tilespmem:s20], [sflag:$0x3], $0x80, s26, s21, $0xb8;
	[tilespmem:$0x1FE00] =	vst v63  }
0xee: {  	_ =	swait.ge [sflag:s19], $0x4000  }
0xef: {  	s6 =	sadd.s32 $0xFFFFFFFF, s1;
	[sflag:s19] =	ssyncset.done $0x0  }
0xf0: {  	p1 =	sge.u32 s6, s5;
	[sflag:s19] =	ssyncadd.s32 $0xFFFFC000  }
0xf1: {  	v1 =	vld @!p1 [tilespmem:s0+$0x0];
	_ =	sdelay $0x4  }
0xf2: {  	v1 =	vshrl.u32 @!p1 v1, $0xE  }
0xf3: {  	[tilespmem:$0x3C00] =	vst @!p1 v1  }
0xf4: {  	v1 =	vld @!p1 [tilespmem:s0+$0x10];
	_ =	sdelay $0x4  }
0xf5: {  	v1 =	vshrl.u32 @!p1 v1, $0xE  }
0xf6: {  	[tilespmem:$0x3C10] =	vst @!p1 v1  }
0xf7: {  	v1 =	vld @!p1 [tilespmem:s0+$0x20];
	_ =	sdelay $0x4  }
0xf8: {  	v1 =	vshrl.u32 @!p1 v1, $0xE  }
0xf9: {  	[tilespmem:$0x3C20] =	vst @!p1 v1  }
0xfa: {  	v1 =	vld @!p1 [tilespmem:s0+$0x30];
	_ =	sdelay $0x4  }
0xfb: {  	v1 =	vshrl.u32 @!p1 v1, $0xE  }
0xfc: {  	[tilespmem:$0x3C30] =	vst @!p1 v1  }
0xfd: {  	v1 =	vld @!p1 [tilespmem:s0+$0x40];
	_ =	sdelay $0x4  }
0xfe: {  	v1 =	vshrl.u32 @!p1 v1, $0xE  }
0xff: {  	[tilespmem:$0x3C40] =	vst @!p1 v1  }
0x100: {  	v1 =	vld @!p1 [tilespmem:s0+$0x50];
	_ =	sdelay $0x4  }
0x101: {  	v1 =	vshrl.u32 @!p1 v1, $0xE  }
0x102: {  	[tilespmem:$0x3C50] =	vst @!p1 v1  }
0x103: {  	v1 =	vld @!p1 [tilespmem:s0+$0x60];
	_ =	sdelay $0x4  }
0x104: {  	v1 =	vshrl.u32 @!p1 v1, $0xE  }
0x105: {  	[tilespmem:$0x3C60] =	vst @!p1 v1  }
0x106: {  	v1 =	vld @!p1 [tilespmem:s0+$0x70];
	_ =	sdelay $0x4  }
0x107: {  	v1 =	vshrl.u32 @!p1 v1, $0xE  }
0x108: {  	s6 =	simm.s32 @!p1 $0x80;
	s22 =	simm.s32 @!p1 $0x3C00;
	s23 =	simm.s32 @!p1 $0x3E00;
	[tilespmem:$0x3C70] =	vst @!p1 v1  }
0x109: {  	[tilespmem:s23], [sflag:$0x1] =	stream.indirect.gather @!p1 [hbm4b:s4+s6], $0x80, s22, s6, $0xb8;
	[tilespmem:$0x1FE00] =	vst v63  }
0x10a: {  	_ =	swait.ge [sflag:s28], $0x4000  }
0x10b: {  	[sflag:s28] =	ssyncset.done $0x0  }
0x10c: {  	[sflag:s28] =	ssyncadd.s32 $0xFFFFC000  }
0x10d: {  	v1 =	vld [tilespmem:s0+$0xFFFFFF80];
	_ =	sdelay $0x4  }
0x10e: {  	v1 =	vand.u32 $0x3FFF, v1  }
0x10f: {  	[tilespmem:$0x3D80] =	vst v1  }
0x110: {  	v1 =	vld [tilespmem:s0+$0xFFFFFF90];
	_ =	sdelay $0x4  }
0x111: {  	v1 =	vand.u32 $0x3FFF, v1  }
0x112: {  	[tilespmem:$0x3D90] =	vst v1  }
0x113: {  	v1 =	vld [tilespmem:s0+$0xFFFFFFA0];
	_ =	sdelay $0x4  }
0x114: {  	v1 =	vand.u32 $0x3FFF, v1  }
0x115: {  	[tilespmem:$0x3DA0] =	vst v1  }
0x116: {  	v1 =	vld [tilespmem:s0+$0xFFFFFFB0];
	_ =	sdelay $0x4  }
0x117: {  	v1 =	vand.u32 $0x3FFF, v1  }
0x118: {  	[tilespmem:$0x3DB0] =	vst v1  }
0x119: {  	v1 =	vld [tilespmem:s0+$0xFFFFFFC0];
	_ =	sdelay $0x4  }
0x11a: {  	v1 =	vand.u32 $0x3FFF, v1  }
0x11b: {  	[tilespmem:$0x3DC0] =	vst v1  }
0x11c: {  	v1 =	vld [tilespmem:s0+$0xFFFFFFD0];
	_ =	sdelay $0x4  }
0x11d: {  	v1 =	vand.u32 $0x3FFF, v1  }
0x11e: {  	[tilespmem:$0x3DD0] =	vst v1  }
0x11f: {  	v1 =	vld [tilespmem:s0+$0xFFFFFFE0];
	_ =	sdelay $0x4  }
0x120: {  	v1 =	vand.u32 $0x3FFF, v1  }
0x121: {  	[tilespmem:$0x3DE0] =	vst v1  }
0x122: {  	v1 =	vld [tilespmem:s0+$0xFFFFFFF0];
	_ =	sdelay $0x4  }
0x123: {  	v1 =	vand.u32 $0x3FFF, v1  }
0x124: {  	[tilespmem:$0x3DF0] =	vst v1  }
0x125: {  	[spmem:s2] =	stream.indirect.scatter.add.f32 [tilespmem:s24], [sflag:$0x3], $0x80, s29, s21, $0xb8;
	[tilespmem:$0x1FE00] =	vst v63  }
0x126: {  	_ =	swait.ge [sflag:s19], $0x4000  }
0x127: {  	[sflag:s19] =	ssyncset.done $0x0  }
0x128: {  	p1 =	sge.u32 s1, s5;
	[sflag:s19] =	ssyncadd.s32 $0xFFFFC000  }
0x129: {  	v1 =	vld @!p1 [tilespmem:s0+$0x80];
	_ =	sdelay $0x4  }
0x12a: {  	v1 =	vshrl.u32 @!p1 v1, $0xE  }
0x12b: {  	[tilespmem:$0x3C80] =	vst @!p1 v1  }
0x12c: {  	v1 =	vld @!p1 [tilespmem:s0+$0x90];
	_ =	sdelay $0x4  }
0x12d: {  	v1 =	vshrl.u32 @!p1 v1, $0xE  }
0x12e: {  	[tilespmem:$0x3C90] =	vst @!p1 v1  }
0x12f: {  	v1 =	vld @!p1 [tilespmem:s0+$0xA0];
	_ =	sdelay $0x4  }
0x130: {  	v1 =	vshrl.u32 @!p1 v1, $0xE  }
0x131: {  	[tilespmem:$0x3CA0] =	vst @!p1 v1  }
0x132: {  	v1 =	vld @!p1 [tilespmem:s0+$0xB0];
	_ =	sdelay $0x4  }
0x133: {  	v1 =	vshrl.u32 @!p1 v1, $0xE  }
0x134: {  	[tilespmem:$0x3CB0] =	vst @!p1 v1  }
0x135: {  	v1 =	vld @!p1 [tilespmem:s0+$0xC0];
	_ =	sdelay $0x4  }
0x136: {  	v1 =	vshrl.u32 @!p1 v1, $0xE  }
0x137: {  	[tilespmem:$0x3CC0] =	vst @!p1 v1  }
0x138: {  	v1 =	vld @!p1 [tilespmem:s0+$0xD0];
	_ =	sdelay $0x4  }
0x139: {  	v1 =	vshrl.u32 @!p1 v1, $0xE  }
0x13a: {  	[tilespmem:$0x3CD0] =	vst @!p1 v1  }
0x13b: {  	v1 =	vld @!p1 [tilespmem:s0+$0xE0];
	_ =	sdelay $0x4  }
0x13c: {  	v1 =	vshrl.u32 @!p1 v1, $0xE  }
0x13d: {  	[tilespmem:$0x3CE0] =	vst @!p1 v1  }
0x13e: {  	v1 =	vld @!p1 [tilespmem:s0+$0xF0];
	_ =	sdelay $0x1  }
.Ltmp2:
0x13f: {  	(pc) =	sbr.rel @p0 .LBB2_4-.Ltmp2, $3  }
0x140: {  	_ =	sdelay $0x1  }
0x141: {  	s1 =	sadd.s32 $0x2, s1;
	s0 =	sadd.s32 $0x100, s0;
	v1 =	vshrl.u32 @!p1 v1, $0xE  }
0x142: {  	s22 =	simm.s32 @!p1 $0x80;
	s23 =	simm.s32 @!p1 $0x3C80;
	s6 =	simm.s32 @!p1 $0x7E00;
	[tilespmem:$0x3CF0] =	vst @!p1 v1  }
.LBB2_5:
0x143: {  	[tilespmem:s6], [sflag:$0x2] =	stream.indirect.gather @!p1 [hbm4b:s4+s22], $0x80, s23, s22, $0xb8;
	[tilespmem:$0x1FE00] =	vst v63  }
0x144: {  	[bflag:$0x0] =	sbarrier.arrive $0xFFFF  }
0x145: {  	[tilespmem:s20], [sflag:$0x3] =	stream.linear.gather [spmem:s7], $0x4000, $0x38;
	[tilespmem:$0x1FE00] =	vst v63  }
0x146: {  	_ =	swait.ge [sflag:s19], $0x4000  }
0x147: {  	[sflag:s19] =	ssyncset.done $0x0  }
0x148: {  	[sflag:s19] =	ssyncadd.s32 $0xFFFFC000  }
0x149: {  	[hbm4b:s13+s3] =	stream.linear.scatter [tilespmem:s20], [sflag:$0x3], $0x4000, $0x38;
	[tilespmem:$0x1FE00] =	vst v63  }
0x14a: {  	_ =	swait.ge [sflag:s19], $0x4000  }
0x14b: {  	[sflag:s19] =	ssyncset.done $0x0  }
0x14c: {  	[sflag:s19] =	ssyncadd.s32 $0xFFFFC000  }
0x14d: {  	[tilespmem:s20], [sflag:$0x3] =	stream.linear.gather [spmem:s8], $0x4000, $0x38;
	[tilespmem:$0x1FE00] =	vst v63  }
0x14e: {  	_ =	swait.ge [sflag:s19], $0x4000  }
0x14f: {  	[sflag:s19] =	ssyncset.done $0x0  }
0x150: {  	[sflag:s19] =	ssyncadd.s32 $0xFFFFC000  }
0x151: {  	[hbm4b:s14+s3] =	stream.linear.scatter [tilespmem:s20], [sflag:$0x3], $0x4000, $0x38;
	[tilespmem:$0x1FE00] =	vst v63  }
0x152: {  	_ =	swait.ge [sflag:s19], $0x4000  }
0x153: {  	[sflag:s19] =	ssyncset.done $0x0  }
0x154: {  	[sflag:s19] =	ssyncadd.s32 $0xFFFFC000  }
0x155: {  	[tilespmem:s20], [sflag:$0x3] =	stream.linear.gather [spmem:s9], $0x4000, $0x38;
	[tilespmem:$0x1FE00] =	vst v63  }
0x156: {  	_ =	swait.ge [sflag:s19], $0x4000  }
0x157: {  	[sflag:s19] =	ssyncset.done $0x0  }
0x158: {  	[sflag:s19] =	ssyncadd.s32 $0xFFFFC000  }
0x159: {  	[hbm4b:s15+s3] =	stream.linear.scatter [tilespmem:s20], [sflag:$0x3], $0x4000, $0x38;
	[tilespmem:$0x1FE00] =	vst v63  }
0x15a: {  	_ =	swait.ge [sflag:s19], $0x4000  }
0x15b: {  	[sflag:s19] =	ssyncset.done $0x0  }
0x15c: {  	[sflag:s19] =	ssyncadd.s32 $0xFFFFC000  }
0x15d: {  	[tilespmem:s20], [sflag:$0x3] =	stream.linear.gather [spmem:s10], $0x4000, $0x38;
	[tilespmem:$0x1FE00] =	vst v63  }
0x15e: {  	_ =	swait.ge [sflag:s19], $0x4000  }
0x15f: {  	[sflag:s19] =	ssyncset.done $0x0  }
0x160: {  	[sflag:s19] =	ssyncadd.s32 $0xFFFFC000  }
0x161: {  	[hbm4b:s16+s3] =	stream.linear.scatter [tilespmem:s20], [sflag:$0x3], $0x4000, $0x38;
	[tilespmem:$0x1FE00] =	vst v63  }
0x162: {  	_ =	swait.ge [sflag:s19], $0x4000  }
0x163: {  	[sflag:s19] =	ssyncset.done $0x0  }
0x164: {  	[sflag:s19] =	ssyncadd.s32 $0xFFFFC000  }
0x165: {  	[tilespmem:s20], [sflag:$0x3] =	stream.linear.gather [spmem:s11], $0x4000, $0x38;
	[tilespmem:$0x1FE00] =	vst v63  }
0x166: {  	s30 =	sadd.s32 $0x1, s30;
	_ =	swait.ge [sflag:s19], $0x4000  }
0x167: {  	p0 =	sne.s32 s30, s18;
	[sflag:s19] =	ssyncset.done $0x0  }
.Ltmp3:
0x168: {  	[sflag:s19] =	ssyncadd.s32 $0xFFFFC000;
	(pc) =	sbr.rel @p0 .LBB2_1-.Ltmp3, $4  }
0x169: {  	[hbm4b:s17+s3] =	stream.linear.scatter [tilespmem:s20], [sflag:$0x3], $0x4000, $0x38;
	[tilespmem:$0x1FE00] =	vst v63  }
0x16a: {  	_ =	swait.ge [sflag:s19], $0x4000  }
0x16b: {  	[sflag:s19] =	ssyncset.done $0x0  }
0x16c: {  	[sflag:s19] =	ssyncadd.s32 $0xFFFFC000  }
0x16d: {  	_ =	sfence.sel $0x180000  }
0x16e: {  	[bflag:$0x0] =	sbarrier.arrive $0xFFFF  }
0x16f: {  	_ =	strace $0x9000004A  }
0x170: {  	s0 =	stileid.u32;
	[bflag:$0x2] =	sbarrier.arrive $0xFFFF  }
0x171: {  	p0 =	sne.s32 s0, $0x0;
	s0 =	rddreg [dreg:$0x2]  }
0x172: {  	s0 =	sadd.s32 @!p0 $0x100000, s0  }
0x173: {  	[sflag:s0] =	ssyncadd.tile.s32 @!p0 $0x1;
	_ =	shalt  }
.Lfunc_end2:
_tile_overlayer_lowered:
.L_overlay_start_2:
0x174: {  	(tag) =	ssettag $0x2  }
0x175: {  	s0 =	rddreg [dreg:$0x0];
	s2 =	stileid.u32  }
0x176: {  	s1 =	rddreg [dreg:$0x1];
	p0 =	sne.s32 s2, $0x0  }
0x177: {  	s3 =	rddreg [dreg:$0x2];
	[bflag:$0x3] =	sbarrier.arrive $0xFFFF;
	s2 =	simm.s32 @!p0 $0x1C03  }
0x178: {  	[timem:s3], [sflag:s2] =	dma.local @!p0 [hbm:s0], s1  }
0x179: {  	s0 =	simm.s32 @!p0 $0x3  }
0x17a: {  	_ =	swait.ge @!p0 [sflag:s0], s1  }
0x17b: {  	s1 =	ssub.s32 @!p0 $0x0, s1;
	[sflag:s0] =	ssyncset.done @!p0 $0x0  }
0x17c: {  	[sflag:s0] =	ssyncadd.s32 @!p0 s1  }
0x17d: {  	[bflag:$0x3] =	sbarrier.arrive $0xFFFF  }
0x17e: {  	_ =	shalt  }

</sc_bundles>
